<compile_context>
chip_gen: v7x
topology: tpu7x:2x2x1
jax: 0.10.2.dev20260603
libtpu: 0.0.44.dev20260713+nightly
codegen_flags: <defaults>
</compile_context>

<pallas_src>
import functools

import jax
import jax.numpy as jnp
from jax import lax
from jax.experimental import pallas as pl
from jax.experimental.pallas import tpu as pltpu
from jax.experimental.pallas import tpu_sc as plsc

_PH = _PW = 7
_SR = 2
_SCALE = 0.25
_L = 16

_info = plsc.get_sparse_core_info()
_NC, _NS = _info.num_cores, _info.num_subcores
_NW = _NC * _NS


def _roi_align_sc(feat, rois_flat, H, W, C, R):
    NB = _PH * _PW
    RL = _PW * _L
    rpw = R // _NW
    mesh = plsc.VectorSubcoreMesh(core_axis_name="c", subcore_axis_name="s")

    @functools.partial(
        pl.kernel,
        mesh=mesh,
        out_type=jax.ShapeDtypeStruct((R * NB * C,), jnp.float32),
        scratch_types=[
            pltpu.VMEM((_L,), jnp.float32),
            pltpu.VMEM((RL,), jnp.int32),
            pltpu.VMEM((RL,), jnp.int32),
            pltpu.VMEM((RL,), jnp.float32),
            pltpu.VMEM((RL,), jnp.float32),
            pltpu.VMEM((RL, C // 2), jnp.int32),
            pltpu.VMEM((RL, C // 2), jnp.int32),
            pltpu.VMEM((NB * C,), jnp.float32),
            pltpu.SemaphoreType.DMA,
            pltpu.SemaphoreType.DMA,
            pltpu.SemaphoreType.DMA,
        ],
    )
    def run(feat_hbm, rois_hbm, out_hbm, roiv, idx0, idx1, wb0, wb1,
            rows0, rows1, outb, sem0, sem1, osem):
        wid = lax.axis_index("s") * _NC + lax.axis_index("c")
        base = wid * rpw
        lane = lax.iota(jnp.int32, _L)
        lsy = ((lane >> 3) & 1).astype(jnp.float32)
        lsx = ((lane >> 2) & 1).astype(jnp.float32)
        nyi = (lane >> 1) & 1
        nxi = lane & 1
        nysel = nyi == 1
        nxsel = nxi == 1

        def axis_vals(pos_f, lo, bsz, size):
            g = lo + (pos_f + 0.5) * (1.0 / _SR) * bsz
            v = jnp.where((g >= -1.0) & (g <= float(size)), 1.0, 0.0)
            yc = jnp.maximum(g, 0.0)
            ilf = yc.astype(jnp.int32)
            cond = ilf >= size - 1
            yc = jnp.where(cond, float(size - 1), yc)
            ilf = jnp.where(cond, size - 1, ilf)
            lw = yc - ilf.astype(jnp.float32)
            hw = 1.0 - lw
            return ilf, hw * v, lw * v

        def load_roi(rc):
            pltpu.sync_copy(rois_hbm.at[pl.ds((base + rc) * _L, _L)], roiv)

        def build_row(py, idxb, wbuf):
            rv = roiv[...]

            def lanebc(i):
                return jnp.broadcast_to(lax.slice(rv, (i,), (i + 1,)), (_L,))

            bi = lanebc(0).astype(jnp.int32)
            x1 = lanebc(1) * _SCALE - 0.5
            y1 = lanebc(2) * _SCALE - 0.5
            x2 = lanebc(3) * _SCALE - 0.5
            y2 = lanebc(4) * _SCALE - 0.5
            bh = (y2 - y1) * (1.0 / _PH)
            bw = (x2 - x1) * (1.0 / _PW)
            boff = bi * (H * W)
            t_f = jnp.broadcast_to(py, (_L,)).astype(jnp.float32) * _SR + lsy
            ylo, why, wly = axis_vals(t_f, y1, bh, H)
            yv = jnp.minimum(ylo + nyi, H - 1)
            wy = jnp.where(nysel, wly, why) * (1.0 / (_SR * _SR))
            ybase = boff + yv * W

            def build(px, _):
                u_f = (jnp.broadcast_to(px, (_L,)).astype(jnp.float32)
                       * _SR + lsx)
                xlo, whx, wlx = axis_vals(u_f, x1, bw, W)
                xv = jnp.minimum(xlo + nxi, W - 1)
                wx = jnp.where(nxsel, wlx, whx)
                idxb[pl.ds(px * _L, _L)] = ybase + xv
                wbuf[pl.ds(px * _L, _L)] = wy * wx
                return 0

            lax.fori_loop(0, _PW, build, 0)

        def gather(idxb, rows, sem):
            return pltpu.make_async_copy(feat_hbm.at[idxb], rows, sem)

        def out_copy(rc):
            return pltpu.make_async_copy(
                outb, out_hbm.at[pl.ds((base + rc) * NB * C, NB * C)], osem)

        def process_row(py, rows, wbuf):
            def px_body(px, _):
                ebase = px * _L
                wv = wbuf[pl.ds(ebase, _L)]
                accs = [None] * (C // _L)
                for e in range(_L):
                    wb = jnp.broadcast_to(
                        lax.slice(wv, (e,), (e + 1,)), (_L,))
                    half = C // (2 * _L)
                    for k in range(half):
                        pair = rows[ebase + e, pl.ds(k * _L, _L)]
                        a = lax.bitcast_convert_type(pair << 16,
                                                     jnp.float32)
                        b = lax.bitcast_convert_type(pair, jnp.float32)
                        ta, tb = wb * a, wb * b
                        if e == 0:
                            accs[k], accs[half + k] = ta, tb
                        else:
                            accs[k] = accs[k] + ta
                            accs[half + k] = accs[half + k] + tb
                obase = (py * _PW + px) * C
                for k in range(C // _L):
                    outb[pl.ds(obase + k * _L, _L)] = accs[k]
                return 0

            lax.fori_loop(0, _PW, px_body, 0)

        load_roi(0)
        build_row(0, idx0, wb0)
        gather(idx0, rows0, sem0).start()

        def step(s, carry):
            py, rc = carry
            last = py == _PH - 1
            havenext = jnp.logical_or(jnp.logical_not(last), rc + 1 < rpw)
            py1 = jnp.where(last, 0, py + 1)
            rc1 = jnp.where(last, rc + 1, rc)

            def prep(idxn, wbn, rowsn, semn):
                @pl.when(havenext)
                def _():
                    @pl.when(last)
                    def _():
                        load_roi(rc1)

                    build_row(py1, idxn, wbn)
                    gather(idxn, rowsn, semn).start()

            def stage(idxc, wbc, rowsc, semc, idxn, wbn, rowsn, semn):
                gather(idxc, rowsc, semc).wait()
                prep(idxn, wbn, rowsn, semn)
                @pl.when(jnp.logical_and(py == 0, rc > 0))
                def _():
                    out_copy(rc - 1).wait()

                process_row(py, rowsc, wbc)

                @pl.when(last)
                def _():
                    out_copy(rc).start()

            @pl.when((s & 1) == 0)
            def _():
                stage(idx0, wb0, rows0, sem0, idx1, wb1, rows1, sem1)

            @pl.when((s & 1) == 1)
            def _():
                stage(idx1, wb1, rows1, sem1, idx0, wb0, rows0, sem0)

            return py1, rc1

        lax.fori_loop(0, rpw * _PH, step, (jnp.int32(0), jnp.int32(0)))
        out_copy(rpw - 1).wait()

    return run(feat, rois_flat)


def kernel(input, rois):
    N, C, H, W = input.shape
    R = rois.shape[0]
    P = N * H * W

    def rne(b):
        return (b + 0x7FFF + ((b >> 16) & 1)) >> 16

    lo = lax.bitcast_convert_type(input[:, :C // 2], jnp.int32)
    hi = lax.bitcast_convert_type(input[:, C // 2:], jnp.int32)
    packed = (rne(lo) & 0xFFFF) | (rne(hi) << 16)
    feat = jnp.transpose(packed, (0, 2, 3, 1)).reshape(P, C // 2)
    rois_flat = jnp.concatenate(
        [rois, jnp.zeros((R, _L - rois.shape[1]), rois.dtype)],
        axis=1).reshape(-1)
    out = _roi_align_sc(feat, rois_flat, H, W, C, R)
    return jnp.transpose(out.reshape(R, _PH * _PW, C),
                         (0, 2, 1)).reshape(R, C, _PH, _PW)

# --- scband reference (transcript-rebuilt; emitter-appended) ---
"""Pipeline reference for scband-roialign-10831907520635 (READ-ONLY COPY).

The authoritative reference and input builder live on the scoring server;
editing this copy changes nothing except your own understanding.
"""

import jax, jax.numpy as jnp
import numpy as np

OUTPUT_SIZE = (7, 7)
SPATIAL_SCALE = 0.25
SAMPLING_RATIO = 2
ALIGNED = True


def setup_inputs(seed: int = 0) -> dict:
    key = jax.random.key(seed)
    k1, k2, k3, k4, k5, k6 = jax.random.split(key, 6)
    N, C, H, W = 2, 256, 200, 200
    R = 512
    inp = jax.random.normal(k1, (N, C, H, W), dtype=jnp.float32)
    img = H / SPATIAL_SCALE  # 800.0 (image-space extent)
    bidx = jax.random.randint(k2, (R,), 0, N).astype(jnp.float32)
    x1 = jax.random.uniform(k3, (R,), dtype=jnp.float32) * (img - 64.0)
    y1 = jax.random.uniform(k4, (R,), dtype=jnp.float32) * (img - 64.0)
    bw = 32.0 + jax.random.uniform(k5, (R,), dtype=jnp.float32) * 256.0
    bh = 32.0 + jax.random.uniform(k6, (R,), dtype=jnp.float32) * 256.0
    x2 = jnp.minimum(x1 + bw, img)
    y2 = jnp.minimum(y1 + bh, img)
    rois = jnp.stack([bidx, x1, y1, x2, y2], axis=1).astype(jnp.float32)
    return {"input": inp, "rois": rois}


def _roi_align(input, rois):
    ph, pw = OUTPUT_SIZE
    N, C, H, W = input.shape
    R = rois.shape[0]
    sr = SAMPLING_RATIO
    offset = 0.5 if ALIGNED else 0.0

    batch = rois[:, 0].astype(jnp.int32)
    x1 = rois[:, 1] * SPATIAL_SCALE - offset
    y1 = rois[:, 2] * SPATIAL_SCALE - offset
    x2 = rois[:, 3] * SPATIAL_SCALE - offset
    y2 = rois[:, 4] * SPATIAL_SCALE - offset

    roi_w = x2 - x1
    roi_h = y2 - y1
    if not ALIGNED:
        roi_w = jnp.maximum(roi_w, 1.0)
        roi_h = jnp.maximum(roi_h, 1.0)

    bin_h = roi_h / ph
    bin_w = roi_w / pw

    py = jnp.arange(ph, dtype=jnp.float32)
    px = jnp.arange(pw, dtype=jnp.float32)
    sy = (jnp.arange(sr, dtype=jnp.float32) + 0.5) / sr
    sx = (jnp.arange(sr, dtype=jnp.float32) + 0.5) / sr

    gy = y1[:, None, None] + (py[None, :, None] + sy[None, None, :]) * bin_h[:, None, None]  # [R,ph,sr]
    gx = x1[:, None, None] + (px[None, :, None] + sx[None, None, :]) * bin_w[:, None, None]  # [R,pw,sr]

    S = (R, ph, sr, pw, sr)
    Y = jnp.broadcast_to(gy[:, :, :, None, None], S)
    X = jnp.broadcast_to(gx[:, None, None, :, :], S)

    valid = (Y >= -1.0) & (Y <= float(H)) & (X >= -1.0) & (X <= float(W))
    vf = valid.astype(input.dtype)

    y = jnp.maximum(Y, 0.0)
    x = jnp.maximum(X, 0.0)
    y_low_f = jnp.floor(y)
    x_low_f = jnp.floor(x)
    ycond = y_low_f >= float(H - 1)
    xcond = x_low_f >= float(W - 1)
    y = jnp.where(ycond, float(H - 1), y)
    x = jnp.where(xcond, float(W - 1), x)
    y_low_f = jnp.where(ycond, float(H - 1), y_low_f)
    x_low_f = jnp.where(xcond, float(W - 1), x_low_f)

    yl = y_low_f.astype(jnp.int32)
    xl = x_low_f.astype(jnp.int32)
    yh = jnp.minimum(yl + 1, H - 1)
    xh = jnp.minimum(xl + 1, W - 1)

    ly = y - y_low_f
    lx = x - x_low_f
    hy = 1.0 - ly
    hx = 1.0 - lx

    w1 = hy * hx * vf
    w2 = hy * lx * vf
    w3 = ly * hx * vf
    w4 = ly * lx * vf

    feat = jnp.transpose(input, (0, 2, 3, 1))  # [N,H,W,C]
    bb = jnp.broadcast_to(batch[:, None, None, None, None], S)

    v1 = feat[bb, yl, xl]  # [R,ph,sr,pw,sr,C]
    v2 = feat[bb, yl, xh]
    v3 = feat[bb, yh, xl]
    v4 = feat[bb, yh, xh]

    acc = (w1[..., None] * v1 + w2[..., None] * v2 +
           w3[..., None] * v3 + w4[..., None] * v4)
    out = acc.sum(axis=(2, 4)) / float(sr * sr)  # [R,ph,pw,C]
    return jnp.transpose(out, (0, 3, 1, 2))  # [R,C,ph,pw]


def reference(input, rois):
    return _roi_align(input, rois)

if __name__ == "__main__":
    import jax
    _d = setup_inputs()
    print(jax.jit(kernel)(*tuple(_d.values())))

</pallas_src>

<mosaic_0001>
#map = affine_map<(d0, d1) -> (0, 0)>
#map1 = affine_map<(d0, d1) -> (0)>
module attributes {stable_mosaic.version = 14 : i64} {
  func.func @run(%arg0: i32, %arg1: i32, %arg2: memref<80000x128xi32, #tpu.memory_space<hbm>>, %arg3: memref<8192xf32, #tpu.memory_space<hbm>>, %arg4: memref<6422528xf32, #tpu.memory_space<hbm>>, %arg5: memref<16xf32, #tpu.memory_space<vmem>>, %arg6: memref<112xi32, #tpu.memory_space<vmem>>, %arg7: memref<112xi32, #tpu.memory_space<vmem>>, %arg8: memref<112xf32, #tpu.memory_space<vmem>>, %arg9: memref<112xf32, #tpu.memory_space<vmem>>, %arg10: memref<112x128xi32, #tpu.memory_space<vmem>>, %arg11: memref<112x128xi32, #tpu.memory_space<vmem>>, %arg12: memref<12544xf32, #tpu.memory_space<vmem>>, %arg13: memref<!tpu.dma_semaphore, #tpu.memory_space<semaphore_mem>>, %arg14: memref<!tpu.dma_semaphore, #tpu.memory_space<semaphore_mem>>, %arg15: memref<!tpu.dma_semaphore, #tpu.memory_space<semaphore_mem>>) attributes {dimension_semantics = [#tpu.dimension_semantics<core_parallel>, #tpu.dimension_semantics<subcore_parallel>], iteration_bounds = array<i64: 2, 16>, scalar_prefetch = 0 : i64, scratch_operands = 11 : i64, tpu.core_type = #tpu.core_type<sc_vector_subcore>, window_params = [{transform_indices = #map}, {transform_indices = #map1}, {transform_indices = #map1}]} {
    %mul3A = arith.constant 2 : i32
    %mul3A_0 = arith.muli %arg1, %mul3A : i32
    %add3A = arith.addi %mul3A_0, %arg0 : i32
    %mul3A_1 = arith.constant 16 : i32
    %mul3A_2 = arith.muli %add3A, %mul3A_1 : i32
    %iota3A = tpu.iota {dimensions = array<i32: 0>} : vector<16xi32>
    %shift_right_arithmetic3A = arith.constant 3 : i32
    %shift_right_arithmetic3A_3 = vector.broadcast %shift_right_arithmetic3A : i32 to vector<16xi32>
    %shift_right_arithmetic3A_4 = arith.shrsi %iota3A, %shift_right_arithmetic3A_3 : vector<16xi32>
    %and3A = arith.constant 1 : i32
    %and3A_5 = vector.broadcast %and3A : i32 to vector<16xi32>
    %and3A_6 = arith.andi %shift_right_arithmetic3A_4, %and3A_5 : vector<16xi32>
    %convert_element_type3A = arith.sitofp %and3A_6 : vector<16xi32> to vector<16xf32>
    %shift_right_arithmetic3A_7 = arith.constant 2 : i32
    %shift_right_arithmetic3A_8 = vector.broadcast %shift_right_arithmetic3A_7 : i32 to vector<16xi32>
    %shift_right_arithmetic3A_9 = arith.shrsi %iota3A, %shift_right_arithmetic3A_8 : vector<16xi32>
    %and3A_10 = arith.constant 1 : i32
    %and3A_11 = vector.broadcast %and3A_10 : i32 to vector<16xi32>
    %and3A_12 = arith.andi %shift_right_arithmetic3A_9, %and3A_11 : vector<16xi32>
    %convert_element_type3A_13 = arith.sitofp %and3A_12 : vector<16xi32> to vector<16xf32>
    %shift_right_arithmetic3A_14 = arith.constant 1 : i32
    %shift_right_arithmetic3A_15 = vector.broadcast %shift_right_arithmetic3A_14 : i32 to vector<16xi32>
    %shift_right_arithmetic3A_16 = arith.shrsi %iota3A, %shift_right_arithmetic3A_15 : vector<16xi32>
    %and3A_17 = arith.constant 1 : i32
    %and3A_18 = vector.broadcast %and3A_17 : i32 to vector<16xi32>
    %and3A_19 = arith.andi %shift_right_arithmetic3A_16, %and3A_18 : vector<16xi32>
    %and3A_20 = arith.constant 1 : i32
    %and3A_21 = vector.broadcast %and3A_20 : i32 to vector<16xi32>
    %and3A_22 = arith.andi %iota3A, %and3A_21 : vector<16xi32>
    %eq3A = arith.constant 1 : i32
    %eq3A_23 = vector.broadcast %eq3A : i32 to vector<16xi32>
    %eq3A_24 = arith.cmpi eq, %and3A_19, %eq3A_23 : vector<16xi32>
    %eq3A_25 = arith.constant 1 : i32
    %eq3A_26 = vector.broadcast %eq3A_25 : i32 to vector<16xi32>
    %eq3A_27 = arith.cmpi eq, %and3A_22, %eq3A_26 : vector<16xi32>
    %add3A_28 = arith.constant 0 : i32
    %add3A_29 = arith.addi %mul3A_2, %add3A_28 : i32
    %mul3A_30 = arith.constant 16 : i32
    %mul3A_31 = arith.muli %add3A_29, %mul3A_30 : i32
    "tpu.region"() ({
      %run_scoped3A = tpu.sem_alloc : memref<!tpu.dma_semaphore, #tpu.memory_space<semaphore_mem>>
      %dma_start3A_158 = tpu.memref_slice %arg3[%mul3A_31] : memref<8192xf32, #tpu.memory_space<hbm>> -> memref<16xf32, #tpu.memory_space<hbm>>
      %dma_start3A_159 = tpu.memref_slice %arg3[%mul3A_31] : memref<8192xf32, #tpu.memory_space<hbm>> -> memref<16xf32, #tpu.memory_space<hbm>>
      tpu.enqueue_dma source(%dma_start3A_159 : memref<16xf32, #tpu.memory_space<hbm>>) target(%arg5 : memref<16xf32, #tpu.memory_space<vmem>>) target_semaphore(%run_scoped3A : memref<!tpu.dma_semaphore, #tpu.memory_space<semaphore_mem>>)
      %dma_wait3A_160 = tpu.memref_slice %arg3[%mul3A_31] : memref<8192xf32, #tpu.memory_space<hbm>> -> memref<16xf32, #tpu.memory_space<hbm>>
      %dma_wait3A_161 = tpu.memref_slice %arg3[%mul3A_31] : memref<8192xf32, #tpu.memory_space<hbm>> -> memref<16xf32, #tpu.memory_space<hbm>>
      tpu.wait_dma2 semaphore(%run_scoped3A : memref<!tpu.dma_semaphore, #tpu.memory_space<semaphore_mem>>) src(%dma_wait3A_161 : memref<16xf32, #tpu.memory_space<hbm>>) dst(%arg5 : memref<16xf32, #tpu.memory_space<vmem>>)
      tpu.yield
    }) : () -> ()
    %get3A = arith.constant 0 : index
    %get3A_32 = tpu.vector_load %arg5[%get3A] {strides = array<i32>} : memref<16xf32, #tpu.memory_space<vmem>>, vector<16xf32>,
    %get3A_33 = vector.shape_cast %get3A_32 : vector<16xf32> to vector<16xf32>
    %slice3A = vector.extract_strided_slice %get3A_33 {offsets = [0], sizes = [1], strides = [1]} : vector<16xf32> to vector<1xf32>
    %broadcast_in_dim3A = vector.shape_cast %slice3A : vector<1xf32> to vector<1xf32>
    %broadcast_in_dim3A_34 = vector.broadcast %broadcast_in_dim3A : vector<1xf32> to vector<16xf32>
    %convert_element_type3A_35 = arith.fptosi %broadcast_in_dim3A_34 : vector<16xf32> to vector<16xi32>
    %slice3A_36 = vector.extract_strided_slice %get3A_33 {offsets = [1], sizes = [1], strides = [1]} : vector<16xf32> to vector<1xf32>
    %broadcast_in_dim3A_37 = vector.shape_cast %slice3A_36 : vector<1xf32> to vector<1xf32>
    %broadcast_in_dim3A_38 = vector.broadcast %broadcast_in_dim3A_37 : vector<1xf32> to vector<16xf32>
    %mul3A_39 = arith.constant 2.500000e-01 : f32
    %mul3A_40 = vector.broadcast %mul3A_39 : f32 to vector<16xf32>
    %mul3A_41 = arith.mulf %broadcast_in_dim3A_38, %mul3A_40 : vector<16xf32>
    %sub3A = arith.constant 5.000000e-01 : f32
    %sub3A_42 = vector.broadcast %sub3A : f32 to vector<16xf32>
    %sub3A_43 = arith.subf %mul3A_41, %sub3A_42 : vector<16xf32>
    %slice3A_44 = vector.extract_strided_slice %get3A_33 {offsets = [2], sizes = [1], strides = [1]} : vector<16xf32> to vector<1xf32>
    %broadcast_in_dim3A_45 = vector.shape_cast %slice3A_44 : vector<1xf32> to vector<1xf32>
    %broadcast_in_dim3A_46 = vector.broadcast %broadcast_in_dim3A_45 : vector<1xf32> to vector<16xf32>
    %mul3A_47 = arith.constant 2.500000e-01 : f32
    %mul3A_48 = vector.broadcast %mul3A_47 : f32 to vector<16xf32>
    %mul3A_49 = arith.mulf %broadcast_in_dim3A_46, %mul3A_48 : vector<16xf32>
    %sub3A_50 = arith.constant 5.000000e-01 : f32
    %sub3A_51 = vector.broadcast %sub3A_50 : f32 to vector<16xf32>
    %sub3A_52 = arith.subf %mul3A_49, %sub3A_51 : vector<16xf32>
    %slice3A_53 = vector.extract_strided_slice %get3A_33 {offsets = [3], sizes = [1], strides = [1]} : vector<16xf32> to vector<1xf32>
    %broadcast_in_dim3A_54 = vector.shape_cast %slice3A_53 : vector<1xf32> to vector<1xf32>
    %broadcast_in_dim3A_55 = vector.broadcast %broadcast_in_dim3A_54 : vector<1xf32> to vector<16xf32>
    %mul3A_56 = arith.constant 2.500000e-01 : f32
    %mul3A_57 = vector.broadcast %mul3A_56 : f32 to vector<16xf32>
    %mul3A_58 = arith.mulf %broadcast_in_dim3A_55, %mul3A_57 : vector<16xf32>
    %sub3A_59 = arith.constant 5.000000e-01 : f32
    %sub3A_60 = vector.broadcast %sub3A_59 : f32 to vector<16xf32>
    %sub3A_61 = arith.subf %mul3A_58, %sub3A_60 : vector<16xf32>
    %slice3A_62 = vector.extract_strided_slice %get3A_33 {offsets = [4], sizes = [1], strides = [1]} : vector<16xf32> to vector<1xf32>
    %broadcast_in_dim3A_63 = vector.shape_cast %slice3A_62 : vector<1xf32> to vector<1xf32>
    %broadcast_in_dim3A_64 = vector.broadcast %broadcast_in_dim3A_63 : vector<1xf32> to vector<16xf32>
    %mul3A_65 = arith.constant 2.500000e-01 : f32
    %mul3A_66 = vector.broadcast %mul3A_65 : f32 to vector<16xf32>
    %mul3A_67 = arith.mulf %broadcast_in_dim3A_64, %mul3A_66 : vector<16xf32>
    %sub3A_68 = arith.constant 5.000000e-01 : f32
    %sub3A_69 = vector.broadcast %sub3A_68 : f32 to vector<16xf32>
    %sub3A_70 = arith.subf %mul3A_67, %sub3A_69 : vector<16xf32>
    %sub3A_71 = arith.subf %sub3A_70, %sub3A_52 : vector<16xf32>
    %mul3A_72 = arith.constant 0.142857149 : f32
    %mul3A_73 = vector.broadcast %mul3A_72 : f32 to vector<16xf32>
    %mul3A_74 = arith.mulf %sub3A_71, %mul3A_73 : vector<16xf32>
    %sub3A_75 = arith.subf %sub3A_61, %sub3A_43 : vector<16xf32>
    %mul3A_76 = arith.constant 0.142857149 : f32
    %mul3A_77 = vector.broadcast %mul3A_76 : f32 to vector<16xf32>
    %mul3A_78 = arith.mulf %sub3A_75, %mul3A_77 : vector<16xf32>
    %mul3A_79 = arith.constant 40000 : i32
    %mul3A_80 = vector.broadcast %mul3A_79 : i32 to vector<16xi32>
    %mul3A_81 = arith.muli %convert_element_type3A_35, %mul3A_80 : vector<16xi32>
    %broadcast_in_dim3A_82 = arith.constant 0 : i32
    %broadcast_in_dim3A_83 = vector.broadcast %broadcast_in_dim3A_82 : i32 to vector<16xi32>
    %convert_element_type3A_84 = arith.sitofp %broadcast_in_dim3A_83 : vector<16xi32> to vector<16xf32>
    %mul3A_85 = arith.constant 2.000000e+00 : f32
    %mul3A_86 = vector.broadcast %mul3A_85 : f32 to vector<16xf32>
    %mul3A_87 = arith.mulf %convert_element_type3A_84, %mul3A_86 : vector<16xf32>
    %add3A_88 = arith.addf %mul3A_87, %convert_element_type3A : vector<16xf32>
    %add3A_89 = arith.constant 5.000000e-01 : f32
    %add3A_90 = vector.broadcast %add3A_89 : f32 to vector<16xf32>
    %add3A_91 = arith.addf %add3A_88, %add3A_90 : vector<16xf32>
    %mul3A_92 = arith.constant 5.000000e-01 : f32
    %mul3A_93 = vector.broadcast %mul3A_92 : f32 to vector<16xf32>
    %mul3A_94 = arith.mulf %add3A_91, %mul3A_93 : vector<16xf32>
    %mul3A_95 = arith.mulf %mul3A_94, %mul3A_74 : vector<16xf32>
    %add3A_96 = arith.addf %sub3A_52, %mul3A_95 : vector<16xf32>
    %ge3A = arith.constant -1.000000e+00 : f32
    %ge3A_97 = vector.broadcast %ge3A : f32 to vector<16xf32>
    %ge3A_98 = arith.cmpf oge, %add3A_96, %ge3A_97 : vector<16xf32>
    %le3A = arith.constant 2.000000e+02 : f32
    %le3A_99 = vector.broadcast %le3A : f32 to vector<16xf32>
    %le3A_100 = arith.cmpf ole, %add3A_96, %le3A_99 : vector<16xf32>
    %and3A_101 = arith.andi %ge3A_98, %le3A_100 : vector<16xi1>
    %jit3A = arith.constant 1.000000e+00 : f32
    %jit3A_102 = arith.constant 0.000000e+00 : f32
    %broadcast_in_dim3A_103 = vector.broadcast %jit3A : f32 to vector<16xf32>
    %broadcast_in_dim3A_104 = vector.broadcast %jit3A_102 : f32 to vector<16xf32>
    %select_n3A = arith.select %and3A_101, %broadcast_in_dim3A_103, %broadcast_in_dim3A_104 : vector<16xi1>, vector<16xf32>
    %max3A = arith.constant 0.000000e+00 : f32
    %max3A_105 = vector.broadcast %max3A : f32 to vector<16xf32>
    %max3A_106 = arith.maximumf %add3A_96, %max3A_105 : vector<16xf32>
    %convert_element_type3A_107 = arith.fptosi %max3A_106 : vector<16xf32> to vector<16xi32>
    %ge3A_108 = arith.constant 199 : i32
    %ge3A_109 = vector.broadcast %ge3A_108 : i32 to vector<16xi32>
    %ge3A_110 = arith.cmpi sge, %convert_element_type3A_107, %ge3A_109 : vector<16xi32>
    %jit3A_111 = arith.constant 1.990000e+02 : f32
    %broadcast_in_dim3A_112 = vector.broadcast %jit3A_111 : f32 to vector<16xf32>
    %select_n3A_113 = arith.select %ge3A_110, %broadcast_in_dim3A_112, %max3A_106 : vector<16xi1>, vector<16xf32>
    %jit3A_114 = arith.constant 199 : i32
    %broadcast_in_dim3A_115 = vector.broadcast %jit3A_114 : i32 to vector<16xi32>
    %select_n3A_116 = arith.select %ge3A_110, %broadcast_in_dim3A_115, %convert_element_type3A_107 : vector<16xi1>, vector<16xi32>
    %convert_element_type3A_117 = arith.sitofp %select_n3A_116 : vector<16xi32> to vector<16xf32>
    %sub3A_118 = arith.subf %select_n3A_113, %convert_element_type3A_117 : vector<16xf32>
    %sub3A_119 = arith.constant 1.000000e+00 : f32
    %sub3A_120 = vector.broadcast %sub3A_119 : f32 to vector<16xf32>
    %sub3A_121 = arith.subf %sub3A_120, %sub3A_118 : vector<16xf32>
    %mul3A_122 = arith.mulf %sub3A_121, %select_n3A : vector<16xf32>
    %mul3A_123 = arith.mulf %sub3A_118, %select_n3A : vector<16xf32>
    %add3A_124 = arith.addi %select_n3A_116, %and3A_19 : vector<16xi32>
    %min3A = arith.constant 199 : i32
    %min3A_125 = vector.broadcast %min3A : i32 to vector<16xi32>
    %min3A_126 = arith.minsi %add3A_124, %min3A_125 : vector<16xi32>
    %select_n3A_127 = arith.select %eq3A_24, %mul3A_123, %mul3A_122 : vector<16xi1>, vector<16xf32>
    %mul3A_128 = arith.constant 2.500000e-01 : f32
    %mul3A_129 = vector.broadcast %mul3A_128 : f32 to vector<16xf32>
    %mul3A_130 = arith.mulf %select_n3A_127, %mul3A_129 : vector<16xf32>
    %mul3A_131 = arith.constant 200 : i32
    %mul3A_132 = vector.broadcast %mul3A_131 : i32 to vector<16xi32>
    %mul3A_133 = arith.muli %min3A_126, %mul3A_132 : vector<16xi32>
    %add3A_134 = arith.addi %mul3A_81, %mul3A_133 : vector<16xi32>
    %scan3A = arith.constant 0 : i32
    %scan3A_135 = arith.constant 0 : i32
    %scan3A_136 = arith.constant 7 : i32
    %scan3A_137 = arith.addi %scan3A_135, %scan3A_136 : i32
    %scan3A_138 = arith.constant 1 : i32
    %scan3A_139 = scf.for %scan3A_158 = %scan3A_135 to %scan3A_137 step %scan3A_138 iter_args(%scan3A_159 = %scan3A) -> (i32)  : i32 {
      %broadcast_in_dim3A_160 = vector.broadcast %scan3A_158 : i32 to vector<16xi32>
      %convert_element_type3A_161 = arith.sitofp %broadcast_in_dim3A_160 : vector<16xi32> to vector<16xf32>
      %mul3A_162 = arith.constant 2.000000e+00 : f32
      %mul3A_163 = vector.broadcast %mul3A_162 : f32 to vector<16xf32>
      %mul3A_164 = arith.mulf %convert_element_type3A_161, %mul3A_163 : vector<16xf32>
      %add3A_165 = arith.addf %mul3A_164, %convert_element_type3A_13 : vector<16xf32>
      %add3A_166 = arith.constant 5.000000e-01 : f32
      %add3A_167 = vector.broadcast %add3A_166 : f32 to vector<16xf32>
      %add3A_168 = arith.addf %add3A_165, %add3A_167 : vector<16xf32>
      %mul3A_169 = arith.constant 5.000000e-01 : f32
      %mul3A_170 = vector.broadcast %mul3A_169 : f32 to vector<16xf32>
      %mul3A_171 = arith.mulf %add3A_168, %mul3A_170 : vector<16xf32>
      %mul3A_172 = arith.mulf %mul3A_171, %mul3A_78 : vector<16xf32>
      %add3A_173 = arith.addf %sub3A_43, %mul3A_172 : vector<16xf32>
      %ge3A_174 = arith.constant -1.000000e+00 : f32
      %ge3A_175 = vector.broadcast %ge3A_174 : f32 to vector<16xf32>
      %ge3A_176 = arith.cmpf oge, %add3A_173, %ge3A_175 : vector<16xf32>
      %le3A_177 = arith.constant 2.000000e+02 : f32
      %le3A_178 = vector.broadcast %le3A_177 : f32 to vector<16xf32>
      %le3A_179 = arith.cmpf ole, %add3A_173, %le3A_178 : vector<16xf32>
      %and3A_180 = arith.andi %ge3A_176, %le3A_179 : vector<16xi1>
      %jit3A_181 = arith.constant 1.000000e+00 : f32
      %jit3A_182 = arith.constant 0.000000e+00 : f32
      %broadcast_in_dim3A_183 = vector.broadcast %jit3A_181 : f32 to vector<16xf32>
      %broadcast_in_dim3A_184 = vector.broadcast %jit3A_182 : f32 to vector<16xf32>
      %select_n3A_185 = arith.select %and3A_180, %broadcast_in_dim3A_183, %broadcast_in_dim3A_184 : vector<16xi1>, vector<16xf32>
      %max3A_186 = arith.constant 0.000000e+00 : f32
      %max3A_187 = vector.broadcast %max3A_186 : f32 to vector<16xf32>
      %max3A_188 = arith.maximumf %add3A_173, %max3A_187 : vector<16xf32>
      %convert_element_type3A_189 = arith.fptosi %max3A_188 : vector<16xf32> to vector<16xi32>
      %ge3A_190 = arith.constant 199 : i32
      %ge3A_191 = vector.broadcast %ge3A_190 : i32 to vector<16xi32>
      %ge3A_192 = arith.cmpi sge, %convert_element_type3A_189, %ge3A_191 : vector<16xi32>
      %jit3A_193 = arith.constant 1.990000e+02 : f32
      %broadcast_in_dim3A_194 = vector.broadcast %jit3A_193 : f32 to vector<16xf32>
      %select_n3A_195 = arith.select %ge3A_192, %broadcast_in_dim3A_194, %max3A_188 : vector<16xi1>, vector<16xf32>
      %jit3A_196 = arith.constant 199 : i32
      %broadcast_in_dim3A_197 = vector.broadcast %jit3A_196 : i32 to vector<16xi32>
      %select_n3A_198 = arith.select %ge3A_192, %broadcast_in_dim3A_197, %convert_element_type3A_189 : vector<16xi1>, vector<16xi32>
      %convert_element_type3A_199 = arith.sitofp %select_n3A_198 : vector<16xi32> to vector<16xf32>
      %sub3A_200 = arith.subf %select_n3A_195, %convert_element_type3A_199 : vector<16xf32>
      %sub3A_201 = arith.constant 1.000000e+00 : f32
      %sub3A_202 = vector.broadcast %sub3A_201 : f32 to vector<16xf32>
      %sub3A_203 = arith.subf %sub3A_202, %sub3A_200 : vector<16xf32>
      %mul3A_204 = arith.mulf %sub3A_203, %select_n3A_185 : vector<16xf32>
      %mul3A_205 = arith.mulf %sub3A_200, %select_n3A_185 : vector<16xf32>
      %add3A_206 = arith.addi %select_n3A_198, %and3A_22 : vector<16xi32>
      %min3A_207 = arith.constant 199 : i32
      %min3A_208 = vector.broadcast %min3A_207 : i32 to vector<16xi32>
      %min3A_209 = arith.minsi %add3A_206, %min3A_208 : vector<16xi32>
      %select_n3A_210 = arith.select %eq3A_27, %mul3A_205, %mul3A_204 : vector<16xi1>, vector<16xf32>
      %add3A_211 = arith.addi %add3A_134, %min3A_209 : vector<16xi32>
      %mul3A_212 = arith.constant 16 : i32
      %mul3A_213 = arith.muli %scan3A_158, %mul3A_212 : i32
      %swap3A = arith.index_cast %mul3A_213 : i32 to index
      %swap3A_214 = tpu.vector_load %arg6[%swap3A] {strides = array<i32>} : memref<112xi32, #tpu.memory_space<vmem>>, vector<16xi32>,
      %swap3A_215 = vector.shape_cast %swap3A_214 : vector<16xi32> to vector<16xi32>
      %swap3A_216 = vector.shape_cast %add3A_211 : vector<16xi32> to vector<16xi32>
      tpu.vector_store %arg6[%swap3A], %swap3A_216 {strides = array<i32>} : memref<112xi32, #tpu.memory_space<vmem>>, vector<16xi32>,
      %mul3A_217 = arith.mulf %mul3A_130, %select_n3A_210 : vector<16xf32>
      %mul3A_218 = arith.constant 16 : i32
      %mul3A_219 = arith.muli %scan3A_158, %mul3A_218 : i32
      %swap3A_220 = arith.index_cast %mul3A_219 : i32 to index
      %swap3A_221 = tpu.vector_load %arg8[%swap3A_220] {strides = array<i32>} : memref<112xf32, #tpu.memory_space<vmem>>, vector<16xf32>,
      %swap3A_222 = vector.shape_cast %swap3A_221 : vector<16xf32> to vector<16xf32>
      %swap3A_223 = vector.shape_cast %mul3A_217 : vector<16xf32> to vector<16xf32>
      tpu.vector_store %arg8[%swap3A_220], %swap3A_223 {strides = array<i32>} : memref<112xf32, #tpu.memory_space<vmem>>, vector<16xf32>,
      %scan3A_224 = arith.constant 0 : i32
      scf.yield %scan3A_224 : i32
    }
    %scan3A_140 = arith.constant 7 : i32
    %dma_start3A = arith.constant 0 : i32
    %dma_start3A_141 = arith.constant 0 : i32
    %dma_start3A_142 = tpu.memref_slice %arg2[%dma_start3A, %dma_start3A_141] : memref<80000x128xi32, #tpu.memory_space<hbm>> -> memref<80000x128xi32, #tpu.memory_space<hbm>>
    tpu.enqueue_indirect_dma source(%dma_start3A_142 : memref<80000x128xi32, #tpu.memory_space<hbm>>) target(%arg10 : memref<112x128xi32, #tpu.memory_space<vmem>>) offsets(%arg6 : memref<112xi32, #tpu.memory_space<vmem>>) semaphore(%arg13 : memref<!tpu.dma_semaphore, #tpu.memory_space<semaphore_mem>>)
    %scan3A_143 = arith.constant 0 : i32
    %scan3A_144 = arith.constant 0 : i32
    %scan3A_145 = arith.constant 0 : i32
    %scan3A_146 = arith.constant 112 : i32
    %scan3A_147 = arith.addi %scan3A_145, %scan3A_146 : i32
    %scan3A_148 = arith.constant 1 : i32
    %scan3A_149:2 = scf.for %scan3A_158 = %scan3A_145 to %scan3A_147 step %scan3A_148 iter_args(%scan3A_159 = %scan3A_143, %scan3A_160 = %scan3A_144) -> (i32, i32)  : i32 {
      %eq3A_161 = arith.constant 6 : i32
      %eq3A_162 = arith.cmpi eq, %scan3A_159, %eq3A_161 : i32
      %not3A = arith.constant true
      %not3A_163 = arith.xori %eq3A_162, %not3A : i1
      %add3A_164 = arith.constant 1 : i32
      %add3A_165 = arith.addi %scan3A_160, %add3A_164 : i32
      %lt3A = arith.constant 16 : i32
      %lt3A_166 = arith.cmpi slt, %add3A_165, %lt3A : i32
      %or3A = arith.ori %not3A_163, %lt3A_166 : i1
      %add3A_167 = arith.constant 1 : i32
      %add3A_168 = arith.addi %scan3A_159, %add3A_167 : i32
      %jit3A_169 = arith.constant 0 : i32
      %select_n3A_170 = arith.select %eq3A_162, %jit3A_169, %add3A_168 : i32
      %add3A_171 = arith.constant 1 : i32
      %add3A_172 = arith.addi %scan3A_160, %add3A_171 : i32
      %select_n3A_173 = arith.select %eq3A_162, %add3A_172, %scan3A_160 : i32
      %and3A_174 = arith.constant 1 : i32
      %and3A_175 = arith.andi %scan3A_158, %and3A_174 : i32
      %eq3A_176 = arith.constant 0 : i32
      %eq3A_177 = arith.cmpi eq, %and3A_175, %eq3A_176 : i32
      %convert_element_type3A_178 = arith.extui %eq3A_177 : i1 to i32
      %cond3A = arith.constant 0 : i32
      %cond3A_179 = arith.cmpi ne, %convert_element_type3A_178, %cond3A : i32
      scf.if %cond3A_179 {
        %dma_wait3A_187 = arith.constant 0 : i32
        %dma_wait3A_188 = arith.constant 0 : i32
        %dma_wait3A_189 = tpu.memref_slice %arg2[%dma_wait3A_187, %dma_wait3A_188] : memref<80000x128xi32, #tpu.memory_space<hbm>> -> memref<80000x128xi32, #tpu.memory_space<hbm>>
        tpu.wait_indirect_dma semaphore(%arg13 : memref<!tpu.dma_semaphore, #tpu.memory_space<semaphore_mem>>) src(%dma_wait3A_189 : memref<80000x128xi32, #tpu.memory_space<hbm>>) dst(%arg10 : memref<112x128xi32, #tpu.memory_space<vmem>>)
        %convert_element_type3A_190 = arith.extui %or3A : i1 to i32
        %cond3A_191 = arith.constant 0 : i32
        %cond3A_192 = arith.cmpi ne, %convert_element_type3A_190, %cond3A_191 : i32
        scf.if %cond3A_192 {
          %convert_element_type3A_210 = arith.extui %eq3A_162 : i1 to i32
          %cond3A_211 = arith.constant 0 : i32
          %cond3A_212 = arith.cmpi ne, %convert_element_type3A_210, %cond3A_211 : i32
          scf.if %cond3A_212 {
            %add3A_335 = arith.addi %mul3A_2, %select_n3A_173 : i32
            %mul3A_336 = arith.constant 16 : i32
            %mul3A_337 = arith.muli %add3A_335, %mul3A_336 : i32
            "tpu.region"() ({
              %run_scoped3A = tpu.sem_alloc : memref<!tpu.dma_semaphore, #tpu.memory_space<semaphore_mem>>
              %dma_start3A_338 = tpu.memref_slice %arg3[%mul3A_337] : memref<8192xf32, #tpu.memory_space<hbm>> -> memref<16xf32, #tpu.memory_space<hbm>>
              %dma_start3A_339 = tpu.memref_slice %arg3[%mul3A_337] : memref<8192xf32, #tpu.memory_space<hbm>> -> memref<16xf32, #tpu.memory_space<hbm>>
              tpu.enqueue_dma source(%dma_start3A_339 : memref<16xf32, #tpu.memory_space<hbm>>) target(%arg5 : memref<16xf32, #tpu.memory_space<vmem>>) target_semaphore(%run_scoped3A : memref<!tpu.dma_semaphore, #tpu.memory_space<semaphore_mem>>)
              %dma_wait3A_340 = tpu.memref_slice %arg3[%mul3A_337] : memref<8192xf32, #tpu.memory_space<hbm>> -> memref<16xf32, #tpu.memory_space<hbm>>
              %dma_wait3A_341 = tpu.memref_slice %arg3[%mul3A_337] : memref<8192xf32, #tpu.memory_space<hbm>> -> memref<16xf32, #tpu.memory_space<hbm>>
              tpu.wait_dma2 semaphore(%run_scoped3A : memref<!tpu.dma_semaphore, #tpu.memory_space<semaphore_mem>>) src(%dma_wait3A_341 : memref<16xf32, #tpu.memory_space<hbm>>) dst(%arg5 : memref<16xf32, #tpu.memory_space<vmem>>)
              tpu.yield
            }) : () -> ()
          } else {
          }
          %get3A_213 = arith.constant 0 : index
          %get3A_214 = tpu.vector_load %arg5[%get3A_213] {strides = array<i32>} : memref<16xf32, #tpu.memory_space<vmem>>, vector<16xf32>,
          %get3A_215 = vector.shape_cast %get3A_214 : vector<16xf32> to vector<16xf32>
          %slice3A_216 = vector.extract_strided_slice %get3A_215 {offsets = [0], sizes = [1], strides = [1]} : vector<16xf32> to vector<1xf32>
          %broadcast_in_dim3A_217 = vector.shape_cast %slice3A_216 : vector<1xf32> to vector<1xf32>
          %broadcast_in_dim3A_218 = vector.broadcast %broadcast_in_dim3A_217 : vector<1xf32> to vector<16xf32>
          %convert_element_type3A_219 = arith.fptosi %broadcast_in_dim3A_218 : vector<16xf32> to vector<16xi32>
          %slice3A_220 = vector.extract_strided_slice %get3A_215 {offsets = [1], sizes = [1], strides = [1]} : vector<16xf32> to vector<1xf32>
          %broadcast_in_dim3A_221 = vector.shape_cast %slice3A_220 : vector<1xf32> to vector<1xf32>
          %broadcast_in_dim3A_222 = vector.broadcast %broadcast_in_dim3A_221 : vector<1xf32> to vector<16xf32>
          %mul3A_223 = arith.constant 2.500000e-01 : f32
          %mul3A_224 = vector.broadcast %mul3A_223 : f32 to vector<16xf32>
          %mul3A_225 = arith.mulf %broadcast_in_dim3A_222, %mul3A_224 : vector<16xf32>
          %sub3A_226 = arith.constant 5.000000e-01 : f32
          %sub3A_227 = vector.broadcast %sub3A_226 : f32 to vector<16xf32>
          %sub3A_228 = arith.subf %mul3A_225, %sub3A_227 : vector<16xf32>
          %slice3A_229 = vector.extract_strided_slice %get3A_215 {offsets = [2], sizes = [1], strides = [1]} : vector<16xf32> to vector<1xf32>
          %broadcast_in_dim3A_230 = vector.shape_cast %slice3A_229 : vector<1xf32> to vector<1xf32>
          %broadcast_in_dim3A_231 = vector.broadcast %broadcast_in_dim3A_230 : vector<1xf32> to vector<16xf32>
          %mul3A_232 = arith.constant 2.500000e-01 : f32
          %mul3A_233 = vector.broadcast %mul3A_232 : f32 to vector<16xf32>
          %mul3A_234 = arith.mulf %broadcast_in_dim3A_231, %mul3A_233 : vector<16xf32>
          %sub3A_235 = arith.constant 5.000000e-01 : f32
          %sub3A_236 = vector.broadcast %sub3A_235 : f32 to vector<16xf32>
          %sub3A_237 = arith.subf %mul3A_234, %sub3A_236 : vector<16xf32>
          %slice3A_238 = vector.extract_strided_slice %get3A_215 {offsets = [3], sizes = [1], strides = [1]} : vector<16xf32> to vector<1xf32>
          %broadcast_in_dim3A_239 = vector.shape_cast %slice3A_238 : vector<1xf32> to vector<1xf32>
          %broadcast_in_dim3A_240 = vector.broadcast %broadcast_in_dim3A_239 : vector<1xf32> to vector<16xf32>
          %mul3A_241 = arith.constant 2.500000e-01 : f32
          %mul3A_242 = vector.broadcast %mul3A_241 : f32 to vector<16xf32>
          %mul3A_243 = arith.mulf %broadcast_in_dim3A_240, %mul3A_242 : vector<16xf32>
          %sub3A_244 = arith.constant 5.000000e-01 : f32
          %sub3A_245 = vector.broadcast %sub3A_244 : f32 to vector<16xf32>
          %sub3A_246 = arith.subf %mul3A_243, %sub3A_245 : vector<16xf32>
          %slice3A_247 = vector.extract_strided_slice %get3A_215 {offsets = [4], sizes = [1], strides = [1]} : vector<16xf32> to vector<1xf32>
          %broadcast_in_dim3A_248 = vector.shape_cast %slice3A_247 : vector<1xf32> to vector<1xf32>
          %broadcast_in_dim3A_249 = vector.broadcast %broadcast_in_dim3A_248 : vector<1xf32> to vector<16xf32>
          %mul3A_250 = arith.constant 2.500000e-01 : f32
          %mul3A_251 = vector.broadcast %mul3A_250 : f32 to vector<16xf32>
          %mul3A_252 = arith.mulf %broadcast_in_dim3A_249, %mul3A_251 : vector<16xf32>
          %sub3A_253 = arith.constant 5.000000e-01 : f32
          %sub3A_254 = vector.broadcast %sub3A_253 : f32 to vector<16xf32>
          %sub3A_255 = arith.subf %mul3A_252, %sub3A_254 : vector<16xf32>
          %sub3A_256 = arith.subf %sub3A_255, %sub3A_237 : vector<16xf32>
          %mul3A_257 = arith.constant 0.142857149 : f32
          %mul3A_258 = vector.broadcast %mul3A_257 : f32 to vector<16xf32>
          %mul3A_259 = arith.mulf %sub3A_256, %mul3A_258 : vector<16xf32>
          %sub3A_260 = arith.subf %sub3A_246, %sub3A_228 : vector<16xf32>
          %mul3A_261 = arith.constant 0.142857149 : f32
          %mul3A_262 = vector.broadcast %mul3A_261 : f32 to vector<16xf32>
          %mul3A_263 = arith.mulf %sub3A_260, %mul3A_262 : vector<16xf32>
          %mul3A_264 = arith.constant 40000 : i32
          %mul3A_265 = vector.broadcast %mul3A_264 : i32 to vector<16xi32>
          %mul3A_266 = arith.muli %convert_element_type3A_219, %mul3A_265 : vector<16xi32>
          %broadcast_in_dim3A_267 = vector.broadcast %select_n3A_170 : i32 to vector<16xi32>
          %convert_element_type3A_268 = arith.sitofp %broadcast_in_dim3A_267 : vector<16xi32> to vector<16xf32>
          %mul3A_269 = arith.constant 2.000000e+00 : f32
          %mul3A_270 = vector.broadcast %mul3A_269 : f32 to vector<16xf32>
          %mul3A_271 = arith.mulf %convert_element_type3A_268, %mul3A_270 : vector<16xf32>
          %add3A_272 = arith.addf %mul3A_271, %convert_element_type3A : vector<16xf32>
          %add3A_273 = arith.constant 5.000000e-01 : f32
          %add3A_274 = vector.broadcast %add3A_273 : f32 to vector<16xf32>
          %add3A_275 = arith.addf %add3A_272, %add3A_274 : vector<16xf32>
          %mul3A_276 = arith.constant 5.000000e-01 : f32
          %mul3A_277 = vector.broadcast %mul3A_276 : f32 to vector<16xf32>
          %mul3A_278 = arith.mulf %add3A_275, %mul3A_277 : vector<16xf32>
          %mul3A_279 = arith.mulf %mul3A_278, %mul3A_259 : vector<16xf32>
          %add3A_280 = arith.addf %sub3A_237, %mul3A_279 : vector<16xf32>
          %ge3A_281 = arith.constant -1.000000e+00 : f32
          %ge3A_282 = vector.broadcast %ge3A_281 : f32 to vector<16xf32>
          %ge3A_283 = arith.cmpf oge, %add3A_280, %ge3A_282 : vector<16xf32>
          %le3A_284 = arith.constant 2.000000e+02 : f32
          %le3A_285 = vector.broadcast %le3A_284 : f32 to vector<16xf32>
          %le3A_286 = arith.cmpf ole, %add3A_280, %le3A_285 : vector<16xf32>
          %and3A_287 = arith.andi %ge3A_283, %le3A_286 : vector<16xi1>
          %jit3A_288 = arith.constant 1.000000e+00 : f32
          %jit3A_289 = arith.constant 0.000000e+00 : f32
          %broadcast_in_dim3A_290 = vector.broadcast %jit3A_288 : f32 to vector<16xf32>
          %broadcast_in_dim3A_291 = vector.broadcast %jit3A_289 : f32 to vector<16xf32>
          %select_n3A_292 = arith.select %and3A_287, %broadcast_in_dim3A_290, %broadcast_in_dim3A_291 : vector<16xi1>, vector<16xf32>
          %max3A_293 = arith.constant 0.000000e+00 : f32
          %max3A_294 = vector.broadcast %max3A_293 : f32 to vector<16xf32>
          %max3A_295 = arith.maximumf %add3A_280, %max3A_294 : vector<16xf32>
          %convert_element_type3A_296 = arith.fptosi %max3A_295 : vector<16xf32> to vector<16xi32>
          %ge3A_297 = arith.constant 199 : i32
          %ge3A_298 = vector.broadcast %ge3A_297 : i32 to vector<16xi32>
          %ge3A_299 = arith.cmpi sge, %convert_element_type3A_296, %ge3A_298 : vector<16xi32>
          %jit3A_300 = arith.constant 1.990000e+02 : f32
          %broadcast_in_dim3A_301 = vector.broadcast %jit3A_300 : f32 to vector<16xf32>
          %select_n3A_302 = arith.select %ge3A_299, %broadcast_in_dim3A_301, %max3A_295 : vector<16xi1>, vector<16xf32>
          %jit3A_303 = arith.constant 199 : i32
          %broadcast_in_dim3A_304 = vector.broadcast %jit3A_303 : i32 to vector<16xi32>
          %select_n3A_305 = arith.select %ge3A_299, %broadcast_in_dim3A_304, %convert_element_type3A_296 : vector<16xi1>, vector<16xi32>
          %convert_element_type3A_306 = arith.sitofp %select_n3A_305 : vector<16xi32> to vector<16xf32>
          %sub3A_307 = arith.subf %select_n3A_302, %convert_element_type3A_306 : vector<16xf32>
          %sub3A_308 = arith.constant 1.000000e+00 : f32
          %sub3A_309 = vector.broadcast %sub3A_308 : f32 to vector<16xf32>
          %sub3A_310 = arith.subf %sub3A_309, %sub3A_307 : vector<16xf32>
          %mul3A_311 = arith.mulf %sub3A_310, %select_n3A_292 : vector<16xf32>
          %mul3A_312 = arith.mulf %sub3A_307, %select_n3A_292 : vector<16xf32>
          %add3A_313 = arith.addi %select_n3A_305, %and3A_19 : vector<16xi32>
          %min3A_314 = arith.constant 199 : i32
          %min3A_315 = vector.broadcast %min3A_314 : i32 to vector<16xi32>
          %min3A_316 = arith.minsi %add3A_313, %min3A_315 : vector<16xi32>
          %select_n3A_317 = arith.select %eq3A_24, %mul3A_312, %mul3A_311 : vector<16xi1>, vector<16xf32>
          %mul3A_318 = arith.constant 2.500000e-01 : f32
          %mul3A_319 = vector.broadcast %mul3A_318 : f32 to vector<16xf32>
          %mul3A_320 = arith.mulf %select_n3A_317, %mul3A_319 : vector<16xf32>
          %mul3A_321 = arith.constant 200 : i32
          %mul3A_322 = vector.broadcast %mul3A_321 : i32 to vector<16xi32>
          %mul3A_323 = arith.muli %min3A_316, %mul3A_322 : vector<16xi32>
          %add3A_324 = arith.addi %mul3A_266, %mul3A_323 : vector<16xi32>
          %scan3A_325 = arith.constant 0 : i32
          %scan3A_326 = arith.constant 0 : i32
          %scan3A_327 = arith.constant 7 : i32
          %scan3A_328 = arith.addi %scan3A_326, %scan3A_327 : i32
          %scan3A_329 = arith.constant 1 : i32
          %scan3A_330 = scf.for %scan3A_335 = %scan3A_326 to %scan3A_328 step %scan3A_329 iter_args(%scan3A_336 = %scan3A_325) -> (i32)  : i32 {
            %broadcast_in_dim3A_337 = vector.broadcast %scan3A_335 : i32 to vector<16xi32>
            %convert_element_type3A_338 = arith.sitofp %broadcast_in_dim3A_337 : vector<16xi32> to vector<16xf32>
            %mul3A_339 = arith.constant 2.000000e+00 : f32
            %mul3A_340 = vector.broadcast %mul3A_339 : f32 to vector<16xf32>
            %mul3A_341 = arith.mulf %convert_element_type3A_338, %mul3A_340 : vector<16xf32>
            %add3A_342 = arith.addf %mul3A_341, %convert_element_type3A_13 : vector<16xf32>
            %add3A_343 = arith.constant 5.000000e-01 : f32
            %add3A_344 = vector.broadcast %add3A_343 : f32 to vector<16xf32>
            %add3A_345 = arith.addf %add3A_342, %add3A_344 : vector<16xf32>
            %mul3A_346 = arith.constant 5.000000e-01 : f32
            %mul3A_347 = vector.broadcast %mul3A_346 : f32 to vector<16xf32>
            %mul3A_348 = arith.mulf %add3A_345, %mul3A_347 : vector<16xf32>
            %mul3A_349 = arith.mulf %mul3A_348, %mul3A_263 : vector<16xf32>
            %add3A_350 = arith.addf %sub3A_228, %mul3A_349 : vector<16xf32>
            %ge3A_351 = arith.constant -1.000000e+00 : f32
            %ge3A_352 = vector.broadcast %ge3A_351 : f32 to vector<16xf32>
            %ge3A_353 = arith.cmpf oge, %add3A_350, %ge3A_352 : vector<16xf32>
            %le3A_354 = arith.constant 2.000000e+02 : f32
            %le3A_355 = vector.broadcast %le3A_354 : f32 to vector<16xf32>
            %le3A_356 = arith.cmpf ole, %add3A_350, %le3A_355 : vector<16xf32>
            %and3A_357 = arith.andi %ge3A_353, %le3A_356 : vector<16xi1>
            %jit3A_358 = arith.constant 1.000000e+00 : f32
            %jit3A_359 = arith.constant 0.000000e+00 : f32
            %broadcast_in_dim3A_360 = vector.broadcast %jit3A_358 : f32 to vector<16xf32>
            %broadcast_in_dim3A_361 = vector.broadcast %jit3A_359 : f32 to vector<16xf32>
            %select_n3A_362 = arith.select %and3A_357, %broadcast_in_dim3A_360, %broadcast_in_dim3A_361 : vector<16xi1>, vector<16xf32>
            %max3A_363 = arith.constant 0.000000e+00 : f32
            %max3A_364 = vector.broadcast %max3A_363 : f32 to vector<16xf32>
            %max3A_365 = arith.maximumf %add3A_350, %max3A_364 : vector<16xf32>
            %convert_element_type3A_366 = arith.fptosi %max3A_365 : vector<16xf32> to vector<16xi32>
            %ge3A_367 = arith.constant 199 : i32
            %ge3A_368 = vector.broadcast %ge3A_367 : i32 to vector<16xi32>
            %ge3A_369 = arith.cmpi sge, %convert_element_type3A_366, %ge3A_368 : vector<16xi32>
            %jit3A_370 = arith.constant 1.990000e+02 : f32
            %broadcast_in_dim3A_371 = vector.broadcast %jit3A_370 : f32 to vector<16xf32>
            %select_n3A_372 = arith.select %ge3A_369, %broadcast_in_dim3A_371, %max3A_365 : vector<16xi1>, vector<16xf32>
            %jit3A_373 = arith.constant 199 : i32
            %broadcast_in_dim3A_374 = vector.broadcast %jit3A_373 : i32 to vector<16xi32>
            %select_n3A_375 = arith.select %ge3A_369, %broadcast_in_dim3A_374, %convert_element_type3A_366 : vector<16xi1>, vector<16xi32>
            %convert_element_type3A_376 = arith.sitofp %select_n3A_375 : vector<16xi32> to vector<16xf32>
            %sub3A_377 = arith.subf %select_n3A_372, %convert_element_type3A_376 : vector<16xf32>
            %sub3A_378 = arith.constant 1.000000e+00 : f32
            %sub3A_379 = vector.broadcast %sub3A_378 : f32 to vector<16xf32>
            %sub3A_380 = arith.subf %sub3A_379, %sub3A_377 : vector<16xf32>
            %mul3A_381 = arith.mulf %sub3A_380, %select_n3A_362 : vector<16xf32>
            %mul3A_382 = arith.mulf %sub3A_377, %select_n3A_362 : vector<16xf32>
            %add3A_383 = arith.addi %select_n3A_375, %and3A_22 : vector<16xi32>
            %min3A_384 = arith.constant 199 : i32
            %min3A_385 = vector.broadcast %min3A_384 : i32 to vector<16xi32>
            %min3A_386 = arith.minsi %add3A_383, %min3A_385 : vector<16xi32>
            %select_n3A_387 = arith.select %eq3A_27, %mul3A_382, %mul3A_381 : vector<16xi1>, vector<16xf32>
            %add3A_388 = arith.addi %add3A_324, %min3A_386 : vector<16xi32>
            %mul3A_389 = arith.constant 16 : i32
            %mul3A_390 = arith.muli %scan3A_335, %mul3A_389 : i32
            %swap3A = arith.index_cast %mul3A_390 : i32 to index
            %swap3A_391 = tpu.vector_load %arg7[%swap3A] {strides = array<i32>} : memref<112xi32, #tpu.memory_space<vmem>>, vector<16xi32>,
            %swap3A_392 = vector.shape_cast %swap3A_391 : vector<16xi32> to vector<16xi32>
            %swap3A_393 = vector.shape_cast %add3A_388 : vector<16xi32> to vector<16xi32>
            tpu.vector_store %arg7[%swap3A], %swap3A_393 {strides = array<i32>} : memref<112xi32, #tpu.memory_space<vmem>>, vector<16xi32>,
            %mul3A_394 = arith.mulf %mul3A_320, %select_n3A_387 : vector<16xf32>
            %mul3A_395 = arith.constant 16 : i32
            %mul3A_396 = arith.muli %scan3A_335, %mul3A_395 : i32
            %swap3A_397 = arith.index_cast %mul3A_396 : i32 to index
            %swap3A_398 = tpu.vector_load %arg9[%swap3A_397] {strides = array<i32>} : memref<112xf32, #tpu.memory_space<vmem>>, vector<16xf32>,
            %swap3A_399 = vector.shape_cast %swap3A_398 : vector<16xf32> to vector<16xf32>
            %swap3A_400 = vector.shape_cast %mul3A_394 : vector<16xf32> to vector<16xf32>
            tpu.vector_store %arg9[%swap3A_397], %swap3A_400 {strides = array<i32>} : memref<112xf32, #tpu.memory_space<vmem>>, vector<16xf32>,
            %scan3A_401 = arith.constant 0 : i32
            scf.yield %scan3A_401 : i32
          }
          %scan3A_331 = arith.constant 7 : i32
          %dma_start3A_332 = arith.constant 0 : i32
          %dma_start3A_333 = arith.constant 0 : i32
          %dma_start3A_334 = tpu.memref_slice %arg2[%dma_start3A_332, %dma_start3A_333] : memref<80000x128xi32, #tpu.memory_space<hbm>> -> memref<80000x128xi32, #tpu.memory_space<hbm>>
          tpu.enqueue_indirect_dma source(%dma_start3A_334 : memref<80000x128xi32, #tpu.memory_space<hbm>>) target(%arg11 : memref<112x128xi32, #tpu.memory_space<vmem>>) offsets(%arg7 : memref<112xi32, #tpu.memory_space<vmem>>) semaphore(%arg14 : memref<!tpu.dma_semaphore, #tpu.memory_space<semaphore_mem>>)
        } else {
        }
        %eq3A_193 = arith.constant 0 : i32
        %eq3A_194 = arith.cmpi eq, %scan3A_159, %eq3A_193 : i32
        %gt3A = arith.constant 0 : i32
        %gt3A_195 = arith.cmpi sgt, %scan3A_160, %gt3A : i32
        %and3A_196 = arith.andi %eq3A_194, %gt3A_195 : i1
        %convert_element_type3A_197 = arith.extui %and3A_196 : i1 to i32
        %cond3A_198 = arith.constant 0 : i32
        %cond3A_199 = arith.cmpi ne, %convert_element_type3A_197, %cond3A_198 : i32
        scf.if %cond3A_199 {
          %sub3A_210 = arith.constant 1 : i32
          %sub3A_211 = arith.subi %scan3A_160, %sub3A_210 : i32
          %add3A_212 = arith.addi %mul3A_2, %sub3A_211 : i32
          %mul3A_213 = arith.constant 49 : i32
          %mul3A_214 = arith.muli %add3A_212, %mul3A_213 : i32
          %mul3A_215 = arith.constant 256 : i32
          %mul3A_216 = arith.muli %mul3A_214, %mul3A_215 : i32
          %dma_wait3A_217 = tpu.memref_slice %arg4[%mul3A_216] : memref<6422528xf32, #tpu.memory_space<hbm>> -> memref<12544xf32, #tpu.memory_space<hbm>>
          %dma_wait3A_218 = tpu.memref_slice %arg4[%mul3A_216] : memref<6422528xf32, #tpu.memory_space<hbm>> -> memref<12544xf32, #tpu.memory_space<hbm>>
          tpu.wait_dma2 semaphore(%arg15 : memref<!tpu.dma_semaphore, #tpu.memory_space<semaphore_mem>>) src(%arg12 : memref<12544xf32, #tpu.memory_space<vmem>>) dst(%dma_wait3A_218 : memref<12544xf32, #tpu.memory_space<hbm>>)
        } else {
        }
        %scan3A_200 = arith.constant 0 : i32
        %scan3A_201 = arith.constant 0 : i32
        %scan3A_202 = arith.constant 7 : i32
        %scan3A_203 = arith.addi %scan3A_201, %scan3A_202 : i32
        %scan3A_204 = arith.constant 1 : i32
        %scan3A_205 = scf.for %scan3A_210 = %scan3A_201 to %scan3A_203 step %scan3A_204 iter_args(%scan3A_211 = %scan3A_200) -> (i32)  : i32 {
          %mul3A_212 = arith.constant 16 : i32
          %mul3A_213 = arith.muli %scan3A_210, %mul3A_212 : i32
          %get3A_214 = arith.index_cast %mul3A_213 : i32 to index
          %get3A_215 = tpu.vector_load %arg8[%get3A_214] {strides = array<i32>} : memref<112xf32, #tpu.memory_space<vmem>>, vector<16xf32>,
          %get3A_216 = vector.shape_cast %get3A_215 : vector<16xf32> to vector<16xf32>
          %slice3A_217 = vector.extract_strided_slice %get3A_216 {offsets = [0], sizes = [1], strides = [1]} : vector<16xf32> to vector<1xf32>
          %broadcast_in_dim3A_218 = vector.shape_cast %slice3A_217 : vector<1xf32> to vector<1xf32>
          %broadcast_in_dim3A_219 = vector.broadcast %broadcast_in_dim3A_218 : vector<1xf32> to vector<16xf32>
          %add3A_220 = arith.constant 0 : i32
          %add3A_221 = arith.addi %mul3A_213, %add3A_220 : i32
          %get3A_222 = arith.index_cast %add3A_221 : i32 to index
          %get3A_223 = arith.constant 0 : index
          %get3A_224 = tpu.vector_load %arg10[%get3A_222, %get3A_223] {strides = array<i32>} : memref<112x128xi32, #tpu.memory_space<vmem>>, vector<1x16xi32>,
          %get3A_225 = vector.shape_cast %get3A_224 : vector<1x16xi32> to vector<16xi32>
          %shift_left3A = arith.constant 16 : i32
          %shift_left3A_226 = vector.broadcast %shift_left3A : i32 to vector<16xi32>
          %shift_left3A_227 = arith.shli %get3A_225, %shift_left3A_226 : vector<16xi32>
          %bitcast_convert_type3A = tpu.bitcast %shift_left3A_227 : vector<16xi32> -> vector<16xf32>
          %bitcast_convert_type3A_228 = tpu.bitcast %get3A_225 : vector<16xi32> -> vector<16xf32>
          %mul3A_229 = arith.mulf %broadcast_in_dim3A_219, %bitcast_convert_type3A : vector<16xf32>
          %mul3A_230 = arith.mulf %broadcast_in_dim3A_219, %bitcast_convert_type3A_228 : vector<16xf32>
          %add3A_231 = arith.constant 0 : i32
          %add3A_232 = arith.addi %mul3A_213, %add3A_231 : i32
          %get3A_233 = arith.index_cast %add3A_232 : i32 to index
          %get3A_234 = arith.constant 16 : index
          %get3A_235 = tpu.vector_load %arg10[%get3A_233, %get3A_234] {strides = array<i32>} : memref<112x128xi32, #tpu.memory_space<vmem>>, vector<1x16xi32>,
          %get3A_236 = vector.shape_cast %get3A_235 : vector<1x16xi32> to vector<16xi32>
          %shift_left3A_237 = arith.constant 16 : i32
          %shift_left3A_238 = vector.broadcast %shift_left3A_237 : i32 to vector<16xi32>
          %shift_left3A_239 = arith.shli %get3A_236, %shift_left3A_238 : vector<16xi32>
          %bitcast_convert_type3A_240 = tpu.bitcast %shift_left3A_239 : vector<16xi32> -> vector<16xf32>
          %bitcast_convert_type3A_241 = tpu.bitcast %get3A_236 : vector<16xi32> -> vector<16xf32>
          %mul3A_242 = arith.mulf %broadcast_in_dim3A_219, %bitcast_convert_type3A_240 : vector<16xf32>
          %mul3A_243 = arith.mulf %broadcast_in_dim3A_219, %bitcast_convert_type3A_241 : vector<16xf32>
          %add3A_244 = arith.constant 0 : i32
          %add3A_245 = arith.addi %mul3A_213, %add3A_244 : i32
          %get3A_246 = arith.index_cast %add3A_245 : i32 to index
          %get3A_247 = arith.constant 32 : index
          %get3A_248 = tpu.vector_load %arg10[%get3A_246, %get3A_247] {strides = array<i32>} : memref<112x128xi32, #tpu.memory_space<vmem>>, vector<1x16xi32>,
          %get3A_249 = vector.shape_cast %get3A_248 : vector<1x16xi32> to vector<16xi32>
          %shift_left3A_250 = arith.constant 16 : i32
          %shift_left3A_251 = vector.broadcast %shift_left3A_250 : i32 to vector<16xi32>
          %shift_left3A_252 = arith.shli %get3A_249, %shift_left3A_251 : vector<16xi32>
          %bitcast_convert_type3A_253 = tpu.bitcast %shift_left3A_252 : vector<16xi32> -> vector<16xf32>
          %bitcast_convert_type3A_254 = tpu.bitcast %get3A_249 : vector<16xi32> -> vector<16xf32>
          %mul3A_255 = arith.mulf %broadcast_in_dim3A_219, %bitcast_convert_type3A_253 : vector<16xf32>
          %mul3A_256 = arith.mulf %broadcast_in_dim3A_219, %bitcast_convert_type3A_254 : vector<16xf32>
          %add3A_257 = arith.constant 0 : i32
          %add3A_258 = arith.addi %mul3A_213, %add3A_257 : i32
          %get3A_259 = arith.index_cast %add3A_258 : i32 to index
          %get3A_260 = arith.constant 48 : index
          %get3A_261 = tpu.vector_load %arg10[%get3A_259, %get3A_260] {strides = array<i32>} : memref<112x128xi32, #tpu.memory_space<vmem>>, vector<1x16xi32>,
          %get3A_262 = vector.shape_cast %get3A_261 : vector<1x16xi32> to vector<16xi32>
          %shift_left3A_263 = arith.constant 16 : i32
          %shift_left3A_264 = vector.broadcast %shift_left3A_263 : i32 to vector<16xi32>
          %shift_left3A_265 = arith.shli %get3A_262, %shift_left3A_264 : vector<16xi32>
          %bitcast_convert_type3A_266 = tpu.bitcast %shift_left3A_265 : vector<16xi32> -> vector<16xf32>
          %bitcast_convert_type3A_267 = tpu.bitcast %get3A_262 : vector<16xi32> -> vector<16xf32>
          %mul3A_268 = arith.mulf %broadcast_in_dim3A_219, %bitcast_convert_type3A_266 : vector<16xf32>
          %mul3A_269 = arith.mulf %broadcast_in_dim3A_219, %bitcast_convert_type3A_267 : vector<16xf32>
          %add3A_270 = arith.constant 0 : i32
          %add3A_271 = arith.addi %mul3A_213, %add3A_270 : i32
          %get3A_272 = arith.index_cast %add3A_271 : i32 to index
          %get3A_273 = arith.constant 64 : index
          %get3A_274 = tpu.vector_load %arg10[%get3A_272, %get3A_273] {strides = array<i32>} : memref<112x128xi32, #tpu.memory_space<vmem>>, vector<1x16xi32>,
          %get3A_275 = vector.shape_cast %get3A_274 : vector<1x16xi32> to vector<16xi32>
          %shift_left3A_276 = arith.constant 16 : i32
          %shift_left3A_277 = vector.broadcast %shift_left3A_276 : i32 to vector<16xi32>
          %shift_left3A_278 = arith.shli %get3A_275, %shift_left3A_277 : vector<16xi32>
          %bitcast_convert_type3A_279 = tpu.bitcast %shift_left3A_278 : vector<16xi32> -> vector<16xf32>
          %bitcast_convert_type3A_280 = tpu.bitcast %get3A_275 : vector<16xi32> -> vector<16xf32>
          %mul3A_281 = arith.mulf %broadcast_in_dim3A_219, %bitcast_convert_type3A_279 : vector<16xf32>
          %mul3A_282 = arith.mulf %broadcast_in_dim3A_219, %bitcast_convert_type3A_280 : vector<16xf32>
          %add3A_283 = arith.constant 0 : i32
          %add3A_284 = arith.addi %mul3A_213, %add3A_283 : i32
          %get3A_285 = arith.index_cast %add3A_284 : i32 to index
          %get3A_286 = arith.constant 80 : index
          %get3A_287 = tpu.vector_load %arg10[%get3A_285, %get3A_286] {strides = array<i32>} : memref<112x128xi32, #tpu.memory_space<vmem>>, vector<1x16xi32>,
          %get3A_288 = vector.shape_cast %get3A_287 : vector<1x16xi32> to vector<16xi32>
          %shift_left3A_289 = arith.constant 16 : i32
          %shift_left3A_290 = vector.broadcast %shift_left3A_289 : i32 to vector<16xi32>
          %shift_left3A_291 = arith.shli %get3A_288, %shift_left3A_290 : vector<16xi32>
          %bitcast_convert_type3A_292 = tpu.bitcast %shift_left3A_291 : vector<16xi32> -> vector<16xf32>
          %bitcast_convert_type3A_293 = tpu.bitcast %get3A_288 : vector<16xi32> -> vector<16xf32>
          %mul3A_294 = arith.mulf %broadcast_in_dim3A_219, %bitcast_convert_type3A_292 : vector<16xf32>
          %mul3A_295 = arith.mulf %broadcast_in_dim3A_219, %bitcast_convert_type3A_293 : vector<16xf32>
          %add3A_296 = arith.constant 0 : i32
          %add3A_297 = arith.addi %mul3A_213, %add3A_296 : i32
          %get3A_298 = arith.index_cast %add3A_297 : i32 to index
          %get3A_299 = arith.constant 96 : index
          %get3A_300 = tpu.vector_load %arg10[%get3A_298, %get3A_299] {strides = array<i32>} : memref<112x128xi32, #tpu.memory_space<vmem>>, vector<1x16xi32>,
          %get3A_301 = vector.shape_cast %get3A_300 : vector<1x16xi32> to vector<16xi32>
          %shift_left3A_302 = arith.constant 16 : i32
          %shift_left3A_303 = vector.broadcast %shift_left3A_302 : i32 to vector<16xi32>
          %shift_left3A_304 = arith.shli %get3A_301, %shift_left3A_303 : vector<16xi32>
          %bitcast_convert_type3A_305 = tpu.bitcast %shift_left3A_304 : vector<16xi32> -> vector<16xf32>
          %bitcast_convert_type3A_306 = tpu.bitcast %get3A_301 : vector<16xi32> -> vector<16xf32>
          %mul3A_307 = arith.mulf %broadcast_in_dim3A_219, %bitcast_convert_type3A_305 : vector<16xf32>
          %mul3A_308 = arith.mulf %broadcast_in_dim3A_219, %bitcast_convert_type3A_306 : vector<16xf32>
          %add3A_309 = arith.constant 0 : i32
          %add3A_310 = arith.addi %mul3A_213, %add3A_309 : i32
          %get3A_311 = arith.index_cast %add3A_310 : i32 to index
          %get3A_312 = arith.constant 112 : index
          %get3A_313 = tpu.vector_load %arg10[%get3A_311, %get3A_312] {strides = array<i32>} : memref<112x128xi32, #tpu.memory_space<vmem>>, vector<1x16xi32>,
          %get3A_314 = vector.shape_cast %get3A_313 : vector<1x16xi32> to vector<16xi32>
          %shift_left3A_315 = arith.constant 16 : i32
          %shift_left3A_316 = vector.broadcast %shift_left3A_315 : i32 to vector<16xi32>
          %shift_left3A_317 = arith.shli %get3A_314, %shift_left3A_316 : vector<16xi32>
          %bitcast_convert_type3A_318 = tpu.bitcast %shift_left3A_317 : vector<16xi32> -> vector<16xf32>
          %bitcast_convert_type3A_319 = tpu.bitcast %get3A_314 : vector<16xi32> -> vector<16xf32>
          %mul3A_320 = arith.mulf %broadcast_in_dim3A_219, %bitcast_convert_type3A_318 : vector<16xf32>
          %mul3A_321 = arith.mulf %broadcast_in_dim3A_219, %bitcast_convert_type3A_319 : vector<16xf32>
          %slice3A_322 = vector.extract_strided_slice %get3A_216 {offsets = [1], sizes = [1], strides = [1]} : vector<16xf32> to vector<1xf32>
          %broadcast_in_dim3A_323 = vector.shape_cast %slice3A_322 : vector<1xf32> to vector<1xf32>
          %broadcast_in_dim3A_324 = vector.broadcast %broadcast_in_dim3A_323 : vector<1xf32> to vector<16xf32>
          %add3A_325 = arith.constant 1 : i32
          %add3A_326 = arith.addi %mul3A_213, %add3A_325 : i32
          %get3A_327 = arith.index_cast %add3A_326 : i32 to index
          %get3A_328 = arith.constant 0 : index
          %get3A_329 = tpu.vector_load %arg10[%get3A_327, %get3A_328] {strides = array<i32>} : memref<112x128xi32, #tpu.memory_space<vmem>>, vector<1x16xi32>,
          %get3A_330 = vector.shape_cast %get3A_329 : vector<1x16xi32> to vector<16xi32>
          %shift_left3A_331 = arith.constant 16 : i32
          %shift_left3A_332 = vector.broadcast %shift_left3A_331 : i32 to vector<16xi32>
          %shift_left3A_333 = arith.shli %get3A_330, %shift_left3A_332 : vector<16xi32>
          %bitcast_convert_type3A_334 = tpu.bitcast %shift_left3A_333 : vector<16xi32> -> vector<16xf32>
          %bitcast_convert_type3A_335 = tpu.bitcast %get3A_330 : vector<16xi32> -> vector<16xf32>
          %mul3A_336 = arith.mulf %broadcast_in_dim3A_324, %bitcast_convert_type3A_334 : vector<16xf32>
          %mul3A_337 = arith.mulf %broadcast_in_dim3A_324, %bitcast_convert_type3A_335 : vector<16xf32>
          %add3A_338 = arith.addf %mul3A_229, %mul3A_336 : vector<16xf32>
          %add3A_339 = arith.addf %mul3A_230, %mul3A_337 : vector<16xf32>
          %add3A_340 = arith.constant 1 : i32
          %add3A_341 = arith.addi %mul3A_213, %add3A_340 : i32
          %get3A_342 = arith.index_cast %add3A_341 : i32 to index
          %get3A_343 = arith.constant 16 : index
          %get3A_344 = tpu.vector_load %arg10[%get3A_342, %get3A_343] {strides = array<i32>} : memref<112x128xi32, #tpu.memory_space<vmem>>, vector<1x16xi32>,
          %get3A_345 = vector.shape_cast %get3A_344 : vector<1x16xi32> to vector<16xi32>
          %shift_left3A_346 = arith.constant 16 : i32
          %shift_left3A_347 = vector.broadcast %shift_left3A_346 : i32 to vector<16xi32>
          %shift_left3A_348 = arith.shli %get3A_345, %shift_left3A_347 : vector<16xi32>
          %bitcast_convert_type3A_349 = tpu.bitcast %shift_left3A_348 : vector<16xi32> -> vector<16xf32>
          %bitcast_convert_type3A_350 = tpu.bitcast %get3A_345 : vector<16xi32> -> vector<16xf32>
          %mul3A_351 = arith.mulf %broadcast_in_dim3A_324, %bitcast_convert_type3A_349 : vector<16xf32>
          %mul3A_352 = arith.mulf %broadcast_in_dim3A_324, %bitcast_convert_type3A_350 : vector<16xf32>
          %add3A_353 = arith.addf %mul3A_242, %mul3A_351 : vector<16xf32>
          %add3A_354 = arith.addf %mul3A_243, %mul3A_352 : vector<16xf32>
          %add3A_355 = arith.constant 1 : i32
          %add3A_356 = arith.addi %mul3A_213, %add3A_355 : i32
          %get3A_357 = arith.index_cast %add3A_356 : i32 to index
          %get3A_358 = arith.constant 32 : index
          %get3A_359 = tpu.vector_load %arg10[%get3A_357, %get3A_358] {strides = array<i32>} : memref<112x128xi32, #tpu.memory_space<vmem>>, vector<1x16xi32>,
          %get3A_360 = vector.shape_cast %get3A_359 : vector<1x16xi32> to vector<16xi32>
          %shift_left3A_361 = arith.constant 16 : i32
          %shift_left3A_362 = vector.broadcast %shift_left3A_361 : i32 to vector<16xi32>
          %shift_left3A_363 = arith.shli %get3A_360, %shift_left3A_362 : vector<16xi32>
          %bitcast_convert_type3A_364 = tpu.bitcast %shift_left3A_363 : vector<16xi32> -> vector<16xf32>
          %bitcast_convert_type3A_365 = tpu.bitcast %get3A_360 : vector<16xi32> -> vector<16xf32>
          %mul3A_366 = arith.mulf %broadcast_in_dim3A_324, %bitcast_convert_type3A_364 : vector<16xf32>
          %mul3A_367 = arith.mulf %broadcast_in_dim3A_324, %bitcast_convert_type3A_365 : vector<16xf32>
          %add3A_368 = arith.addf %mul3A_255, %mul3A_366 : vector<16xf32>
          %add3A_369 = arith.addf %mul3A_256, %mul3A_367 : vector<16xf32>
          %add3A_370 = arith.constant 1 : i32
          %add3A_371 = arith.addi %mul3A_213, %add3A_370 : i32
          %get3A_372 = arith.index_cast %add3A_371 : i32 to index
          %get3A_373 = arith.constant 48 : index
          %get3A_374 = tpu.vector_load %arg10[%get3A_372, %get3A_373] {strides = array<i32>} : memref<112x128xi32, #tpu.memory_space<vmem>>, vector<1x16xi32>,
          %get3A_375 = vector.shape_cast %get3A_374 : vector<1x16xi32> to vector<16xi32>
          %shift_left3A_376 = arith.constant 16 : i32
          %shift_left3A_377 = vector.broadcast %shift_left3A_376 : i32 to vector<16xi32>
          %shift_left3A_378 = arith.shli %get3A_375, %shift_left3A_377 : vector<16xi32>
          %bitcast_convert_type3A_379 = tpu.bitcast %shift_left3A_378 : vector<16xi32> -> vector<16xf32>
          %bitcast_convert_type3A_380 = tpu.bitcast %get3A_375 : vector<16xi32> -> vector<16xf32>
          %mul3A_381 = arith.mulf %broadcast_in_dim3A_324, %bitcast_convert_type3A_379 : vector<16xf32>
          %mul3A_382 = arith.mulf %broadcast_in_dim3A_324, %bitcast_convert_type3A_380 : vector<16xf32>
          %add3A_383 = arith.addf %mul3A_268, %mul3A_381 : vector<16xf32>
          %add3A_384 = arith.addf %mul3A_269, %mul3A_382 : vector<16xf32>
          %add3A_385 = arith.constant 1 : i32
          %add3A_386 = arith.addi %mul3A_213, %add3A_385 : i32
          %get3A_387 = arith.index_cast %add3A_386 : i32 to index
          %get3A_388 = arith.constant 64 : index
          %get3A_389 = tpu.vector_load %arg10[%get3A_387, %get3A_388] {strides = array<i32>} : memref<112x128xi32, #tpu.memory_space<vmem>>, vector<1x16xi32>,
          %get3A_390 = vector.shape_cast %get3A_389 : vector<1x16xi32> to vector<16xi32>
          %shift_left3A_391 = arith.constant 16 : i32
          %shift_left3A_392 = vector.broadcast %shift_left3A_391 : i32 to vector<16xi32>
          %shift_left3A_393 = arith.shli %get3A_390, %shift_left3A_392 : vector<16xi32>
          %bitcast_convert_type3A_394 = tpu.bitcast %shift_left3A_393 : vector<16xi32> -> vector<16xf32>
          %bitcast_convert_type3A_395 = tpu.bitcast %get3A_390 : vector<16xi32> -> vector<16xf32>
          %mul3A_396 = arith.mulf %broadcast_in_dim3A_324, %bitcast_convert_type3A_394 : vector<16xf32>
          %mul3A_397 = arith.mulf %broadcast_in_dim3A_324, %bitcast_convert_type3A_395 : vector<16xf32>
          %add3A_398 = arith.addf %mul3A_281, %mul3A_396 : vector<16xf32>
          %add3A_399 = arith.addf %mul3A_282, %mul3A_397 : vector<16xf32>
          %add3A_400 = arith.constant 1 : i32
          %add3A_401 = arith.addi %mul3A_213, %add3A_400 : i32
          %get3A_402 = arith.index_cast %add3A_401 : i32 to index
          %get3A_403 = arith.constant 80 : index
          %get3A_404 = tpu.vector_load %arg10[%get3A_402, %get3A_403] {strides = array<i32>} : memref<112x128xi32, #tpu.memory_space<vmem>>, vector<1x16xi32>,
          %get3A_405 = vector.shape_cast %get3A_404 : vector<1x16xi32> to vector<16xi32>
          %shift_left3A_406 = arith.constant 16 : i32
          %shift_left3A_407 = vector.broadcast %shift_left3A_406 : i32 to vector<16xi32>
          %shift_left3A_408 = arith.shli %get3A_405, %shift_left3A_407 : vector<16xi32>
          %bitcast_convert_type3A_409 = tpu.bitcast %shift_left3A_408 : vector<16xi32> -> vector<16xf32>
          %bitcast_convert_type3A_410 = tpu.bitcast %get3A_405 : vector<16xi32> -> vector<16xf32>
          %mul3A_411 = arith.mulf %broadcast_in_dim3A_324, %bitcast_convert_type3A_409 : vector<16xf32>
          %mul3A_412 = arith.mulf %broadcast_in_dim3A_324, %bitcast_convert_type3A_410 : vector<16xf32>
          %add3A_413 = arith.addf %mul3A_294, %mul3A_411 : vector<16xf32>
          %add3A_414 = arith.addf %mul3A_295, %mul3A_412 : vector<16xf32>
          %add3A_415 = arith.constant 1 : i32
          %add3A_416 = arith.addi %mul3A_213, %add3A_415 : i32
          %get3A_417 = arith.index_cast %add3A_416 : i32 to index
          %get3A_418 = arith.constant 96 : index
          %get3A_419 = tpu.vector_load %arg10[%get3A_417, %get3A_418] {strides = array<i32>} : memref<112x128xi32, #tpu.memory_space<vmem>>, vector<1x16xi32>,
          %get3A_420 = vector.shape_cast %get3A_419 : vector<1x16xi32> to vector<16xi32>
          %shift_left3A_421 = arith.constant 16 : i32
          %shift_left3A_422 = vector.broadcast %shift_left3A_421 : i32 to vector<16xi32>
          %shift_left3A_423 = arith.shli %get3A_420, %shift_left3A_422 : vector<16xi32>
          %bitcast_convert_type3A_424 = tpu.bitcast %shift_left3A_423 : vector<16xi32> -> vector<16xf32>
          %bitcast_convert_type3A_425 = tpu.bitcast %get3A_420 : vector<16xi32> -> vector<16xf32>
          %mul3A_426 = arith.mulf %broadcast_in_dim3A_324, %bitcast_convert_type3A_424 : vector<16xf32>
          %mul3A_427 = arith.mulf %broadcast_in_dim3A_324, %bitcast_convert_type3A_425 : vector<16xf32>
          %add3A_428 = arith.addf %mul3A_307, %mul3A_426 : vector<16xf32>
          %add3A_429 = arith.addf %mul3A_308, %mul3A_427 : vector<16xf32>
          %add3A_430 = arith.constant 1 : i32
          %add3A_431 = arith.addi %mul3A_213, %add3A_430 : i32
          %get3A_432 = arith.index_cast %add3A_431 : i32 to index
          %get3A_433 = arith.constant 112 : index
          %get3A_434 = tpu.vector_load %arg10[%get3A_432, %get3A_433] {strides = array<i32>} : memref<112x128xi32, #tpu.memory_space<vmem>>, vector<1x16xi32>,
          %get3A_435 = vector.shape_cast %get3A_434 : vector<1x16xi32> to vector<16xi32>
          %shift_left3A_436 = arith.constant 16 : i32
          %shift_left3A_437 = vector.broadcast %shift_left3A_436 : i32 to vector<16xi32>
          %shift_left3A_438 = arith.shli %get3A_435, %shift_left3A_437 : vector<16xi32>
          %bitcast_convert_type3A_439 = tpu.bitcast %shift_left3A_438 : vector<16xi32> -> vector<16xf32>
          %bitcast_convert_type3A_440 = tpu.bitcast %get3A_435 : vector<16xi32> -> vector<16xf32>
          %mul3A_441 = arith.mulf %broadcast_in_dim3A_324, %bitcast_convert_type3A_439 : vector<16xf32>
          %mul3A_442 = arith.mulf %broadcast_in_dim3A_324, %bitcast_convert_type3A_440 : vector<16xf32>
          %add3A_443 = arith.addf %mul3A_320, %mul3A_441 : vector<16xf32>
          %add3A_444 = arith.addf %mul3A_321, %mul3A_442 : vector<16xf32>
          %slice3A_445 = vector.extract_strided_slice %get3A_216 {offsets = [2], sizes = [1], strides = [1]} : vector<16xf32> to vector<1xf32>
          %broadcast_in_dim3A_446 = vector.shape_cast %slice3A_445 : vector<1xf32> to vector<1xf32>
          %broadcast_in_dim3A_447 = vector.broadcast %broadcast_in_dim3A_446 : vector<1xf32> to vector<16xf32>
          %add3A_448 = arith.constant 2 : i32
          %add3A_449 = arith.addi %mul3A_213, %add3A_448 : i32
          %get3A_450 = arith.index_cast %add3A_449 : i32 to index
          %get3A_451 = arith.constant 0 : index
          %get3A_452 = tpu.vector_load %arg10[%get3A_450, %get3A_451] {strides = array<i32>} : memref<112x128xi32, #tpu.memory_space<vmem>>, vector<1x16xi32>,
          %get3A_453 = vector.shape_cast %get3A_452 : vector<1x16xi32> to vector<16xi32>
          %shift_left3A_454 = arith.constant 16 : i32
          %shift_left3A_455 = vector.broadcast %shift_left3A_454 : i32 to vector<16xi32>
          %shift_left3A_456 = arith.shli %get3A_453, %shift_left3A_455 : vector<16xi32>
          %bitcast_convert_type3A_457 = tpu.bitcast %shift_left3A_456 : vector<16xi32> -> vector<16xf32>
          %bitcast_convert_type3A_458 = tpu.bitcast %get3A_453 : vector<16xi32> -> vector<16xf32>
          %mul3A_459 = arith.mulf %broadcast_in_dim3A_447, %bitcast_convert_type3A_457 : vector<16xf32>
          %mul3A_460 = arith.mulf %broadcast_in_dim3A_447, %bitcast_convert_type3A_458 : vector<16xf32>
          %add3A_461 = arith.addf %add3A_338, %mul3A_459 : vector<16xf32>
          %add3A_462 = arith.addf %add3A_339, %mul3A_460 : vector<16xf32>
          %add3A_463 = arith.constant 2 : i32
          %add3A_464 = arith.addi %mul3A_213, %add3A_463 : i32
          %get3A_465 = arith.index_cast %add3A_464 : i32 to index
          %get3A_466 = arith.constant 16 : index
          %get3A_467 = tpu.vector_load %arg10[%get3A_465, %get3A_466] {strides = array<i32>} : memref<112x128xi32, #tpu.memory_space<vmem>>, vector<1x16xi32>,
          %get3A_468 = vector.shape_cast %get3A_467 : vector<1x16xi32> to vector<16xi32>
          %shift_left3A_469 = arith.constant 16 : i32
          %shift_left3A_470 = vector.broadcast %shift_left3A_469 : i32 to vector<16xi32>
          %shift_left3A_471 = arith.shli %get3A_468, %shift_left3A_470 : vector<16xi32>
          %bitcast_convert_type3A_472 = tpu.bitcast %shift_left3A_471 : vector<16xi32> -> vector<16xf32>
          %bitcast_convert_type3A_473 = tpu.bitcast %get3A_468 : vector<16xi32> -> vector<16xf32>
          %mul3A_474 = arith.mulf %broadcast_in_dim3A_447, %bitcast_convert_type3A_472 : vector<16xf32>
          %mul3A_475 = arith.mulf %broadcast_in_dim3A_447, %bitcast_convert_type3A_473 : vector<16xf32>
          %add3A_476 = arith.addf %add3A_353, %mul3A_474 : vector<16xf32>
          %add3A_477 = arith.addf %add3A_354, %mul3A_475 : vector<16xf32>
          %add3A_478 = arith.constant 2 : i32
          %add3A_479 = arith.addi %mul3A_213, %add3A_478 : i32
          %get3A_480 = arith.index_cast %add3A_479 : i32 to index
          %get3A_481 = arith.constant 32 : index
          %get3A_482 = tpu.vector_load %arg10[%get3A_480, %get3A_481] {strides = array<i32>} : memref<112x128xi32, #tpu.memory_space<vmem>>, vector<1x16xi32>,
          %get3A_483 = vector.shape_cast %get3A_482 : vector<1x16xi32> to vector<16xi32>
          %shift_left3A_484 = arith.constant 16 : i32
          %shift_left3A_485 = vector.broadcast %shift_left3A_484 : i32 to vector<16xi32>
          %shift_left3A_486 = arith.shli %get3A_483, %shift_left3A_485 : vector<16xi32>
          %bitcast_convert_type3A_487 = tpu.bitcast %shift_left3A_486 : vector<16xi32> -> vector<16xf32>
          %bitcast_convert_type3A_488 = tpu.bitcast %get3A_483 : vector<16xi32> -> vector<16xf32>
          %mul3A_489 = arith.mulf %broadcast_in_dim3A_447, %bitcast_convert_type3A_487 : vector<16xf32>
          %mul3A_490 = arith.mulf %broadcast_in_dim3A_447, %bitcast_convert_type3A_488 : vector<16xf32>
          %add3A_491 = arith.addf %add3A_368, %mul3A_489 : vector<16xf32>
          %add3A_492 = arith.addf %add3A_369, %mul3A_490 : vector<16xf32>
          %add3A_493 = arith.constant 2 : i32
          %add3A_494 = arith.addi %mul3A_213, %add3A_493 : i32
          %get3A_495 = arith.index_cast %add3A_494 : i32 to index
          %get3A_496 = arith.constant 48 : index
          %get3A_497 = tpu.vector_load %arg10[%get3A_495, %get3A_496] {strides = array<i32>} : memref<112x128xi32, #tpu.memory_space<vmem>>, vector<1x16xi32>,
          %get3A_498 = vector.shape_cast %get3A_497 : vector<1x16xi32> to vector<16xi32>
          %shift_left3A_499 = arith.constant 16 : i32
          %shift_left3A_500 = vector.broadcast %shift_left3A_499 : i32 to vector<16xi32>
          %shift_left3A_501 = arith.shli %get3A_498, %shift_left3A_500 : vector<16xi32>
          %bitcast_convert_type3A_502 = tpu.bitcast %shift_left3A_501 : vector<16xi32> -> vector<16xf32>
          %bitcast_convert_type3A_503 = tpu.bitcast %get3A_498 : vector<16xi32> -> vector<16xf32>
          %mul3A_504 = arith.mulf %broadcast_in_dim3A_447, %bitcast_convert_type3A_502 : vector<16xf32>
          %mul3A_505 = arith.mulf %broadcast_in_dim3A_447, %bitcast_convert_type3A_503 : vector<16xf32>
          %add3A_506 = arith.addf %add3A_383, %mul3A_504 : vector<16xf32>
          %add3A_507 = arith.addf %add3A_384, %mul3A_505 : vector<16xf32>
          %add3A_508 = arith.constant 2 : i32
          %add3A_509 = arith.addi %mul3A_213, %add3A_508 : i32
          %get3A_510 = arith.index_cast %add3A_509 : i32 to index
          %get3A_511 = arith.constant 64 : index
          %get3A_512 = tpu.vector_load %arg10[%get3A_510, %get3A_511] {strides = array<i32>} : memref<112x128xi32, #tpu.memory_space<vmem>>, vector<1x16xi32>,
          %get3A_513 = vector.shape_cast %get3A_512 : vector<1x16xi32> to vector<16xi32>
          %shift_left3A_514 = arith.constant 16 : i32
          %shift_left3A_515 = vector.broadcast %shift_left3A_514 : i32 to vector<16xi32>
          %shift_left3A_516 = arith.shli %get3A_513, %shift_left3A_515 : vector<16xi32>
          %bitcast_convert_type3A_517 = tpu.bitcast %shift_left3A_516 : vector<16xi32> -> vector<16xf32>
          %bitcast_convert_type3A_518 = tpu.bitcast %get3A_513 : vector<16xi32> -> vector<16xf32>
          %mul3A_519 = arith.mulf %broadcast_in_dim3A_447, %bitcast_convert_type3A_517 : vector<16xf32>
          %mul3A_520 = arith.mulf %broadcast_in_dim3A_447, %bitcast_convert_type3A_518 : vector<16xf32>
          %add3A_521 = arith.addf %add3A_398, %mul3A_519 : vector<16xf32>
          %add3A_522 = arith.addf %add3A_399, %mul3A_520 : vector<16xf32>
          %add3A_523 = arith.constant 2 : i32
          %add3A_524 = arith.addi %mul3A_213, %add3A_523 : i32
          %get3A_525 = arith.index_cast %add3A_524 : i32 to index
          %get3A_526 = arith.constant 80 : index
          %get3A_527 = tpu.vector_load %arg10[%get3A_525, %get3A_526] {strides = array<i32>} : memref<112x128xi32, #tpu.memory_space<vmem>>, vector<1x16xi32>,
          %get3A_528 = vector.shape_cast %get3A_527 : vector<1x16xi32> to vector<16xi32>
          %shift_left3A_529 = arith.constant 16 : i32
          %shift_left3A_530 = vector.broadcast %shift_left3A_529 : i32 to vector<16xi32>
          %shift_left3A_531 = arith.shli %get3A_528, %shift_left3A_530 : vector<16xi32>
          %bitcast_convert_type3A_532 = tpu.bitcast %shift_left3A_531 : vector<16xi32> -> vector<16xf32>
          %bitcast_convert_type3A_533 = tpu.bitcast %get3A_528 : vector<16xi32> -> vector<16xf32>
          %mul3A_534 = arith.mulf %broadcast_in_dim3A_447, %bitcast_convert_type3A_532 : vector<16xf32>
          %mul3A_535 = arith.mulf %broadcast_in_dim3A_447, %bitcast_convert_type3A_533 : vector<16xf32>
          %add3A_536 = arith.addf %add3A_413, %mul3A_534 : vector<16xf32>
          %add3A_537 = arith.addf %add3A_414, %mul3A_535 : vector<16xf32>
          %add3A_538 = arith.constant 2 : i32
          %add3A_539 = arith.addi %mul3A_213, %add3A_538 : i32
          %get3A_540 = arith.index_cast %add3A_539 : i32 to index
          %get3A_541 = arith.constant 96 : index
          %get3A_542 = tpu.vector_load %arg10[%get3A_540, %get3A_541] {strides = array<i32>} : memref<112x128xi32, #tpu.memory_space<vmem>>, vector<1x16xi32>,
          %get3A_543 = vector.shape_cast %get3A_542 : vector<1x16xi32> to vector<16xi32>
          %shift_left3A_544 = arith.constant 16 : i32
          %shift_left3A_545 = vector.broadcast %shift_left3A_544 : i32 to vector<16xi32>
          %shift_left3A_546 = arith.shli %get3A_543, %shift_left3A_545 : vector<16xi32>
          %bitcast_convert_type3A_547 = tpu.bitcast %shift_left3A_546 : vector<16xi32> -> vector<16xf32>
          %bitcast_convert_type3A_548 = tpu.bitcast %get3A_543 : vector<16xi32> -> vector<16xf32>
          %mul3A_549 = arith.mulf %broadcast_in_dim3A_447, %bitcast_convert_type3A_547 : vector<16xf32>
          %mul3A_550 = arith.mulf %broadcast_in_dim3A_447, %bitcast_convert_type3A_548 : vector<16xf32>
          %add3A_551 = arith.addf %add3A_428, %mul3A_549 : vector<16xf32>
          %add3A_552 = arith.addf %add3A_429, %mul3A_550 : vector<16xf32>
          %add3A_553 = arith.constant 2 : i32
          %add3A_554 = arith.addi %mul3A_213, %add3A_553 : i32
          %get3A_555 = arith.index_cast %add3A_554 : i32 to index
          %get3A_556 = arith.constant 112 : index
          %get3A_557 = tpu.vector_load %arg10[%get3A_555, %get3A_556] {strides = array<i32>} : memref<112x128xi32, #tpu.memory_space<vmem>>, vector<1x16xi32>,
          %get3A_558 = vector.shape_cast %get3A_557 : vector<1x16xi32> to vector<16xi32>
          %shift_left3A_559 = arith.constant 16 : i32
          %shift_left3A_560 = vector.broadcast %shift_left3A_559 : i32 to vector<16xi32>
          %shift_left3A_561 = arith.shli %get3A_558, %shift_left3A_560 : vector<16xi32>
          %bitcast_convert_type3A_562 = tpu.bitcast %shift_left3A_561 : vector<16xi32> -> vector<16xf32>
          %bitcast_convert_type3A_563 = tpu.bitcast %get3A_558 : vector<16xi32> -> vector<16xf32>
          %mul3A_564 = arith.mulf %broadcast_in_dim3A_447, %bitcast_convert_type3A_562 : vector<16xf32>
          %mul3A_565 = arith.mulf %broadcast_in_dim3A_447, %bitcast_convert_type3A_563 : vector<16xf32>
          %add3A_566 = arith.addf %add3A_443, %mul3A_564 : vector<16xf32>
          %add3A_567 = arith.addf %add3A_444, %mul3A_565 : vector<16xf32>
          %slice3A_568 = vector.extract_strided_slice %get3A_216 {offsets = [3], sizes = [1], strides = [1]} : vector<16xf32> to vector<1xf32>
          %broadcast_in_dim3A_569 = vector.shape_cast %slice3A_568 : vector<1xf32> to vector<1xf32>
          %broadcast_in_dim3A_570 = vector.broadcast %broadcast_in_dim3A_569 : vector<1xf32> to vector<16xf32>
          %add3A_571 = arith.constant 3 : i32
          %add3A_572 = arith.addi %mul3A_213, %add3A_571 : i32
          %get3A_573 = arith.index_cast %add3A_572 : i32 to index
          %get3A_574 = arith.constant 0 : index
          %get3A_575 = tpu.vector_load %arg10[%get3A_573, %get3A_574] {strides = array<i32>} : memref<112x128xi32, #tpu.memory_space<vmem>>, vector<1x16xi32>,
          %get3A_576 = vector.shape_cast %get3A_575 : vector<1x16xi32> to vector<16xi32>
          %shift_left3A_577 = arith.constant 16 : i32
          %shift_left3A_578 = vector.broadcast %shift_left3A_577 : i32 to vector<16xi32>
          %shift_left3A_579 = arith.shli %get3A_576, %shift_left3A_578 : vector<16xi32>
          %bitcast_convert_type3A_580 = tpu.bitcast %shift_left3A_579 : vector<16xi32> -> vector<16xf32>
          %bitcast_convert_type3A_581 = tpu.bitcast %get3A_576 : vector<16xi32> -> vector<16xf32>
          %mul3A_582 = arith.mulf %broadcast_in_dim3A_570, %bitcast_convert_type3A_580 : vector<16xf32>
          %mul3A_583 = arith.mulf %broadcast_in_dim3A_570, %bitcast_convert_type3A_581 : vector<16xf32>
          %add3A_584 = arith.addf %add3A_461, %mul3A_582 : vector<16xf32>
          %add3A_585 = arith.addf %add3A_462, %mul3A_583 : vector<16xf32>
          %add3A_586 = arith.constant 3 : i32
          %add3A_587 = arith.addi %mul3A_213, %add3A_586 : i32
          %get3A_588 = arith.index_cast %add3A_587 : i32 to index
          %get3A_589 = arith.constant 16 : index
          %get3A_590 = tpu.vector_load %arg10[%get3A_588, %get3A_589] {strides = array<i32>} : memref<112x128xi32, #tpu.memory_space<vmem>>, vector<1x16xi32>,
          %get3A_591 = vector.shape_cast %get3A_590 : vector<1x16xi32> to vector<16xi32>
          %shift_left3A_592 = arith.constant 16 : i32
          %shift_left3A_593 = vector.broadcast %shift_left3A_592 : i32 to vector<16xi32>
          %shift_left3A_594 = arith.shli %get3A_591, %shift_left3A_593 : vector<16xi32>
          %bitcast_convert_type3A_595 = tpu.bitcast %shift_left3A_594 : vector<16xi32> -> vector<16xf32>
          %bitcast_convert_type3A_596 = tpu.bitcast %get3A_591 : vector<16xi32> -> vector<16xf32>
          %mul3A_597 = arith.mulf %broadcast_in_dim3A_570, %bitcast_convert_type3A_595 : vector<16xf32>
          %mul3A_598 = arith.mulf %broadcast_in_dim3A_570, %bitcast_convert_type3A_596 : vector<16xf32>
          %add3A_599 = arith.addf %add3A_476, %mul3A_597 : vector<16xf32>
          %add3A_600 = arith.addf %add3A_477, %mul3A_598 : vector<16xf32>
          %add3A_601 = arith.constant 3 : i32
          %add3A_602 = arith.addi %mul3A_213, %add3A_601 : i32
          %get3A_603 = arith.index_cast %add3A_602 : i32 to index
          %get3A_604 = arith.constant 32 : index
          %get3A_605 = tpu.vector_load %arg10[%get3A_603, %get3A_604] {strides = array<i32>} : memref<112x128xi32, #tpu.memory_space<vmem>>, vector<1x16xi32>,
          %get3A_606 = vector.shape_cast %get3A_605 : vector<1x16xi32> to vector<16xi32>
          %shift_left3A_607 = arith.constant 16 : i32
          %shift_left3A_608 = vector.broadcast %shift_left3A_607 : i32 to vector<16xi32>
          %shift_left3A_609 = arith.shli %get3A_606, %shift_left3A_608 : vector<16xi32>
          %bitcast_convert_type3A_610 = tpu.bitcast %shift_left3A_609 : vector<16xi32> -> vector<16xf32>
          %bitcast_convert_type3A_611 = tpu.bitcast %get3A_606 : vector<16xi32> -> vector<16xf32>
          %mul3A_612 = arith.mulf %broadcast_in_dim3A_570, %bitcast_convert_type3A_610 : vector<16xf32>
          %mul3A_613 = arith.mulf %broadcast_in_dim3A_570, %bitcast_convert_type3A_611 : vector<16xf32>
          %add3A_614 = arith.addf %add3A_491, %mul3A_612 : vector<16xf32>
          %add3A_615 = arith.addf %add3A_492, %mul3A_613 : vector<16xf32>
          %add3A_616 = arith.constant 3 : i32
          %add3A_617 = arith.addi %mul3A_213, %add3A_616 : i32
          %get3A_618 = arith.index_cast %add3A_617 : i32 to index
          %get3A_619 = arith.constant 48 : index
          %get3A_620 = tpu.vector_load %arg10[%get3A_618, %get3A_619] {strides = array<i32>} : memref<112x128xi32, #tpu.memory_space<vmem>>, vector<1x16xi32>,
          %get3A_621 = vector.shape_cast %get3A_620 : vector<1x16xi32> to vector<16xi32>
          %shift_left3A_622 = arith.constant 16 : i32
          %shift_left3A_623 = vector.broadcast %shift_left3A_622 : i32 to vector<16xi32>
          %shift_left3A_624 = arith.shli %get3A_621, %shift_left3A_623 : vector<16xi32>
          %bitcast_convert_type3A_625 = tpu.bitcast %shift_left3A_624 : vector<16xi32> -> vector<16xf32>
          %bitcast_convert_type3A_626 = tpu.bitcast %get3A_621 : vector<16xi32> -> vector<16xf32>
          %mul3A_627 = arith.mulf %broadcast_in_dim3A_570, %bitcast_convert_type3A_625 : vector<16xf32>
          %mul3A_628 = arith.mulf %broadcast_in_dim3A_570, %bitcast_convert_type3A_626 : vector<16xf32>
          %add3A_629 = arith.addf %add3A_506, %mul3A_627 : vector<16xf32>
          %add3A_630 = arith.addf %add3A_507, %mul3A_628 : vector<16xf32>
          %add3A_631 = arith.constant 3 : i32
          %add3A_632 = arith.addi %mul3A_213, %add3A_631 : i32
          %get3A_633 = arith.index_cast %add3A_632 : i32 to index
          %get3A_634 = arith.constant 64 : index
          %get3A_635 = tpu.vector_load %arg10[%get3A_633, %get3A_634] {strides = array<i32>} : memref<112x128xi32, #tpu.memory_space<vmem>>, vector<1x16xi32>,
          %get3A_636 = vector.shape_cast %get3A_635 : vector<1x16xi32> to vector<16xi32>
          %shift_left3A_637 = arith.constant 16 : i32
          %shift_left3A_638 = vector.broadcast %shift_left3A_637 : i32 to vector<16xi32>
          %shift_left3A_639 = arith.shli %get3A_636, %shift_left3A_638 : vector<16xi32>
          %bitcast_convert_type3A_640 = tpu.bitcast %shift_left3A_639 : vector<16xi32> -> vector<16xf32>
          %bitcast_convert_type3A_641 = tpu.bitcast %get3A_636 : vector<16xi32> -> vector<16xf32>
          %mul3A_642 = arith.mulf %broadcast_in_dim3A_570, %bitcast_convert_type3A_640 : vector<16xf32>
          %mul3A_643 = arith.mulf %broadcast_in_dim3A_570, %bitcast_convert_type3A_641 : vector<16xf32>
          %add3A_644 = arith.addf %add3A_521, %mul3A_642 : vector<16xf32>
          %add3A_645 = arith.addf %add3A_522, %mul3A_643 : vector<16xf32>
          %add3A_646 = arith.constant 3 : i32
          %add3A_647 = arith.addi %mul3A_213, %add3A_646 : i32
          %get3A_648 = arith.index_cast %add3A_647 : i32 to index
          %get3A_649 = arith.constant 80 : index
          %get3A_650 = tpu.vector_load %arg10[%get3A_648, %get3A_649] {strides = array<i32>} : memref<112x128xi32, #tpu.memory_space<vmem>>, vector<1x16xi32>,
          %get3A_651 = vector.shape_cast %get3A_650 : vector<1x16xi32> to vector<16xi32>
          %shift_left3A_652 = arith.constant 16 : i32
          %shift_left3A_653 = vector.broadcast %shift_left3A_652 : i32 to vector<16xi32>
          %shift_left3A_654 = arith.shli %get3A_651, %shift_left3A_653 : vector<16xi32>
          %bitcast_convert_type3A_655 = tpu.bitcast %shift_left3A_654 : vector<16xi32> -> vector<16xf32>
          %bitcast_convert_type3A_656 = tpu.bitcast %get3A_651 : vector<16xi32> -> vector<16xf32>
          %mul3A_657 = arith.mulf %broadcast_in_dim3A_570, %bitcast_convert_type3A_655 : vector<16xf32>
          %mul3A_658 = arith.mulf %broadcast_in_dim3A_570, %bitcast_convert_type3A_656 : vector<16xf32>
          %add3A_659 = arith.addf %add3A_536, %mul3A_657 : vector<16xf32>
          %add3A_660 = arith.addf %add3A_537, %mul3A_658 : vector<16xf32>
          %add3A_661 = arith.constant 3 : i32
          %add3A_662 = arith.addi %mul3A_213, %add3A_661 : i32
          %get3A_663 = arith.index_cast %add3A_662 : i32 to index
          %get3A_664 = arith.constant 96 : index
          %get3A_665 = tpu.vector_load %arg10[%get3A_663, %get3A_664] {strides = array<i32>} : memref<112x128xi32, #tpu.memory_space<vmem>>, vector<1x16xi32>,
          %get3A_666 = vector.shape_cast %get3A_665 : vector<1x16xi32> to vector<16xi32>
          %shift_left3A_667 = arith.constant 16 : i32
          %shift_left3A_668 = vector.broadcast %shift_left3A_667 : i32 to vector<16xi32>
          %shift_left3A_669 = arith.shli %get3A_666, %shift_left3A_668 : vector<16xi32>
          %bitcast_convert_type3A_670 = tpu.bitcast %shift_left3A_669 : vector<16xi32> -> vector<16xf32>
          %bitcast_convert_type3A_671 = tpu.bitcast %get3A_666 : vector<16xi32> -> vector<16xf32>
          %mul3A_672 = arith.mulf %broadcast_in_dim3A_570, %bitcast_convert_type3A_670 : vector<16xf32>
          %mul3A_673 = arith.mulf %broadcast_in_dim3A_570, %bitcast_convert_type3A_671 : vector<16xf32>
          %add3A_674 = arith.addf %add3A_551, %mul3A_672 : vector<16xf32>
          %add3A_675 = arith.addf %add3A_552, %mul3A_673 : vector<16xf32>
          %add3A_676 = arith.constant 3 : i32
          %add3A_677 = arith.addi %mul3A_213, %add3A_676 : i32
          %get3A_678 = arith.index_cast %add3A_677 : i32 to index
          %get3A_679 = arith.constant 112 : index
          %get3A_680 = tpu.vector_load %arg10[%get3A_678, %get3A_679] {strides = array<i32>} : memref<112x128xi32, #tpu.memory_space<vmem>>, vector<1x16xi32>,
          %get3A_681 = vector.shape_cast %get3A_680 : vector<1x16xi32> to vector<16xi32>
          %shift_left3A_682 = arith.constant 16 : i32
          %shift_left3A_683 = vector.broadcast %shift_left3A_682 : i32 to vector<16xi32>
          %shift_left3A_684 = arith.shli %get3A_681, %shift_left3A_683 : vector<16xi32>
          %bitcast_convert_type3A_685 = tpu.bitcast %shift_left3A_684 : vector<16xi32> -> vector<16xf32>
          %bitcast_convert_type3A_686 = tpu.bitcast %get3A_681 : vector<16xi32> -> vector<16xf32>
          %mul3A_687 = arith.mulf %broadcast_in_dim3A_570, %bitcast_convert_type3A_685 : vector<16xf32>
          %mul3A_688 = arith.mulf %broadcast_in_dim3A_570, %bitcast_convert_type3A_686 : vector<16xf32>
          %add3A_689 = arith.addf %add3A_566, %mul3A_687 : vector<16xf32>
          %add3A_690 = arith.addf %add3A_567, %mul3A_688 : vector<16xf32>
          %slice3A_691 = vector.extract_strided_slice %get3A_216 {offsets = [4], sizes = [1], strides = [1]} : vector<16xf32> to vector<1xf32>
          %broadcast_in_dim3A_692 = vector.shape_cast %slice3A_691 : vector<1xf32> to vector<1xf32>
          %broadcast_in_dim3A_693 = vector.broadcast %broadcast_in_dim3A_692 : vector<1xf32> to vector<16xf32>
          %add3A_694 = arith.constant 4 : i32
          %add3A_695 = arith.addi %mul3A_213, %add3A_694 : i32
          %get3A_696 = arith.index_cast %add3A_695 : i32 to index
          %get3A_697 = arith.constant 0 : index
          %get3A_698 = tpu.vector_load %arg10[%get3A_696, %get3A_697] {strides = array<i32>} : memref<112x128xi32, #tpu.memory_space<vmem>>, vector<1x16xi32>,
          %get3A_699 = vector.shape_cast %get3A_698 : vector<1x16xi32> to vector<16xi32>
          %shift_left3A_700 = arith.constant 16 : i32
          %shift_left3A_701 = vector.broadcast %shift_left3A_700 : i32 to vector<16xi32>
          %shift_left3A_702 = arith.shli %get3A_699, %shift_left3A_701 : vector<16xi32>
          %bitcast_convert_type3A_703 = tpu.bitcast %shift_left3A_702 : vector<16xi32> -> vector<16xf32>
          %bitcast_convert_type3A_704 = tpu.bitcast %get3A_699 : vector<16xi32> -> vector<16xf32>
          %mul3A_705 = arith.mulf %broadcast_in_dim3A_693, %bitcast_convert_type3A_703 : vector<16xf32>
          %mul3A_706 = arith.mulf %broadcast_in_dim3A_693, %bitcast_convert_type3A_704 : vector<16xf32>
          %add3A_707 = arith.addf %add3A_584, %mul3A_705 : vector<16xf32>
          %add3A_708 = arith.addf %add3A_585, %mul3A_706 : vector<16xf32>
          %add3A_709 = arith.constant 4 : i32
          %add3A_710 = arith.addi %mul3A_213, %add3A_709 : i32
          %get3A_711 = arith.index_cast %add3A_710 : i32 to index
          %get3A_712 = arith.constant 16 : index
          %get3A_713 = tpu.vector_load %arg10[%get3A_711, %get3A_712] {strides = array<i32>} : memref<112x128xi32, #tpu.memory_space<vmem>>, vector<1x16xi32>,
          %get3A_714 = vector.shape_cast %get3A_713 : vector<1x16xi32> to vector<16xi32>
          %shift_left3A_715 = arith.constant 16 : i32
          %shift_left3A_716 = vector.broadcast %shift_left3A_715 : i32 to vector<16xi32>
          %shift_left3A_717 = arith.shli %get3A_714, %shift_left3A_716 : vector<16xi32>
          %bitcast_convert_type3A_718 = tpu.bitcast %shift_left3A_717 : vector<16xi32> -> vector<16xf32>
          %bitcast_convert_type3A_719 = tpu.bitcast %get3A_714 : vector<16xi32> -> vector<16xf32>
          %mul3A_720 = arith.mulf %broadcast_in_dim3A_693, %bitcast_convert_type3A_718 : vector<16xf32>
          %mul3A_721 = arith.mulf %broadcast_in_dim3A_693, %bitcast_convert_type3A_719 : vector<16xf32>
          %add3A_722 = arith.addf %add3A_599, %mul3A_720 : vector<16xf32>
          %add3A_723 = arith.addf %add3A_600, %mul3A_721 : vector<16xf32>
          %add3A_724 = arith.constant 4 : i32
          %add3A_725 = arith.addi %mul3A_213, %add3A_724 : i32
          %get3A_726 = arith.index_cast %add3A_725 : i32 to index
          %get3A_727 = arith.constant 32 : index
          %get3A_728 = tpu.vector_load %arg10[%get3A_726, %get3A_727] {strides = array<i32>} : memref<112x128xi32, #tpu.memory_space<vmem>>, vector<1x16xi32>,
          %get3A_729 = vector.shape_cast %get3A_728 : vector<1x16xi32> to vector<16xi32>
          %shift_left3A_730 = arith.constant 16 : i32
          %shift_left3A_731 = vector.broadcast %shift_left3A_730 : i32 to vector<16xi32>
          %shift_left3A_732 = arith.shli %get3A_729, %shift_left3A_731 : vector<16xi32>
          %bitcast_convert_type3A_733 = tpu.bitcast %shift_left3A_732 : vector<16xi32> -> vector<16xf32>
          %bitcast_convert_type3A_734 = tpu.bitcast %get3A_729 : vector<16xi32> -> vector<16xf32>
          %mul3A_735 = arith.mulf %broadcast_in_dim3A_693, %bitcast_convert_type3A_733 : vector<16xf32>
          %mul3A_736 = arith.mulf %broadcast_in_dim3A_693, %bitcast_convert_type3A_734 : vector<16xf32>
          %add3A_737 = arith.addf %add3A_614, %mul3A_735 : vector<16xf32>
          %add3A_738 = arith.addf %add3A_615, %mul3A_736 : vector<16xf32>
          %add3A_739 = arith.constant 4 : i32
          %add3A_740 = arith.addi %mul3A_213, %add3A_739 : i32
          %get3A_741 = arith.index_cast %add3A_740 : i32 to index
          %get3A_742 = arith.constant 48 : index
          %get3A_743 = tpu.vector_load %arg10[%get3A_741, %get3A_742] {strides = array<i32>} : memref<112x128xi32, #tpu.memory_space<vmem>>, vector<1x16xi32>,
          %get3A_744 = vector.shape_cast %get3A_743 : vector<1x16xi32> to vector<16xi32>
          %shift_left3A_745 = arith.constant 16 : i32
          %shift_left3A_746 = vector.broadcast %shift_left3A_745 : i32 to vector<16xi32>
          %shift_left3A_747 = arith.shli %get3A_744, %shift_left3A_746 : vector<16xi32>
          %bitcast_convert_type3A_748 = tpu.bitcast %shift_left3A_747 : vector<16xi32> -> vector<16xf32>
          %bitcast_convert_type3A_749 = tpu.bitcast %get3A_744 : vector<16xi32> -> vector<16xf32>
          %mul3A_750 = arith.mulf %broadcast_in_dim3A_693, %bitcast_convert_type3A_748 : vector<16xf32>
          %mul3A_751 = arith.mulf %broadcast_in_dim3A_693, %bitcast_convert_type3A_749 : vector<16xf32>
          %add3A_752 = arith.addf %add3A_629, %mul3A_750 : vector<16xf32>
          %add3A_753 = arith.addf %add3A_630, %mul3A_751 : vector<16xf32>
          %add3A_754 = arith.constant 4 : i32
          %add3A_755 = arith.addi %mul3A_213, %add3A_754 : i32
          %get3A_756 = arith.index_cast %add3A_755 : i32 to index
          %get3A_757 = arith.constant 64 : index
          %get3A_758 = tpu.vector_load %arg10[%get3A_756, %get3A_757] {strides = array<i32>} : memref<112x128xi32, #tpu.memory_space<vmem>>, vector<1x16xi32>,
          %get3A_759 = vector.shape_cast %get3A_758 : vector<1x16xi32> to vector<16xi32>
          %shift_left3A_760 = arith.constant 16 : i32
          %shift_left3A_761 = vector.broadcast %shift_left3A_760 : i32 to vector<16xi32>
          %shift_left3A_762 = arith.shli %get3A_759, %shift_left3A_761 : vector<16xi32>
          %bitcast_convert_type3A_763 = tpu.bitcast %shift_left3A_762 : vector<16xi32> -> vector<16xf32>
          %bitcast_convert_type3A_764 = tpu.bitcast %get3A_759 : vector<16xi32> -> vector<16xf32>
          %mul3A_765 = arith.mulf %broadcast_in_dim3A_693, %bitcast_convert_type3A_763 : vector<16xf32>
          %mul3A_766 = arith.mulf %broadcast_in_dim3A_693, %bitcast_convert_type3A_764 : vector<16xf32>
          %add3A_767 = arith.addf %add3A_644, %mul3A_765 : vector<16xf32>
          %add3A_768 = arith.addf %add3A_645, %mul3A_766 : vector<16xf32>
          %add3A_769 = arith.constant 4 : i32
          %add3A_770 = arith.addi %mul3A_213, %add3A_769 : i32
          %get3A_771 = arith.index_cast %add3A_770 : i32 to index
          %get3A_772 = arith.constant 80 : index
          %get3A_773 = tpu.vector_load %arg10[%get3A_771, %get3A_772] {strides = array<i32>} : memref<112x128xi32, #tpu.memory_space<vmem>>, vector<1x16xi32>,
          %get3A_774 = vector.shape_cast %get3A_773 : vector<1x16xi32> to vector<16xi32>
          %shift_left3A_775 = arith.constant 16 : i32
          %shift_left3A_776 = vector.broadcast %shift_left3A_775 : i32 to vector<16xi32>
          %shift_left3A_777 = arith.shli %get3A_774, %shift_left3A_776 : vector<16xi32>
          %bitcast_convert_type3A_778 = tpu.bitcast %shift_left3A_777 : vector<16xi32> -> vector<16xf32>
          %bitcast_convert_type3A_779 = tpu.bitcast %get3A_774 : vector<16xi32> -> vector<16xf32>
          %mul3A_780 = arith.mulf %broadcast_in_dim3A_693, %bitcast_convert_type3A_778 : vector<16xf32>
          %mul3A_781 = arith.mulf %broadcast_in_dim3A_693, %bitcast_convert_type3A_779 : vector<16xf32>
          %add3A_782 = arith.addf %add3A_659, %mul3A_780 : vector<16xf32>
          %add3A_783 = arith.addf %add3A_660, %mul3A_781 : vector<16xf32>
          %add3A_784 = arith.constant 4 : i32
          %add3A_785 = arith.addi %mul3A_213, %add3A_784 : i32
          %get3A_786 = arith.index_cast %add3A_785 : i32 to index
          %get3A_787 = arith.constant 96 : index
          %get3A_788 = tpu.vector_load %arg10[%get3A_786, %get3A_787] {strides = array<i32>} : memref<112x128xi32, #tpu.memory_space<vmem>>, vector<1x16xi32>,
          %get3A_789 = vector.shape_cast %get3A_788 : vector<1x16xi32> to vector<16xi32>
          %shift_left3A_790 = arith.constant 16 : i32
          %shift_left3A_791 = vector.broadcast %shift_left3A_790 : i32 to vector<16xi32>
          %shift_left3A_792 = arith.shli %get3A_789, %shift_left3A_791 : vector<16xi32>
          %bitcast_convert_type3A_793 = tpu.bitcast %shift_left3A_792 : vector<16xi32> -> vector<16xf32>
          %bitcast_convert_type3A_794 = tpu.bitcast %get3A_789 : vector<16xi32> -> vector<16xf32>
          %mul3A_795 = arith.mulf %broadcast_in_dim3A_693, %bitcast_convert_type3A_793 : vector<16xf32>
          %mul3A_796 = arith.mulf %broadcast_in_dim3A_693, %bitcast_convert_type3A_794 : vector<16xf32>
          %add3A_797 = arith.addf %add3A_674, %mul3A_795 : vector<16xf32>
          %add3A_798 = arith.addf %add3A_675, %mul3A_796 : vector<16xf32>
          %add3A_799 = arith.constant 4 : i32
          %add3A_800 = arith.addi %mul3A_213, %add3A_799 : i32
          %get3A_801 = arith.index_cast %add3A_800 : i32 to index
          %get3A_802 = arith.constant 112 : index
          %get3A_803 = tpu.vector_load %arg10[%get3A_801, %get3A_802] {strides = array<i32>} : memref<112x128xi32, #tpu.memory_space<vmem>>, vector<1x16xi32>,
          %get3A_804 = vector.shape_cast %get3A_803 : vector<1x16xi32> to vector<16xi32>
          %shift_left3A_805 = arith.constant 16 : i32
          %shift_left3A_806 = vector.broadcast %shift_left3A_805 : i32 to vector<16xi32>
          %shift_left3A_807 = arith.shli %get3A_804, %shift_left3A_806 : vector<16xi32>
          %bitcast_convert_type3A_808 = tpu.bitcast %shift_left3A_807 : vector<16xi32> -> vector<16xf32>
          %bitcast_convert_type3A_809 = tpu.bitcast %get3A_804 : vector<16xi32> -> vector<16xf32>
          %mul3A_810 = arith.mulf %broadcast_in_dim3A_693, %bitcast_convert_type3A_808 : vector<16xf32>
          %mul3A_811 = arith.mulf %broadcast_in_dim3A_693, %bitcast_convert_type3A_809 : vector<16xf32>
          %add3A_812 = arith.addf %add3A_689, %mul3A_810 : vector<16xf32>
          %add3A_813 = arith.addf %add3A_690, %mul3A_811 : vector<16xf32>
          %slice3A_814 = vector.extract_strided_slice %get3A_216 {offsets = [5], sizes = [1], strides = [1]} : vector<16xf32> to vector<1xf32>
          %broadcast_in_dim3A_815 = vector.shape_cast %slice3A_814 : vector<1xf32> to vector<1xf32>
          %broadcast_in_dim3A_816 = vector.broadcast %broadcast_in_dim3A_815 : vector<1xf32> to vector<16xf32>
          %add3A_817 = arith.constant 5 : i32
          %add3A_818 = arith.addi %mul3A_213, %add3A_817 : i32
          %get3A_819 = arith.index_cast %add3A_818 : i32 to index
          %get3A_820 = arith.constant 0 : index
          %get3A_821 = tpu.vector_load %arg10[%get3A_819, %get3A_820] {strides = array<i32>} : memref<112x128xi32, #tpu.memory_space<vmem>>, vector<1x16xi32>,
          %get3A_822 = vector.shape_cast %get3A_821 : vector<1x16xi32> to vector<16xi32>
          %shift_left3A_823 = arith.constant 16 : i32
          %shift_left3A_824 = vector.broadcast %shift_left3A_823 : i32 to vector<16xi32>
          %shift_left3A_825 = arith.shli %get3A_822, %shift_left3A_824 : vector<16xi32>
          %bitcast_convert_type3A_826 = tpu.bitcast %shift_left3A_825 : vector<16xi32> -> vector<16xf32>
          %bitcast_convert_type3A_827 = tpu.bitcast %get3A_822 : vector<16xi32> -> vector<16xf32>
          %mul3A_828 = arith.mulf %broadcast_in_dim3A_816, %bitcast_convert_type3A_826 : vector<16xf32>
          %mul3A_829 = arith.mulf %broadcast_in_dim3A_816, %bitcast_convert_type3A_827 : vector<16xf32>
          %add3A_830 = arith.addf %add3A_707, %mul3A_828 : vector<16xf32>
          %add3A_831 = arith.addf %add3A_708, %mul3A_829 : vector<16xf32>
          %add3A_832 = arith.constant 5 : i32
          %add3A_833 = arith.addi %mul3A_213, %add3A_832 : i32
          %get3A_834 = arith.index_cast %add3A_833 : i32 to index
          %get3A_835 = arith.constant 16 : index
          %get3A_836 = tpu.vector_load %arg10[%get3A_834, %get3A_835] {strides = array<i32>} : memref<112x128xi32, #tpu.memory_space<vmem>>, vector<1x16xi32>,
          %get3A_837 = vector.shape_cast %get3A_836 : vector<1x16xi32> to vector<16xi32>
          %shift_left3A_838 = arith.constant 16 : i32
          %shift_left3A_839 = vector.broadcast %shift_left3A_838 : i32 to vector<16xi32>
          %shift_left3A_840 = arith.shli %get3A_837, %shift_left3A_839 : vector<16xi32>
          %bitcast_convert_type3A_841 = tpu.bitcast %shift_left3A_840 : vector<16xi32> -> vector<16xf32>
          %bitcast_convert_type3A_842 = tpu.bitcast %get3A_837 : vector<16xi32> -> vector<16xf32>
          %mul3A_843 = arith.mulf %broadcast_in_dim3A_816, %bitcast_convert_type3A_841 : vector<16xf32>
          %mul3A_844 = arith.mulf %broadcast_in_dim3A_816, %bitcast_convert_type3A_842 : vector<16xf32>
          %add3A_845 = arith.addf %add3A_722, %mul3A_843 : vector<16xf32>
          %add3A_846 = arith.addf %add3A_723, %mul3A_844 : vector<16xf32>
          %add3A_847 = arith.constant 5 : i32
          %add3A_848 = arith.addi %mul3A_213, %add3A_847 : i32
          %get3A_849 = arith.index_cast %add3A_848 : i32 to index
          %get3A_850 = arith.constant 32 : index
          %get3A_851 = tpu.vector_load %arg10[%get3A_849, %get3A_850] {strides = array<i32>} : memref<112x128xi32, #tpu.memory_space<vmem>>, vector<1x16xi32>,
          %get3A_852 = vector.shape_cast %get3A_851 : vector<1x16xi32> to vector<16xi32>
          %shift_left3A_853 = arith.constant 16 : i32
          %shift_left3A_854 = vector.broadcast %shift_left3A_853 : i32 to vector<16xi32>
          %shift_left3A_855 = arith.shli %get3A_852, %shift_left3A_854 : vector<16xi32>
          %bitcast_convert_type3A_856 = tpu.bitcast %shift_left3A_855 : vector<16xi32> -> vector<16xf32>
          %bitcast_convert_type3A_857 = tpu.bitcast %get3A_852 : vector<16xi32> -> vector<16xf32>
          %mul3A_858 = arith.mulf %broadcast_in_dim3A_816, %bitcast_convert_type3A_856 : vector<16xf32>
          %mul3A_859 = arith.mulf %broadcast_in_dim3A_816, %bitcast_convert_type3A_857 : vector<16xf32>
          %add3A_860 = arith.addf %add3A_737, %mul3A_858 : vector<16xf32>
          %add3A_861 = arith.addf %add3A_738, %mul3A_859 : vector<16xf32>
          %add3A_862 = arith.constant 5 : i32
          %add3A_863 = arith.addi %mul3A_213, %add3A_862 : i32
          %get3A_864 = arith.index_cast %add3A_863 : i32 to index
          %get3A_865 = arith.constant 48 : index
          %get3A_866 = tpu.vector_load %arg10[%get3A_864, %get3A_865] {strides = array<i32>} : memref<112x128xi32, #tpu.memory_space<vmem>>, vector<1x16xi32>,
          %get3A_867 = vector.shape_cast %get3A_866 : vector<1x16xi32> to vector<16xi32>
          %shift_left3A_868 = arith.constant 16 : i32
          %shift_left3A_869 = vector.broadcast %shift_left3A_868 : i32 to vector<16xi32>
          %shift_left3A_870 = arith.shli %get3A_867, %shift_left3A_869 : vector<16xi32>
          %bitcast_convert_type3A_871 = tpu.bitcast %shift_left3A_870 : vector<16xi32> -> vector<16xf32>
          %bitcast_convert_type3A_872 = tpu.bitcast %get3A_867 : vector<16xi32> -> vector<16xf32>
          %mul3A_873 = arith.mulf %broadcast_in_dim3A_816, %bitcast_convert_type3A_871 : vector<16xf32>
          %mul3A_874 = arith.mulf %broadcast_in_dim3A_816, %bitcast_convert_type3A_872 : vector<16xf32>
          %add3A_875 = arith.addf %add3A_752, %mul3A_873 : vector<16xf32>
          %add3A_876 = arith.addf %add3A_753, %mul3A_874 : vector<16xf32>
          %add3A_877 = arith.constant 5 : i32
          %add3A_878 = arith.addi %mul3A_213, %add3A_877 : i32
          %get3A_879 = arith.index_cast %add3A_878 : i32 to index
          %get3A_880 = arith.constant 64 : index
          %get3A_881 = tpu.vector_load %arg10[%get3A_879, %get3A_880] {strides = array<i32>} : memref<112x128xi32, #tpu.memory_space<vmem>>, vector<1x16xi32>,
          %get3A_882 = vector.shape_cast %get3A_881 : vector<1x16xi32> to vector<16xi32>
          %shift_left3A_883 = arith.constant 16 : i32
          %shift_left3A_884 = vector.broadcast %shift_left3A_883 : i32 to vector<16xi32>
          %shift_left3A_885 = arith.shli %get3A_882, %shift_left3A_884 : vector<16xi32>
          %bitcast_convert_type3A_886 = tpu.bitcast %shift_left3A_885 : vector<16xi32> -> vector<16xf32>
          %bitcast_convert_type3A_887 = tpu.bitcast %get3A_882 : vector<16xi32> -> vector<16xf32>
          %mul3A_888 = arith.mulf %broadcast_in_dim3A_816, %bitcast_convert_type3A_886 : vector<16xf32>
          %mul3A_889 = arith.mulf %broadcast_in_dim3A_816, %bitcast_convert_type3A_887 : vector<16xf32>
          %add3A_890 = arith.addf %add3A_767, %mul3A_888 : vector<16xf32>
          %add3A_891 = arith.addf %add3A_768, %mul3A_889 : vector<16xf32>
          %add3A_892 = arith.constant 5 : i32
          %add3A_893 = arith.addi %mul3A_213, %add3A_892 : i32
          %get3A_894 = arith.index_cast %add3A_893 : i32 to index
          %get3A_895 = arith.constant 80 : index
          %get3A_896 = tpu.vector_load %arg10[%get3A_894, %get3A_895] {strides = array<i32>} : memref<112x128xi32, #tpu.memory_space<vmem>>, vector<1x16xi32>,
          %get3A_897 = vector.shape_cast %get3A_896 : vector<1x16xi32> to vector<16xi32>
          %shift_left3A_898 = arith.constant 16 : i32
          %shift_left3A_899 = vector.broadcast %shift_left3A_898 : i32 to vector<16xi32>
          %shift_left3A_900 = arith.shli %get3A_897, %shift_left3A_899 : vector<16xi32>
          %bitcast_convert_type3A_901 = tpu.bitcast %shift_left3A_900 : vector<16xi32> -> vector<16xf32>
          %bitcast_convert_type3A_902 = tpu.bitcast %get3A_897 : vector<16xi32> -> vector<16xf32>
          %mul3A_903 = arith.mulf %broadcast_in_dim3A_816, %bitcast_convert_type3A_901 : vector<16xf32>
          %mul3A_904 = arith.mulf %broadcast_in_dim3A_816, %bitcast_convert_type3A_902 : vector<16xf32>
          %add3A_905 = arith.addf %add3A_782, %mul3A_903 : vector<16xf32>
          %add3A_906 = arith.addf %add3A_783, %mul3A_904 : vector<16xf32>
          %add3A_907 = arith.constant 5 : i32
          %add3A_908 = arith.addi %mul3A_213, %add3A_907 : i32
          %get3A_909 = arith.index_cast %add3A_908 : i32 to index
          %get3A_910 = arith.constant 96 : index
          %get3A_911 = tpu.vector_load %arg10[%get3A_909, %get3A_910] {strides = array<i32>} : memref<112x128xi32, #tpu.memory_space<vmem>>, vector<1x16xi32>,
          %get3A_912 = vector.shape_cast %get3A_911 : vector<1x16xi32> to vector<16xi32>
          %shift_left3A_913 = arith.constant 16 : i32
          %shift_left3A_914 = vector.broadcast %shift_left3A_913 : i32 to vector<16xi32>
          %shift_left3A_915 = arith.shli %get3A_912, %shift_left3A_914 : vector<16xi32>
          %bitcast_convert_type3A_916 = tpu.bitcast %shift_left3A_915 : vector<16xi32> -> vector<16xf32>
          %bitcast_convert_type3A_917 = tpu.bitcast %get3A_912 : vector<16xi32> -> vector<16xf32>
          %mul3A_918 = arith.mulf %broadcast_in_dim3A_816, %bitcast_convert_type3A_916 : vector<16xf32>
          %mul3A_919 = arith.mulf %broadcast_in_dim3A_816, %bitcast_convert_type3A_917 : vector<16xf32>
          %add3A_920 = arith.addf %add3A_797, %mul3A_918 : vector<16xf32>
          %add3A_921 = arith.addf %add3A_798, %mul3A_919 : vector<16xf32>
          %add3A_922 = arith.constant 5 : i32
          %add3A_923 = arith.addi %mul3A_213, %add3A_922 : i32
          %get3A_924 = arith.index_cast %add3A_923 : i32 to index
          %get3A_925 = arith.constant 112 : index
          %get3A_926 = tpu.vector_load %arg10[%get3A_924, %get3A_925] {strides = array<i32>} : memref<112x128xi32, #tpu.memory_space<vmem>>, vector<1x16xi32>,
          %get3A_927 = vector.shape_cast %get3A_926 : vector<1x16xi32> to vector<16xi32>
          %shift_left3A_928 = arith.constant 16 : i32
          %shift_left3A_929 = vector.broadcast %shift_left3A_928 : i32 to vector<16xi32>
          %shift_left3A_930 = arith.shli %get3A_927, %shift_left3A_929 : vector<16xi32>
          %bitcast_convert_type3A_931 = tpu.bitcast %shift_left3A_930 : vector<16xi32> -> vector<16xf32>
          %bitcast_convert_type3A_932 = tpu.bitcast %get3A_927 : vector<16xi32> -> vector<16xf32>
          %mul3A_933 = arith.mulf %broadcast_in_dim3A_816, %bitcast_convert_type3A_931 : vector<16xf32>
          %mul3A_934 = arith.mulf %broadcast_in_dim3A_816, %bitcast_convert_type3A_932 : vector<16xf32>
          %add3A_935 = arith.addf %add3A_812, %mul3A_933 : vector<16xf32>
          %add3A_936 = arith.addf %add3A_813, %mul3A_934 : vector<16xf32>
          %slice3A_937 = vector.extract_strided_slice %get3A_216 {offsets = [6], sizes = [1], strides = [1]} : vector<16xf32> to vector<1xf32>
          %broadcast_in_dim3A_938 = vector.shape_cast %slice3A_937 : vector<1xf32> to vector<1xf32>
          %broadcast_in_dim3A_939 = vector.broadcast %broadcast_in_dim3A_938 : vector<1xf32> to vector<16xf32>
          %add3A_940 = arith.constant 6 : i32
          %add3A_941 = arith.addi %mul3A_213, %add3A_940 : i32
          %get3A_942 = arith.index_cast %add3A_941 : i32 to index
          %get3A_943 = arith.constant 0 : index
          %get3A_944 = tpu.vector_load %arg10[%get3A_942, %get3A_943] {strides = array<i32>} : memref<112x128xi32, #tpu.memory_space<vmem>>, vector<1x16xi32>,
          %get3A_945 = vector.shape_cast %get3A_944 : vector<1x16xi32> to vector<16xi32>
          %shift_left3A_946 = arith.constant 16 : i32
          %shift_left3A_947 = vector.broadcast %shift_left3A_946 : i32 to vector<16xi32>
          %shift_left3A_948 = arith.shli %get3A_945, %shift_left3A_947 : vector<16xi32>
          %bitcast_convert_type3A_949 = tpu.bitcast %shift_left3A_948 : vector<16xi32> -> vector<16xf32>
          %bitcast_convert_type3A_950 = tpu.bitcast %get3A_945 : vector<16xi32> -> vector<16xf32>
          %mul3A_951 = arith.mulf %broadcast_in_dim3A_939, %bitcast_convert_type3A_949 : vector<16xf32>
          %mul3A_952 = arith.mulf %broadcast_in_dim3A_939, %bitcast_convert_type3A_950 : vector<16xf32>
          %add3A_953 = arith.addf %add3A_830, %mul3A_951 : vector<16xf32>
          %add3A_954 = arith.addf %add3A_831, %mul3A_952 : vector<16xf32>
          %add3A_955 = arith.constant 6 : i32
          %add3A_956 = arith.addi %mul3A_213, %add3A_955 : i32
          %get3A_957 = arith.index_cast %add3A_956 : i32 to index
          %get3A_958 = arith.constant 16 : index
          %get3A_959 = tpu.vector_load %arg10[%get3A_957, %get3A_958] {strides = array<i32>} : memref<112x128xi32, #tpu.memory_space<vmem>>, vector<1x16xi32>,
          %get3A_960 = vector.shape_cast %get3A_959 : vector<1x16xi32> to vector<16xi32>
          %shift_left3A_961 = arith.constant 16 : i32
          %shift_left3A_962 = vector.broadcast %shift_left3A_961 : i32 to vector<16xi32>
          %shift_left3A_963 = arith.shli %get3A_960, %shift_left3A_962 : vector<16xi32>
          %bitcast_convert_type3A_964 = tpu.bitcast %shift_left3A_963 : vector<16xi32> -> vector<16xf32>
          %bitcast_convert_type3A_965 = tpu.bitcast %get3A_960 : vector<16xi32> -> vector<16xf32>
          %mul3A_966 = arith.mulf %broadcast_in_dim3A_939, %bitcast_convert_type3A_964 : vector<16xf32>
          %mul3A_967 = arith.mulf %broadcast_in_dim3A_939, %bitcast_convert_type3A_965 : vector<16xf32>
          %add3A_968 = arith.addf %add3A_845, %mul3A_966 : vector<16xf32>
          %add3A_969 = arith.addf %add3A_846, %mul3A_967 : vector<16xf32>
          %add3A_970 = arith.constant 6 : i32
          %add3A_971 = arith.addi %mul3A_213, %add3A_970 : i32
          %get3A_972 = arith.index_cast %add3A_971 : i32 to index
          %get3A_973 = arith.constant 32 : index
          %get3A_974 = tpu.vector_load %arg10[%get3A_972, %get3A_973] {strides = array<i32>} : memref<112x128xi32, #tpu.memory_space<vmem>>, vector<1x16xi32>,
          %get3A_975 = vector.shape_cast %get3A_974 : vector<1x16xi32> to vector<16xi32>
          %shift_left3A_976 = arith.constant 16 : i32
          %shift_left3A_977 = vector.broadcast %shift_left3A_976 : i32 to vector<16xi32>
          %shift_left3A_978 = arith.shli %get3A_975, %shift_left3A_977 : vector<16xi32>
          %bitcast_convert_type3A_979 = tpu.bitcast %shift_left3A_978 : vector<16xi32> -> vector<16xf32>
          %bitcast_convert_type3A_980 = tpu.bitcast %get3A_975 : vector<16xi32> -> vector<16xf32>
          %mul3A_981 = arith.mulf %broadcast_in_dim3A_939, %bitcast_convert_type3A_979 : vector<16xf32>
          %mul3A_982 = arith.mulf %broadcast_in_dim3A_939, %bitcast_convert_type3A_980 : vector<16xf32>
          %add3A_983 = arith.addf %add3A_860, %mul3A_981 : vector<16xf32>
          %add3A_984 = arith.addf %add3A_861, %mul3A_982 : vector<16xf32>
          %add3A_985 = arith.constant 6 : i32
          %add3A_986 = arith.addi %mul3A_213, %add3A_985 : i32
          %get3A_987 = arith.index_cast %add3A_986 : i32 to index
          %get3A_988 = arith.constant 48 : index
          %get3A_989 = tpu.vector_load %arg10[%get3A_987, %get3A_988] {strides = array<i32>} : memref<112x128xi32, #tpu.memory_space<vmem>>, vector<1x16xi32>,
          %get3A_990 = vector.shape_cast %get3A_989 : vector<1x16xi32> to vector<16xi32>
          %shift_left3A_991 = arith.constant 16 : i32
          %shift_left3A_992 = vector.broadcast %shift_left3A_991 : i32 to vector<16xi32>
          %shift_left3A_993 = arith.shli %get3A_990, %shift_left3A_992 : vector<16xi32>
          %bitcast_convert_type3A_994 = tpu.bitcast %shift_left3A_993 : vector<16xi32> -> vector<16xf32>
          %bitcast_convert_type3A_995 = tpu.bitcast %get3A_990 : vector<16xi32> -> vector<16xf32>
          %mul3A_996 = arith.mulf %broadcast_in_dim3A_939, %bitcast_convert_type3A_994 : vector<16xf32>
          %mul3A_997 = arith.mulf %broadcast_in_dim3A_939, %bitcast_convert_type3A_995 : vector<16xf32>
          %add3A_998 = arith.addf %add3A_875, %mul3A_996 : vector<16xf32>
          %add3A_999 = arith.addf %add3A_876, %mul3A_997 : vector<16xf32>
          %add3A_1000 = arith.constant 6 : i32
          %add3A_1001 = arith.addi %mul3A_213, %add3A_1000 : i32
          %get3A_1002 = arith.index_cast %add3A_1001 : i32 to index
          %get3A_1003 = arith.constant 64 : index
          %get3A_1004 = tpu.vector_load %arg10[%get3A_1002, %get3A_1003] {strides = array<i32>} : memref<112x128xi32, #tpu.memory_space<vmem>>, vector<1x16xi32>,
          %get3A_1005 = vector.shape_cast %get3A_1004 : vector<1x16xi32> to vector<16xi32>
          %shift_left3A_1006 = arith.constant 16 : i32
          %shift_left3A_1007 = vector.broadcast %shift_left3A_1006 : i32 to vector<16xi32>
          %shift_left3A_1008 = arith.shli %get3A_1005, %shift_left3A_1007 : vector<16xi32>
          %bitcast_convert_type3A_1009 = tpu.bitcast %shift_left3A_1008 : vector<16xi32> -> vector<16xf32>
          %bitcast_convert_type3A_1010 = tpu.bitcast %get3A_1005 : vector<16xi32> -> vector<16xf32>
          %mul3A_1011 = arith.mulf %broadcast_in_dim3A_939, %bitcast_convert_type3A_1009 : vector<16xf32>
          %mul3A_1012 = arith.mulf %broadcast_in_dim3A_939, %bitcast_convert_type3A_1010 : vector<16xf32>
          %add3A_1013 = arith.addf %add3A_890, %mul3A_1011 : vector<16xf32>
          %add3A_1014 = arith.addf %add3A_891, %mul3A_1012 : vector<16xf32>
          %add3A_1015 = arith.constant 6 : i32
          %add3A_1016 = arith.addi %mul3A_213, %add3A_1015 : i32
          %get3A_1017 = arith.index_cast %add3A_1016 : i32 to index
          %get3A_1018 = arith.constant 80 : index
          %get3A_1019 = tpu.vector_load %arg10[%get3A_1017, %get3A_1018] {strides = array<i32>} : memref<112x128xi32, #tpu.memory_space<vmem>>, vector<1x16xi32>,
          %get3A_1020 = vector.shape_cast %get3A_1019 : vector<1x16xi32> to vector<16xi32>
          %shift_left3A_1021 = arith.constant 16 : i32
          %shift_left3A_1022 = vector.broadcast %shift_left3A_1021 : i32 to vector<16xi32>
          %shift_left3A_1023 = arith.shli %get3A_1020, %shift_left3A_1022 : vector<16xi32>
          %bitcast_convert_type3A_1024 = tpu.bitcast %shift_left3A_1023 : vector<16xi32> -> vector<16xf32>
          %bitcast_convert_type3A_1025 = tpu.bitcast %get3A_1020 : vector<16xi32> -> vector<16xf32>
          %mul3A_1026 = arith.mulf %broadcast_in_dim3A_939, %bitcast_convert_type3A_1024 : vector<16xf32>
          %mul3A_1027 = arith.mulf %broadcast_in_dim3A_939, %bitcast_convert_type3A_1025 : vector<16xf32>
          %add3A_1028 = arith.addf %add3A_905, %mul3A_1026 : vector<16xf32>
          %add3A_1029 = arith.addf %add3A_906, %mul3A_1027 : vector<16xf32>
          %add3A_1030 = arith.constant 6 : i32
          %add3A_1031 = arith.addi %mul3A_213, %add3A_1030 : i32
          %get3A_1032 = arith.index_cast %add3A_1031 : i32 to index
          %get3A_1033 = arith.constant 96 : index
          %get3A_1034 = tpu.vector_load %arg10[%get3A_1032, %get3A_1033] {strides = array<i32>} : memref<112x128xi32, #tpu.memory_space<vmem>>, vector<1x16xi32>,
          %get3A_1035 = vector.shape_cast %get3A_1034 : vector<1x16xi32> to vector<16xi32>
          %shift_left3A_1036 = arith.constant 16 : i32
          %shift_left3A_1037 = vector.broadcast %shift_left3A_1036 : i32 to vector<16xi32>
          %shift_left3A_1038 = arith.shli %get3A_1035, %shift_left3A_1037 : vector<16xi32>
          %bitcast_convert_type3A_1039 = tpu.bitcast %shift_left3A_1038 : vector<16xi32> -> vector<16xf32>
          %bitcast_convert_type3A_1040 = tpu.bitcast %get3A_1035 : vector<16xi32> -> vector<16xf32>
          %mul3A_1041 = arith.mulf %broadcast_in_dim3A_939, %bitcast_convert_type3A_1039 : vector<16xf32>
          %mul3A_1042 = arith.mulf %broadcast_in_dim3A_939, %bitcast_convert_type3A_1040 : vector<16xf32>
          %add3A_1043 = arith.addf %add3A_920, %mul3A_1041 : vector<16xf32>
          %add3A_1044 = arith.addf %add3A_921, %mul3A_1042 : vector<16xf32>
          %add3A_1045 = arith.constant 6 : i32
          %add3A_1046 = arith.addi %mul3A_213, %add3A_1045 : i32
          %get3A_1047 = arith.index_cast %add3A_1046 : i32 to index
          %get3A_1048 = arith.constant 112 : index
          %get3A_1049 = tpu.vector_load %arg10[%get3A_1047, %get3A_1048] {strides = array<i32>} : memref<112x128xi32, #tpu.memory_space<vmem>>, vector<1x16xi32>,
          %get3A_1050 = vector.shape_cast %get3A_1049 : vector<1x16xi32> to vector<16xi32>
          %shift_left3A_1051 = arith.constant 16 : i32
          %shift_left3A_1052 = vector.broadcast %shift_left3A_1051 : i32 to vector<16xi32>
          %shift_left3A_1053 = arith.shli %get3A_1050, %shift_left3A_1052 : vector<16xi32>
          %bitcast_convert_type3A_1054 = tpu.bitcast %shift_left3A_1053 : vector<16xi32> -> vector<16xf32>
          %bitcast_convert_type3A_1055 = tpu.bitcast %get3A_1050 : vector<16xi32> -> vector<16xf32>
          %mul3A_1056 = arith.mulf %broadcast_in_dim3A_939, %bitcast_convert_type3A_1054 : vector<16xf32>
          %mul3A_1057 = arith.mulf %broadcast_in_dim3A_939, %bitcast_convert_type3A_1055 : vector<16xf32>
          %add3A_1058 = arith.addf %add3A_935, %mul3A_1056 : vector<16xf32>
          %add3A_1059 = arith.addf %add3A_936, %mul3A_1057 : vector<16xf32>
          %slice3A_1060 = vector.extract_strided_slice %get3A_216 {offsets = [7], sizes = [1], strides = [1]} : vector<16xf32> to vector<1xf32>
          %broadcast_in_dim3A_1061 = vector.shape_cast %slice3A_1060 : vector<1xf32> to vector<1xf32>
          %broadcast_in_dim3A_1062 = vector.broadcast %broadcast_in_dim3A_1061 : vector<1xf32> to vector<16xf32>
          %add3A_1063 = arith.constant 7 : i32
          %add3A_1064 = arith.addi %mul3A_213, %add3A_1063 : i32
          %get3A_1065 = arith.index_cast %add3A_1064 : i32 to index
          %get3A_1066 = arith.constant 0 : index
          %get3A_1067 = tpu.vector_load %arg10[%get3A_1065, %get3A_1066] {strides = array<i32>} : memref<112x128xi32, #tpu.memory_space<vmem>>, vector<1x16xi32>,
          %get3A_1068 = vector.shape_cast %get3A_1067 : vector<1x16xi32> to vector<16xi32>
          %shift_left3A_1069 = arith.constant 16 : i32
          %shift_left3A_1070 = vector.broadcast %shift_left3A_1069 : i32 to vector<16xi32>
          %shift_left3A_1071 = arith.shli %get3A_1068, %shift_left3A_1070 : vector<16xi32>
          %bitcast_convert_type3A_1072 = tpu.bitcast %shift_left3A_1071 : vector<16xi32> -> vector<16xf32>
          %bitcast_convert_type3A_1073 = tpu.bitcast %get3A_1068 : vector<16xi32> -> vector<16xf32>
          %mul3A_1074 = arith.mulf %broadcast_in_dim3A_1062, %bitcast_convert_type3A_1072 : vector<16xf32>
          %mul3A_1075 = arith.mulf %broadcast_in_dim3A_1062, %bitcast_convert_type3A_1073 : vector<16xf32>
          %add3A_1076 = arith.addf %add3A_953, %mul3A_1074 : vector<16xf32>
          %add3A_1077 = arith.addf %add3A_954, %mul3A_1075 : vector<16xf32>
          %add3A_1078 = arith.constant 7 : i32
          %add3A_1079 = arith.addi %mul3A_213, %add3A_1078 : i32
          %get3A_1080 = arith.index_cast %add3A_1079 : i32 to index
          %get3A_1081 = arith.constant 16 : index
          %get3A_1082 = tpu.vector_load %arg10[%get3A_1080, %get3A_1081] {strides = array<i32>} : memref<112x128xi32, #tpu.memory_space<vmem>>, vector<1x16xi32>,
          %get3A_1083 = vector.shape_cast %get3A_1082 : vector<1x16xi32> to vector<16xi32>
          %shift_left3A_1084 = arith.constant 16 : i32
          %shift_left3A_1085 = vector.broadcast %shift_left3A_1084 : i32 to vector<16xi32>
          %shift_left3A_1086 = arith.shli %get3A_1083, %shift_left3A_1085 : vector<16xi32>
          %bitcast_convert_type3A_1087 = tpu.bitcast %shift_left3A_1086 : vector<16xi32> -> vector<16xf32>
          %bitcast_convert_type3A_1088 = tpu.bitcast %get3A_1083 : vector<16xi32> -> vector<16xf32>
          %mul3A_1089 = arith.mulf %broadcast_in_dim3A_1062, %bitcast_convert_type3A_1087 : vector<16xf32>
          %mul3A_1090 = arith.mulf %broadcast_in_dim3A_1062, %bitcast_convert_type3A_1088 : vector<16xf32>
          %add3A_1091 = arith.addf %add3A_968, %mul3A_1089 : vector<16xf32>
          %add3A_1092 = arith.addf %add3A_969, %mul3A_1090 : vector<16xf32>
          %add3A_1093 = arith.constant 7 : i32
          %add3A_1094 = arith.addi %mul3A_213, %add3A_1093 : i32
          %get3A_1095 = arith.index_cast %add3A_1094 : i32 to index
          %get3A_1096 = arith.constant 32 : index
          %get3A_1097 = tpu.vector_load %arg10[%get3A_1095, %get3A_1096] {strides = array<i32>} : memref<112x128xi32, #tpu.memory_space<vmem>>, vector<1x16xi32>,
          %get3A_1098 = vector.shape_cast %get3A_1097 : vector<1x16xi32> to vector<16xi32>
          %shift_left3A_1099 = arith.constant 16 : i32
          %shift_left3A_1100 = vector.broadcast %shift_left3A_1099 : i32 to vector<16xi32>
          %shift_left3A_1101 = arith.shli %get3A_1098, %shift_left3A_1100 : vector<16xi32>
          %bitcast_convert_type3A_1102 = tpu.bitcast %shift_left3A_1101 : vector<16xi32> -> vector<16xf32>
          %bitcast_convert_type3A_1103 = tpu.bitcast %get3A_1098 : vector<16xi32> -> vector<16xf32>
          %mul3A_1104 = arith.mulf %broadcast_in_dim3A_1062, %bitcast_convert_type3A_1102 : vector<16xf32>
          %mul3A_1105 = arith.mulf %broadcast_in_dim3A_1062, %bitcast_convert_type3A_1103 : vector<16xf32>
          %add3A_1106 = arith.addf %add3A_983, %mul3A_1104 : vector<16xf32>
          %add3A_1107 = arith.addf %add3A_984, %mul3A_1105 : vector<16xf32>
          %add3A_1108 = arith.constant 7 : i32
          %add3A_1109 = arith.addi %mul3A_213, %add3A_1108 : i32
          %get3A_1110 = arith.index_cast %add3A_1109 : i32 to index
          %get3A_1111 = arith.constant 48 : index
          %get3A_1112 = tpu.vector_load %arg10[%get3A_1110, %get3A_1111] {strides = array<i32>} : memref<112x128xi32, #tpu.memory_space<vmem>>, vector<1x16xi32>,
          %get3A_1113 = vector.shape_cast %get3A_1112 : vector<1x16xi32> to vector<16xi32>
          %shift_left3A_1114 = arith.constant 16 : i32
          %shift_left3A_1115 = vector.broadcast %shift_left3A_1114 : i32 to vector<16xi32>
          %shift_left3A_1116 = arith.shli %get3A_1113, %shift_left3A_1115 : vector<16xi32>
          %bitcast_convert_type3A_1117 = tpu.bitcast %shift_left3A_1116 : vector<16xi32> -> vector<16xf32>
          %bitcast_convert_type3A_1118 = tpu.bitcast %get3A_1113 : vector<16xi32> -> vector<16xf32>
          %mul3A_1119 = arith.mulf %broadcast_in_dim3A_1062, %bitcast_convert_type3A_1117 : vector<16xf32>
          %mul3A_1120 = arith.mulf %broadcast_in_dim3A_1062, %bitcast_convert_type3A_1118 : vector<16xf32>
          %add3A_1121 = arith.addf %add3A_998, %mul3A_1119 : vector<16xf32>
          %add3A_1122 = arith.addf %add3A_999, %mul3A_1120 : vector<16xf32>
          %add3A_1123 = arith.constant 7 : i32
          %add3A_1124 = arith.addi %mul3A_213, %add3A_1123 : i32
          %get3A_1125 = arith.index_cast %add3A_1124 : i32 to index
          %get3A_1126 = arith.constant 64 : index
          %get3A_1127 = tpu.vector_load %arg10[%get3A_1125, %get3A_1126] {strides = array<i32>} : memref<112x128xi32, #tpu.memory_space<vmem>>, vector<1x16xi32>,
          %get3A_1128 = vector.shape_cast %get3A_1127 : vector<1x16xi32> to vector<16xi32>
          %shift_left3A_1129 = arith.constant 16 : i32
          %shift_left3A_1130 = vector.broadcast %shift_left3A_1129 : i32 to vector<16xi32>
          %shift_left3A_1131 = arith.shli %get3A_1128, %shift_left3A_1130 : vector<16xi32>
          %bitcast_convert_type3A_1132 = tpu.bitcast %shift_left3A_1131 : vector<16xi32> -> vector<16xf32>
          %bitcast_convert_type3A_1133 = tpu.bitcast %get3A_1128 : vector<16xi32> -> vector<16xf32>
          %mul3A_1134 = arith.mulf %broadcast_in_dim3A_1062, %bitcast_convert_type3A_1132 : vector<16xf32>
          %mul3A_1135 = arith.mulf %broadcast_in_dim3A_1062, %bitcast_convert_type3A_1133 : vector<16xf32>
          %add3A_1136 = arith.addf %add3A_1013, %mul3A_1134 : vector<16xf32>
          %add3A_1137 = arith.addf %add3A_1014, %mul3A_1135 : vector<16xf32>
          %add3A_1138 = arith.constant 7 : i32
          %add3A_1139 = arith.addi %mul3A_213, %add3A_1138 : i32
          %get3A_1140 = arith.index_cast %add3A_1139 : i32 to index
          %get3A_1141 = arith.constant 80 : index
          %get3A_1142 = tpu.vector_load %arg10[%get3A_1140, %get3A_1141] {strides = array<i32>} : memref<112x128xi32, #tpu.memory_space<vmem>>, vector<1x16xi32>,
          %get3A_1143 = vector.shape_cast %get3A_1142 : vector<1x16xi32> to vector<16xi32>
          %shift_left3A_1144 = arith.constant 16 : i32
          %shift_left3A_1145 = vector.broadcast %shift_left3A_1144 : i32 to vector<16xi32>
          %shift_left3A_1146 = arith.shli %get3A_1143, %shift_left3A_1145 : vector<16xi32>
          %bitcast_convert_type3A_1147 = tpu.bitcast %shift_left3A_1146 : vector<16xi32> -> vector<16xf32>
          %bitcast_convert_type3A_1148 = tpu.bitcast %get3A_1143 : vector<16xi32> -> vector<16xf32>
          %mul3A_1149 = arith.mulf %broadcast_in_dim3A_1062, %bitcast_convert_type3A_1147 : vector<16xf32>
          %mul3A_1150 = arith.mulf %broadcast_in_dim3A_1062, %bitcast_convert_type3A_1148 : vector<16xf32>
          %add3A_1151 = arith.addf %add3A_1028, %mul3A_1149 : vector<16xf32>
          %add3A_1152 = arith.addf %add3A_1029, %mul3A_1150 : vector<16xf32>
          %add3A_1153 = arith.constant 7 : i32
          %add3A_1154 = arith.addi %mul3A_213, %add3A_1153 : i32
          %get3A_1155 = arith.index_cast %add3A_1154 : i32 to index
          %get3A_1156 = arith.constant 96 : index
          %get3A_1157 = tpu.vector_load %arg10[%get3A_1155, %get3A_1156] {strides = array<i32>} : memref<112x128xi32, #tpu.memory_space<vmem>>, vector<1x16xi32>,
          %get3A_1158 = vector.shape_cast %get3A_1157 : vector<1x16xi32> to vector<16xi32>
          %shift_left3A_1159 = arith.constant 16 : i32
          %shift_left3A_1160 = vector.broadcast %shift_left3A_1159 : i32 to vector<16xi32>
          %shift_left3A_1161 = arith.shli %get3A_1158, %shift_left3A_1160 : vector<16xi32>
          %bitcast_convert_type3A_1162 = tpu.bitcast %shift_left3A_1161 : vector<16xi32> -> vector<16xf32>
          %bitcast_convert_type3A_1163 = tpu.bitcast %get3A_1158 : vector<16xi32> -> vector<16xf32>
          %mul3A_1164 = arith.mulf %broadcast_in_dim3A_1062, %bitcast_convert_type3A_1162 : vector<16xf32>
          %mul3A_1165 = arith.mulf %broadcast_in_dim3A_1062, %bitcast_convert_type3A_1163 : vector<16xf32>
          %add3A_1166 = arith.addf %add3A_1043, %mul3A_1164 : vector<16xf32>
          %add3A_1167 = arith.addf %add3A_1044, %mul3A_1165 : vector<16xf32>
          %add3A_1168 = arith.constant 7 : i32
          %add3A_1169 = arith.addi %mul3A_213, %add3A_1168 : i32
          %get3A_1170 = arith.index_cast %add3A_1169 : i32 to index
          %get3A_1171 = arith.constant 112 : index
          %get3A_1172 = tpu.vector_load %arg10[%get3A_1170, %get3A_1171] {strides = array<i32>} : memref<112x128xi32, #tpu.memory_space<vmem>>, vector<1x16xi32>,
          %get3A_1173 = vector.shape_cast %get3A_1172 : vector<1x16xi32> to vector<16xi32>
          %shift_left3A_1174 = arith.constant 16 : i32
          %shift_left3A_1175 = vector.broadcast %shift_left3A_1174 : i32 to vector<16xi32>
          %shift_left3A_1176 = arith.shli %get3A_1173, %shift_left3A_1175 : vector<16xi32>
          %bitcast_convert_type3A_1177 = tpu.bitcast %shift_left3A_1176 : vector<16xi32> -> vector<16xf32>
          %bitcast_convert_type3A_1178 = tpu.bitcast %get3A_1173 : vector<16xi32> -> vector<16xf32>
          %mul3A_1179 = arith.mulf %broadcast_in_dim3A_1062, %bitcast_convert_type3A_1177 : vector<16xf32>
          %mul3A_1180 = arith.mulf %broadcast_in_dim3A_1062, %bitcast_convert_type3A_1178 : vector<16xf32>
          %add3A_1181 = arith.addf %add3A_1058, %mul3A_1179 : vector<16xf32>
          %add3A_1182 = arith.addf %add3A_1059, %mul3A_1180 : vector<16xf32>
          %slice3A_1183 = vector.extract_strided_slice %get3A_216 {offsets = [8], sizes = [1], strides = [1]} : vector<16xf32> to vector<1xf32>
          %broadcast_in_dim3A_1184 = vector.shape_cast %slice3A_1183 : vector<1xf32> to vector<1xf32>
          %broadcast_in_dim3A_1185 = vector.broadcast %broadcast_in_dim3A_1184 : vector<1xf32> to vector<16xf32>
          %add3A_1186 = arith.constant 8 : i32
          %add3A_1187 = arith.addi %mul3A_213, %add3A_1186 : i32
          %get3A_1188 = arith.index_cast %add3A_1187 : i32 to index
          %get3A_1189 = arith.constant 0 : index
          %get3A_1190 = tpu.vector_load %arg10[%get3A_1188, %get3A_1189] {strides = array<i32>} : memref<112x128xi32, #tpu.memory_space<vmem>>, vector<1x16xi32>,
          %get3A_1191 = vector.shape_cast %get3A_1190 : vector<1x16xi32> to vector<16xi32>
          %shift_left3A_1192 = arith.constant 16 : i32
          %shift_left3A_1193 = vector.broadcast %shift_left3A_1192 : i32 to vector<16xi32>
          %shift_left3A_1194 = arith.shli %get3A_1191, %shift_left3A_1193 : vector<16xi32>
          %bitcast_convert_type3A_1195 = tpu.bitcast %shift_left3A_1194 : vector<16xi32> -> vector<16xf32>
          %bitcast_convert_type3A_1196 = tpu.bitcast %get3A_1191 : vector<16xi32> -> vector<16xf32>
          %mul3A_1197 = arith.mulf %broadcast_in_dim3A_1185, %bitcast_convert_type3A_1195 : vector<16xf32>
          %mul3A_1198 = arith.mulf %broadcast_in_dim3A_1185, %bitcast_convert_type3A_1196 : vector<16xf32>
          %add3A_1199 = arith.addf %add3A_1076, %mul3A_1197 : vector<16xf32>
          %add3A_1200 = arith.addf %add3A_1077, %mul3A_1198 : vector<16xf32>
          %add3A_1201 = arith.constant 8 : i32
          %add3A_1202 = arith.addi %mul3A_213, %add3A_1201 : i32
          %get3A_1203 = arith.index_cast %add3A_1202 : i32 to index
          %get3A_1204 = arith.constant 16 : index
          %get3A_1205 = tpu.vector_load %arg10[%get3A_1203, %get3A_1204] {strides = array<i32>} : memref<112x128xi32, #tpu.memory_space<vmem>>, vector<1x16xi32>,
          %get3A_1206 = vector.shape_cast %get3A_1205 : vector<1x16xi32> to vector<16xi32>
          %shift_left3A_1207 = arith.constant 16 : i32
          %shift_left3A_1208 = vector.broadcast %shift_left3A_1207 : i32 to vector<16xi32>
          %shift_left3A_1209 = arith.shli %get3A_1206, %shift_left3A_1208 : vector<16xi32>
          %bitcast_convert_type3A_1210 = tpu.bitcast %shift_left3A_1209 : vector<16xi32> -> vector<16xf32>
          %bitcast_convert_type3A_1211 = tpu.bitcast %get3A_1206 : vector<16xi32> -> vector<16xf32>
          %mul3A_1212 = arith.mulf %broadcast_in_dim3A_1185, %bitcast_convert_type3A_1210 : vector<16xf32>
          %mul3A_1213 = arith.mulf %broadcast_in_dim3A_1185, %bitcast_convert_type3A_1211 : vector<16xf32>
          %add3A_1214 = arith.addf %add3A_1091, %mul3A_1212 : vector<16xf32>
          %add3A_1215 = arith.addf %add3A_1092, %mul3A_1213 : vector<16xf32>
          %add3A_1216 = arith.constant 8 : i32
          %add3A_1217 = arith.addi %mul3A_213, %add3A_1216 : i32
          %get3A_1218 = arith.index_cast %add3A_1217 : i32 to index
          %get3A_1219 = arith.constant 32 : index
          %get3A_1220 = tpu.vector_load %arg10[%get3A_1218, %get3A_1219] {strides = array<i32>} : memref<112x128xi32, #tpu.memory_space<vmem>>, vector<1x16xi32>,
          %get3A_1221 = vector.shape_cast %get3A_1220 : vector<1x16xi32> to vector<16xi32>
          %shift_left3A_1222 = arith.constant 16 : i32
          %shift_left3A_1223 = vector.broadcast %shift_left3A_1222 : i32 to vector<16xi32>
          %shift_left3A_1224 = arith.shli %get3A_1221, %shift_left3A_1223 : vector<16xi32>
          %bitcast_convert_type3A_1225 = tpu.bitcast %shift_left3A_1224 : vector<16xi32> -> vector<16xf32>
          %bitcast_convert_type3A_1226 = tpu.bitcast %get3A_1221 : vector<16xi32> -> vector<16xf32>
          %mul3A_1227 = arith.mulf %broadcast_in_dim3A_1185, %bitcast_convert_type3A_1225 : vector<16xf32>
          %mul3A_1228 = arith.mulf %broadcast_in_dim3A_1185, %bitcast_convert_type3A_1226 : vector<16xf32>
          %add3A_1229 = arith.addf %add3A_1106, %mul3A_1227 : vector<16xf32>
          %add3A_1230 = arith.addf %add3A_1107, %mul3A_1228 : vector<16xf32>
          %add3A_1231 = arith.constant 8 : i32
          %add3A_1232 = arith.addi %mul3A_213, %add3A_1231 : i32
          %get3A_1233 = arith.index_cast %add3A_1232 : i32 to index
          %get3A_1234 = arith.constant 48 : index
          %get3A_1235 = tpu.vector_load %arg10[%get3A_1233, %get3A_1234] {strides = array<i32>} : memref<112x128xi32, #tpu.memory_space<vmem>>, vector<1x16xi32>,
          %get3A_1236 = vector.shape_cast %get3A_1235 : vector<1x16xi32> to vector<16xi32>
          %shift_left3A_1237 = arith.constant 16 : i32
          %shift_left3A_1238 = vector.broadcast %shift_left3A_1237 : i32 to vector<16xi32>
          %shift_left3A_1239 = arith.shli %get3A_1236, %shift_left3A_1238 : vector<16xi32>
          %bitcast_convert_type3A_1240 = tpu.bitcast %shift_left3A_1239 : vector<16xi32> -> vector<16xf32>
          %bitcast_convert_type3A_1241 = tpu.bitcast %get3A_1236 : vector<16xi32> -> vector<16xf32>
          %mul3A_1242 = arith.mulf %broadcast_in_dim3A_1185, %bitcast_convert_type3A_1240 : vector<16xf32>
          %mul3A_1243 = arith.mulf %broadcast_in_dim3A_1185, %bitcast_convert_type3A_1241 : vector<16xf32>
          %add3A_1244 = arith.addf %add3A_1121, %mul3A_1242 : vector<16xf32>
          %add3A_1245 = arith.addf %add3A_1122, %mul3A_1243 : vector<16xf32>
          %add3A_1246 = arith.constant 8 : i32
          %add3A_1247 = arith.addi %mul3A_213, %add3A_1246 : i32
          %get3A_1248 = arith.index_cast %add3A_1247 : i32 to index
          %get3A_1249 = arith.constant 64 : index
          %get3A_1250 = tpu.vector_load %arg10[%get3A_1248, %get3A_1249] {strides = array<i32>} : memref<112x128xi32, #tpu.memory_space<vmem>>, vector<1x16xi32>,
          %get3A_1251 = vector.shape_cast %get3A_1250 : vector<1x16xi32> to vector<16xi32>
          %shift_left3A_1252 = arith.constant 16 : i32
          %shift_left3A_1253 = vector.broadcast %shift_left3A_1252 : i32 to vector<16xi32>
          %shift_left3A_1254 = arith.shli %get3A_1251, %shift_left3A_1253 : vector<16xi32>
          %bitcast_convert_type3A_1255 = tpu.bitcast %shift_left3A_1254 : vector<16xi32> -> vector<16xf32>
          %bitcast_convert_type3A_1256 = tpu.bitcast %get3A_1251 : vector<16xi32> -> vector<16xf32>
          %mul3A_1257 = arith.mulf %broadcast_in_dim3A_1185, %bitcast_convert_type3A_1255 : vector<16xf32>
          %mul3A_1258 = arith.mulf %broadcast_in_dim3A_1185, %bitcast_convert_type3A_1256 : vector<16xf32>
          %add3A_1259 = arith.addf %add3A_1136, %mul3A_1257 : vector<16xf32>
          %add3A_1260 = arith.addf %add3A_1137, %mul3A_1258 : vector<16xf32>
          %add3A_1261 = arith.constant 8 : i32
          %add3A_1262 = arith.addi %mul3A_213, %add3A_1261 : i32
          %get3A_1263 = arith.index_cast %add3A_1262 : i32 to index
          %get3A_1264 = arith.constant 80 : index
          %get3A_1265 = tpu.vector_load %arg10[%get3A_1263, %get3A_1264] {strides = array<i32>} : memref<112x128xi32, #tpu.memory_space<vmem>>, vector<1x16xi32>,
          %get3A_1266 = vector.shape_cast %get3A_1265 : vector<1x16xi32> to vector<16xi32>
          %shift_left3A_1267 = arith.constant 16 : i32
          %shift_left3A_1268 = vector.broadcast %shift_left3A_1267 : i32 to vector<16xi32>
          %shift_left3A_1269 = arith.shli %get3A_1266, %shift_left3A_1268 : vector<16xi32>
          %bitcast_convert_type3A_1270 = tpu.bitcast %shift_left3A_1269 : vector<16xi32> -> vector<16xf32>
          %bitcast_convert_type3A_1271 = tpu.bitcast %get3A_1266 : vector<16xi32> -> vector<16xf32>
          %mul3A_1272 = arith.mulf %broadcast_in_dim3A_1185, %bitcast_convert_type3A_1270 : vector<16xf32>
          %mul3A_1273 = arith.mulf %broadcast_in_dim3A_1185, %bitcast_convert_type3A_1271 : vector<16xf32>
          %add3A_1274 = arith.addf %add3A_1151, %mul3A_1272 : vector<16xf32>
          %add3A_1275 = arith.addf %add3A_1152, %mul3A_1273 : vector<16xf32>
          %add3A_1276 = arith.constant 8 : i32
          %add3A_1277 = arith.addi %mul3A_213, %add3A_1276 : i32
          %get3A_1278 = arith.index_cast %add3A_1277 : i32 to index
          %get3A_1279 = arith.constant 96 : index
          %get3A_1280 = tpu.vector_load %arg10[%get3A_1278, %get3A_1279] {strides = array<i32>} : memref<112x128xi32, #tpu.memory_space<vmem>>, vector<1x16xi32>,
          %get3A_1281 = vector.shape_cast %get3A_1280 : vector<1x16xi32> to vector<16xi32>
          %shift_left3A_1282 = arith.constant 16 : i32
          %shift_left3A_1283 = vector.broadcast %shift_left3A_1282 : i32 to vector<16xi32>
          %shift_left3A_1284 = arith.shli %get3A_1281, %shift_left3A_1283 : vector<16xi32>
          %bitcast_convert_type3A_1285 = tpu.bitcast %shift_left3A_1284 : vector<16xi32> -> vector<16xf32>
          %bitcast_convert_type3A_1286 = tpu.bitcast %get3A_1281 : vector<16xi32> -> vector<16xf32>
          %mul3A_1287 = arith.mulf %broadcast_in_dim3A_1185, %bitcast_convert_type3A_1285 : vector<16xf32>
          %mul3A_1288 = arith.mulf %broadcast_in_dim3A_1185, %bitcast_convert_type3A_1286 : vector<16xf32>
          %add3A_1289 = arith.addf %add3A_1166, %mul3A_1287 : vector<16xf32>
          %add3A_1290 = arith.addf %add3A_1167, %mul3A_1288 : vector<16xf32>
          %add3A_1291 = arith.constant 8 : i32
          %add3A_1292 = arith.addi %mul3A_213, %add3A_1291 : i32
          %get3A_1293 = arith.index_cast %add3A_1292 : i32 to index
          %get3A_1294 = arith.constant 112 : index
          %get3A_1295 = tpu.vector_load %arg10[%get3A_1293, %get3A_1294] {strides = array<i32>} : memref<112x128xi32, #tpu.memory_space<vmem>>, vector<1x16xi32>,
          %get3A_1296 = vector.shape_cast %get3A_1295 : vector<1x16xi32> to vector<16xi32>
          %shift_left3A_1297 = arith.constant 16 : i32
          %shift_left3A_1298 = vector.broadcast %shift_left3A_1297 : i32 to vector<16xi32>
          %shift_left3A_1299 = arith.shli %get3A_1296, %shift_left3A_1298 : vector<16xi32>
          %bitcast_convert_type3A_1300 = tpu.bitcast %shift_left3A_1299 : vector<16xi32> -> vector<16xf32>
          %bitcast_convert_type3A_1301 = tpu.bitcast %get3A_1296 : vector<16xi32> -> vector<16xf32>
          %mul3A_1302 = arith.mulf %broadcast_in_dim3A_1185, %bitcast_convert_type3A_1300 : vector<16xf32>
          %mul3A_1303 = arith.mulf %broadcast_in_dim3A_1185, %bitcast_convert_type3A_1301 : vector<16xf32>
          %add3A_1304 = arith.addf %add3A_1181, %mul3A_1302 : vector<16xf32>
          %add3A_1305 = arith.addf %add3A_1182, %mul3A_1303 : vector<16xf32>
          %slice3A_1306 = vector.extract_strided_slice %get3A_216 {offsets = [9], sizes = [1], strides = [1]} : vector<16xf32> to vector<1xf32>
          %broadcast_in_dim3A_1307 = vector.shape_cast %slice3A_1306 : vector<1xf32> to vector<1xf32>
          %broadcast_in_dim3A_1308 = vector.broadcast %broadcast_in_dim3A_1307 : vector<1xf32> to vector<16xf32>
          %add3A_1309 = arith.constant 9 : i32
          %add3A_1310 = arith.addi %mul3A_213, %add3A_1309 : i32
          %get3A_1311 = arith.index_cast %add3A_1310 : i32 to index
          %get3A_1312 = arith.constant 0 : index
          %get3A_1313 = tpu.vector_load %arg10[%get3A_1311, %get3A_1312] {strides = array<i32>} : memref<112x128xi32, #tpu.memory_space<vmem>>, vector<1x16xi32>,
          %get3A_1314 = vector.shape_cast %get3A_1313 : vector<1x16xi32> to vector<16xi32>
          %shift_left3A_1315 = arith.constant 16 : i32
          %shift_left3A_1316 = vector.broadcast %shift_left3A_1315 : i32 to vector<16xi32>
          %shift_left3A_1317 = arith.shli %get3A_1314, %shift_left3A_1316 : vector<16xi32>
          %bitcast_convert_type3A_1318 = tpu.bitcast %shift_left3A_1317 : vector<16xi32> -> vector<16xf32>
          %bitcast_convert_type3A_1319 = tpu.bitcast %get3A_1314 : vector<16xi32> -> vector<16xf32>
          %mul3A_1320 = arith.mulf %broadcast_in_dim3A_1308, %bitcast_convert_type3A_1318 : vector<16xf32>
          %mul3A_1321 = arith.mulf %broadcast_in_dim3A_1308, %bitcast_convert_type3A_1319 : vector<16xf32>
          %add3A_1322 = arith.addf %add3A_1199, %mul3A_1320 : vector<16xf32>
          %add3A_1323 = arith.addf %add3A_1200, %mul3A_1321 : vector<16xf32>
          %add3A_1324 = arith.constant 9 : i32
          %add3A_1325 = arith.addi %mul3A_213, %add3A_1324 : i32
          %get3A_1326 = arith.index_cast %add3A_1325 : i32 to index
          %get3A_1327 = arith.constant 16 : index
          %get3A_1328 = tpu.vector_load %arg10[%get3A_1326, %get3A_1327] {strides = array<i32>} : memref<112x128xi32, #tpu.memory_space<vmem>>, vector<1x16xi32>,
          %get3A_1329 = vector.shape_cast %get3A_1328 : vector<1x16xi32> to vector<16xi32>
          %shift_left3A_1330 = arith.constant 16 : i32
          %shift_left3A_1331 = vector.broadcast %shift_left3A_1330 : i32 to vector<16xi32>
          %shift_left3A_1332 = arith.shli %get3A_1329, %shift_left3A_1331 : vector<16xi32>
          %bitcast_convert_type3A_1333 = tpu.bitcast %shift_left3A_1332 : vector<16xi32> -> vector<16xf32>
          %bitcast_convert_type3A_1334 = tpu.bitcast %get3A_1329 : vector<16xi32> -> vector<16xf32>
          %mul3A_1335 = arith.mulf %broadcast_in_dim3A_1308, %bitcast_convert_type3A_1333 : vector<16xf32>
          %mul3A_1336 = arith.mulf %broadcast_in_dim3A_1308, %bitcast_convert_type3A_1334 : vector<16xf32>
          %add3A_1337 = arith.addf %add3A_1214, %mul3A_1335 : vector<16xf32>
          %add3A_1338 = arith.addf %add3A_1215, %mul3A_1336 : vector<16xf32>
          %add3A_1339 = arith.constant 9 : i32
          %add3A_1340 = arith.addi %mul3A_213, %add3A_1339 : i32
          %get3A_1341 = arith.index_cast %add3A_1340 : i32 to index
          %get3A_1342 = arith.constant 32 : index
          %get3A_1343 = tpu.vector_load %arg10[%get3A_1341, %get3A_1342] {strides = array<i32>} : memref<112x128xi32, #tpu.memory_space<vmem>>, vector<1x16xi32>,
          %get3A_1344 = vector.shape_cast %get3A_1343 : vector<1x16xi32> to vector<16xi32>
          %shift_left3A_1345 = arith.constant 16 : i32
          %shift_left3A_1346 = vector.broadcast %shift_left3A_1345 : i32 to vector<16xi32>
          %shift_left3A_1347 = arith.shli %get3A_1344, %shift_left3A_1346 : vector<16xi32>
          %bitcast_convert_type3A_1348 = tpu.bitcast %shift_left3A_1347 : vector<16xi32> -> vector<16xf32>
          %bitcast_convert_type3A_1349 = tpu.bitcast %get3A_1344 : vector<16xi32> -> vector<16xf32>
          %mul3A_1350 = arith.mulf %broadcast_in_dim3A_1308, %bitcast_convert_type3A_1348 : vector<16xf32>
          %mul3A_1351 = arith.mulf %broadcast_in_dim3A_1308, %bitcast_convert_type3A_1349 : vector<16xf32>
          %add3A_1352 = arith.addf %add3A_1229, %mul3A_1350 : vector<16xf32>
          %add3A_1353 = arith.addf %add3A_1230, %mul3A_1351 : vector<16xf32>
          %add3A_1354 = arith.constant 9 : i32
          %add3A_1355 = arith.addi %mul3A_213, %add3A_1354 : i32
          %get3A_1356 = arith.index_cast %add3A_1355 : i32 to index
          %get3A_1357 = arith.constant 48 : index
          %get3A_1358 = tpu.vector_load %arg10[%get3A_1356, %get3A_1357] {strides = array<i32>} : memref<112x128xi32, #tpu.memory_space<vmem>>, vector<1x16xi32>,
          %get3A_1359 = vector.shape_cast %get3A_1358 : vector<1x16xi32> to vector<16xi32>
          %shift_left3A_1360 = arith.constant 16 : i32
          %shift_left3A_1361 = vector.broadcast %shift_left3A_1360 : i32 to vector<16xi32>
          %shift_left3A_1362 = arith.shli %get3A_1359, %shift_left3A_1361 : vector<16xi32>
          %bitcast_convert_type3A_1363 = tpu.bitcast %shift_left3A_1362 : vector<16xi32> -> vector<16xf32>
          %bitcast_convert_type3A_1364 = tpu.bitcast %get3A_1359 : vector<16xi32> -> vector<16xf32>
          %mul3A_1365 = arith.mulf %broadcast_in_dim3A_1308, %bitcast_convert_type3A_1363 : vector<16xf32>
          %mul3A_1366 = arith.mulf %broadcast_in_dim3A_1308, %bitcast_convert_type3A_1364 : vector<16xf32>
          %add3A_1367 = arith.addf %add3A_1244, %mul3A_1365 : vector<16xf32>
          %add3A_1368 = arith.addf %add3A_1245, %mul3A_1366 : vector<16xf32>
          %add3A_1369 = arith.constant 9 : i32
          %add3A_1370 = arith.addi %mul3A_213, %add3A_1369 : i32
          %get3A_1371 = arith.index_cast %add3A_1370 : i32 to index
          %get3A_1372 = arith.constant 64 : index
          %get3A_1373 = tpu.vector_load %arg10[%get3A_1371, %get3A_1372] {strides = array<i32>} : memref<112x128xi32, #tpu.memory_space<vmem>>, vector<1x16xi32>,
          %get3A_1374 = vector.shape_cast %get3A_1373 : vector<1x16xi32> to vector<16xi32>
          %shift_left3A_1375 = arith.constant 16 : i32
          %shift_left3A_1376 = vector.broadcast %shift_left3A_1375 : i32 to vector<16xi32>
          %shift_left3A_1377 = arith.shli %get3A_1374, %shift_left3A_1376 : vector<16xi32>
          %bitcast_convert_type3A_1378 = tpu.bitcast %shift_left3A_1377 : vector<16xi32> -> vector<16xf32>
          %bitcast_convert_type3A_1379 = tpu.bitcast %get3A_1374 : vector<16xi32> -> vector<16xf32>
          %mul3A_1380 = arith.mulf %broadcast_in_dim3A_1308, %bitcast_convert_type3A_1378 : vector<16xf32>
          %mul3A_1381 = arith.mulf %broadcast_in_dim3A_1308, %bitcast_convert_type3A_1379 : vector<16xf32>
          %add3A_1382 = arith.addf %add3A_1259, %mul3A_1380 : vector<16xf32>
          %add3A_1383 = arith.addf %add3A_1260, %mul3A_1381 : vector<16xf32>
          %add3A_1384 = arith.constant 9 : i32
          %add3A_1385 = arith.addi %mul3A_213, %add3A_1384 : i32
          %get3A_1386 = arith.index_cast %add3A_1385 : i32 to index
          %get3A_1387 = arith.constant 80 : index
          %get3A_1388 = tpu.vector_load %arg10[%get3A_1386, %get3A_1387] {strides = array<i32>} : memref<112x128xi32, #tpu.memory_space<vmem>>, vector<1x16xi32>,
          %get3A_1389 = vector.shape_cast %get3A_1388 : vector<1x16xi32> to vector<16xi32>
          %shift_left3A_1390 = arith.constant 16 : i32
          %shift_left3A_1391 = vector.broadcast %shift_left3A_1390 : i32 to vector<16xi32>
          %shift_left3A_1392 = arith.shli %get3A_1389, %shift_left3A_1391 : vector<16xi32>
          %bitcast_convert_type3A_1393 = tpu.bitcast %shift_left3A_1392 : vector<16xi32> -> vector<16xf32>
          %bitcast_convert_type3A_1394 = tpu.bitcast %get3A_1389 : vector<16xi32> -> vector<16xf32>
          %mul3A_1395 = arith.mulf %broadcast_in_dim3A_1308, %bitcast_convert_type3A_1393 : vector<16xf32>
          %mul3A_1396 = arith.mulf %broadcast_in_dim3A_1308, %bitcast_convert_type3A_1394 : vector<16xf32>
          %add3A_1397 = arith.addf %add3A_1274, %mul3A_1395 : vector<16xf32>
          %add3A_1398 = arith.addf %add3A_1275, %mul3A_1396 : vector<16xf32>
          %add3A_1399 = arith.constant 9 : i32
          %add3A_1400 = arith.addi %mul3A_213, %add3A_1399 : i32
          %get3A_1401 = arith.index_cast %add3A_1400 : i32 to index
          %get3A_1402 = arith.constant 96 : index
          %get3A_1403 = tpu.vector_load %arg10[%get3A_1401, %get3A_1402] {strides = array<i32>} : memref<112x128xi32, #tpu.memory_space<vmem>>, vector<1x16xi32>,
          %get3A_1404 = vector.shape_cast %get3A_1403 : vector<1x16xi32> to vector<16xi32>
          %shift_left3A_1405 = arith.constant 16 : i32
          %shift_left3A_1406 = vector.broadcast %shift_left3A_1405 : i32 to vector<16xi32>
          %shift_left3A_1407 = arith.shli %get3A_1404, %shift_left3A_1406 : vector<16xi32>
          %bitcast_convert_type3A_1408 = tpu.bitcast %shift_left3A_1407 : vector<16xi32> -> vector<16xf32>
          %bitcast_convert_type3A_1409 = tpu.bitcast %get3A_1404 : vector<16xi32> -> vector<16xf32>
          %mul3A_1410 = arith.mulf %broadcast_in_dim3A_1308, %bitcast_convert_type3A_1408 : vector<16xf32>
          %mul3A_1411 = arith.mulf %broadcast_in_dim3A_1308, %bitcast_convert_type3A_1409 : vector<16xf32>
          %add3A_1412 = arith.addf %add3A_1289, %mul3A_1410 : vector<16xf32>
          %add3A_1413 = arith.addf %add3A_1290, %mul3A_1411 : vector<16xf32>
          %add3A_1414 = arith.constant 9 : i32
          %add3A_1415 = arith.addi %mul3A_213, %add3A_1414 : i32
          %get3A_1416 = arith.index_cast %add3A_1415 : i32 to index
          %get3A_1417 = arith.constant 112 : index
          %get3A_1418 = tpu.vector_load %arg10[%get3A_1416, %get3A_1417] {strides = array<i32>} : memref<112x128xi32, #tpu.memory_space<vmem>>, vector<1x16xi32>,
          %get3A_1419 = vector.shape_cast %get3A_1418 : vector<1x16xi32> to vector<16xi32>
          %shift_left3A_1420 = arith.constant 16 : i32
          %shift_left3A_1421 = vector.broadcast %shift_left3A_1420 : i32 to vector<16xi32>
          %shift_left3A_1422 = arith.shli %get3A_1419, %shift_left3A_1421 : vector<16xi32>
          %bitcast_convert_type3A_1423 = tpu.bitcast %shift_left3A_1422 : vector<16xi32> -> vector<16xf32>
          %bitcast_convert_type3A_1424 = tpu.bitcast %get3A_1419 : vector<16xi32> -> vector<16xf32>
          %mul3A_1425 = arith.mulf %broadcast_in_dim3A_1308, %bitcast_convert_type3A_1423 : vector<16xf32>
          %mul3A_1426 = arith.mulf %broadcast_in_dim3A_1308, %bitcast_convert_type3A_1424 : vector<16xf32>
          %add3A_1427 = arith.addf %add3A_1304, %mul3A_1425 : vector<16xf32>
          %add3A_1428 = arith.addf %add3A_1305, %mul3A_1426 : vector<16xf32>
          %slice3A_1429 = vector.extract_strided_slice %get3A_216 {offsets = [10], sizes = [1], strides = [1]} : vector<16xf32> to vector<1xf32>
          %broadcast_in_dim3A_1430 = vector.shape_cast %slice3A_1429 : vector<1xf32> to vector<1xf32>
          %broadcast_in_dim3A_1431 = vector.broadcast %broadcast_in_dim3A_1430 : vector<1xf32> to vector<16xf32>
          %add3A_1432 = arith.constant 10 : i32
          %add3A_1433 = arith.addi %mul3A_213, %add3A_1432 : i32
          %get3A_1434 = arith.index_cast %add3A_1433 : i32 to index
          %get3A_1435 = arith.constant 0 : index
          %get3A_1436 = tpu.vector_load %arg10[%get3A_1434, %get3A_1435] {strides = array<i32>} : memref<112x128xi32, #tpu.memory_space<vmem>>, vector<1x16xi32>,
          %get3A_1437 = vector.shape_cast %get3A_1436 : vector<1x16xi32> to vector<16xi32>
          %shift_left3A_1438 = arith.constant 16 : i32
          %shift_left3A_1439 = vector.broadcast %shift_left3A_1438 : i32 to vector<16xi32>
          %shift_left3A_1440 = arith.shli %get3A_1437, %shift_left3A_1439 : vector<16xi32>
          %bitcast_convert_type3A_1441 = tpu.bitcast %shift_left3A_1440 : vector<16xi32> -> vector<16xf32>
          %bitcast_convert_type3A_1442 = tpu.bitcast %get3A_1437 : vector<16xi32> -> vector<16xf32>
          %mul3A_1443 = arith.mulf %broadcast_in_dim3A_1431, %bitcast_convert_type3A_1441 : vector<16xf32>
          %mul3A_1444 = arith.mulf %broadcast_in_dim3A_1431, %bitcast_convert_type3A_1442 : vector<16xf32>
          %add3A_1445 = arith.addf %add3A_1322, %mul3A_1443 : vector<16xf32>
          %add3A_1446 = arith.addf %add3A_1323, %mul3A_1444 : vector<16xf32>
          %add3A_1447 = arith.constant 10 : i32
          %add3A_1448 = arith.addi %mul3A_213, %add3A_1447 : i32
          %get3A_1449 = arith.index_cast %add3A_1448 : i32 to index
          %get3A_1450 = arith.constant 16 : index
          %get3A_1451 = tpu.vector_load %arg10[%get3A_1449, %get3A_1450] {strides = array<i32>} : memref<112x128xi32, #tpu.memory_space<vmem>>, vector<1x16xi32>,
          %get3A_1452 = vector.shape_cast %get3A_1451 : vector<1x16xi32> to vector<16xi32>
          %shift_left3A_1453 = arith.constant 16 : i32
          %shift_left3A_1454 = vector.broadcast %shift_left3A_1453 : i32 to vector<16xi32>
          %shift_left3A_1455 = arith.shli %get3A_1452, %shift_left3A_1454 : vector<16xi32>
          %bitcast_convert_type3A_1456 = tpu.bitcast %shift_left3A_1455 : vector<16xi32> -> vector<16xf32>
          %bitcast_convert_type3A_1457 = tpu.bitcast %get3A_1452 : vector<16xi32> -> vector<16xf32>
          %mul3A_1458 = arith.mulf %broadcast_in_dim3A_1431, %bitcast_convert_type3A_1456 : vector<16xf32>
          %mul3A_1459 = arith.mulf %broadcast_in_dim3A_1431, %bitcast_convert_type3A_1457 : vector<16xf32>
          %add3A_1460 = arith.addf %add3A_1337, %mul3A_1458 : vector<16xf32>
          %add3A_1461 = arith.addf %add3A_1338, %mul3A_1459 : vector<16xf32>
          %add3A_1462 = arith.constant 10 : i32
          %add3A_1463 = arith.addi %mul3A_213, %add3A_1462 : i32
          %get3A_1464 = arith.index_cast %add3A_1463 : i32 to index
          %get3A_1465 = arith.constant 32 : index
          %get3A_1466 = tpu.vector_load %arg10[%get3A_1464, %get3A_1465] {strides = array<i32>} : memref<112x128xi32, #tpu.memory_space<vmem>>, vector<1x16xi32>,
          %get3A_1467 = vector.shape_cast %get3A_1466 : vector<1x16xi32> to vector<16xi32>
          %shift_left3A_1468 = arith.constant 16 : i32
          %shift_left3A_1469 = vector.broadcast %shift_left3A_1468 : i32 to vector<16xi32>
          %shift_left3A_1470 = arith.shli %get3A_1467, %shift_left3A_1469 : vector<16xi32>
          %bitcast_convert_type3A_1471 = tpu.bitcast %shift_left3A_1470 : vector<16xi32> -> vector<16xf32>
          %bitcast_convert_type3A_1472 = tpu.bitcast %get3A_1467 : vector<16xi32> -> vector<16xf32>
          %mul3A_1473 = arith.mulf %broadcast_in_dim3A_1431, %bitcast_convert_type3A_1471 : vector<16xf32>
          %mul3A_1474 = arith.mulf %broadcast_in_dim3A_1431, %bitcast_convert_type3A_1472 : vector<16xf32>
          %add3A_1475 = arith.addf %add3A_1352, %mul3A_1473 : vector<16xf32>
          %add3A_1476 = arith.addf %add3A_1353, %mul3A_1474 : vector<16xf32>
          %add3A_1477 = arith.constant 10 : i32
          %add3A_1478 = arith.addi %mul3A_213, %add3A_1477 : i32
          %get3A_1479 = arith.index_cast %add3A_1478 : i32 to index
          %get3A_1480 = arith.constant 48 : index
          %get3A_1481 = tpu.vector_load %arg10[%get3A_1479, %get3A_1480] {strides = array<i32>} : memref<112x128xi32, #tpu.memory_space<vmem>>, vector<1x16xi32>,
          %get3A_1482 = vector.shape_cast %get3A_1481 : vector<1x16xi32> to vector<16xi32>
          %shift_left3A_1483 = arith.constant 16 : i32
          %shift_left3A_1484 = vector.broadcast %shift_left3A_1483 : i32 to vector<16xi32>
          %shift_left3A_1485 = arith.shli %get3A_1482, %shift_left3A_1484 : vector<16xi32>
          %bitcast_convert_type3A_1486 = tpu.bitcast %shift_left3A_1485 : vector<16xi32> -> vector<16xf32>
          %bitcast_convert_type3A_1487 = tpu.bitcast %get3A_1482 : vector<16xi32> -> vector<16xf32>
          %mul3A_1488 = arith.mulf %broadcast_in_dim3A_1431, %bitcast_convert_type3A_1486 : vector<16xf32>
          %mul3A_1489 = arith.mulf %broadcast_in_dim3A_1431, %bitcast_convert_type3A_1487 : vector<16xf32>
          %add3A_1490 = arith.addf %add3A_1367, %mul3A_1488 : vector<16xf32>
          %add3A_1491 = arith.addf %add3A_1368, %mul3A_1489 : vector<16xf32>
          %add3A_1492 = arith.constant 10 : i32
          %add3A_1493 = arith.addi %mul3A_213, %add3A_1492 : i32
          %get3A_1494 = arith.index_cast %add3A_1493 : i32 to index
          %get3A_1495 = arith.constant 64 : index
          %get3A_1496 = tpu.vector_load %arg10[%get3A_1494, %get3A_1495] {strides = array<i32>} : memref<112x128xi32, #tpu.memory_space<vmem>>, vector<1x16xi32>,
          %get3A_1497 = vector.shape_cast %get3A_1496 : vector<1x16xi32> to vector<16xi32>
          %shift_left3A_1498 = arith.constant 16 : i32
          %shift_left3A_1499 = vector.broadcast %shift_left3A_1498 : i32 to vector<16xi32>
          %shift_left3A_1500 = arith.shli %get3A_1497, %shift_left3A_1499 : vector<16xi32>
          %bitcast_convert_type3A_1501 = tpu.bitcast %shift_left3A_1500 : vector<16xi32> -> vector<16xf32>
          %bitcast_convert_type3A_1502 = tpu.bitcast %get3A_1497 : vector<16xi32> -> vector<16xf32>
          %mul3A_1503 = arith.mulf %broadcast_in_dim3A_1431, %bitcast_convert_type3A_1501 : vector<16xf32>
          %mul3A_1504 = arith.mulf %broadcast_in_dim3A_1431, %bitcast_convert_type3A_1502 : vector<16xf32>
          %add3A_1505 = arith.addf %add3A_1382, %mul3A_1503 : vector<16xf32>
          %add3A_1506 = arith.addf %add3A_1383, %mul3A_1504 : vector<16xf32>
          %add3A_1507 = arith.constant 10 : i32
          %add3A_1508 = arith.addi %mul3A_213, %add3A_1507 : i32
          %get3A_1509 = arith.index_cast %add3A_1508 : i32 to index
          %get3A_1510 = arith.constant 80 : index
          %get3A_1511 = tpu.vector_load %arg10[%get3A_1509, %get3A_1510] {strides = array<i32>} : memref<112x128xi32, #tpu.memory_space<vmem>>, vector<1x16xi32>,
          %get3A_1512 = vector.shape_cast %get3A_1511 : vector<1x16xi32> to vector<16xi32>
          %shift_left3A_1513 = arith.constant 16 : i32
          %shift_left3A_1514 = vector.broadcast %shift_left3A_1513 : i32 to vector<16xi32>
          %shift_left3A_1515 = arith.shli %get3A_1512, %shift_left3A_1514 : vector<16xi32>
          %bitcast_convert_type3A_1516 = tpu.bitcast %shift_left3A_1515 : vector<16xi32> -> vector<16xf32>
          %bitcast_convert_type3A_1517 = tpu.bitcast %get3A_1512 : vector<16xi32> -> vector<16xf32>
          %mul3A_1518 = arith.mulf %broadcast_in_dim3A_1431, %bitcast_convert_type3A_1516 : vector<16xf32>
          %mul3A_1519 = arith.mulf %broadcast_in_dim3A_1431, %bitcast_convert_type3A_1517 : vector<16xf32>
          %add3A_1520 = arith.addf %add3A_1397, %mul3A_1518 : vector<16xf32>
          %add3A_1521 = arith.addf %add3A_1398, %mul3A_1519 : vector<16xf32>
          %add3A_1522 = arith.constant 10 : i32
          %add3A_1523 = arith.addi %mul3A_213, %add3A_1522 : i32
          %get3A_1524 = arith.index_cast %add3A_1523 : i32 to index
          %get3A_1525 = arith.constant 96 : index
          %get3A_1526 = tpu.vector_load %arg10[%get3A_1524, %get3A_1525] {strides = array<i32>} : memref<112x128xi32, #tpu.memory_space<vmem>>, vector<1x16xi32>,
          %get3A_1527 = vector.shape_cast %get3A_1526 : vector<1x16xi32> to vector<16xi32>
          %shift_left3A_1528 = arith.constant 16 : i32
          %shift_left3A_1529 = vector.broadcast %shift_left3A_1528 : i32 to vector<16xi32>
          %shift_left3A_1530 = arith.shli %get3A_1527, %shift_left3A_1529 : vector<16xi32>
          %bitcast_convert_type3A_1531 = tpu.bitcast %shift_left3A_1530 : vector<16xi32> -> vector<16xf32>
          %bitcast_convert_type3A_1532 = tpu.bitcast %get3A_1527 : vector<16xi32> -> vector<16xf32>
          %mul3A_1533 = arith.mulf %broadcast_in_dim3A_1431, %bitcast_convert_type3A_1531 : vector<16xf32>
          %mul3A_1534 = arith.mulf %broadcast_in_dim3A_1431, %bitcast_convert_type3A_1532 : vector<16xf32>
          %add3A_1535 = arith.addf %add3A_1412, %mul3A_1533 : vector<16xf32>
          %add3A_1536 = arith.addf %add3A_1413, %mul3A_1534 : vector<16xf32>
          %add3A_1537 = arith.constant 10 : i32
          %add3A_1538 = arith.addi %mul3A_213, %add3A_1537 : i32
          %get3A_1539 = arith.index_cast %add3A_1538 : i32 to index
          %get3A_1540 = arith.constant 112 : index
          %get3A_1541 = tpu.vector_load %arg10[%get3A_1539, %get3A_1540] {strides = array<i32>} : memref<112x128xi32, #tpu.memory_space<vmem>>, vector<1x16xi32>,
          %get3A_1542 = vector.shape_cast %get3A_1541 : vector<1x16xi32> to vector<16xi32>
          %shift_left3A_1543 = arith.constant 16 : i32
          %shift_left3A_1544 = vector.broadcast %shift_left3A_1543 : i32 to vector<16xi32>
          %shift_left3A_1545 = arith.shli %get3A_1542, %shift_left3A_1544 : vector<16xi32>
          %bitcast_convert_type3A_1546 = tpu.bitcast %shift_left3A_1545 : vector<16xi32> -> vector<16xf32>
          %bitcast_convert_type3A_1547 = tpu.bitcast %get3A_1542 : vector<16xi32> -> vector<16xf32>
          %mul3A_1548 = arith.mulf %broadcast_in_dim3A_1431, %bitcast_convert_type3A_1546 : vector<16xf32>
          %mul3A_1549 = arith.mulf %broadcast_in_dim3A_1431, %bitcast_convert_type3A_1547 : vector<16xf32>
          %add3A_1550 = arith.addf %add3A_1427, %mul3A_1548 : vector<16xf32>
          %add3A_1551 = arith.addf %add3A_1428, %mul3A_1549 : vector<16xf32>
          %slice3A_1552 = vector.extract_strided_slice %get3A_216 {offsets = [11], sizes = [1], strides = [1]} : vector<16xf32> to vector<1xf32>
          %broadcast_in_dim3A_1553 = vector.shape_cast %slice3A_1552 : vector<1xf32> to vector<1xf32>
          %broadcast_in_dim3A_1554 = vector.broadcast %broadcast_in_dim3A_1553 : vector<1xf32> to vector<16xf32>
          %add3A_1555 = arith.constant 11 : i32
          %add3A_1556 = arith.addi %mul3A_213, %add3A_1555 : i32
          %get3A_1557 = arith.index_cast %add3A_1556 : i32 to index
          %get3A_1558 = arith.constant 0 : index
          %get3A_1559 = tpu.vector_load %arg10[%get3A_1557, %get3A_1558] {strides = array<i32>} : memref<112x128xi32, #tpu.memory_space<vmem>>, vector<1x16xi32>,
          %get3A_1560 = vector.shape_cast %get3A_1559 : vector<1x16xi32> to vector<16xi32>
          %shift_left3A_1561 = arith.constant 16 : i32
          %shift_left3A_1562 = vector.broadcast %shift_left3A_1561 : i32 to vector<16xi32>
          %shift_left3A_1563 = arith.shli %get3A_1560, %shift_left3A_1562 : vector<16xi32>
          %bitcast_convert_type3A_1564 = tpu.bitcast %shift_left3A_1563 : vector<16xi32> -> vector<16xf32>
          %bitcast_convert_type3A_1565 = tpu.bitcast %get3A_1560 : vector<16xi32> -> vector<16xf32>
          %mul3A_1566 = arith.mulf %broadcast_in_dim3A_1554, %bitcast_convert_type3A_1564 : vector<16xf32>
          %mul3A_1567 = arith.mulf %broadcast_in_dim3A_1554, %bitcast_convert_type3A_1565 : vector<16xf32>
          %add3A_1568 = arith.addf %add3A_1445, %mul3A_1566 : vector<16xf32>
          %add3A_1569 = arith.addf %add3A_1446, %mul3A_1567 : vector<16xf32>
          %add3A_1570 = arith.constant 11 : i32
          %add3A_1571 = arith.addi %mul3A_213, %add3A_1570 : i32
          %get3A_1572 = arith.index_cast %add3A_1571 : i32 to index
          %get3A_1573 = arith.constant 16 : index
          %get3A_1574 = tpu.vector_load %arg10[%get3A_1572, %get3A_1573] {strides = array<i32>} : memref<112x128xi32, #tpu.memory_space<vmem>>, vector<1x16xi32>,
          %get3A_1575 = vector.shape_cast %get3A_1574 : vector<1x16xi32> to vector<16xi32>
          %shift_left3A_1576 = arith.constant 16 : i32
          %shift_left3A_1577 = vector.broadcast %shift_left3A_1576 : i32 to vector<16xi32>
          %shift_left3A_1578 = arith.shli %get3A_1575, %shift_left3A_1577 : vector<16xi32>
          %bitcast_convert_type3A_1579 = tpu.bitcast %shift_left3A_1578 : vector<16xi32> -> vector<16xf32>
          %bitcast_convert_type3A_1580 = tpu.bitcast %get3A_1575 : vector<16xi32> -> vector<16xf32>
          %mul3A_1581 = arith.mulf %broadcast_in_dim3A_1554, %bitcast_convert_type3A_1579 : vector<16xf32>
          %mul3A_1582 = arith.mulf %broadcast_in_dim3A_1554, %bitcast_convert_type3A_1580 : vector<16xf32>
          %add3A_1583 = arith.addf %add3A_1460, %mul3A_1581 : vector<16xf32>
          %add3A_1584 = arith.addf %add3A_1461, %mul3A_1582 : vector<16xf32>
          %add3A_1585 = arith.constant 11 : i32
          %add3A_1586 = arith.addi %mul3A_213, %add3A_1585 : i32
          %get3A_1587 = arith.index_cast %add3A_1586 : i32 to index
          %get3A_1588 = arith.constant 32 : index
          %get3A_1589 = tpu.vector_load %arg10[%get3A_1587, %get3A_1588] {strides = array<i32>} : memref<112x128xi32, #tpu.memory_space<vmem>>, vector<1x16xi32>,
          %get3A_1590 = vector.shape_cast %get3A_1589 : vector<1x16xi32> to vector<16xi32>
          %shift_left3A_1591 = arith.constant 16 : i32
          %shift_left3A_1592 = vector.broadcast %shift_left3A_1591 : i32 to vector<16xi32>
          %shift_left3A_1593 = arith.shli %get3A_1590, %shift_left3A_1592 : vector<16xi32>
          %bitcast_convert_type3A_1594 = tpu.bitcast %shift_left3A_1593 : vector<16xi32> -> vector<16xf32>
          %bitcast_convert_type3A_1595 = tpu.bitcast %get3A_1590 : vector<16xi32> -> vector<16xf32>
          %mul3A_1596 = arith.mulf %broadcast_in_dim3A_1554, %bitcast_convert_type3A_1594 : vector<16xf32>
          %mul3A_1597 = arith.mulf %broadcast_in_dim3A_1554, %bitcast_convert_type3A_1595 : vector<16xf32>
          %add3A_1598 = arith.addf %add3A_1475, %mul3A_1596 : vector<16xf32>
          %add3A_1599 = arith.addf %add3A_1476, %mul3A_1597 : vector<16xf32>
          %add3A_1600 = arith.constant 11 : i32
          %add3A_1601 = arith.addi %mul3A_213, %add3A_1600 : i32
          %get3A_1602 = arith.index_cast %add3A_1601 : i32 to index
          %get3A_1603 = arith.constant 48 : index
          %get3A_1604 = tpu.vector_load %arg10[%get3A_1602, %get3A_1603] {strides = array<i32>} : memref<112x128xi32, #tpu.memory_space<vmem>>, vector<1x16xi32>,
          %get3A_1605 = vector.shape_cast %get3A_1604 : vector<1x16xi32> to vector<16xi32>
          %shift_left3A_1606 = arith.constant 16 : i32
          %shift_left3A_1607 = vector.broadcast %shift_left3A_1606 : i32 to vector<16xi32>
          %shift_left3A_1608 = arith.shli %get3A_1605, %shift_left3A_1607 : vector<16xi32>
          %bitcast_convert_type3A_1609 = tpu.bitcast %shift_left3A_1608 : vector<16xi32> -> vector<16xf32>
          %bitcast_convert_type3A_1610 = tpu.bitcast %get3A_1605 : vector<16xi32> -> vector<16xf32>
          %mul3A_1611 = arith.mulf %broadcast_in_dim3A_1554, %bitcast_convert_type3A_1609 : vector<16xf32>
          %mul3A_1612 = arith.mulf %broadcast_in_dim3A_1554, %bitcast_convert_type3A_1610 : vector<16xf32>
          %add3A_1613 = arith.addf %add3A_1490, %mul3A_1611 : vector<16xf32>
          %add3A_1614 = arith.addf %add3A_1491, %mul3A_1612 : vector<16xf32>
          %add3A_1615 = arith.constant 11 : i32
          %add3A_1616 = arith.addi %mul3A_213, %add3A_1615 : i32
          %get3A_1617 = arith.index_cast %add3A_1616 : i32 to index
          %get3A_1618 = arith.constant 64 : index
          %get3A_1619 = tpu.vector_load %arg10[%get3A_1617, %get3A_1618] {strides = array<i32>} : memref<112x128xi32, #tpu.memory_space<vmem>>, vector<1x16xi32>,
          %get3A_1620 = vector.shape_cast %get3A_1619 : vector<1x16xi32> to vector<16xi32>
          %shift_left3A_1621 = arith.constant 16 : i32
          %shift_left3A_1622 = vector.broadcast %shift_left3A_1621 : i32 to vector<16xi32>
          %shift_left3A_1623 = arith.shli %get3A_1620, %shift_left3A_1622 : vector<16xi32>
          %bitcast_convert_type3A_1624 = tpu.bitcast %shift_left3A_1623 : vector<16xi32> -> vector<16xf32>
          %bitcast_convert_type3A_1625 = tpu.bitcast %get3A_1620 : vector<16xi32> -> vector<16xf32>
          %mul3A_1626 = arith.mulf %broadcast_in_dim3A_1554, %bitcast_convert_type3A_1624 : vector<16xf32>
          %mul3A_1627 = arith.mulf %broadcast_in_dim3A_1554, %bitcast_convert_type3A_1625 : vector<16xf32>
          %add3A_1628 = arith.addf %add3A_1505, %mul3A_1626 : vector<16xf32>
          %add3A_1629 = arith.addf %add3A_1506, %mul3A_1627 : vector<16xf32>
          %add3A_1630 = arith.constant 11 : i32
          %add3A_1631 = arith.addi %mul3A_213, %add3A_1630 : i32
          %get3A_1632 = arith.index_cast %add3A_1631 : i32 to index
          %get3A_1633 = arith.constant 80 : index
          %get3A_1634 = tpu.vector_load %arg10[%get3A_1632, %get3A_1633] {strides = array<i32>} : memref<112x128xi32, #tpu.memory_space<vmem>>, vector<1x16xi32>,
          %get3A_1635 = vector.shape_cast %get3A_1634 : vector<1x16xi32> to vector<16xi32>
          %shift_left3A_1636 = arith.constant 16 : i32
          %shift_left3A_1637 = vector.broadcast %shift_left3A_1636 : i32 to vector<16xi32>
          %shift_left3A_1638 = arith.shli %get3A_1635, %shift_left3A_1637 : vector<16xi32>
          %bitcast_convert_type3A_1639 = tpu.bitcast %shift_left3A_1638 : vector<16xi32> -> vector<16xf32>
          %bitcast_convert_type3A_1640 = tpu.bitcast %get3A_1635 : vector<16xi32> -> vector<16xf32>
          %mul3A_1641 = arith.mulf %broadcast_in_dim3A_1554, %bitcast_convert_type3A_1639 : vector<16xf32>
          %mul3A_1642 = arith.mulf %broadcast_in_dim3A_1554, %bitcast_convert_type3A_1640 : vector<16xf32>
          %add3A_1643 = arith.addf %add3A_1520, %mul3A_1641 : vector<16xf32>
          %add3A_1644 = arith.addf %add3A_1521, %mul3A_1642 : vector<16xf32>
          %add3A_1645 = arith.constant 11 : i32
          %add3A_1646 = arith.addi %mul3A_213, %add3A_1645 : i32
          %get3A_1647 = arith.index_cast %add3A_1646 : i32 to index
          %get3A_1648 = arith.constant 96 : index
          %get3A_1649 = tpu.vector_load %arg10[%get3A_1647, %get3A_1648] {strides = array<i32>} : memref<112x128xi32, #tpu.memory_space<vmem>>, vector<1x16xi32>,
          %get3A_1650 = vector.shape_cast %get3A_1649 : vector<1x16xi32> to vector<16xi32>
          %shift_left3A_1651 = arith.constant 16 : i32
          %shift_left3A_1652 = vector.broadcast %shift_left3A_1651 : i32 to vector<16xi32>
          %shift_left3A_1653 = arith.shli %get3A_1650, %shift_left3A_1652 : vector<16xi32>
          %bitcast_convert_type3A_1654 = tpu.bitcast %shift_left3A_1653 : vector<16xi32> -> vector<16xf32>
          %bitcast_convert_type3A_1655 = tpu.bitcast %get3A_1650 : vector<16xi32> -> vector<16xf32>
          %mul3A_1656 = arith.mulf %broadcast_in_dim3A_1554, %bitcast_convert_type3A_1654 : vector<16xf32>
          %mul3A_1657 = arith.mulf %broadcast_in_dim3A_1554, %bitcast_convert_type3A_1655 : vector<16xf32>
          %add3A_1658 = arith.addf %add3A_1535, %mul3A_1656 : vector<16xf32>
          %add3A_1659 = arith.addf %add3A_1536, %mul3A_1657 : vector<16xf32>
          %add3A_1660 = arith.constant 11 : i32
          %add3A_1661 = arith.addi %mul3A_213, %add3A_1660 : i32
          %get3A_1662 = arith.index_cast %add3A_1661 : i32 to index
          %get3A_1663 = arith.constant 112 : index
          %get3A_1664 = tpu.vector_load %arg10[%get3A_1662, %get3A_1663] {strides = array<i32>} : memref<112x128xi32, #tpu.memory_space<vmem>>, vector<1x16xi32>,
          %get3A_1665 = vector.shape_cast %get3A_1664 : vector<1x16xi32> to vector<16xi32>
          %shift_left3A_1666 = arith.constant 16 : i32
          %shift_left3A_1667 = vector.broadcast %shift_left3A_1666 : i32 to vector<16xi32>
          %shift_left3A_1668 = arith.shli %get3A_1665, %shift_left3A_1667 : vector<16xi32>
          %bitcast_convert_type3A_1669 = tpu.bitcast %shift_left3A_1668 : vector<16xi32> -> vector<16xf32>
          %bitcast_convert_type3A_1670 = tpu.bitcast %get3A_1665 : vector<16xi32> -> vector<16xf32>
          %mul3A_1671 = arith.mulf %broadcast_in_dim3A_1554, %bitcast_convert_type3A_1669 : vector<16xf32>
          %mul3A_1672 = arith.mulf %broadcast_in_dim3A_1554, %bitcast_convert_type3A_1670 : vector<16xf32>
          %add3A_1673 = arith.addf %add3A_1550, %mul3A_1671 : vector<16xf32>
          %add3A_1674 = arith.addf %add3A_1551, %mul3A_1672 : vector<16xf32>
          %slice3A_1675 = vector.extract_strided_slice %get3A_216 {offsets = [12], sizes = [1], strides = [1]} : vector<16xf32> to vector<1xf32>
          %broadcast_in_dim3A_1676 = vector.shape_cast %slice3A_1675 : vector<1xf32> to vector<1xf32>
          %broadcast_in_dim3A_1677 = vector.broadcast %broadcast_in_dim3A_1676 : vector<1xf32> to vector<16xf32>
          %add3A_1678 = arith.constant 12 : i32
          %add3A_1679 = arith.addi %mul3A_213, %add3A_1678 : i32
          %get3A_1680 = arith.index_cast %add3A_1679 : i32 to index
          %get3A_1681 = arith.constant 0 : index
          %get3A_1682 = tpu.vector_load %arg10[%get3A_1680, %get3A_1681] {strides = array<i32>} : memref<112x128xi32, #tpu.memory_space<vmem>>, vector<1x16xi32>,
          %get3A_1683 = vector.shape_cast %get3A_1682 : vector<1x16xi32> to vector<16xi32>
          %shift_left3A_1684 = arith.constant 16 : i32
          %shift_left3A_1685 = vector.broadcast %shift_left3A_1684 : i32 to vector<16xi32>
          %shift_left3A_1686 = arith.shli %get3A_1683, %shift_left3A_1685 : vector<16xi32>
          %bitcast_convert_type3A_1687 = tpu.bitcast %shift_left3A_1686 : vector<16xi32> -> vector<16xf32>
          %bitcast_convert_type3A_1688 = tpu.bitcast %get3A_1683 : vector<16xi32> -> vector<16xf32>
          %mul3A_1689 = arith.mulf %broadcast_in_dim3A_1677, %bitcast_convert_type3A_1687 : vector<16xf32>
          %mul3A_1690 = arith.mulf %broadcast_in_dim3A_1677, %bitcast_convert_type3A_1688 : vector<16xf32>
          %add3A_1691 = arith.addf %add3A_1568, %mul3A_1689 : vector<16xf32>
          %add3A_1692 = arith.addf %add3A_1569, %mul3A_1690 : vector<16xf32>
          %add3A_1693 = arith.constant 12 : i32
          %add3A_1694 = arith.addi %mul3A_213, %add3A_1693 : i32
          %get3A_1695 = arith.index_cast %add3A_1694 : i32 to index
          %get3A_1696 = arith.constant 16 : index
          %get3A_1697 = tpu.vector_load %arg10[%get3A_1695, %get3A_1696] {strides = array<i32>} : memref<112x128xi32, #tpu.memory_space<vmem>>, vector<1x16xi32>,
          %get3A_1698 = vector.shape_cast %get3A_1697 : vector<1x16xi32> to vector<16xi32>
          %shift_left3A_1699 = arith.constant 16 : i32
          %shift_left3A_1700 = vector.broadcast %shift_left3A_1699 : i32 to vector<16xi32>
          %shift_left3A_1701 = arith.shli %get3A_1698, %shift_left3A_1700 : vector<16xi32>
          %bitcast_convert_type3A_1702 = tpu.bitcast %shift_left3A_1701 : vector<16xi32> -> vector<16xf32>
          %bitcast_convert_type3A_1703 = tpu.bitcast %get3A_1698 : vector<16xi32> -> vector<16xf32>
          %mul3A_1704 = arith.mulf %broadcast_in_dim3A_1677, %bitcast_convert_type3A_1702 : vector<16xf32>
          %mul3A_1705 = arith.mulf %broadcast_in_dim3A_1677, %bitcast_convert_type3A_1703 : vector<16xf32>
          %add3A_1706 = arith.addf %add3A_1583, %mul3A_1704 : vector<16xf32>
          %add3A_1707 = arith.addf %add3A_1584, %mul3A_1705 : vector<16xf32>
          %add3A_1708 = arith.constant 12 : i32
          %add3A_1709 = arith.addi %mul3A_213, %add3A_1708 : i32
          %get3A_1710 = arith.index_cast %add3A_1709 : i32 to index
          %get3A_1711 = arith.constant 32 : index
          %get3A_1712 = tpu.vector_load %arg10[%get3A_1710, %get3A_1711] {strides = array<i32>} : memref<112x128xi32, #tpu.memory_space<vmem>>, vector<1x16xi32>,
          %get3A_1713 = vector.shape_cast %get3A_1712 : vector<1x16xi32> to vector<16xi32>
          %shift_left3A_1714 = arith.constant 16 : i32
          %shift_left3A_1715 = vector.broadcast %shift_left3A_1714 : i32 to vector<16xi32>
          %shift_left3A_1716 = arith.shli %get3A_1713, %shift_left3A_1715 : vector<16xi32>
          %bitcast_convert_type3A_1717 = tpu.bitcast %shift_left3A_1716 : vector<16xi32> -> vector<16xf32>
          %bitcast_convert_type3A_1718 = tpu.bitcast %get3A_1713 : vector<16xi32> -> vector<16xf32>
          %mul3A_1719 = arith.mulf %broadcast_in_dim3A_1677, %bitcast_convert_type3A_1717 : vector<16xf32>
          %mul3A_1720 = arith.mulf %broadcast_in_dim3A_1677, %bitcast_convert_type3A_1718 : vector<16xf32>
          %add3A_1721 = arith.addf %add3A_1598, %mul3A_1719 : vector<16xf32>
          %add3A_1722 = arith.addf %add3A_1599, %mul3A_1720 : vector<16xf32>
          %add3A_1723 = arith.constant 12 : i32
          %add3A_1724 = arith.addi %mul3A_213, %add3A_1723 : i32
          %get3A_1725 = arith.index_cast %add3A_1724 : i32 to index
          %get3A_1726 = arith.constant 48 : index
          %get3A_1727 = tpu.vector_load %arg10[%get3A_1725, %get3A_1726] {strides = array<i32>} : memref<112x128xi32, #tpu.memory_space<vmem>>, vector<1x16xi32>,
          %get3A_1728 = vector.shape_cast %get3A_1727 : vector<1x16xi32> to vector<16xi32>
          %shift_left3A_1729 = arith.constant 16 : i32
          %shift_left3A_1730 = vector.broadcast %shift_left3A_1729 : i32 to vector<16xi32>
          %shift_left3A_1731 = arith.shli %get3A_1728, %shift_left3A_1730 : vector<16xi32>
          %bitcast_convert_type3A_1732 = tpu.bitcast %shift_left3A_1731 : vector<16xi32> -> vector<16xf32>
          %bitcast_convert_type3A_1733 = tpu.bitcast %get3A_1728 : vector<16xi32> -> vector<16xf32>
          %mul3A_1734 = arith.mulf %broadcast_in_dim3A_1677, %bitcast_convert_type3A_1732 : vector<16xf32>
          %mul3A_1735 = arith.mulf %broadcast_in_dim3A_1677, %bitcast_convert_type3A_1733 : vector<16xf32>
          %add3A_1736 = arith.addf %add3A_1613, %mul3A_1734 : vector<16xf32>
          %add3A_1737 = arith.addf %add3A_1614, %mul3A_1735 : vector<16xf32>
          %add3A_1738 = arith.constant 12 : i32
          %add3A_1739 = arith.addi %mul3A_213, %add3A_1738 : i32
          %get3A_1740 = arith.index_cast %add3A_1739 : i32 to index
          %get3A_1741 = arith.constant 64 : index
          %get3A_1742 = tpu.vector_load %arg10[%get3A_1740, %get3A_1741] {strides = array<i32>} : memref<112x128xi32, #tpu.memory_space<vmem>>, vector<1x16xi32>,
          %get3A_1743 = vector.shape_cast %get3A_1742 : vector<1x16xi32> to vector<16xi32>
          %shift_left3A_1744 = arith.constant 16 : i32
          %shift_left3A_1745 = vector.broadcast %shift_left3A_1744 : i32 to vector<16xi32>
          %shift_left3A_1746 = arith.shli %get3A_1743, %shift_left3A_1745 : vector<16xi32>
          %bitcast_convert_type3A_1747 = tpu.bitcast %shift_left3A_1746 : vector<16xi32> -> vector<16xf32>
          %bitcast_convert_type3A_1748 = tpu.bitcast %get3A_1743 : vector<16xi32> -> vector<16xf32>
          %mul3A_1749 = arith.mulf %broadcast_in_dim3A_1677, %bitcast_convert_type3A_1747 : vector<16xf32>
          %mul3A_1750 = arith.mulf %broadcast_in_dim3A_1677, %bitcast_convert_type3A_1748 : vector<16xf32>
          %add3A_1751 = arith.addf %add3A_1628, %mul3A_1749 : vector<16xf32>
          %add3A_1752 = arith.addf %add3A_1629, %mul3A_1750 : vector<16xf32>
          %add3A_1753 = arith.constant 12 : i32
          %add3A_1754 = arith.addi %mul3A_213, %add3A_1753 : i32
          %get3A_1755 = arith.index_cast %add3A_1754 : i32 to index
          %get3A_1756 = arith.constant 80 : index
          %get3A_1757 = tpu.vector_load %arg10[%get3A_1755, %get3A_1756] {strides = array<i32>} : memref<112x128xi32, #tpu.memory_space<vmem>>, vector<1x16xi32>,
          %get3A_1758 = vector.shape_cast %get3A_1757 : vector<1x16xi32> to vector<16xi32>
          %shift_left3A_1759 = arith.constant 16 : i32
          %shift_left3A_1760 = vector.broadcast %shift_left3A_1759 : i32 to vector<16xi32>
          %shift_left3A_1761 = arith.shli %get3A_1758, %shift_left3A_1760 : vector<16xi32>
          %bitcast_convert_type3A_1762 = tpu.bitcast %shift_left3A_1761 : vector<16xi32> -> vector<16xf32>
          %bitcast_convert_type3A_1763 = tpu.bitcast %get3A_1758 : vector<16xi32> -> vector<16xf32>
          %mul3A_1764 = arith.mulf %broadcast_in_dim3A_1677, %bitcast_convert_type3A_1762 : vector<16xf32>
          %mul3A_1765 = arith.mulf %broadcast_in_dim3A_1677, %bitcast_convert_type3A_1763 : vector<16xf32>
          %add3A_1766 = arith.addf %add3A_1643, %mul3A_1764 : vector<16xf32>
          %add3A_1767 = arith.addf %add3A_1644, %mul3A_1765 : vector<16xf32>
          %add3A_1768 = arith.constant 12 : i32
          %add3A_1769 = arith.addi %mul3A_213, %add3A_1768 : i32
          %get3A_1770 = arith.index_cast %add3A_1769 : i32 to index
          %get3A_1771 = arith.constant 96 : index
          %get3A_1772 = tpu.vector_load %arg10[%get3A_1770, %get3A_1771] {strides = array<i32>} : memref<112x128xi32, #tpu.memory_space<vmem>>, vector<1x16xi32>,
          %get3A_1773 = vector.shape_cast %get3A_1772 : vector<1x16xi32> to vector<16xi32>
          %shift_left3A_1774 = arith.constant 16 : i32
          %shift_left3A_1775 = vector.broadcast %shift_left3A_1774 : i32 to vector<16xi32>
          %shift_left3A_1776 = arith.shli %get3A_1773, %shift_left3A_1775 : vector<16xi32>
          %bitcast_convert_type3A_1777 = tpu.bitcast %shift_left3A_1776 : vector<16xi32> -> vector<16xf32>
          %bitcast_convert_type3A_1778 = tpu.bitcast %get3A_1773 : vector<16xi32> -> vector<16xf32>
          %mul3A_1779 = arith.mulf %broadcast_in_dim3A_1677, %bitcast_convert_type3A_1777 : vector<16xf32>
          %mul3A_1780 = arith.mulf %broadcast_in_dim3A_1677, %bitcast_convert_type3A_1778 : vector<16xf32>
          %add3A_1781 = arith.addf %add3A_1658, %mul3A_1779 : vector<16xf32>
          %add3A_1782 = arith.addf %add3A_1659, %mul3A_1780 : vector<16xf32>
          %add3A_1783 = arith.constant 12 : i32
          %add3A_1784 = arith.addi %mul3A_213, %add3A_1783 : i32
          %get3A_1785 = arith.index_cast %add3A_1784 : i32 to index
          %get3A_1786 = arith.constant 112 : index
          %get3A_1787 = tpu.vector_load %arg10[%get3A_1785, %get3A_1786] {strides = array<i32>} : memref<112x128xi32, #tpu.memory_space<vmem>>, vector<1x16xi32>,
          %get3A_1788 = vector.shape_cast %get3A_1787 : vector<1x16xi32> to vector<16xi32>
          %shift_left3A_1789 = arith.constant 16 : i32
          %shift_left3A_1790 = vector.broadcast %shift_left3A_1789 : i32 to vector<16xi32>
          %shift_left3A_1791 = arith.shli %get3A_1788, %shift_left3A_1790 : vector<16xi32>
          %bitcast_convert_type3A_1792 = tpu.bitcast %shift_left3A_1791 : vector<16xi32> -> vector<16xf32>
          %bitcast_convert_type3A_1793 = tpu.bitcast %get3A_1788 : vector<16xi32> -> vector<16xf32>
          %mul3A_1794 = arith.mulf %broadcast_in_dim3A_1677, %bitcast_convert_type3A_1792 : vector<16xf32>
          %mul3A_1795 = arith.mulf %broadcast_in_dim3A_1677, %bitcast_convert_type3A_1793 : vector<16xf32>
          %add3A_1796 = arith.addf %add3A_1673, %mul3A_1794 : vector<16xf32>
          %add3A_1797 = arith.addf %add3A_1674, %mul3A_1795 : vector<16xf32>
          %slice3A_1798 = vector.extract_strided_slice %get3A_216 {offsets = [13], sizes = [1], strides = [1]} : vector<16xf32> to vector<1xf32>
          %broadcast_in_dim3A_1799 = vector.shape_cast %slice3A_1798 : vector<1xf32> to vector<1xf32>
          %broadcast_in_dim3A_1800 = vector.broadcast %broadcast_in_dim3A_1799 : vector<1xf32> to vector<16xf32>
          %add3A_1801 = arith.constant 13 : i32
          %add3A_1802 = arith.addi %mul3A_213, %add3A_1801 : i32
          %get3A_1803 = arith.index_cast %add3A_1802 : i32 to index
          %get3A_1804 = arith.constant 0 : index
          %get3A_1805 = tpu.vector_load %arg10[%get3A_1803, %get3A_1804] {strides = array<i32>} : memref<112x128xi32, #tpu.memory_space<vmem>>, vector<1x16xi32>,
          %get3A_1806 = vector.shape_cast %get3A_1805 : vector<1x16xi32> to vector<16xi32>
          %shift_left3A_1807 = arith.constant 16 : i32
          %shift_left3A_1808 = vector.broadcast %shift_left3A_1807 : i32 to vector<16xi32>
          %shift_left3A_1809 = arith.shli %get3A_1806, %shift_left3A_1808 : vector<16xi32>
          %bitcast_convert_type3A_1810 = tpu.bitcast %shift_left3A_1809 : vector<16xi32> -> vector<16xf32>
          %bitcast_convert_type3A_1811 = tpu.bitcast %get3A_1806 : vector<16xi32> -> vector<16xf32>
          %mul3A_1812 = arith.mulf %broadcast_in_dim3A_1800, %bitcast_convert_type3A_1810 : vector<16xf32>
          %mul3A_1813 = arith.mulf %broadcast_in_dim3A_1800, %bitcast_convert_type3A_1811 : vector<16xf32>
          %add3A_1814 = arith.addf %add3A_1691, %mul3A_1812 : vector<16xf32>
          %add3A_1815 = arith.addf %add3A_1692, %mul3A_1813 : vector<16xf32>
          %add3A_1816 = arith.constant 13 : i32
          %add3A_1817 = arith.addi %mul3A_213, %add3A_1816 : i32
          %get3A_1818 = arith.index_cast %add3A_1817 : i32 to index
          %get3A_1819 = arith.constant 16 : index
          %get3A_1820 = tpu.vector_load %arg10[%get3A_1818, %get3A_1819] {strides = array<i32>} : memref<112x128xi32, #tpu.memory_space<vmem>>, vector<1x16xi32>,
          %get3A_1821 = vector.shape_cast %get3A_1820 : vector<1x16xi32> to vector<16xi32>
          %shift_left3A_1822 = arith.constant 16 : i32
          %shift_left3A_1823 = vector.broadcast %shift_left3A_1822 : i32 to vector<16xi32>
          %shift_left3A_1824 = arith.shli %get3A_1821, %shift_left3A_1823 : vector<16xi32>
          %bitcast_convert_type3A_1825 = tpu.bitcast %shift_left3A_1824 : vector<16xi32> -> vector<16xf32>
          %bitcast_convert_type3A_1826 = tpu.bitcast %get3A_1821 : vector<16xi32> -> vector<16xf32>
          %mul3A_1827 = arith.mulf %broadcast_in_dim3A_1800, %bitcast_convert_type3A_1825 : vector<16xf32>
          %mul3A_1828 = arith.mulf %broadcast_in_dim3A_1800, %bitcast_convert_type3A_1826 : vector<16xf32>
          %add3A_1829 = arith.addf %add3A_1706, %mul3A_1827 : vector<16xf32>
          %add3A_1830 = arith.addf %add3A_1707, %mul3A_1828 : vector<16xf32>
          %add3A_1831 = arith.constant 13 : i32
          %add3A_1832 = arith.addi %mul3A_213, %add3A_1831 : i32
          %get3A_1833 = arith.index_cast %add3A_1832 : i32 to index
          %get3A_1834 = arith.constant 32 : index
          %get3A_1835 = tpu.vector_load %arg10[%get3A_1833, %get3A_1834] {strides = array<i32>} : memref<112x128xi32, #tpu.memory_space<vmem>>, vector<1x16xi32>,
          %get3A_1836 = vector.shape_cast %get3A_1835 : vector<1x16xi32> to vector<16xi32>
          %shift_left3A_1837 = arith.constant 16 : i32
          %shift_left3A_1838 = vector.broadcast %shift_left3A_1837 : i32 to vector<16xi32>
          %shift_left3A_1839 = arith.shli %get3A_1836, %shift_left3A_1838 : vector<16xi32>
          %bitcast_convert_type3A_1840 = tpu.bitcast %shift_left3A_1839 : vector<16xi32> -> vector<16xf32>
          %bitcast_convert_type3A_1841 = tpu.bitcast %get3A_1836 : vector<16xi32> -> vector<16xf32>
          %mul3A_1842 = arith.mulf %broadcast_in_dim3A_1800, %bitcast_convert_type3A_1840 : vector<16xf32>
          %mul3A_1843 = arith.mulf %broadcast_in_dim3A_1800, %bitcast_convert_type3A_1841 : vector<16xf32>
          %add3A_1844 = arith.addf %add3A_1721, %mul3A_1842 : vector<16xf32>
          %add3A_1845 = arith.addf %add3A_1722, %mul3A_1843 : vector<16xf32>
          %add3A_1846 = arith.constant 13 : i32
          %add3A_1847 = arith.addi %mul3A_213, %add3A_1846 : i32
          %get3A_1848 = arith.index_cast %add3A_1847 : i32 to index
          %get3A_1849 = arith.constant 48 : index
          %get3A_1850 = tpu.vector_load %arg10[%get3A_1848, %get3A_1849] {strides = array<i32>} : memref<112x128xi32, #tpu.memory_space<vmem>>, vector<1x16xi32>,
          %get3A_1851 = vector.shape_cast %get3A_1850 : vector<1x16xi32> to vector<16xi32>
          %shift_left3A_1852 = arith.constant 16 : i32
          %shift_left3A_1853 = vector.broadcast %shift_left3A_1852 : i32 to vector<16xi32>
          %shift_left3A_1854 = arith.shli %get3A_1851, %shift_left3A_1853 : vector<16xi32>
          %bitcast_convert_type3A_1855 = tpu.bitcast %shift_left3A_1854 : vector<16xi32> -> vector<16xf32>
          %bitcast_convert_type3A_1856 = tpu.bitcast %get3A_1851 : vector<16xi32> -> vector<16xf32>
          %mul3A_1857 = arith.mulf %broadcast_in_dim3A_1800, %bitcast_convert_type3A_1855 : vector<16xf32>
          %mul3A_1858 = arith.mulf %broadcast_in_dim3A_1800, %bitcast_convert_type3A_1856 : vector<16xf32>
          %add3A_1859 = arith.addf %add3A_1736, %mul3A_1857 : vector<16xf32>
          %add3A_1860 = arith.addf %add3A_1737, %mul3A_1858 : vector<16xf32>
          %add3A_1861 = arith.constant 13 : i32
          %add3A_1862 = arith.addi %mul3A_213, %add3A_1861 : i32
          %get3A_1863 = arith.index_cast %add3A_1862 : i32 to index
          %get3A_1864 = arith.constant 64 : index
          %get3A_1865 = tpu.vector_load %arg10[%get3A_1863, %get3A_1864] {strides = array<i32>} : memref<112x128xi32, #tpu.memory_space<vmem>>, vector<1x16xi32>,
          %get3A_1866 = vector.shape_cast %get3A_1865 : vector<1x16xi32> to vector<16xi32>
          %shift_left3A_1867 = arith.constant 16 : i32
          %shift_left3A_1868 = vector.broadcast %shift_left3A_1867 : i32 to vector<16xi32>
          %shift_left3A_1869 = arith.shli %get3A_1866, %shift_left3A_1868 : vector<16xi32>
          %bitcast_convert_type3A_1870 = tpu.bitcast %shift_left3A_1869 : vector<16xi32> -> vector<16xf32>
          %bitcast_convert_type3A_1871 = tpu.bitcast %get3A_1866 : vector<16xi32> -> vector<16xf32>
          %mul3A_1872 = arith.mulf %broadcast_in_dim3A_1800, %bitcast_convert_type3A_1870 : vector<16xf32>
          %mul3A_1873 = arith.mulf %broadcast_in_dim3A_1800, %bitcast_convert_type3A_1871 : vector<16xf32>
          %add3A_1874 = arith.addf %add3A_1751, %mul3A_1872 : vector<16xf32>
          %add3A_1875 = arith.addf %add3A_1752, %mul3A_1873 : vector<16xf32>
          %add3A_1876 = arith.constant 13 : i32
          %add3A_1877 = arith.addi %mul3A_213, %add3A_1876 : i32
          %get3A_1878 = arith.index_cast %add3A_1877 : i32 to index
          %get3A_1879 = arith.constant 80 : index
          %get3A_1880 = tpu.vector_load %arg10[%get3A_1878, %get3A_1879] {strides = array<i32>} : memref<112x128xi32, #tpu.memory_space<vmem>>, vector<1x16xi32>,
          %get3A_1881 = vector.shape_cast %get3A_1880 : vector<1x16xi32> to vector<16xi32>
          %shift_left3A_1882 = arith.constant 16 : i32
          %shift_left3A_1883 = vector.broadcast %shift_left3A_1882 : i32 to vector<16xi32>
          %shift_left3A_1884 = arith.shli %get3A_1881, %shift_left3A_1883 : vector<16xi32>
          %bitcast_convert_type3A_1885 = tpu.bitcast %shift_left3A_1884 : vector<16xi32> -> vector<16xf32>
          %bitcast_convert_type3A_1886 = tpu.bitcast %get3A_1881 : vector<16xi32> -> vector<16xf32>
          %mul3A_1887 = arith.mulf %broadcast_in_dim3A_1800, %bitcast_convert_type3A_1885 : vector<16xf32>
          %mul3A_1888 = arith.mulf %broadcast_in_dim3A_1800, %bitcast_convert_type3A_1886 : vector<16xf32>
          %add3A_1889 = arith.addf %add3A_1766, %mul3A_1887 : vector<16xf32>
          %add3A_1890 = arith.addf %add3A_1767, %mul3A_1888 : vector<16xf32>
          %add3A_1891 = arith.constant 13 : i32
          %add3A_1892 = arith.addi %mul3A_213, %add3A_1891 : i32
          %get3A_1893 = arith.index_cast %add3A_1892 : i32 to index
          %get3A_1894 = arith.constant 96 : index
          %get3A_1895 = tpu.vector_load %arg10[%get3A_1893, %get3A_1894] {strides = array<i32>} : memref<112x128xi32, #tpu.memory_space<vmem>>, vector<1x16xi32>,
          %get3A_1896 = vector.shape_cast %get3A_1895 : vector<1x16xi32> to vector<16xi32>
          %shift_left3A_1897 = arith.constant 16 : i32
          %shift_left3A_1898 = vector.broadcast %shift_left3A_1897 : i32 to vector<16xi32>
          %shift_left3A_1899 = arith.shli %get3A_1896, %shift_left3A_1898 : vector<16xi32>
          %bitcast_convert_type3A_1900 = tpu.bitcast %shift_left3A_1899 : vector<16xi32> -> vector<16xf32>
          %bitcast_convert_type3A_1901 = tpu.bitcast %get3A_1896 : vector<16xi32> -> vector<16xf32>
          %mul3A_1902 = arith.mulf %broadcast_in_dim3A_1800, %bitcast_convert_type3A_1900 : vector<16xf32>
          %mul3A_1903 = arith.mulf %broadcast_in_dim3A_1800, %bitcast_convert_type3A_1901 : vector<16xf32>
          %add3A_1904 = arith.addf %add3A_1781, %mul3A_1902 : vector<16xf32>
          %add3A_1905 = arith.addf %add3A_1782, %mul3A_1903 : vector<16xf32>
          %add3A_1906 = arith.constant 13 : i32
          %add3A_1907 = arith.addi %mul3A_213, %add3A_1906 : i32
          %get3A_1908 = arith.index_cast %add3A_1907 : i32 to index
          %get3A_1909 = arith.constant 112 : index
          %get3A_1910 = tpu.vector_load %arg10[%get3A_1908, %get3A_1909] {strides = array<i32>} : memref<112x128xi32, #tpu.memory_space<vmem>>, vector<1x16xi32>,
          %get3A_1911 = vector.shape_cast %get3A_1910 : vector<1x16xi32> to vector<16xi32>
          %shift_left3A_1912 = arith.constant 16 : i32
          %shift_left3A_1913 = vector.broadcast %shift_left3A_1912 : i32 to vector<16xi32>
          %shift_left3A_1914 = arith.shli %get3A_1911, %shift_left3A_1913 : vector<16xi32>
          %bitcast_convert_type3A_1915 = tpu.bitcast %shift_left3A_1914 : vector<16xi32> -> vector<16xf32>
          %bitcast_convert_type3A_1916 = tpu.bitcast %get3A_1911 : vector<16xi32> -> vector<16xf32>
          %mul3A_1917 = arith.mulf %broadcast_in_dim3A_1800, %bitcast_convert_type3A_1915 : vector<16xf32>
          %mul3A_1918 = arith.mulf %broadcast_in_dim3A_1800, %bitcast_convert_type3A_1916 : vector<16xf32>
          %add3A_1919 = arith.addf %add3A_1796, %mul3A_1917 : vector<16xf32>
          %add3A_1920 = arith.addf %add3A_1797, %mul3A_1918 : vector<16xf32>
          %slice3A_1921 = vector.extract_strided_slice %get3A_216 {offsets = [14], sizes = [1], strides = [1]} : vector<16xf32> to vector<1xf32>
          %broadcast_in_dim3A_1922 = vector.shape_cast %slice3A_1921 : vector<1xf32> to vector<1xf32>
          %broadcast_in_dim3A_1923 = vector.broadcast %broadcast_in_dim3A_1922 : vector<1xf32> to vector<16xf32>
          %add3A_1924 = arith.constant 14 : i32
          %add3A_1925 = arith.addi %mul3A_213, %add3A_1924 : i32
          %get3A_1926 = arith.index_cast %add3A_1925 : i32 to index
          %get3A_1927 = arith.constant 0 : index
          %get3A_1928 = tpu.vector_load %arg10[%get3A_1926, %get3A_1927] {strides = array<i32>} : memref<112x128xi32, #tpu.memory_space<vmem>>, vector<1x16xi32>,
          %get3A_1929 = vector.shape_cast %get3A_1928 : vector<1x16xi32> to vector<16xi32>
          %shift_left3A_1930 = arith.constant 16 : i32
          %shift_left3A_1931 = vector.broadcast %shift_left3A_1930 : i32 to vector<16xi32>
          %shift_left3A_1932 = arith.shli %get3A_1929, %shift_left3A_1931 : vector<16xi32>
          %bitcast_convert_type3A_1933 = tpu.bitcast %shift_left3A_1932 : vector<16xi32> -> vector<16xf32>
          %bitcast_convert_type3A_1934 = tpu.bitcast %get3A_1929 : vector<16xi32> -> vector<16xf32>
          %mul3A_1935 = arith.mulf %broadcast_in_dim3A_1923, %bitcast_convert_type3A_1933 : vector<16xf32>
          %mul3A_1936 = arith.mulf %broadcast_in_dim3A_1923, %bitcast_convert_type3A_1934 : vector<16xf32>
          %add3A_1937 = arith.addf %add3A_1814, %mul3A_1935 : vector<16xf32>
          %add3A_1938 = arith.addf %add3A_1815, %mul3A_1936 : vector<16xf32>
          %add3A_1939 = arith.constant 14 : i32
          %add3A_1940 = arith.addi %mul3A_213, %add3A_1939 : i32
          %get3A_1941 = arith.index_cast %add3A_1940 : i32 to index
          %get3A_1942 = arith.constant 16 : index
          %get3A_1943 = tpu.vector_load %arg10[%get3A_1941, %get3A_1942] {strides = array<i32>} : memref<112x128xi32, #tpu.memory_space<vmem>>, vector<1x16xi32>,
          %get3A_1944 = vector.shape_cast %get3A_1943 : vector<1x16xi32> to vector<16xi32>
          %shift_left3A_1945 = arith.constant 16 : i32
          %shift_left3A_1946 = vector.broadcast %shift_left3A_1945 : i32 to vector<16xi32>
          %shift_left3A_1947 = arith.shli %get3A_1944, %shift_left3A_1946 : vector<16xi32>
          %bitcast_convert_type3A_1948 = tpu.bitcast %shift_left3A_1947 : vector<16xi32> -> vector<16xf32>
          %bitcast_convert_type3A_1949 = tpu.bitcast %get3A_1944 : vector<16xi32> -> vector<16xf32>
          %mul3A_1950 = arith.mulf %broadcast_in_dim3A_1923, %bitcast_convert_type3A_1948 : vector<16xf32>
          %mul3A_1951 = arith.mulf %broadcast_in_dim3A_1923, %bitcast_convert_type3A_1949 : vector<16xf32>
          %add3A_1952 = arith.addf %add3A_1829, %mul3A_1950 : vector<16xf32>
          %add3A_1953 = arith.addf %add3A_1830, %mul3A_1951 : vector<16xf32>
          %add3A_1954 = arith.constant 14 : i32
          %add3A_1955 = arith.addi %mul3A_213, %add3A_1954 : i32
          %get3A_1956 = arith.index_cast %add3A_1955 : i32 to index
          %get3A_1957 = arith.constant 32 : index
          %get3A_1958 = tpu.vector_load %arg10[%get3A_1956, %get3A_1957] {strides = array<i32>} : memref<112x128xi32, #tpu.memory_space<vmem>>, vector<1x16xi32>,
          %get3A_1959 = vector.shape_cast %get3A_1958 : vector<1x16xi32> to vector<16xi32>
          %shift_left3A_1960 = arith.constant 16 : i32
          %shift_left3A_1961 = vector.broadcast %shift_left3A_1960 : i32 to vector<16xi32>
          %shift_left3A_1962 = arith.shli %get3A_1959, %shift_left3A_1961 : vector<16xi32>
          %bitcast_convert_type3A_1963 = tpu.bitcast %shift_left3A_1962 : vector<16xi32> -> vector<16xf32>
          %bitcast_convert_type3A_1964 = tpu.bitcast %get3A_1959 : vector<16xi32> -> vector<16xf32>
          %mul3A_1965 = arith.mulf %broadcast_in_dim3A_1923, %bitcast_convert_type3A_1963 : vector<16xf32>
          %mul3A_1966 = arith.mulf %broadcast_in_dim3A_1923, %bitcast_convert_type3A_1964 : vector<16xf32>
          %add3A_1967 = arith.addf %add3A_1844, %mul3A_1965 : vector<16xf32>
          %add3A_1968 = arith.addf %add3A_1845, %mul3A_1966 : vector<16xf32>
          %add3A_1969 = arith.constant 14 : i32
          %add3A_1970 = arith.addi %mul3A_213, %add3A_1969 : i32
          %get3A_1971 = arith.index_cast %add3A_1970 : i32 to index
          %get3A_1972 = arith.constant 48 : index
          %get3A_1973 = tpu.vector_load %arg10[%get3A_1971, %get3A_1972] {strides = array<i32>} : memref<112x128xi32, #tpu.memory_space<vmem>>, vector<1x16xi32>,
          %get3A_1974 = vector.shape_cast %get3A_1973 : vector<1x16xi32> to vector<16xi32>
          %shift_left3A_1975 = arith.constant 16 : i32
          %shift_left3A_1976 = vector.broadcast %shift_left3A_1975 : i32 to vector<16xi32>
          %shift_left3A_1977 = arith.shli %get3A_1974, %shift_left3A_1976 : vector<16xi32>
          %bitcast_convert_type3A_1978 = tpu.bitcast %shift_left3A_1977 : vector<16xi32> -> vector<16xf32>
          %bitcast_convert_type3A_1979 = tpu.bitcast %get3A_1974 : vector<16xi32> -> vector<16xf32>
          %mul3A_1980 = arith.mulf %broadcast_in_dim3A_1923, %bitcast_convert_type3A_1978 : vector<16xf32>
          %mul3A_1981 = arith.mulf %broadcast_in_dim3A_1923, %bitcast_convert_type3A_1979 : vector<16xf32>
          %add3A_1982 = arith.addf %add3A_1859, %mul3A_1980 : vector<16xf32>
          %add3A_1983 = arith.addf %add3A_1860, %mul3A_1981 : vector<16xf32>
          %add3A_1984 = arith.constant 14 : i32
          %add3A_1985 = arith.addi %mul3A_213, %add3A_1984 : i32
          %get3A_1986 = arith.index_cast %add3A_1985 : i32 to index
          %get3A_1987 = arith.constant 64 : index
          %get3A_1988 = tpu.vector_load %arg10[%get3A_1986, %get3A_1987] {strides = array<i32>} : memref<112x128xi32, #tpu.memory_space<vmem>>, vector<1x16xi32>,
          %get3A_1989 = vector.shape_cast %get3A_1988 : vector<1x16xi32> to vector<16xi32>
          %shift_left3A_1990 = arith.constant 16 : i32
          %shift_left3A_1991 = vector.broadcast %shift_left3A_1990 : i32 to vector<16xi32>
          %shift_left3A_1992 = arith.shli %get3A_1989, %shift_left3A_1991 : vector<16xi32>
          %bitcast_convert_type3A_1993 = tpu.bitcast %shift_left3A_1992 : vector<16xi32> -> vector<16xf32>
          %bitcast_convert_type3A_1994 = tpu.bitcast %get3A_1989 : vector<16xi32> -> vector<16xf32>
          %mul3A_1995 = arith.mulf %broadcast_in_dim3A_1923, %bitcast_convert_type3A_1993 : vector<16xf32>
          %mul3A_1996 = arith.mulf %broadcast_in_dim3A_1923, %bitcast_convert_type3A_1994 : vector<16xf32>
          %add3A_1997 = arith.addf %add3A_1874, %mul3A_1995 : vector<16xf32>
          %add3A_1998 = arith.addf %add3A_1875, %mul3A_1996 : vector<16xf32>
          %add3A_1999 = arith.constant 14 : i32
          %add3A_2000 = arith.addi %mul3A_213, %add3A_1999 : i32
          %get3A_2001 = arith.index_cast %add3A_2000 : i32 to index
          %get3A_2002 = arith.constant 80 : index
          %get3A_2003 = tpu.vector_load %arg10[%get3A_2001, %get3A_2002] {strides = array<i32>} : memref<112x128xi32, #tpu.memory_space<vmem>>, vector<1x16xi32>,
          %get3A_2004 = vector.shape_cast %get3A_2003 : vector<1x16xi32> to vector<16xi32>
          %shift_left3A_2005 = arith.constant 16 : i32
          %shift_left3A_2006 = vector.broadcast %shift_left3A_2005 : i32 to vector<16xi32>
          %shift_left3A_2007 = arith.shli %get3A_2004, %shift_left3A_2006 : vector<16xi32>
          %bitcast_convert_type3A_2008 = tpu.bitcast %shift_left3A_2007 : vector<16xi32> -> vector<16xf32>
          %bitcast_convert_type3A_2009 = tpu.bitcast %get3A_2004 : vector<16xi32> -> vector<16xf32>
          %mul3A_2010 = arith.mulf %broadcast_in_dim3A_1923, %bitcast_convert_type3A_2008 : vector<16xf32>
          %mul3A_2011 = arith.mulf %broadcast_in_dim3A_1923, %bitcast_convert_type3A_2009 : vector<16xf32>
          %add3A_2012 = arith.addf %add3A_1889, %mul3A_2010 : vector<16xf32>
          %add3A_2013 = arith.addf %add3A_1890, %mul3A_2011 : vector<16xf32>
          %add3A_2014 = arith.constant 14 : i32
          %add3A_2015 = arith.addi %mul3A_213, %add3A_2014 : i32
          %get3A_2016 = arith.index_cast %add3A_2015 : i32 to index
          %get3A_2017 = arith.constant 96 : index
          %get3A_2018 = tpu.vector_load %arg10[%get3A_2016, %get3A_2017] {strides = array<i32>} : memref<112x128xi32, #tpu.memory_space<vmem>>, vector<1x16xi32>,
          %get3A_2019 = vector.shape_cast %get3A_2018 : vector<1x16xi32> to vector<16xi32>
          %shift_left3A_2020 = arith.constant 16 : i32
          %shift_left3A_2021 = vector.broadcast %shift_left3A_2020 : i32 to vector<16xi32>
          %shift_left3A_2022 = arith.shli %get3A_2019, %shift_left3A_2021 : vector<16xi32>
          %bitcast_convert_type3A_2023 = tpu.bitcast %shift_left3A_2022 : vector<16xi32> -> vector<16xf32>
          %bitcast_convert_type3A_2024 = tpu.bitcast %get3A_2019 : vector<16xi32> -> vector<16xf32>
          %mul3A_2025 = arith.mulf %broadcast_in_dim3A_1923, %bitcast_convert_type3A_2023 : vector<16xf32>
          %mul3A_2026 = arith.mulf %broadcast_in_dim3A_1923, %bitcast_convert_type3A_2024 : vector<16xf32>
          %add3A_2027 = arith.addf %add3A_1904, %mul3A_2025 : vector<16xf32>
          %add3A_2028 = arith.addf %add3A_1905, %mul3A_2026 : vector<16xf32>
          %add3A_2029 = arith.constant 14 : i32
          %add3A_2030 = arith.addi %mul3A_213, %add3A_2029 : i32
          %get3A_2031 = arith.index_cast %add3A_2030 : i32 to index
          %get3A_2032 = arith.constant 112 : index
          %get3A_2033 = tpu.vector_load %arg10[%get3A_2031, %get3A_2032] {strides = array<i32>} : memref<112x128xi32, #tpu.memory_space<vmem>>, vector<1x16xi32>,
          %get3A_2034 = vector.shape_cast %get3A_2033 : vector<1x16xi32> to vector<16xi32>
          %shift_left3A_2035 = arith.constant 16 : i32
          %shift_left3A_2036 = vector.broadcast %shift_left3A_2035 : i32 to vector<16xi32>
          %shift_left3A_2037 = arith.shli %get3A_2034, %shift_left3A_2036 : vector<16xi32>
          %bitcast_convert_type3A_2038 = tpu.bitcast %shift_left3A_2037 : vector<16xi32> -> vector<16xf32>
          %bitcast_convert_type3A_2039 = tpu.bitcast %get3A_2034 : vector<16xi32> -> vector<16xf32>
          %mul3A_2040 = arith.mulf %broadcast_in_dim3A_1923, %bitcast_convert_type3A_2038 : vector<16xf32>
          %mul3A_2041 = arith.mulf %broadcast_in_dim3A_1923, %bitcast_convert_type3A_2039 : vector<16xf32>
          %add3A_2042 = arith.addf %add3A_1919, %mul3A_2040 : vector<16xf32>
          %add3A_2043 = arith.addf %add3A_1920, %mul3A_2041 : vector<16xf32>
          %slice3A_2044 = vector.extract_strided_slice %get3A_216 {offsets = [15], sizes = [1], strides = [1]} : vector<16xf32> to vector<1xf32>
          %broadcast_in_dim3A_2045 = vector.shape_cast %slice3A_2044 : vector<1xf32> to vector<1xf32>
          %broadcast_in_dim3A_2046 = vector.broadcast %broadcast_in_dim3A_2045 : vector<1xf32> to vector<16xf32>
          %add3A_2047 = arith.constant 15 : i32
          %add3A_2048 = arith.addi %mul3A_213, %add3A_2047 : i32
          %get3A_2049 = arith.index_cast %add3A_2048 : i32 to index
          %get3A_2050 = arith.constant 0 : index
          %get3A_2051 = tpu.vector_load %arg10[%get3A_2049, %get3A_2050] {strides = array<i32>} : memref<112x128xi32, #tpu.memory_space<vmem>>, vector<1x16xi32>,
          %get3A_2052 = vector.shape_cast %get3A_2051 : vector<1x16xi32> to vector<16xi32>
          %shift_left3A_2053 = arith.constant 16 : i32
          %shift_left3A_2054 = vector.broadcast %shift_left3A_2053 : i32 to vector<16xi32>
          %shift_left3A_2055 = arith.shli %get3A_2052, %shift_left3A_2054 : vector<16xi32>
          %bitcast_convert_type3A_2056 = tpu.bitcast %shift_left3A_2055 : vector<16xi32> -> vector<16xf32>
          %bitcast_convert_type3A_2057 = tpu.bitcast %get3A_2052 : vector<16xi32> -> vector<16xf32>
          %mul3A_2058 = arith.mulf %broadcast_in_dim3A_2046, %bitcast_convert_type3A_2056 : vector<16xf32>
          %mul3A_2059 = arith.mulf %broadcast_in_dim3A_2046, %bitcast_convert_type3A_2057 : vector<16xf32>
          %add3A_2060 = arith.addf %add3A_1937, %mul3A_2058 : vector<16xf32>
          %add3A_2061 = arith.addf %add3A_1938, %mul3A_2059 : vector<16xf32>
          %add3A_2062 = arith.constant 15 : i32
          %add3A_2063 = arith.addi %mul3A_213, %add3A_2062 : i32
          %get3A_2064 = arith.index_cast %add3A_2063 : i32 to index
          %get3A_2065 = arith.constant 16 : index
          %get3A_2066 = tpu.vector_load %arg10[%get3A_2064, %get3A_2065] {strides = array<i32>} : memref<112x128xi32, #tpu.memory_space<vmem>>, vector<1x16xi32>,
          %get3A_2067 = vector.shape_cast %get3A_2066 : vector<1x16xi32> to vector<16xi32>
          %shift_left3A_2068 = arith.constant 16 : i32
          %shift_left3A_2069 = vector.broadcast %shift_left3A_2068 : i32 to vector<16xi32>
          %shift_left3A_2070 = arith.shli %get3A_2067, %shift_left3A_2069 : vector<16xi32>
          %bitcast_convert_type3A_2071 = tpu.bitcast %shift_left3A_2070 : vector<16xi32> -> vector<16xf32>
          %bitcast_convert_type3A_2072 = tpu.bitcast %get3A_2067 : vector<16xi32> -> vector<16xf32>
          %mul3A_2073 = arith.mulf %broadcast_in_dim3A_2046, %bitcast_convert_type3A_2071 : vector<16xf32>
          %mul3A_2074 = arith.mulf %broadcast_in_dim3A_2046, %bitcast_convert_type3A_2072 : vector<16xf32>
          %add3A_2075 = arith.addf %add3A_1952, %mul3A_2073 : vector<16xf32>
          %add3A_2076 = arith.addf %add3A_1953, %mul3A_2074 : vector<16xf32>
          %add3A_2077 = arith.constant 15 : i32
          %add3A_2078 = arith.addi %mul3A_213, %add3A_2077 : i32
          %get3A_2079 = arith.index_cast %add3A_2078 : i32 to index
          %get3A_2080 = arith.constant 32 : index
          %get3A_2081 = tpu.vector_load %arg10[%get3A_2079, %get3A_2080] {strides = array<i32>} : memref<112x128xi32, #tpu.memory_space<vmem>>, vector<1x16xi32>,
          %get3A_2082 = vector.shape_cast %get3A_2081 : vector<1x16xi32> to vector<16xi32>
          %shift_left3A_2083 = arith.constant 16 : i32
          %shift_left3A_2084 = vector.broadcast %shift_left3A_2083 : i32 to vector<16xi32>
          %shift_left3A_2085 = arith.shli %get3A_2082, %shift_left3A_2084 : vector<16xi32>
          %bitcast_convert_type3A_2086 = tpu.bitcast %shift_left3A_2085 : vector<16xi32> -> vector<16xf32>
          %bitcast_convert_type3A_2087 = tpu.bitcast %get3A_2082 : vector<16xi32> -> vector<16xf32>
          %mul3A_2088 = arith.mulf %broadcast_in_dim3A_2046, %bitcast_convert_type3A_2086 : vector<16xf32>
          %mul3A_2089 = arith.mulf %broadcast_in_dim3A_2046, %bitcast_convert_type3A_2087 : vector<16xf32>
          %add3A_2090 = arith.addf %add3A_1967, %mul3A_2088 : vector<16xf32>
          %add3A_2091 = arith.addf %add3A_1968, %mul3A_2089 : vector<16xf32>
          %add3A_2092 = arith.constant 15 : i32
          %add3A_2093 = arith.addi %mul3A_213, %add3A_2092 : i32
          %get3A_2094 = arith.index_cast %add3A_2093 : i32 to index
          %get3A_2095 = arith.constant 48 : index
          %get3A_2096 = tpu.vector_load %arg10[%get3A_2094, %get3A_2095] {strides = array<i32>} : memref<112x128xi32, #tpu.memory_space<vmem>>, vector<1x16xi32>,
          %get3A_2097 = vector.shape_cast %get3A_2096 : vector<1x16xi32> to vector<16xi32>
          %shift_left3A_2098 = arith.constant 16 : i32
          %shift_left3A_2099 = vector.broadcast %shift_left3A_2098 : i32 to vector<16xi32>
          %shift_left3A_2100 = arith.shli %get3A_2097, %shift_left3A_2099 : vector<16xi32>
          %bitcast_convert_type3A_2101 = tpu.bitcast %shift_left3A_2100 : vector<16xi32> -> vector<16xf32>
          %bitcast_convert_type3A_2102 = tpu.bitcast %get3A_2097 : vector<16xi32> -> vector<16xf32>
          %mul3A_2103 = arith.mulf %broadcast_in_dim3A_2046, %bitcast_convert_type3A_2101 : vector<16xf32>
          %mul3A_2104 = arith.mulf %broadcast_in_dim3A_2046, %bitcast_convert_type3A_2102 : vector<16xf32>
          %add3A_2105 = arith.addf %add3A_1982, %mul3A_2103 : vector<16xf32>
          %add3A_2106 = arith.addf %add3A_1983, %mul3A_2104 : vector<16xf32>
          %add3A_2107 = arith.constant 15 : i32
          %add3A_2108 = arith.addi %mul3A_213, %add3A_2107 : i32
          %get3A_2109 = arith.index_cast %add3A_2108 : i32 to index
          %get3A_2110 = arith.constant 64 : index
          %get3A_2111 = tpu.vector_load %arg10[%get3A_2109, %get3A_2110] {strides = array<i32>} : memref<112x128xi32, #tpu.memory_space<vmem>>, vector<1x16xi32>,
          %get3A_2112 = vector.shape_cast %get3A_2111 : vector<1x16xi32> to vector<16xi32>
          %shift_left3A_2113 = arith.constant 16 : i32
          %shift_left3A_2114 = vector.broadcast %shift_left3A_2113 : i32 to vector<16xi32>
          %shift_left3A_2115 = arith.shli %get3A_2112, %shift_left3A_2114 : vector<16xi32>
          %bitcast_convert_type3A_2116 = tpu.bitcast %shift_left3A_2115 : vector<16xi32> -> vector<16xf32>
          %bitcast_convert_type3A_2117 = tpu.bitcast %get3A_2112 : vector<16xi32> -> vector<16xf32>
          %mul3A_2118 = arith.mulf %broadcast_in_dim3A_2046, %bitcast_convert_type3A_2116 : vector<16xf32>
          %mul3A_2119 = arith.mulf %broadcast_in_dim3A_2046, %bitcast_convert_type3A_2117 : vector<16xf32>
          %add3A_2120 = arith.addf %add3A_1997, %mul3A_2118 : vector<16xf32>
          %add3A_2121 = arith.addf %add3A_1998, %mul3A_2119 : vector<16xf32>
          %add3A_2122 = arith.constant 15 : i32
          %add3A_2123 = arith.addi %mul3A_213, %add3A_2122 : i32
          %get3A_2124 = arith.index_cast %add3A_2123 : i32 to index
          %get3A_2125 = arith.constant 80 : index
          %get3A_2126 = tpu.vector_load %arg10[%get3A_2124, %get3A_2125] {strides = array<i32>} : memref<112x128xi32, #tpu.memory_space<vmem>>, vector<1x16xi32>,
          %get3A_2127 = vector.shape_cast %get3A_2126 : vector<1x16xi32> to vector<16xi32>
          %shift_left3A_2128 = arith.constant 16 : i32
          %shift_left3A_2129 = vector.broadcast %shift_left3A_2128 : i32 to vector<16xi32>
          %shift_left3A_2130 = arith.shli %get3A_2127, %shift_left3A_2129 : vector<16xi32>
          %bitcast_convert_type3A_2131 = tpu.bitcast %shift_left3A_2130 : vector<16xi32> -> vector<16xf32>
          %bitcast_convert_type3A_2132 = tpu.bitcast %get3A_2127 : vector<16xi32> -> vector<16xf32>
          %mul3A_2133 = arith.mulf %broadcast_in_dim3A_2046, %bitcast_convert_type3A_2131 : vector<16xf32>
          %mul3A_2134 = arith.mulf %broadcast_in_dim3A_2046, %bitcast_convert_type3A_2132 : vector<16xf32>
          %add3A_2135 = arith.addf %add3A_2012, %mul3A_2133 : vector<16xf32>
          %add3A_2136 = arith.addf %add3A_2013, %mul3A_2134 : vector<16xf32>
          %add3A_2137 = arith.constant 15 : i32
          %add3A_2138 = arith.addi %mul3A_213, %add3A_2137 : i32
          %get3A_2139 = arith.index_cast %add3A_2138 : i32 to index
          %get3A_2140 = arith.constant 96 : index
          %get3A_2141 = tpu.vector_load %arg10[%get3A_2139, %get3A_2140] {strides = array<i32>} : memref<112x128xi32, #tpu.memory_space<vmem>>, vector<1x16xi32>,
          %get3A_2142 = vector.shape_cast %get3A_2141 : vector<1x16xi32> to vector<16xi32>
          %shift_left3A_2143 = arith.constant 16 : i32
          %shift_left3A_2144 = vector.broadcast %shift_left3A_2143 : i32 to vector<16xi32>
          %shift_left3A_2145 = arith.shli %get3A_2142, %shift_left3A_2144 : vector<16xi32>
          %bitcast_convert_type3A_2146 = tpu.bitcast %shift_left3A_2145 : vector<16xi32> -> vector<16xf32>
          %bitcast_convert_type3A_2147 = tpu.bitcast %get3A_2142 : vector<16xi32> -> vector<16xf32>
          %mul3A_2148 = arith.mulf %broadcast_in_dim3A_2046, %bitcast_convert_type3A_2146 : vector<16xf32>
          %mul3A_2149 = arith.mulf %broadcast_in_dim3A_2046, %bitcast_convert_type3A_2147 : vector<16xf32>
          %add3A_2150 = arith.addf %add3A_2027, %mul3A_2148 : vector<16xf32>
          %add3A_2151 = arith.addf %add3A_2028, %mul3A_2149 : vector<16xf32>
          %add3A_2152 = arith.constant 15 : i32
          %add3A_2153 = arith.addi %mul3A_213, %add3A_2152 : i32
          %get3A_2154 = arith.index_cast %add3A_2153 : i32 to index
          %get3A_2155 = arith.constant 112 : index
          %get3A_2156 = tpu.vector_load %arg10[%get3A_2154, %get3A_2155] {strides = array<i32>} : memref<112x128xi32, #tpu.memory_space<vmem>>, vector<1x16xi32>,
          %get3A_2157 = vector.shape_cast %get3A_2156 : vector<1x16xi32> to vector<16xi32>
          %shift_left3A_2158 = arith.constant 16 : i32
          %shift_left3A_2159 = vector.broadcast %shift_left3A_2158 : i32 to vector<16xi32>
          %shift_left3A_2160 = arith.shli %get3A_2157, %shift_left3A_2159 : vector<16xi32>
          %bitcast_convert_type3A_2161 = tpu.bitcast %shift_left3A_2160 : vector<16xi32> -> vector<16xf32>
          %bitcast_convert_type3A_2162 = tpu.bitcast %get3A_2157 : vector<16xi32> -> vector<16xf32>
          %mul3A_2163 = arith.mulf %broadcast_in_dim3A_2046, %bitcast_convert_type3A_2161 : vector<16xf32>
          %mul3A_2164 = arith.mulf %broadcast_in_dim3A_2046, %bitcast_convert_type3A_2162 : vector<16xf32>
          %add3A_2165 = arith.addf %add3A_2042, %mul3A_2163 : vector<16xf32>
          %add3A_2166 = arith.addf %add3A_2043, %mul3A_2164 : vector<16xf32>
          %mul3A_2167 = arith.constant 7 : i32
          %mul3A_2168 = arith.muli %scan3A_159, %mul3A_2167 : i32
          %add3A_2169 = arith.addi %mul3A_2168, %scan3A_210 : i32
          %mul3A_2170 = arith.constant 256 : i32
          %mul3A_2171 = arith.muli %add3A_2169, %mul3A_2170 : i32
          %add3A_2172 = arith.constant 0 : i32
          %add3A_2173 = arith.addi %mul3A_2171, %add3A_2172 : i32
          %swap3A = arith.index_cast %add3A_2173 : i32 to index
          %swap3A_2174 = tpu.vector_load %arg12[%swap3A] {strides = array<i32>} : memref<12544xf32, #tpu.memory_space<vmem>>, vector<16xf32>,
          %swap3A_2175 = vector.shape_cast %swap3A_2174 : vector<16xf32> to vector<16xf32>
          %swap3A_2176 = vector.shape_cast %add3A_2060 : vector<16xf32> to vector<16xf32>
          tpu.vector_store %arg12[%swap3A], %swap3A_2176 {strides = array<i32>} : memref<12544xf32, #tpu.memory_space<vmem>>, vector<16xf32>,
          %add3A_2177 = arith.constant 16 : i32
          %add3A_2178 = arith.addi %mul3A_2171, %add3A_2177 : i32
          %swap3A_2179 = arith.index_cast %add3A_2178 : i32 to index
          %swap3A_2180 = tpu.vector_load %arg12[%swap3A_2179] {strides = array<i32>} : memref<12544xf32, #tpu.memory_space<vmem>>, vector<16xf32>,
          %swap3A_2181 = vector.shape_cast %swap3A_2180 : vector<16xf32> to vector<16xf32>
          %swap3A_2182 = vector.shape_cast %add3A_2075 : vector<16xf32> to vector<16xf32>
          tpu.vector_store %arg12[%swap3A_2179], %swap3A_2182 {strides = array<i32>} : memref<12544xf32, #tpu.memory_space<vmem>>, vector<16xf32>,
          %add3A_2183 = arith.constant 32 : i32
          %add3A_2184 = arith.addi %mul3A_2171, %add3A_2183 : i32
          %swap3A_2185 = arith.index_cast %add3A_2184 : i32 to index
          %swap3A_2186 = tpu.vector_load %arg12[%swap3A_2185] {strides = array<i32>} : memref<12544xf32, #tpu.memory_space<vmem>>, vector<16xf32>,
          %swap3A_2187 = vector.shape_cast %swap3A_2186 : vector<16xf32> to vector<16xf32>
          %swap3A_2188 = vector.shape_cast %add3A_2090 : vector<16xf32> to vector<16xf32>
          tpu.vector_store %arg12[%swap3A_2185], %swap3A_2188 {strides = array<i32>} : memref<12544xf32, #tpu.memory_space<vmem>>, vector<16xf32>,
          %add3A_2189 = arith.constant 48 : i32
          %add3A_2190 = arith.addi %mul3A_2171, %add3A_2189 : i32
          %swap3A_2191 = arith.index_cast %add3A_2190 : i32 to index
          %swap3A_2192 = tpu.vector_load %arg12[%swap3A_2191] {strides = array<i32>} : memref<12544xf32, #tpu.memory_space<vmem>>, vector<16xf32>,
          %swap3A_2193 = vector.shape_cast %swap3A_2192 : vector<16xf32> to vector<16xf32>
          %swap3A_2194 = vector.shape_cast %add3A_2105 : vector<16xf32> to vector<16xf32>
          tpu.vector_store %arg12[%swap3A_2191], %swap3A_2194 {strides = array<i32>} : memref<12544xf32, #tpu.memory_space<vmem>>, vector<16xf32>,
          %add3A_2195 = arith.constant 64 : i32
          %add3A_2196 = arith.addi %mul3A_2171, %add3A_2195 : i32
          %swap3A_2197 = arith.index_cast %add3A_2196 : i32 to index
          %swap3A_2198 = tpu.vector_load %arg12[%swap3A_2197] {strides = array<i32>} : memref<12544xf32, #tpu.memory_space<vmem>>, vector<16xf32>,
          %swap3A_2199 = vector.shape_cast %swap3A_2198 : vector<16xf32> to vector<16xf32>
          %swap3A_2200 = vector.shape_cast %add3A_2120 : vector<16xf32> to vector<16xf32>
          tpu.vector_store %arg12[%swap3A_2197], %swap3A_2200 {strides = array<i32>} : memref<12544xf32, #tpu.memory_space<vmem>>, vector<16xf32>,
          %add3A_2201 = arith.constant 80 : i32
          %add3A_2202 = arith.addi %mul3A_2171, %add3A_2201 : i32
          %swap3A_2203 = arith.index_cast %add3A_2202 : i32 to index
          %swap3A_2204 = tpu.vector_load %arg12[%swap3A_2203] {strides = array<i32>} : memref<12544xf32, #tpu.memory_space<vmem>>, vector<16xf32>,
          %swap3A_2205 = vector.shape_cast %swap3A_2204 : vector<16xf32> to vector<16xf32>
          %swap3A_2206 = vector.shape_cast %add3A_2135 : vector<16xf32> to vector<16xf32>
          tpu.vector_store %arg12[%swap3A_2203], %swap3A_2206 {strides = array<i32>} : memref<12544xf32, #tpu.memory_space<vmem>>, vector<16xf32>,
          %add3A_2207 = arith.constant 96 : i32
          %add3A_2208 = arith.addi %mul3A_2171, %add3A_2207 : i32
          %swap3A_2209 = arith.index_cast %add3A_2208 : i32 to index
          %swap3A_2210 = tpu.vector_load %arg12[%swap3A_2209] {strides = array<i32>} : memref<12544xf32, #tpu.memory_space<vmem>>, vector<16xf32>,
          %swap3A_2211 = vector.shape_cast %swap3A_2210 : vector<16xf32> to vector<16xf32>
          %swap3A_2212 = vector.shape_cast %add3A_2150 : vector<16xf32> to vector<16xf32>
          tpu.vector_store %arg12[%swap3A_2209], %swap3A_2212 {strides = array<i32>} : memref<12544xf32, #tpu.memory_space<vmem>>, vector<16xf32>,
          %add3A_2213 = arith.constant 112 : i32
          %add3A_2214 = arith.addi %mul3A_2171, %add3A_2213 : i32
          %swap3A_2215 = arith.index_cast %add3A_2214 : i32 to index
          %swap3A_2216 = tpu.vector_load %arg12[%swap3A_2215] {strides = array<i32>} : memref<12544xf32, #tpu.memory_space<vmem>>, vector<16xf32>,
          %swap3A_2217 = vector.shape_cast %swap3A_2216 : vector<16xf32> to vector<16xf32>
          %swap3A_2218 = vector.shape_cast %add3A_2165 : vector<16xf32> to vector<16xf32>
          tpu.vector_store %arg12[%swap3A_2215], %swap3A_2218 {strides = array<i32>} : memref<12544xf32, #tpu.memory_space<vmem>>, vector<16xf32>,
          %add3A_2219 = arith.constant 128 : i32
          %add3A_2220 = arith.addi %mul3A_2171, %add3A_2219 : i32
          %swap3A_2221 = arith.index_cast %add3A_2220 : i32 to index
          %swap3A_2222 = tpu.vector_load %arg12[%swap3A_2221] {strides = array<i32>} : memref<12544xf32, #tpu.memory_space<vmem>>, vector<16xf32>,
          %swap3A_2223 = vector.shape_cast %swap3A_2222 : vector<16xf32> to vector<16xf32>
          %swap3A_2224 = vector.shape_cast %add3A_2061 : vector<16xf32> to vector<16xf32>
          tpu.vector_store %arg12[%swap3A_2221], %swap3A_2224 {strides = array<i32>} : memref<12544xf32, #tpu.memory_space<vmem>>, vector<16xf32>,
          %add3A_2225 = arith.constant 144 : i32
          %add3A_2226 = arith.addi %mul3A_2171, %add3A_2225 : i32
          %swap3A_2227 = arith.index_cast %add3A_2226 : i32 to index
          %swap3A_2228 = tpu.vector_load %arg12[%swap3A_2227] {strides = array<i32>} : memref<12544xf32, #tpu.memory_space<vmem>>, vector<16xf32>,
          %swap3A_2229 = vector.shape_cast %swap3A_2228 : vector<16xf32> to vector<16xf32>
          %swap3A_2230 = vector.shape_cast %add3A_2076 : vector<16xf32> to vector<16xf32>
          tpu.vector_store %arg12[%swap3A_2227], %swap3A_2230 {strides = array<i32>} : memref<12544xf32, #tpu.memory_space<vmem>>, vector<16xf32>,
          %add3A_2231 = arith.constant 160 : i32
          %add3A_2232 = arith.addi %mul3A_2171, %add3A_2231 : i32
          %swap3A_2233 = arith.index_cast %add3A_2232 : i32 to index
          %swap3A_2234 = tpu.vector_load %arg12[%swap3A_2233] {strides = array<i32>} : memref<12544xf32, #tpu.memory_space<vmem>>, vector<16xf32>,
          %swap3A_2235 = vector.shape_cast %swap3A_2234 : vector<16xf32> to vector<16xf32>
          %swap3A_2236 = vector.shape_cast %add3A_2091 : vector<16xf32> to vector<16xf32>
          tpu.vector_store %arg12[%swap3A_2233], %swap3A_2236 {strides = array<i32>} : memref<12544xf32, #tpu.memory_space<vmem>>, vector<16xf32>,
          %add3A_2237 = arith.constant 176 : i32
          %add3A_2238 = arith.addi %mul3A_2171, %add3A_2237 : i32
          %swap3A_2239 = arith.index_cast %add3A_2238 : i32 to index
          %swap3A_2240 = tpu.vector_load %arg12[%swap3A_2239] {strides = array<i32>} : memref<12544xf32, #tpu.memory_space<vmem>>, vector<16xf32>,
          %swap3A_2241 = vector.shape_cast %swap3A_2240 : vector<16xf32> to vector<16xf32>
          %swap3A_2242 = vector.shape_cast %add3A_2106 : vector<16xf32> to vector<16xf32>
          tpu.vector_store %arg12[%swap3A_2239], %swap3A_2242 {strides = array<i32>} : memref<12544xf32, #tpu.memory_space<vmem>>, vector<16xf32>,
          %add3A_2243 = arith.constant 192 : i32
          %add3A_2244 = arith.addi %mul3A_2171, %add3A_2243 : i32
          %swap3A_2245 = arith.index_cast %add3A_2244 : i32 to index
          %swap3A_2246 = tpu.vector_load %arg12[%swap3A_2245] {strides = array<i32>} : memref<12544xf32, #tpu.memory_space<vmem>>, vector<16xf32>,
          %swap3A_2247 = vector.shape_cast %swap3A_2246 : vector<16xf32> to vector<16xf32>
          %swap3A_2248 = vector.shape_cast %add3A_2121 : vector<16xf32> to vector<16xf32>
          tpu.vector_store %arg12[%swap3A_2245], %swap3A_2248 {strides = array<i32>} : memref<12544xf32, #tpu.memory_space<vmem>>, vector<16xf32>,
          %add3A_2249 = arith.constant 208 : i32
          %add3A_2250 = arith.addi %mul3A_2171, %add3A_2249 : i32
          %swap3A_2251 = arith.index_cast %add3A_2250 : i32 to index
          %swap3A_2252 = tpu.vector_load %arg12[%swap3A_2251] {strides = array<i32>} : memref<12544xf32, #tpu.memory_space<vmem>>, vector<16xf32>,
          %swap3A_2253 = vector.shape_cast %swap3A_2252 : vector<16xf32> to vector<16xf32>
          %swap3A_2254 = vector.shape_cast %add3A_2136 : vector<16xf32> to vector<16xf32>
          tpu.vector_store %arg12[%swap3A_2251], %swap3A_2254 {strides = array<i32>} : memref<12544xf32, #tpu.memory_space<vmem>>, vector<16xf32>,
          %add3A_2255 = arith.constant 224 : i32
          %add3A_2256 = arith.addi %mul3A_2171, %add3A_2255 : i32
          %swap3A_2257 = arith.index_cast %add3A_2256 : i32 to index
          %swap3A_2258 = tpu.vector_load %arg12[%swap3A_2257] {strides = array<i32>} : memref<12544xf32, #tpu.memory_space<vmem>>, vector<16xf32>,
          %swap3A_2259 = vector.shape_cast %swap3A_2258 : vector<16xf32> to vector<16xf32>
          %swap3A_2260 = vector.shape_cast %add3A_2151 : vector<16xf32> to vector<16xf32>
          tpu.vector_store %arg12[%swap3A_2257], %swap3A_2260 {strides = array<i32>} : memref<12544xf32, #tpu.memory_space<vmem>>, vector<16xf32>,
          %add3A_2261 = arith.constant 240 : i32
          %add3A_2262 = arith.addi %mul3A_2171, %add3A_2261 : i32
          %swap3A_2263 = arith.index_cast %add3A_2262 : i32 to index
          %swap3A_2264 = tpu.vector_load %arg12[%swap3A_2263] {strides = array<i32>} : memref<12544xf32, #tpu.memory_space<vmem>>, vector<16xf32>,
          %swap3A_2265 = vector.shape_cast %swap3A_2264 : vector<16xf32> to vector<16xf32>
          %swap3A_2266 = vector.shape_cast %add3A_2166 : vector<16xf32> to vector<16xf32>
          tpu.vector_store %arg12[%swap3A_2263], %swap3A_2266 {strides = array<i32>} : memref<12544xf32, #tpu.memory_space<vmem>>, vector<16xf32>,
          %scan3A_2267 = arith.constant 0 : i32
          scf.yield %scan3A_2267 : i32
        }
        %scan3A_206 = arith.constant 7 : i32
        %convert_element_type3A_207 = arith.extui %eq3A_162 : i1 to i32
        %cond3A_208 = arith.constant 0 : i32
        %cond3A_209 = arith.cmpi ne, %convert_element_type3A_207, %cond3A_208 : i32
        scf.if %cond3A_209 {
          %add3A_210 = arith.addi %mul3A_2, %scan3A_160 : i32
          %mul3A_211 = arith.constant 49 : i32
          %mul3A_212 = arith.muli %add3A_210, %mul3A_211 : i32
          %mul3A_213 = arith.constant 256 : i32
          %mul3A_214 = arith.muli %mul3A_212, %mul3A_213 : i32
          %dma_start3A_215 = tpu.memref_slice %arg4[%mul3A_214] : memref<6422528xf32, #tpu.memory_space<hbm>> -> memref<12544xf32, #tpu.memory_space<hbm>>
          %dma_start3A_216 = tpu.memref_slice %arg4[%mul3A_214] : memref<6422528xf32, #tpu.memory_space<hbm>> -> memref<12544xf32, #tpu.memory_space<hbm>>
          tpu.enqueue_dma source(%arg12 : memref<12544xf32, #tpu.memory_space<vmem>>) target(%dma_start3A_216 : memref<12544xf32, #tpu.memory_space<hbm>>) target_semaphore(%arg15 : memref<!tpu.dma_semaphore, #tpu.memory_space<semaphore_mem>>)
        } else {
        }
      } else {
      }
      %and3A_180 = arith.constant 1 : i32
      %and3A_181 = arith.andi %scan3A_158, %and3A_180 : i32
      %eq3A_182 = arith.constant 1 : i32
      %eq3A_183 = arith.cmpi eq, %and3A_181, %eq3A_182 : i32
      %convert_element_type3A_184 = arith.extui %eq3A_183 : i1 to i32
      %cond3A_185 = arith.constant 0 : i32
      %cond3A_186 = arith.cmpi ne, %convert_element_type3A_184, %cond3A_185 : i32
      scf.if %cond3A_186 {
        %dma_wait3A_187 = arith.constant 0 : i32
        %dma_wait3A_188 = arith.constant 0 : i32
        %dma_wait3A_189 = tpu.memref_slice %arg2[%dma_wait3A_187, %dma_wait3A_188] : memref<80000x128xi32, #tpu.memory_space<hbm>> -> memref<80000x128xi32, #tpu.memory_space<hbm>>
        tpu.wait_indirect_dma semaphore(%arg14 : memref<!tpu.dma_semaphore, #tpu.memory_space<semaphore_mem>>) src(%dma_wait3A_189 : memref<80000x128xi32, #tpu.memory_space<hbm>>) dst(%arg11 : memref<112x128xi32, #tpu.memory_space<vmem>>)
        %convert_element_type3A_190 = arith.extui %or3A : i1 to i32
        %cond3A_191 = arith.constant 0 : i32
        %cond3A_192 = arith.cmpi ne, %convert_element_type3A_190, %cond3A_191 : i32
        scf.if %cond3A_192 {
          %convert_element_type3A_210 = arith.extui %eq3A_162 : i1 to i32
          %cond3A_211 = arith.constant 0 : i32
          %cond3A_212 = arith.cmpi ne, %convert_element_type3A_210, %cond3A_211 : i32
          scf.if %cond3A_212 {
            %add3A_335 = arith.addi %mul3A_2, %select_n3A_173 : i32
            %mul3A_336 = arith.constant 16 : i32
            %mul3A_337 = arith.muli %add3A_335, %mul3A_336 : i32
            "tpu.region"() ({
              %run_scoped3A = tpu.sem_alloc : memref<!tpu.dma_semaphore, #tpu.memory_space<semaphore_mem>>
              %dma_start3A_338 = tpu.memref_slice %arg3[%mul3A_337] : memref<8192xf32, #tpu.memory_space<hbm>> -> memref<16xf32, #tpu.memory_space<hbm>>
              %dma_start3A_339 = tpu.memref_slice %arg3[%mul3A_337] : memref<8192xf32, #tpu.memory_space<hbm>> -> memref<16xf32, #tpu.memory_space<hbm>>
              tpu.enqueue_dma source(%dma_start3A_339 : memref<16xf32, #tpu.memory_space<hbm>>) target(%arg5 : memref<16xf32, #tpu.memory_space<vmem>>) target_semaphore(%run_scoped3A : memref<!tpu.dma_semaphore, #tpu.memory_space<semaphore_mem>>)
              %dma_wait3A_340 = tpu.memref_slice %arg3[%mul3A_337] : memref<8192xf32, #tpu.memory_space<hbm>> -> memref<16xf32, #tpu.memory_space<hbm>>
              %dma_wait3A_341 = tpu.memref_slice %arg3[%mul3A_337] : memref<8192xf32, #tpu.memory_space<hbm>> -> memref<16xf32, #tpu.memory_space<hbm>>
              tpu.wait_dma2 semaphore(%run_scoped3A : memref<!tpu.dma_semaphore, #tpu.memory_space<semaphore_mem>>) src(%dma_wait3A_341 : memref<16xf32, #tpu.memory_space<hbm>>) dst(%arg5 : memref<16xf32, #tpu.memory_space<vmem>>)
              tpu.yield
            }) : () -> ()
          } else {
          }
          %get3A_213 = arith.constant 0 : index
          %get3A_214 = tpu.vector_load %arg5[%get3A_213] {strides = array<i32>} : memref<16xf32, #tpu.memory_space<vmem>>, vector<16xf32>,
          %get3A_215 = vector.shape_cast %get3A_214 : vector<16xf32> to vector<16xf32>
          %slice3A_216 = vector.extract_strided_slice %get3A_215 {offsets = [0], sizes = [1], strides = [1]} : vector<16xf32> to vector<1xf32>
          %broadcast_in_dim3A_217 = vector.shape_cast %slice3A_216 : vector<1xf32> to vector<1xf32>
          %broadcast_in_dim3A_218 = vector.broadcast %broadcast_in_dim3A_217 : vector<1xf32> to vector<16xf32>
          %convert_element_type3A_219 = arith.fptosi %broadcast_in_dim3A_218 : vector<16xf32> to vector<16xi32>
          %slice3A_220 = vector.extract_strided_slice %get3A_215 {offsets = [1], sizes = [1], strides = [1]} : vector<16xf32> to vector<1xf32>
          %broadcast_in_dim3A_221 = vector.shape_cast %slice3A_220 : vector<1xf32> to vector<1xf32>
          %broadcast_in_dim3A_222 = vector.broadcast %broadcast_in_dim3A_221 : vector<1xf32> to vector<16xf32>
          %mul3A_223 = arith.constant 2.500000e-01 : f32
          %mul3A_224 = vector.broadcast %mul3A_223 : f32 to vector<16xf32>
          %mul3A_225 = arith.mulf %broadcast_in_dim3A_222, %mul3A_224 : vector<16xf32>
          %sub3A_226 = arith.constant 5.000000e-01 : f32
          %sub3A_227 = vector.broadcast %sub3A_226 : f32 to vector<16xf32>
          %sub3A_228 = arith.subf %mul3A_225, %sub3A_227 : vector<16xf32>
          %slice3A_229 = vector.extract_strided_slice %get3A_215 {offsets = [2], sizes = [1], strides = [1]} : vector<16xf32> to vector<1xf32>
          %broadcast_in_dim3A_230 = vector.shape_cast %slice3A_229 : vector<1xf32> to vector<1xf32>
          %broadcast_in_dim3A_231 = vector.broadcast %broadcast_in_dim3A_230 : vector<1xf32> to vector<16xf32>
          %mul3A_232 = arith.constant 2.500000e-01 : f32
          %mul3A_233 = vector.broadcast %mul3A_232 : f32 to vector<16xf32>
          %mul3A_234 = arith.mulf %broadcast_in_dim3A_231, %mul3A_233 : vector<16xf32>
          %sub3A_235 = arith.constant 5.000000e-01 : f32
          %sub3A_236 = vector.broadcast %sub3A_235 : f32 to vector<16xf32>
          %sub3A_237 = arith.subf %mul3A_234, %sub3A_236 : vector<16xf32>
          %slice3A_238 = vector.extract_strided_slice %get3A_215 {offsets = [3], sizes = [1], strides = [1]} : vector<16xf32> to vector<1xf32>
          %broadcast_in_dim3A_239 = vector.shape_cast %slice3A_238 : vector<1xf32> to vector<1xf32>
          %broadcast_in_dim3A_240 = vector.broadcast %broadcast_in_dim3A_239 : vector<1xf32> to vector<16xf32>
          %mul3A_241 = arith.constant 2.500000e-01 : f32
          %mul3A_242 = vector.broadcast %mul3A_241 : f32 to vector<16xf32>
          %mul3A_243 = arith.mulf %broadcast_in_dim3A_240, %mul3A_242 : vector<16xf32>
          %sub3A_244 = arith.constant 5.000000e-01 : f32
          %sub3A_245 = vector.broadcast %sub3A_244 : f32 to vector<16xf32>
          %sub3A_246 = arith.subf %mul3A_243, %sub3A_245 : vector<16xf32>
          %slice3A_247 = vector.extract_strided_slice %get3A_215 {offsets = [4], sizes = [1], strides = [1]} : vector<16xf32> to vector<1xf32>
          %broadcast_in_dim3A_248 = vector.shape_cast %slice3A_247 : vector<1xf32> to vector<1xf32>
          %broadcast_in_dim3A_249 = vector.broadcast %broadcast_in_dim3A_248 : vector<1xf32> to vector<16xf32>
          %mul3A_250 = arith.constant 2.500000e-01 : f32
          %mul3A_251 = vector.broadcast %mul3A_250 : f32 to vector<16xf32>
          %mul3A_252 = arith.mulf %broadcast_in_dim3A_249, %mul3A_251 : vector<16xf32>
          %sub3A_253 = arith.constant 5.000000e-01 : f32
          %sub3A_254 = vector.broadcast %sub3A_253 : f32 to vector<16xf32>
          %sub3A_255 = arith.subf %mul3A_252, %sub3A_254 : vector<16xf32>
          %sub3A_256 = arith.subf %sub3A_255, %sub3A_237 : vector<16xf32>
          %mul3A_257 = arith.constant 0.142857149 : f32
          %mul3A_258 = vector.broadcast %mul3A_257 : f32 to vector<16xf32>
          %mul3A_259 = arith.mulf %sub3A_256, %mul3A_258 : vector<16xf32>
          %sub3A_260 = arith.subf %sub3A_246, %sub3A_228 : vector<16xf32>
          %mul3A_261 = arith.constant 0.142857149 : f32
          %mul3A_262 = vector.broadcast %mul3A_261 : f32 to vector<16xf32>
          %mul3A_263 = arith.mulf %sub3A_260, %mul3A_262 : vector<16xf32>
          %mul3A_264 = arith.constant 40000 : i32
          %mul3A_265 = vector.broadcast %mul3A_264 : i32 to vector<16xi32>
          %mul3A_266 = arith.muli %convert_element_type3A_219, %mul3A_265 : vector<16xi32>
          %broadcast_in_dim3A_267 = vector.broadcast %select_n3A_170 : i32 to vector<16xi32>
          %convert_element_type3A_268 = arith.sitofp %broadcast_in_dim3A_267 : vector<16xi32> to vector<16xf32>
          %mul3A_269 = arith.constant 2.000000e+00 : f32
          %mul3A_270 = vector.broadcast %mul3A_269 : f32 to vector<16xf32>
          %mul3A_271 = arith.mulf %convert_element_type3A_268, %mul3A_270 : vector<16xf32>
          %add3A_272 = arith.addf %mul3A_271, %convert_element_type3A : vector<16xf32>
          %add3A_273 = arith.constant 5.000000e-01 : f32
          %add3A_274 = vector.broadcast %add3A_273 : f32 to vector<16xf32>
          %add3A_275 = arith.addf %add3A_272, %add3A_274 : vector<16xf32>
          %mul3A_276 = arith.constant 5.000000e-01 : f32
          %mul3A_277 = vector.broadcast %mul3A_276 : f32 to vector<16xf32>
          %mul3A_278 = arith.mulf %add3A_275, %mul3A_277 : vector<16xf32>
          %mul3A_279 = arith.mulf %mul3A_278, %mul3A_259 : vector<16xf32>
          %add3A_280 = arith.addf %sub3A_237, %mul3A_279 : vector<16xf32>
          %ge3A_281 = arith.constant -1.000000e+00 : f32
          %ge3A_282 = vector.broadcast %ge3A_281 : f32 to vector<16xf32>
          %ge3A_283 = arith.cmpf oge, %add3A_280, %ge3A_282 : vector<16xf32>
          %le3A_284 = arith.constant 2.000000e+02 : f32
          %le3A_285 = vector.broadcast %le3A_284 : f32 to vector<16xf32>
          %le3A_286 = arith.cmpf ole, %add3A_280, %le3A_285 : vector<16xf32>
          %and3A_287 = arith.andi %ge3A_283, %le3A_286 : vector<16xi1>
          %jit3A_288 = arith.constant 1.000000e+00 : f32
          %jit3A_289 = arith.constant 0.000000e+00 : f32
          %broadcast_in_dim3A_290 = vector.broadcast %jit3A_288 : f32 to vector<16xf32>
          %broadcast_in_dim3A_291 = vector.broadcast %jit3A_289 : f32 to vector<16xf32>
          %select_n3A_292 = arith.select %and3A_287, %broadcast_in_dim3A_290, %broadcast_in_dim3A_291 : vector<16xi1>, vector<16xf32>
          %max3A_293 = arith.constant 0.000000e+00 : f32
          %max3A_294 = vector.broadcast %max3A_293 : f32 to vector<16xf32>
          %max3A_295 = arith.maximumf %add3A_280, %max3A_294 : vector<16xf32>
          %convert_element_type3A_296 = arith.fptosi %max3A_295 : vector<16xf32> to vector<16xi32>
          %ge3A_297 = arith.constant 199 : i32
          %ge3A_298 = vector.broadcast %ge3A_297 : i32 to vector<16xi32>
          %ge3A_299 = arith.cmpi sge, %convert_element_type3A_296, %ge3A_298 : vector<16xi32>
          %jit3A_300 = arith.constant 1.990000e+02 : f32
          %broadcast_in_dim3A_301 = vector.broadcast %jit3A_300 : f32 to vector<16xf32>
          %select_n3A_302 = arith.select %ge3A_299, %broadcast_in_dim3A_301, %max3A_295 : vector<16xi1>, vector<16xf32>
          %jit3A_303 = arith.constant 199 : i32
          %broadcast_in_dim3A_304 = vector.broadcast %jit3A_303 : i32 to vector<16xi32>
          %select_n3A_305 = arith.select %ge3A_299, %broadcast_in_dim3A_304, %convert_element_type3A_296 : vector<16xi1>, vector<16xi32>
          %convert_element_type3A_306 = arith.sitofp %select_n3A_305 : vector<16xi32> to vector<16xf32>
          %sub3A_307 = arith.subf %select_n3A_302, %convert_element_type3A_306 : vector<16xf32>
          %sub3A_308 = arith.constant 1.000000e+00 : f32
          %sub3A_309 = vector.broadcast %sub3A_308 : f32 to vector<16xf32>
          %sub3A_310 = arith.subf %sub3A_309, %sub3A_307 : vector<16xf32>
          %mul3A_311 = arith.mulf %sub3A_310, %select_n3A_292 : vector<16xf32>
          %mul3A_312 = arith.mulf %sub3A_307, %select_n3A_292 : vector<16xf32>
          %add3A_313 = arith.addi %select_n3A_305, %and3A_19 : vector<16xi32>
          %min3A_314 = arith.constant 199 : i32
          %min3A_315 = vector.broadcast %min3A_314 : i32 to vector<16xi32>
          %min3A_316 = arith.minsi %add3A_313, %min3A_315 : vector<16xi32>
          %select_n3A_317 = arith.select %eq3A_24, %mul3A_312, %mul3A_311 : vector<16xi1>, vector<16xf32>
          %mul3A_318 = arith.constant 2.500000e-01 : f32
          %mul3A_319 = vector.broadcast %mul3A_318 : f32 to vector<16xf32>
          %mul3A_320 = arith.mulf %select_n3A_317, %mul3A_319 : vector<16xf32>
          %mul3A_321 = arith.constant 200 : i32
          %mul3A_322 = vector.broadcast %mul3A_321 : i32 to vector<16xi32>
          %mul3A_323 = arith.muli %min3A_316, %mul3A_322 : vector<16xi32>
          %add3A_324 = arith.addi %mul3A_266, %mul3A_323 : vector<16xi32>
          %scan3A_325 = arith.constant 0 : i32
          %scan3A_326 = arith.constant 0 : i32
          %scan3A_327 = arith.constant 7 : i32
          %scan3A_328 = arith.addi %scan3A_326, %scan3A_327 : i32
          %scan3A_329 = arith.constant 1 : i32
          %scan3A_330 = scf.for %scan3A_335 = %scan3A_326 to %scan3A_328 step %scan3A_329 iter_args(%scan3A_336 = %scan3A_325) -> (i32)  : i32 {
            %broadcast_in_dim3A_337 = vector.broadcast %scan3A_335 : i32 to vector<16xi32>
            %convert_element_type3A_338 = arith.sitofp %broadcast_in_dim3A_337 : vector<16xi32> to vector<16xf32>
            %mul3A_339 = arith.constant 2.000000e+00 : f32
            %mul3A_340 = vector.broadcast %mul3A_339 : f32 to vector<16xf32>
            %mul3A_341 = arith.mulf %convert_element_type3A_338, %mul3A_340 : vector<16xf32>
            %add3A_342 = arith.addf %mul3A_341, %convert_element_type3A_13 : vector<16xf32>
            %add3A_343 = arith.constant 5.000000e-01 : f32
            %add3A_344 = vector.broadcast %add3A_343 : f32 to vector<16xf32>
            %add3A_345 = arith.addf %add3A_342, %add3A_344 : vector<16xf32>
            %mul3A_346 = arith.constant 5.000000e-01 : f32
            %mul3A_347 = vector.broadcast %mul3A_346 : f32 to vector<16xf32>
            %mul3A_348 = arith.mulf %add3A_345, %mul3A_347 : vector<16xf32>
            %mul3A_349 = arith.mulf %mul3A_348, %mul3A_263 : vector<16xf32>
            %add3A_350 = arith.addf %sub3A_228, %mul3A_349 : vector<16xf32>
            %ge3A_351 = arith.constant -1.000000e+00 : f32
            %ge3A_352 = vector.broadcast %ge3A_351 : f32 to vector<16xf32>
            %ge3A_353 = arith.cmpf oge, %add3A_350, %ge3A_352 : vector<16xf32>
            %le3A_354 = arith.constant 2.000000e+02 : f32
            %le3A_355 = vector.broadcast %le3A_354 : f32 to vector<16xf32>
            %le3A_356 = arith.cmpf ole, %add3A_350, %le3A_355 : vector<16xf32>
            %and3A_357 = arith.andi %ge3A_353, %le3A_356 : vector<16xi1>
            %jit3A_358 = arith.constant 1.000000e+00 : f32
            %jit3A_359 = arith.constant 0.000000e+00 : f32
            %broadcast_in_dim3A_360 = vector.broadcast %jit3A_358 : f32 to vector<16xf32>
            %broadcast_in_dim3A_361 = vector.broadcast %jit3A_359 : f32 to vector<16xf32>
            %select_n3A_362 = arith.select %and3A_357, %broadcast_in_dim3A_360, %broadcast_in_dim3A_361 : vector<16xi1>, vector<16xf32>
            %max3A_363 = arith.constant 0.000000e+00 : f32
            %max3A_364 = vector.broadcast %max3A_363 : f32 to vector<16xf32>
            %max3A_365 = arith.maximumf %add3A_350, %max3A_364 : vector<16xf32>
            %convert_element_type3A_366 = arith.fptosi %max3A_365 : vector<16xf32> to vector<16xi32>
            %ge3A_367 = arith.constant 199 : i32
            %ge3A_368 = vector.broadcast %ge3A_367 : i32 to vector<16xi32>
            %ge3A_369 = arith.cmpi sge, %convert_element_type3A_366, %ge3A_368 : vector<16xi32>
            %jit3A_370 = arith.constant 1.990000e+02 : f32
            %broadcast_in_dim3A_371 = vector.broadcast %jit3A_370 : f32 to vector<16xf32>
            %select_n3A_372 = arith.select %ge3A_369, %broadcast_in_dim3A_371, %max3A_365 : vector<16xi1>, vector<16xf32>
            %jit3A_373 = arith.constant 199 : i32
            %broadcast_in_dim3A_374 = vector.broadcast %jit3A_373 : i32 to vector<16xi32>
            %select_n3A_375 = arith.select %ge3A_369, %broadcast_in_dim3A_374, %convert_element_type3A_366 : vector<16xi1>, vector<16xi32>
            %convert_element_type3A_376 = arith.sitofp %select_n3A_375 : vector<16xi32> to vector<16xf32>
            %sub3A_377 = arith.subf %select_n3A_372, %convert_element_type3A_376 : vector<16xf32>
            %sub3A_378 = arith.constant 1.000000e+00 : f32
            %sub3A_379 = vector.broadcast %sub3A_378 : f32 to vector<16xf32>
            %sub3A_380 = arith.subf %sub3A_379, %sub3A_377 : vector<16xf32>
            %mul3A_381 = arith.mulf %sub3A_380, %select_n3A_362 : vector<16xf32>
            %mul3A_382 = arith.mulf %sub3A_377, %select_n3A_362 : vector<16xf32>
            %add3A_383 = arith.addi %select_n3A_375, %and3A_22 : vector<16xi32>
            %min3A_384 = arith.constant 199 : i32
            %min3A_385 = vector.broadcast %min3A_384 : i32 to vector<16xi32>
            %min3A_386 = arith.minsi %add3A_383, %min3A_385 : vector<16xi32>
            %select_n3A_387 = arith.select %eq3A_27, %mul3A_382, %mul3A_381 : vector<16xi1>, vector<16xf32>
            %add3A_388 = arith.addi %add3A_324, %min3A_386 : vector<16xi32>
            %mul3A_389 = arith.constant 16 : i32
            %mul3A_390 = arith.muli %scan3A_335, %mul3A_389 : i32
            %swap3A = arith.index_cast %mul3A_390 : i32 to index
            %swap3A_391 = tpu.vector_load %arg6[%swap3A] {strides = array<i32>} : memref<112xi32, #tpu.memory_space<vmem>>, vector<16xi32>,
            %swap3A_392 = vector.shape_cast %swap3A_391 : vector<16xi32> to vector<16xi32>
            %swap3A_393 = vector.shape_cast %add3A_388 : vector<16xi32> to vector<16xi32>
            tpu.vector_store %arg6[%swap3A], %swap3A_393 {strides = array<i32>} : memref<112xi32, #tpu.memory_space<vmem>>, vector<16xi32>,
            %mul3A_394 = arith.mulf %mul3A_320, %select_n3A_387 : vector<16xf32>
            %mul3A_395 = arith.constant 16 : i32
            %mul3A_396 = arith.muli %scan3A_335, %mul3A_395 : i32
            %swap3A_397 = arith.index_cast %mul3A_396 : i32 to index
            %swap3A_398 = tpu.vector_load %arg8[%swap3A_397] {strides = array<i32>} : memref<112xf32, #tpu.memory_space<vmem>>, vector<16xf32>,
            %swap3A_399 = vector.shape_cast %swap3A_398 : vector<16xf32> to vector<16xf32>
            %swap3A_400 = vector.shape_cast %mul3A_394 : vector<16xf32> to vector<16xf32>
            tpu.vector_store %arg8[%swap3A_397], %swap3A_400 {strides = array<i32>} : memref<112xf32, #tpu.memory_space<vmem>>, vector<16xf32>,
            %scan3A_401 = arith.constant 0 : i32
            scf.yield %scan3A_401 : i32
          }
          %scan3A_331 = arith.constant 7 : i32
          %dma_start3A_332 = arith.constant 0 : i32
          %dma_start3A_333 = arith.constant 0 : i32
          %dma_start3A_334 = tpu.memref_slice %arg2[%dma_start3A_332, %dma_start3A_333] : memref<80000x128xi32, #tpu.memory_space<hbm>> -> memref<80000x128xi32, #tpu.memory_space<hbm>>
          tpu.enqueue_indirect_dma source(%dma_start3A_334 : memref<80000x128xi32, #tpu.memory_space<hbm>>) target(%arg10 : memref<112x128xi32, #tpu.memory_space<vmem>>) offsets(%arg6 : memref<112xi32, #tpu.memory_space<vmem>>) semaphore(%arg13 : memref<!tpu.dma_semaphore, #tpu.memory_space<semaphore_mem>>)
        } else {
        }
        %eq3A_193 = arith.constant 0 : i32
        %eq3A_194 = arith.cmpi eq, %scan3A_159, %eq3A_193 : i32
        %gt3A = arith.constant 0 : i32
        %gt3A_195 = arith.cmpi sgt, %scan3A_160, %gt3A : i32
        %and3A_196 = arith.andi %eq3A_194, %gt3A_195 : i1
        %convert_element_type3A_197 = arith.extui %and3A_196 : i1 to i32
        %cond3A_198 = arith.constant 0 : i32
        %cond3A_199 = arith.cmpi ne, %convert_element_type3A_197, %cond3A_198 : i32
        scf.if %cond3A_199 {
          %sub3A_210 = arith.constant 1 : i32
          %sub3A_211 = arith.subi %scan3A_160, %sub3A_210 : i32
          %add3A_212 = arith.addi %mul3A_2, %sub3A_211 : i32
          %mul3A_213 = arith.constant 49 : i32
          %mul3A_214 = arith.muli %add3A_212, %mul3A_213 : i32
          %mul3A_215 = arith.constant 256 : i32
          %mul3A_216 = arith.muli %mul3A_214, %mul3A_215 : i32
          %dma_wait3A_217 = tpu.memref_slice %arg4[%mul3A_216] : memref<6422528xf32, #tpu.memory_space<hbm>> -> memref<12544xf32, #tpu.memory_space<hbm>>
          %dma_wait3A_218 = tpu.memref_slice %arg4[%mul3A_216] : memref<6422528xf32, #tpu.memory_space<hbm>> -> memref<12544xf32, #tpu.memory_space<hbm>>
          tpu.wait_dma2 semaphore(%arg15 : memref<!tpu.dma_semaphore, #tpu.memory_space<semaphore_mem>>) src(%arg12 : memref<12544xf32, #tpu.memory_space<vmem>>) dst(%dma_wait3A_218 : memref<12544xf32, #tpu.memory_space<hbm>>)
        } else {
        }
        %scan3A_200 = arith.constant 0 : i32
        %scan3A_201 = arith.constant 0 : i32
        %scan3A_202 = arith.constant 7 : i32
        %scan3A_203 = arith.addi %scan3A_201, %scan3A_202 : i32
        %scan3A_204 = arith.constant 1 : i32
        %scan3A_205 = scf.for %scan3A_210 = %scan3A_201 to %scan3A_203 step %scan3A_204 iter_args(%scan3A_211 = %scan3A_200) -> (i32)  : i32 {
          %mul3A_212 = arith.constant 16 : i32
          %mul3A_213 = arith.muli %scan3A_210, %mul3A_212 : i32
          %get3A_214 = arith.index_cast %mul3A_213 : i32 to index
          %get3A_215 = tpu.vector_load %arg9[%get3A_214] {strides = array<i32>} : memref<112xf32, #tpu.memory_space<vmem>>, vector<16xf32>,
          %get3A_216 = vector.shape_cast %get3A_215 : vector<16xf32> to vector<16xf32>
          %slice3A_217 = vector.extract_strided_slice %get3A_216 {offsets = [0], sizes = [1], strides = [1]} : vector<16xf32> to vector<1xf32>
          %broadcast_in_dim3A_218 = vector.shape_cast %slice3A_217 : vector<1xf32> to vector<1xf32>
          %broadcast_in_dim3A_219 = vector.broadcast %broadcast_in_dim3A_218 : vector<1xf32> to vector<16xf32>
          %add3A_220 = arith.constant 0 : i32
          %add3A_221 = arith.addi %mul3A_213, %add3A_220 : i32
          %get3A_222 = arith.index_cast %add3A_221 : i32 to index
          %get3A_223 = arith.constant 0 : index
          %get3A_224 = tpu.vector_load %arg11[%get3A_222, %get3A_223] {strides = array<i32>} : memref<112x128xi32, #tpu.memory_space<vmem>>, vector<1x16xi32>,
          %get3A_225 = vector.shape_cast %get3A_224 : vector<1x16xi32> to vector<16xi32>
          %shift_left3A = arith.constant 16 : i32
          %shift_left3A_226 = vector.broadcast %shift_left3A : i32 to vector<16xi32>
          %shift_left3A_227 = arith.shli %get3A_225, %shift_left3A_226 : vector<16xi32>
          %bitcast_convert_type3A = tpu.bitcast %shift_left3A_227 : vector<16xi32> -> vector<16xf32>
          %bitcast_convert_type3A_228 = tpu.bitcast %get3A_225 : vector<16xi32> -> vector<16xf32>
          %mul3A_229 = arith.mulf %broadcast_in_dim3A_219, %bitcast_convert_type3A : vector<16xf32>
          %mul3A_230 = arith.mulf %broadcast_in_dim3A_219, %bitcast_convert_type3A_228 : vector<16xf32>
          %add3A_231 = arith.constant 0 : i32
          %add3A_232 = arith.addi %mul3A_213, %add3A_231 : i32
          %get3A_233 = arith.index_cast %add3A_232 : i32 to index
          %get3A_234 = arith.constant 16 : index
          %get3A_235 = tpu.vector_load %arg11[%get3A_233, %get3A_234] {strides = array<i32>} : memref<112x128xi32, #tpu.memory_space<vmem>>, vector<1x16xi32>,
          %get3A_236 = vector.shape_cast %get3A_235 : vector<1x16xi32> to vector<16xi32>
          %shift_left3A_237 = arith.constant 16 : i32
          %shift_left3A_238 = vector.broadcast %shift_left3A_237 : i32 to vector<16xi32>
          %shift_left3A_239 = arith.shli %get3A_236, %shift_left3A_238 : vector<16xi32>
          %bitcast_convert_type3A_240 = tpu.bitcast %shift_left3A_239 : vector<16xi32> -> vector<16xf32>
          %bitcast_convert_type3A_241 = tpu.bitcast %get3A_236 : vector<16xi32> -> vector<16xf32>
          %mul3A_242 = arith.mulf %broadcast_in_dim3A_219, %bitcast_convert_type3A_240 : vector<16xf32>
          %mul3A_243 = arith.mulf %broadcast_in_dim3A_219, %bitcast_convert_type3A_241 : vector<16xf32>
          %add3A_244 = arith.constant 0 : i32
          %add3A_245 = arith.addi %mul3A_213, %add3A_244 : i32
          %get3A_246 = arith.index_cast %add3A_245 : i32 to index
          %get3A_247 = arith.constant 32 : index
          %get3A_248 = tpu.vector_load %arg11[%get3A_246, %get3A_247] {strides = array<i32>} : memref<112x128xi32, #tpu.memory_space<vmem>>, vector<1x16xi32>,
          %get3A_249 = vector.shape_cast %get3A_248 : vector<1x16xi32> to vector<16xi32>
          %shift_left3A_250 = arith.constant 16 : i32
          %shift_left3A_251 = vector.broadcast %shift_left3A_250 : i32 to vector<16xi32>
          %shift_left3A_252 = arith.shli %get3A_249, %shift_left3A_251 : vector<16xi32>
          %bitcast_convert_type3A_253 = tpu.bitcast %shift_left3A_252 : vector<16xi32> -> vector<16xf32>
          %bitcast_convert_type3A_254 = tpu.bitcast %get3A_249 : vector<16xi32> -> vector<16xf32>
          %mul3A_255 = arith.mulf %broadcast_in_dim3A_219, %bitcast_convert_type3A_253 : vector<16xf32>
          %mul3A_256 = arith.mulf %broadcast_in_dim3A_219, %bitcast_convert_type3A_254 : vector<16xf32>
          %add3A_257 = arith.constant 0 : i32
          %add3A_258 = arith.addi %mul3A_213, %add3A_257 : i32
          %get3A_259 = arith.index_cast %add3A_258 : i32 to index
          %get3A_260 = arith.constant 48 : index
          %get3A_261 = tpu.vector_load %arg11[%get3A_259, %get3A_260] {strides = array<i32>} : memref<112x128xi32, #tpu.memory_space<vmem>>, vector<1x16xi32>,
          %get3A_262 = vector.shape_cast %get3A_261 : vector<1x16xi32> to vector<16xi32>
          %shift_left3A_263 = arith.constant 16 : i32
          %shift_left3A_264 = vector.broadcast %shift_left3A_263 : i32 to vector<16xi32>
          %shift_left3A_265 = arith.shli %get3A_262, %shift_left3A_264 : vector<16xi32>
          %bitcast_convert_type3A_266 = tpu.bitcast %shift_left3A_265 : vector<16xi32> -> vector<16xf32>
          %bitcast_convert_type3A_267 = tpu.bitcast %get3A_262 : vector<16xi32> -> vector<16xf32>
          %mul3A_268 = arith.mulf %broadcast_in_dim3A_219, %bitcast_convert_type3A_266 : vector<16xf32>
          %mul3A_269 = arith.mulf %broadcast_in_dim3A_219, %bitcast_convert_type3A_267 : vector<16xf32>
          %add3A_270 = arith.constant 0 : i32
          %add3A_271 = arith.addi %mul3A_213, %add3A_270 : i32
          %get3A_272 = arith.index_cast %add3A_271 : i32 to index
          %get3A_273 = arith.constant 64 : index
          %get3A_274 = tpu.vector_load %arg11[%get3A_272, %get3A_273] {strides = array<i32>} : memref<112x128xi32, #tpu.memory_space<vmem>>, vector<1x16xi32>,
          %get3A_275 = vector.shape_cast %get3A_274 : vector<1x16xi32> to vector<16xi32>
          %shift_left3A_276 = arith.constant 16 : i32
          %shift_left3A_277 = vector.broadcast %shift_left3A_276 : i32 to vector<16xi32>
          %shift_left3A_278 = arith.shli %get3A_275, %shift_left3A_277 : vector<16xi32>
          %bitcast_convert_type3A_279 = tpu.bitcast %shift_left3A_278 : vector<16xi32> -> vector<16xf32>
          %bitcast_convert_type3A_280 = tpu.bitcast %get3A_275 : vector<16xi32> -> vector<16xf32>
          %mul3A_281 = arith.mulf %broadcast_in_dim3A_219, %bitcast_convert_type3A_279 : vector<16xf32>
          %mul3A_282 = arith.mulf %broadcast_in_dim3A_219, %bitcast_convert_type3A_280 : vector<16xf32>
          %add3A_283 = arith.constant 0 : i32
          %add3A_284 = arith.addi %mul3A_213, %add3A_283 : i32
          %get3A_285 = arith.index_cast %add3A_284 : i32 to index
          %get3A_286 = arith.constant 80 : index
          %get3A_287 = tpu.vector_load %arg11[%get3A_285, %get3A_286] {strides = array<i32>} : memref<112x128xi32, #tpu.memory_space<vmem>>, vector<1x16xi32>,
          %get3A_288 = vector.shape_cast %get3A_287 : vector<1x16xi32> to vector<16xi32>
          %shift_left3A_289 = arith.constant 16 : i32
          %shift_left3A_290 = vector.broadcast %shift_left3A_289 : i32 to vector<16xi32>
          %shift_left3A_291 = arith.shli %get3A_288, %shift_left3A_290 : vector<16xi32>
          %bitcast_convert_type3A_292 = tpu.bitcast %shift_left3A_291 : vector<16xi32> -> vector<16xf32>
          %bitcast_convert_type3A_293 = tpu.bitcast %get3A_288 : vector<16xi32> -> vector<16xf32>
          %mul3A_294 = arith.mulf %broadcast_in_dim3A_219, %bitcast_convert_type3A_292 : vector<16xf32>
          %mul3A_295 = arith.mulf %broadcast_in_dim3A_219, %bitcast_convert_type3A_293 : vector<16xf32>
          %add3A_296 = arith.constant 0 : i32
          %add3A_297 = arith.addi %mul3A_213, %add3A_296 : i32
          %get3A_298 = arith.index_cast %add3A_297 : i32 to index
          %get3A_299 = arith.constant 96 : index
          %get3A_300 = tpu.vector_load %arg11[%get3A_298, %get3A_299] {strides = array<i32>} : memref<112x128xi32, #tpu.memory_space<vmem>>, vector<1x16xi32>,
          %get3A_301 = vector.shape_cast %get3A_300 : vector<1x16xi32> to vector<16xi32>
          %shift_left3A_302 = arith.constant 16 : i32
          %shift_left3A_303 = vector.broadcast %shift_left3A_302 : i32 to vector<16xi32>
          %shift_left3A_304 = arith.shli %get3A_301, %shift_left3A_303 : vector<16xi32>
          %bitcast_convert_type3A_305 = tpu.bitcast %shift_left3A_304 : vector<16xi32> -> vector<16xf32>
          %bitcast_convert_type3A_306 = tpu.bitcast %get3A_301 : vector<16xi32> -> vector<16xf32>
          %mul3A_307 = arith.mulf %broadcast_in_dim3A_219, %bitcast_convert_type3A_305 : vector<16xf32>
          %mul3A_308 = arith.mulf %broadcast_in_dim3A_219, %bitcast_convert_type3A_306 : vector<16xf32>
          %add3A_309 = arith.constant 0 : i32
          %add3A_310 = arith.addi %mul3A_213, %add3A_309 : i32
          %get3A_311 = arith.index_cast %add3A_310 : i32 to index
          %get3A_312 = arith.constant 112 : index
          %get3A_313 = tpu.vector_load %arg11[%get3A_311, %get3A_312] {strides = array<i32>} : memref<112x128xi32, #tpu.memory_space<vmem>>, vector<1x16xi32>,
          %get3A_314 = vector.shape_cast %get3A_313 : vector<1x16xi32> to vector<16xi32>
          %shift_left3A_315 = arith.constant 16 : i32
          %shift_left3A_316 = vector.broadcast %shift_left3A_315 : i32 to vector<16xi32>
          %shift_left3A_317 = arith.shli %get3A_314, %shift_left3A_316 : vector<16xi32>
          %bitcast_convert_type3A_318 = tpu.bitcast %shift_left3A_317 : vector<16xi32> -> vector<16xf32>
          %bitcast_convert_type3A_319 = tpu.bitcast %get3A_314 : vector<16xi32> -> vector<16xf32>
          %mul3A_320 = arith.mulf %broadcast_in_dim3A_219, %bitcast_convert_type3A_318 : vector<16xf32>
          %mul3A_321 = arith.mulf %broadcast_in_dim3A_219, %bitcast_convert_type3A_319 : vector<16xf32>
          %slice3A_322 = vector.extract_strided_slice %get3A_216 {offsets = [1], sizes = [1], strides = [1]} : vector<16xf32> to vector<1xf32>
          %broadcast_in_dim3A_323 = vector.shape_cast %slice3A_322 : vector<1xf32> to vector<1xf32>
          %broadcast_in_dim3A_324 = vector.broadcast %broadcast_in_dim3A_323 : vector<1xf32> to vector<16xf32>
          %add3A_325 = arith.constant 1 : i32
          %add3A_326 = arith.addi %mul3A_213, %add3A_325 : i32
          %get3A_327 = arith.index_cast %add3A_326 : i32 to index
          %get3A_328 = arith.constant 0 : index
          %get3A_329 = tpu.vector_load %arg11[%get3A_327, %get3A_328] {strides = array<i32>} : memref<112x128xi32, #tpu.memory_space<vmem>>, vector<1x16xi32>,
          %get3A_330 = vector.shape_cast %get3A_329 : vector<1x16xi32> to vector<16xi32>
          %shift_left3A_331 = arith.constant 16 : i32
          %shift_left3A_332 = vector.broadcast %shift_left3A_331 : i32 to vector<16xi32>
          %shift_left3A_333 = arith.shli %get3A_330, %shift_left3A_332 : vector<16xi32>
          %bitcast_convert_type3A_334 = tpu.bitcast %shift_left3A_333 : vector<16xi32> -> vector<16xf32>
          %bitcast_convert_type3A_335 = tpu.bitcast %get3A_330 : vector<16xi32> -> vector<16xf32>
          %mul3A_336 = arith.mulf %broadcast_in_dim3A_324, %bitcast_convert_type3A_334 : vector<16xf32>
          %mul3A_337 = arith.mulf %broadcast_in_dim3A_324, %bitcast_convert_type3A_335 : vector<16xf32>
          %add3A_338 = arith.addf %mul3A_229, %mul3A_336 : vector<16xf32>
          %add3A_339 = arith.addf %mul3A_230, %mul3A_337 : vector<16xf32>
          %add3A_340 = arith.constant 1 : i32
          %add3A_341 = arith.addi %mul3A_213, %add3A_340 : i32
          %get3A_342 = arith.index_cast %add3A_341 : i32 to index
          %get3A_343 = arith.constant 16 : index
          %get3A_344 = tpu.vector_load %arg11[%get3A_342, %get3A_343] {strides = array<i32>} : memref<112x128xi32, #tpu.memory_space<vmem>>, vector<1x16xi32>,
          %get3A_345 = vector.shape_cast %get3A_344 : vector<1x16xi32> to vector<16xi32>
          %shift_left3A_346 = arith.constant 16 : i32
          %shift_left3A_347 = vector.broadcast %shift_left3A_346 : i32 to vector<16xi32>
          %shift_left3A_348 = arith.shli %get3A_345, %shift_left3A_347 : vector<16xi32>
          %bitcast_convert_type3A_349 = tpu.bitcast %shift_left3A_348 : vector<16xi32> -> vector<16xf32>
          %bitcast_convert_type3A_350 = tpu.bitcast %get3A_345 : vector<16xi32> -> vector<16xf32>
          %mul3A_351 = arith.mulf %broadcast_in_dim3A_324, %bitcast_convert_type3A_349 : vector<16xf32>
          %mul3A_352 = arith.mulf %broadcast_in_dim3A_324, %bitcast_convert_type3A_350 : vector<16xf32>
          %add3A_353 = arith.addf %mul3A_242, %mul3A_351 : vector<16xf32>
          %add3A_354 = arith.addf %mul3A_243, %mul3A_352 : vector<16xf32>
          %add3A_355 = arith.constant 1 : i32
          %add3A_356 = arith.addi %mul3A_213, %add3A_355 : i32
          %get3A_357 = arith.index_cast %add3A_356 : i32 to index
          %get3A_358 = arith.constant 32 : index
          %get3A_359 = tpu.vector_load %arg11[%get3A_357, %get3A_358] {strides = array<i32>} : memref<112x128xi32, #tpu.memory_space<vmem>>, vector<1x16xi32>,
          %get3A_360 = vector.shape_cast %get3A_359 : vector<1x16xi32> to vector<16xi32>
          %shift_left3A_361 = arith.constant 16 : i32
          %shift_left3A_362 = vector.broadcast %shift_left3A_361 : i32 to vector<16xi32>
          %shift_left3A_363 = arith.shli %get3A_360, %shift_left3A_362 : vector<16xi32>
          %bitcast_convert_type3A_364 = tpu.bitcast %shift_left3A_363 : vector<16xi32> -> vector<16xf32>
          %bitcast_convert_type3A_365 = tpu.bitcast %get3A_360 : vector<16xi32> -> vector<16xf32>
          %mul3A_366 = arith.mulf %broadcast_in_dim3A_324, %bitcast_convert_type3A_364 : vector<16xf32>
          %mul3A_367 = arith.mulf %broadcast_in_dim3A_324, %bitcast_convert_type3A_365 : vector<16xf32>
          %add3A_368 = arith.addf %mul3A_255, %mul3A_366 : vector<16xf32>
          %add3A_369 = arith.addf %mul3A_256, %mul3A_367 : vector<16xf32>
          %add3A_370 = arith.constant 1 : i32
          %add3A_371 = arith.addi %mul3A_213, %add3A_370 : i32
          %get3A_372 = arith.index_cast %add3A_371 : i32 to index
          %get3A_373 = arith.constant 48 : index
          %get3A_374 = tpu.vector_load %arg11[%get3A_372, %get3A_373] {strides = array<i32>} : memref<112x128xi32, #tpu.memory_space<vmem>>, vector<1x16xi32>,
          %get3A_375 = vector.shape_cast %get3A_374 : vector<1x16xi32> to vector<16xi32>
          %shift_left3A_376 = arith.constant 16 : i32
          %shift_left3A_377 = vector.broadcast %shift_left3A_376 : i32 to vector<16xi32>
          %shift_left3A_378 = arith.shli %get3A_375, %shift_left3A_377 : vector<16xi32>
          %bitcast_convert_type3A_379 = tpu.bitcast %shift_left3A_378 : vector<16xi32> -> vector<16xf32>
          %bitcast_convert_type3A_380 = tpu.bitcast %get3A_375 : vector<16xi32> -> vector<16xf32>
          %mul3A_381 = arith.mulf %broadcast_in_dim3A_324, %bitcast_convert_type3A_379 : vector<16xf32>
          %mul3A_382 = arith.mulf %broadcast_in_dim3A_324, %bitcast_convert_type3A_380 : vector<16xf32>
          %add3A_383 = arith.addf %mul3A_268, %mul3A_381 : vector<16xf32>
          %add3A_384 = arith.addf %mul3A_269, %mul3A_382 : vector<16xf32>
          %add3A_385 = arith.constant 1 : i32
          %add3A_386 = arith.addi %mul3A_213, %add3A_385 : i32
          %get3A_387 = arith.index_cast %add3A_386 : i32 to index
          %get3A_388 = arith.constant 64 : index
          %get3A_389 = tpu.vector_load %arg11[%get3A_387, %get3A_388] {strides = array<i32>} : memref<112x128xi32, #tpu.memory_space<vmem>>, vector<1x16xi32>,
          %get3A_390 = vector.shape_cast %get3A_389 : vector<1x16xi32> to vector<16xi32>
          %shift_left3A_391 = arith.constant 16 : i32
          %shift_left3A_392 = vector.broadcast %shift_left3A_391 : i32 to vector<16xi32>
          %shift_left3A_393 = arith.shli %get3A_390, %shift_left3A_392 : vector<16xi32>
          %bitcast_convert_type3A_394 = tpu.bitcast %shift_left3A_393 : vector<16xi32> -> vector<16xf32>
          %bitcast_convert_type3A_395 = tpu.bitcast %get3A_390 : vector<16xi32> -> vector<16xf32>
          %mul3A_396 = arith.mulf %broadcast_in_dim3A_324, %bitcast_convert_type3A_394 : vector<16xf32>
          %mul3A_397 = arith.mulf %broadcast_in_dim3A_324, %bitcast_convert_type3A_395 : vector<16xf32>
          %add3A_398 = arith.addf %mul3A_281, %mul3A_396 : vector<16xf32>
          %add3A_399 = arith.addf %mul3A_282, %mul3A_397 : vector<16xf32>
          %add3A_400 = arith.constant 1 : i32
          %add3A_401 = arith.addi %mul3A_213, %add3A_400 : i32
          %get3A_402 = arith.index_cast %add3A_401 : i32 to index
          %get3A_403 = arith.constant 80 : index
          %get3A_404 = tpu.vector_load %arg11[%get3A_402, %get3A_403] {strides = array<i32>} : memref<112x128xi32, #tpu.memory_space<vmem>>, vector<1x16xi32>,
          %get3A_405 = vector.shape_cast %get3A_404 : vector<1x16xi32> to vector<16xi32>
          %shift_left3A_406 = arith.constant 16 : i32
          %shift_left3A_407 = vector.broadcast %shift_left3A_406 : i32 to vector<16xi32>
          %shift_left3A_408 = arith.shli %get3A_405, %shift_left3A_407 : vector<16xi32>
          %bitcast_convert_type3A_409 = tpu.bitcast %shift_left3A_408 : vector<16xi32> -> vector<16xf32>
          %bitcast_convert_type3A_410 = tpu.bitcast %get3A_405 : vector<16xi32> -> vector<16xf32>
          %mul3A_411 = arith.mulf %broadcast_in_dim3A_324, %bitcast_convert_type3A_409 : vector<16xf32>
          %mul3A_412 = arith.mulf %broadcast_in_dim3A_324, %bitcast_convert_type3A_410 : vector<16xf32>
          %add3A_413 = arith.addf %mul3A_294, %mul3A_411 : vector<16xf32>
          %add3A_414 = arith.addf %mul3A_295, %mul3A_412 : vector<16xf32>
          %add3A_415 = arith.constant 1 : i32
          %add3A_416 = arith.addi %mul3A_213, %add3A_415 : i32
          %get3A_417 = arith.index_cast %add3A_416 : i32 to index
          %get3A_418 = arith.constant 96 : index
          %get3A_419 = tpu.vector_load %arg11[%get3A_417, %get3A_418] {strides = array<i32>} : memref<112x128xi32, #tpu.memory_space<vmem>>, vector<1x16xi32>,
          %get3A_420 = vector.shape_cast %get3A_419 : vector<1x16xi32> to vector<16xi32>
          %shift_left3A_421 = arith.constant 16 : i32
          %shift_left3A_422 = vector.broadcast %shift_left3A_421 : i32 to vector<16xi32>
          %shift_left3A_423 = arith.shli %get3A_420, %shift_left3A_422 : vector<16xi32>
          %bitcast_convert_type3A_424 = tpu.bitcast %shift_left3A_423 : vector<16xi32> -> vector<16xf32>
          %bitcast_convert_type3A_425 = tpu.bitcast %get3A_420 : vector<16xi32> -> vector<16xf32>
          %mul3A_426 = arith.mulf %broadcast_in_dim3A_324, %bitcast_convert_type3A_424 : vector<16xf32>
          %mul3A_427 = arith.mulf %broadcast_in_dim3A_324, %bitcast_convert_type3A_425 : vector<16xf32>
          %add3A_428 = arith.addf %mul3A_307, %mul3A_426 : vector<16xf32>
          %add3A_429 = arith.addf %mul3A_308, %mul3A_427 : vector<16xf32>
          %add3A_430 = arith.constant 1 : i32
          %add3A_431 = arith.addi %mul3A_213, %add3A_430 : i32
          %get3A_432 = arith.index_cast %add3A_431 : i32 to index
          %get3A_433 = arith.constant 112 : index
          %get3A_434 = tpu.vector_load %arg11[%get3A_432, %get3A_433] {strides = array<i32>} : memref<112x128xi32, #tpu.memory_space<vmem>>, vector<1x16xi32>,
          %get3A_435 = vector.shape_cast %get3A_434 : vector<1x16xi32> to vector<16xi32>
          %shift_left3A_436 = arith.constant 16 : i32
          %shift_left3A_437 = vector.broadcast %shift_left3A_436 : i32 to vector<16xi32>
          %shift_left3A_438 = arith.shli %get3A_435, %shift_left3A_437 : vector<16xi32>
          %bitcast_convert_type3A_439 = tpu.bitcast %shift_left3A_438 : vector<16xi32> -> vector<16xf32>
          %bitcast_convert_type3A_440 = tpu.bitcast %get3A_435 : vector<16xi32> -> vector<16xf32>
          %mul3A_441 = arith.mulf %broadcast_in_dim3A_324, %bitcast_convert_type3A_439 : vector<16xf32>
          %mul3A_442 = arith.mulf %broadcast_in_dim3A_324, %bitcast_convert_type3A_440 : vector<16xf32>
          %add3A_443 = arith.addf %mul3A_320, %mul3A_441 : vector<16xf32>
          %add3A_444 = arith.addf %mul3A_321, %mul3A_442 : vector<16xf32>
          %slice3A_445 = vector.extract_strided_slice %get3A_216 {offsets = [2], sizes = [1], strides = [1]} : vector<16xf32> to vector<1xf32>
          %broadcast_in_dim3A_446 = vector.shape_cast %slice3A_445 : vector<1xf32> to vector<1xf32>
          %broadcast_in_dim3A_447 = vector.broadcast %broadcast_in_dim3A_446 : vector<1xf32> to vector<16xf32>
          %add3A_448 = arith.constant 2 : i32
          %add3A_449 = arith.addi %mul3A_213, %add3A_448 : i32
          %get3A_450 = arith.index_cast %add3A_449 : i32 to index
          %get3A_451 = arith.constant 0 : index
          %get3A_452 = tpu.vector_load %arg11[%get3A_450, %get3A_451] {strides = array<i32>} : memref<112x128xi32, #tpu.memory_space<vmem>>, vector<1x16xi32>,
          %get3A_453 = vector.shape_cast %get3A_452 : vector<1x16xi32> to vector<16xi32>
          %shift_left3A_454 = arith.constant 16 : i32
          %shift_left3A_455 = vector.broadcast %shift_left3A_454 : i32 to vector<16xi32>
          %shift_left3A_456 = arith.shli %get3A_453, %shift_left3A_455 : vector<16xi32>
          %bitcast_convert_type3A_457 = tpu.bitcast %shift_left3A_456 : vector<16xi32> -> vector<16xf32>
          %bitcast_convert_type3A_458 = tpu.bitcast %get3A_453 : vector<16xi32> -> vector<16xf32>
          %mul3A_459 = arith.mulf %broadcast_in_dim3A_447, %bitcast_convert_type3A_457 : vector<16xf32>
          %mul3A_460 = arith.mulf %broadcast_in_dim3A_447, %bitcast_convert_type3A_458 : vector<16xf32>
          %add3A_461 = arith.addf %add3A_338, %mul3A_459 : vector<16xf32>
          %add3A_462 = arith.addf %add3A_339, %mul3A_460 : vector<16xf32>
          %add3A_463 = arith.constant 2 : i32
          %add3A_464 = arith.addi %mul3A_213, %add3A_463 : i32
          %get3A_465 = arith.index_cast %add3A_464 : i32 to index
          %get3A_466 = arith.constant 16 : index
          %get3A_467 = tpu.vector_load %arg11[%get3A_465, %get3A_466] {strides = array<i32>} : memref<112x128xi32, #tpu.memory_space<vmem>>, vector<1x16xi32>,
          %get3A_468 = vector.shape_cast %get3A_467 : vector<1x16xi32> to vector<16xi32>
          %shift_left3A_469 = arith.constant 16 : i32
          %shift_left3A_470 = vector.broadcast %shift_left3A_469 : i32 to vector<16xi32>
          %shift_left3A_471 = arith.shli %get3A_468, %shift_left3A_470 : vector<16xi32>
          %bitcast_convert_type3A_472 = tpu.bitcast %shift_left3A_471 : vector<16xi32> -> vector<16xf32>
          %bitcast_convert_type3A_473 = tpu.bitcast %get3A_468 : vector<16xi32> -> vector<16xf32>
          %mul3A_474 = arith.mulf %broadcast_in_dim3A_447, %bitcast_convert_type3A_472 : vector<16xf32>
          %mul3A_475 = arith.mulf %broadcast_in_dim3A_447, %bitcast_convert_type3A_473 : vector<16xf32>
          %add3A_476 = arith.addf %add3A_353, %mul3A_474 : vector<16xf32>
          %add3A_477 = arith.addf %add3A_354, %mul3A_475 : vector<16xf32>
          %add3A_478 = arith.constant 2 : i32
          %add3A_479 = arith.addi %mul3A_213, %add3A_478 : i32
          %get3A_480 = arith.index_cast %add3A_479 : i32 to index
          %get3A_481 = arith.constant 32 : index
          %get3A_482 = tpu.vector_load %arg11[%get3A_480, %get3A_481] {strides = array<i32>} : memref<112x128xi32, #tpu.memory_space<vmem>>, vector<1x16xi32>,
          %get3A_483 = vector.shape_cast %get3A_482 : vector<1x16xi32> to vector<16xi32>
          %shift_left3A_484 = arith.constant 16 : i32
          %shift_left3A_485 = vector.broadcast %shift_left3A_484 : i32 to vector<16xi32>
          %shift_left3A_486 = arith.shli %get3A_483, %shift_left3A_485 : vector<16xi32>
          %bitcast_convert_type3A_487 = tpu.bitcast %shift_left3A_486 : vector<16xi32> -> vector<16xf32>
          %bitcast_convert_type3A_488 = tpu.bitcast %get3A_483 : vector<16xi32> -> vector<16xf32>
          %mul3A_489 = arith.mulf %broadcast_in_dim3A_447, %bitcast_convert_type3A_487 : vector<16xf32>
          %mul3A_490 = arith.mulf %broadcast_in_dim3A_447, %bitcast_convert_type3A_488 : vector<16xf32>
          %add3A_491 = arith.addf %add3A_368, %mul3A_489 : vector<16xf32>
          %add3A_492 = arith.addf %add3A_369, %mul3A_490 : vector<16xf32>
          %add3A_493 = arith.constant 2 : i32
          %add3A_494 = arith.addi %mul3A_213, %add3A_493 : i32
          %get3A_495 = arith.index_cast %add3A_494 : i32 to index
          %get3A_496 = arith.constant 48 : index
          %get3A_497 = tpu.vector_load %arg11[%get3A_495, %get3A_496] {strides = array<i32>} : memref<112x128xi32, #tpu.memory_space<vmem>>, vector<1x16xi32>,
          %get3A_498 = vector.shape_cast %get3A_497 : vector<1x16xi32> to vector<16xi32>
          %shift_left3A_499 = arith.constant 16 : i32
          %shift_left3A_500 = vector.broadcast %shift_left3A_499 : i32 to vector<16xi32>
          %shift_left3A_501 = arith.shli %get3A_498, %shift_left3A_500 : vector<16xi32>
          %bitcast_convert_type3A_502 = tpu.bitcast %shift_left3A_501 : vector<16xi32> -> vector<16xf32>
          %bitcast_convert_type3A_503 = tpu.bitcast %get3A_498 : vector<16xi32> -> vector<16xf32>
          %mul3A_504 = arith.mulf %broadcast_in_dim3A_447, %bitcast_convert_type3A_502 : vector<16xf32>
          %mul3A_505 = arith.mulf %broadcast_in_dim3A_447, %bitcast_convert_type3A_503 : vector<16xf32>
          %add3A_506 = arith.addf %add3A_383, %mul3A_504 : vector<16xf32>
          %add3A_507 = arith.addf %add3A_384, %mul3A_505 : vector<16xf32>
          %add3A_508 = arith.constant 2 : i32
          %add3A_509 = arith.addi %mul3A_213, %add3A_508 : i32
          %get3A_510 = arith.index_cast %add3A_509 : i32 to index
          %get3A_511 = arith.constant 64 : index
          %get3A_512 = tpu.vector_load %arg11[%get3A_510, %get3A_511] {strides = array<i32>} : memref<112x128xi32, #tpu.memory_space<vmem>>, vector<1x16xi32>,
          %get3A_513 = vector.shape_cast %get3A_512 : vector<1x16xi32> to vector<16xi32>
          %shift_left3A_514 = arith.constant 16 : i32
          %shift_left3A_515 = vector.broadcast %shift_left3A_514 : i32 to vector<16xi32>
          %shift_left3A_516 = arith.shli %get3A_513, %shift_left3A_515 : vector<16xi32>
          %bitcast_convert_type3A_517 = tpu.bitcast %shift_left3A_516 : vector<16xi32> -> vector<16xf32>
          %bitcast_convert_type3A_518 = tpu.bitcast %get3A_513 : vector<16xi32> -> vector<16xf32>
          %mul3A_519 = arith.mulf %broadcast_in_dim3A_447, %bitcast_convert_type3A_517 : vector<16xf32>
          %mul3A_520 = arith.mulf %broadcast_in_dim3A_447, %bitcast_convert_type3A_518 : vector<16xf32>
          %add3A_521 = arith.addf %add3A_398, %mul3A_519 : vector<16xf32>
          %add3A_522 = arith.addf %add3A_399, %mul3A_520 : vector<16xf32>
          %add3A_523 = arith.constant 2 : i32
          %add3A_524 = arith.addi %mul3A_213, %add3A_523 : i32
          %get3A_525 = arith.index_cast %add3A_524 : i32 to index
          %get3A_526 = arith.constant 80 : index
          %get3A_527 = tpu.vector_load %arg11[%get3A_525, %get3A_526] {strides = array<i32>} : memref<112x128xi32, #tpu.memory_space<vmem>>, vector<1x16xi32>,
          %get3A_528 = vector.shape_cast %get3A_527 : vector<1x16xi32> to vector<16xi32>
          %shift_left3A_529 = arith.constant 16 : i32
          %shift_left3A_530 = vector.broadcast %shift_left3A_529 : i32 to vector<16xi32>
          %shift_left3A_531 = arith.shli %get3A_528, %shift_left3A_530 : vector<16xi32>
          %bitcast_convert_type3A_532 = tpu.bitcast %shift_left3A_531 : vector<16xi32> -> vector<16xf32>
          %bitcast_convert_type3A_533 = tpu.bitcast %get3A_528 : vector<16xi32> -> vector<16xf32>
          %mul3A_534 = arith.mulf %broadcast_in_dim3A_447, %bitcast_convert_type3A_532 : vector<16xf32>
          %mul3A_535 = arith.mulf %broadcast_in_dim3A_447, %bitcast_convert_type3A_533 : vector<16xf32>
          %add3A_536 = arith.addf %add3A_413, %mul3A_534 : vector<16xf32>
          %add3A_537 = arith.addf %add3A_414, %mul3A_535 : vector<16xf32>
          %add3A_538 = arith.constant 2 : i32
          %add3A_539 = arith.addi %mul3A_213, %add3A_538 : i32
          %get3A_540 = arith.index_cast %add3A_539 : i32 to index
          %get3A_541 = arith.constant 96 : index
          %get3A_542 = tpu.vector_load %arg11[%get3A_540, %get3A_541] {strides = array<i32>} : memref<112x128xi32, #tpu.memory_space<vmem>>, vector<1x16xi32>,
          %get3A_543 = vector.shape_cast %get3A_542 : vector<1x16xi32> to vector<16xi32>
          %shift_left3A_544 = arith.constant 16 : i32
          %shift_left3A_545 = vector.broadcast %shift_left3A_544 : i32 to vector<16xi32>
          %shift_left3A_546 = arith.shli %get3A_543, %shift_left3A_545 : vector<16xi32>
          %bitcast_convert_type3A_547 = tpu.bitcast %shift_left3A_546 : vector<16xi32> -> vector<16xf32>
          %bitcast_convert_type3A_548 = tpu.bitcast %get3A_543 : vector<16xi32> -> vector<16xf32>
          %mul3A_549 = arith.mulf %broadcast_in_dim3A_447, %bitcast_convert_type3A_547 : vector<16xf32>
          %mul3A_550 = arith.mulf %broadcast_in_dim3A_447, %bitcast_convert_type3A_548 : vector<16xf32>
          %add3A_551 = arith.addf %add3A_428, %mul3A_549 : vector<16xf32>
          %add3A_552 = arith.addf %add3A_429, %mul3A_550 : vector<16xf32>
          %add3A_553 = arith.constant 2 : i32
          %add3A_554 = arith.addi %mul3A_213, %add3A_553 : i32
          %get3A_555 = arith.index_cast %add3A_554 : i32 to index
          %get3A_556 = arith.constant 112 : index
          %get3A_557 = tpu.vector_load %arg11[%get3A_555, %get3A_556] {strides = array<i32>} : memref<112x128xi32, #tpu.memory_space<vmem>>, vector<1x16xi32>,
          %get3A_558 = vector.shape_cast %get3A_557 : vector<1x16xi32> to vector<16xi32>
          %shift_left3A_559 = arith.constant 16 : i32
          %shift_left3A_560 = vector.broadcast %shift_left3A_559 : i32 to vector<16xi32>
          %shift_left3A_561 = arith.shli %get3A_558, %shift_left3A_560 : vector<16xi32>
          %bitcast_convert_type3A_562 = tpu.bitcast %shift_left3A_561 : vector<16xi32> -> vector<16xf32>
          %bitcast_convert_type3A_563 = tpu.bitcast %get3A_558 : vector<16xi32> -> vector<16xf32>
          %mul3A_564 = arith.mulf %broadcast_in_dim3A_447, %bitcast_convert_type3A_562 : vector<16xf32>
          %mul3A_565 = arith.mulf %broadcast_in_dim3A_447, %bitcast_convert_type3A_563 : vector<16xf32>
          %add3A_566 = arith.addf %add3A_443, %mul3A_564 : vector<16xf32>
          %add3A_567 = arith.addf %add3A_444, %mul3A_565 : vector<16xf32>
          %slice3A_568 = vector.extract_strided_slice %get3A_216 {offsets = [3], sizes = [1], strides = [1]} : vector<16xf32> to vector<1xf32>
          %broadcast_in_dim3A_569 = vector.shape_cast %slice3A_568 : vector<1xf32> to vector<1xf32>
          %broadcast_in_dim3A_570 = vector.broadcast %broadcast_in_dim3A_569 : vector<1xf32> to vector<16xf32>
          %add3A_571 = arith.constant 3 : i32
          %add3A_572 = arith.addi %mul3A_213, %add3A_571 : i32
          %get3A_573 = arith.index_cast %add3A_572 : i32 to index
          %get3A_574 = arith.constant 0 : index
          %get3A_575 = tpu.vector_load %arg11[%get3A_573, %get3A_574] {strides = array<i32>} : memref<112x128xi32, #tpu.memory_space<vmem>>, vector<1x16xi32>,
          %get3A_576 = vector.shape_cast %get3A_575 : vector<1x16xi32> to vector<16xi32>
          %shift_left3A_577 = arith.constant 16 : i32
          %shift_left3A_578 = vector.broadcast %shift_left3A_577 : i32 to vector<16xi32>
          %shift_left3A_579 = arith.shli %get3A_576, %shift_left3A_578 : vector<16xi32>
          %bitcast_convert_type3A_580 = tpu.bitcast %shift_left3A_579 : vector<16xi32> -> vector<16xf32>
          %bitcast_convert_type3A_581 = tpu.bitcast %get3A_576 : vector<16xi32> -> vector<16xf32>
          %mul3A_582 = arith.mulf %broadcast_in_dim3A_570, %bitcast_convert_type3A_580 : vector<16xf32>
          %mul3A_583 = arith.mulf %broadcast_in_dim3A_570, %bitcast_convert_type3A_581 : vector<16xf32>
          %add3A_584 = arith.addf %add3A_461, %mul3A_582 : vector<16xf32>
          %add3A_585 = arith.addf %add3A_462, %mul3A_583 : vector<16xf32>
          %add3A_586 = arith.constant 3 : i32
          %add3A_587 = arith.addi %mul3A_213, %add3A_586 : i32
          %get3A_588 = arith.index_cast %add3A_587 : i32 to index
          %get3A_589 = arith.constant 16 : index
          %get3A_590 = tpu.vector_load %arg11[%get3A_588, %get3A_589] {strides = array<i32>} : memref<112x128xi32, #tpu.memory_space<vmem>>, vector<1x16xi32>,
          %get3A_591 = vector.shape_cast %get3A_590 : vector<1x16xi32> to vector<16xi32>
          %shift_left3A_592 = arith.constant 16 : i32
          %shift_left3A_593 = vector.broadcast %shift_left3A_592 : i32 to vector<16xi32>
          %shift_left3A_594 = arith.shli %get3A_591, %shift_left3A_593 : vector<16xi32>
          %bitcast_convert_type3A_595 = tpu.bitcast %shift_left3A_594 : vector<16xi32> -> vector<16xf32>
          %bitcast_convert_type3A_596 = tpu.bitcast %get3A_591 : vector<16xi32> -> vector<16xf32>
          %mul3A_597 = arith.mulf %broadcast_in_dim3A_570, %bitcast_convert_type3A_595 : vector<16xf32>
          %mul3A_598 = arith.mulf %broadcast_in_dim3A_570, %bitcast_convert_type3A_596 : vector<16xf32>
          %add3A_599 = arith.addf %add3A_476, %mul3A_597 : vector<16xf32>
          %add3A_600 = arith.addf %add3A_477, %mul3A_598 : vector<16xf32>
          %add3A_601 = arith.constant 3 : i32
          %add3A_602 = arith.addi %mul3A_213, %add3A_601 : i32
          %get3A_603 = arith.index_cast %add3A_602 : i32 to index
          %get3A_604 = arith.constant 32 : index
          %get3A_605 = tpu.vector_load %arg11[%get3A_603, %get3A_604] {strides = array<i32>} : memref<112x128xi32, #tpu.memory_space<vmem>>, vector<1x16xi32>,
          %get3A_606 = vector.shape_cast %get3A_605 : vector<1x16xi32> to vector<16xi32>
          %shift_left3A_607 = arith.constant 16 : i32
          %shift_left3A_608 = vector.broadcast %shift_left3A_607 : i32 to vector<16xi32>
          %shift_left3A_609 = arith.shli %get3A_606, %shift_left3A_608 : vector<16xi32>
          %bitcast_convert_type3A_610 = tpu.bitcast %shift_left3A_609 : vector<16xi32> -> vector<16xf32>
          %bitcast_convert_type3A_611 = tpu.bitcast %get3A_606 : vector<16xi32> -> vector<16xf32>
          %mul3A_612 = arith.mulf %broadcast_in_dim3A_570, %bitcast_convert_type3A_610 : vector<16xf32>
          %mul3A_613 = arith.mulf %broadcast_in_dim3A_570, %bitcast_convert_type3A_611 : vector<16xf32>
          %add3A_614 = arith.addf %add3A_491, %mul3A_612 : vector<16xf32>
          %add3A_615 = arith.addf %add3A_492, %mul3A_613 : vector<16xf32>
          %add3A_616 = arith.constant 3 : i32
          %add3A_617 = arith.addi %mul3A_213, %add3A_616 : i32
          %get3A_618 = arith.index_cast %add3A_617 : i32 to index
          %get3A_619 = arith.constant 48 : index
          %get3A_620 = tpu.vector_load %arg11[%get3A_618, %get3A_619] {strides = array<i32>} : memref<112x128xi32, #tpu.memory_space<vmem>>, vector<1x16xi32>,
          %get3A_621 = vector.shape_cast %get3A_620 : vector<1x16xi32> to vector<16xi32>
          %shift_left3A_622 = arith.constant 16 : i32
          %shift_left3A_623 = vector.broadcast %shift_left3A_622 : i32 to vector<16xi32>
          %shift_left3A_624 = arith.shli %get3A_621, %shift_left3A_623 : vector<16xi32>
          %bitcast_convert_type3A_625 = tpu.bitcast %shift_left3A_624 : vector<16xi32> -> vector<16xf32>
          %bitcast_convert_type3A_626 = tpu.bitcast %get3A_621 : vector<16xi32> -> vector<16xf32>
          %mul3A_627 = arith.mulf %broadcast_in_dim3A_570, %bitcast_convert_type3A_625 : vector<16xf32>
          %mul3A_628 = arith.mulf %broadcast_in_dim3A_570, %bitcast_convert_type3A_626 : vector<16xf32>
          %add3A_629 = arith.addf %add3A_506, %mul3A_627 : vector<16xf32>
          %add3A_630 = arith.addf %add3A_507, %mul3A_628 : vector<16xf32>
          %add3A_631 = arith.constant 3 : i32
          %add3A_632 = arith.addi %mul3A_213, %add3A_631 : i32
          %get3A_633 = arith.index_cast %add3A_632 : i32 to index
          %get3A_634 = arith.constant 64 : index
          %get3A_635 = tpu.vector_load %arg11[%get3A_633, %get3A_634] {strides = array<i32>} : memref<112x128xi32, #tpu.memory_space<vmem>>, vector<1x16xi32>,
          %get3A_636 = vector.shape_cast %get3A_635 : vector<1x16xi32> to vector<16xi32>
          %shift_left3A_637 = arith.constant 16 : i32
          %shift_left3A_638 = vector.broadcast %shift_left3A_637 : i32 to vector<16xi32>
          %shift_left3A_639 = arith.shli %get3A_636, %shift_left3A_638 : vector<16xi32>
          %bitcast_convert_type3A_640 = tpu.bitcast %shift_left3A_639 : vector<16xi32> -> vector<16xf32>
          %bitcast_convert_type3A_641 = tpu.bitcast %get3A_636 : vector<16xi32> -> vector<16xf32>
          %mul3A_642 = arith.mulf %broadcast_in_dim3A_570, %bitcast_convert_type3A_640 : vector<16xf32>
          %mul3A_643 = arith.mulf %broadcast_in_dim3A_570, %bitcast_convert_type3A_641 : vector<16xf32>
          %add3A_644 = arith.addf %add3A_521, %mul3A_642 : vector<16xf32>
          %add3A_645 = arith.addf %add3A_522, %mul3A_643 : vector<16xf32>
          %add3A_646 = arith.constant 3 : i32
          %add3A_647 = arith.addi %mul3A_213, %add3A_646 : i32
          %get3A_648 = arith.index_cast %add3A_647 : i32 to index
          %get3A_649 = arith.constant 80 : index
          %get3A_650 = tpu.vector_load %arg11[%get3A_648, %get3A_649] {strides = array<i32>} : memref<112x128xi32, #tpu.memory_space<vmem>>, vector<1x16xi32>,
          %get3A_651 = vector.shape_cast %get3A_650 : vector<1x16xi32> to vector<16xi32>
          %shift_left3A_652 = arith.constant 16 : i32
          %shift_left3A_653 = vector.broadcast %shift_left3A_652 : i32 to vector<16xi32>
          %shift_left3A_654 = arith.shli %get3A_651, %shift_left3A_653 : vector<16xi32>
          %bitcast_convert_type3A_655 = tpu.bitcast %shift_left3A_654 : vector<16xi32> -> vector<16xf32>
          %bitcast_convert_type3A_656 = tpu.bitcast %get3A_651 : vector<16xi32> -> vector<16xf32>
          %mul3A_657 = arith.mulf %broadcast_in_dim3A_570, %bitcast_convert_type3A_655 : vector<16xf32>
          %mul3A_658 = arith.mulf %broadcast_in_dim3A_570, %bitcast_convert_type3A_656 : vector<16xf32>
          %add3A_659 = arith.addf %add3A_536, %mul3A_657 : vector<16xf32>
          %add3A_660 = arith.addf %add3A_537, %mul3A_658 : vector<16xf32>
          %add3A_661 = arith.constant 3 : i32
          %add3A_662 = arith.addi %mul3A_213, %add3A_661 : i32
          %get3A_663 = arith.index_cast %add3A_662 : i32 to index
          %get3A_664 = arith.constant 96 : index
          %get3A_665 = tpu.vector_load %arg11[%get3A_663, %get3A_664] {strides = array<i32>} : memref<112x128xi32, #tpu.memory_space<vmem>>, vector<1x16xi32>,
          %get3A_666 = vector.shape_cast %get3A_665 : vector<1x16xi32> to vector<16xi32>
          %shift_left3A_667 = arith.constant 16 : i32
          %shift_left3A_668 = vector.broadcast %shift_left3A_667 : i32 to vector<16xi32>
          %shift_left3A_669 = arith.shli %get3A_666, %shift_left3A_668 : vector<16xi32>
          %bitcast_convert_type3A_670 = tpu.bitcast %shift_left3A_669 : vector<16xi32> -> vector<16xf32>
          %bitcast_convert_type3A_671 = tpu.bitcast %get3A_666 : vector<16xi32> -> vector<16xf32>
          %mul3A_672 = arith.mulf %broadcast_in_dim3A_570, %bitcast_convert_type3A_670 : vector<16xf32>
          %mul3A_673 = arith.mulf %broadcast_in_dim3A_570, %bitcast_convert_type3A_671 : vector<16xf32>
          %add3A_674 = arith.addf %add3A_551, %mul3A_672 : vector<16xf32>
          %add3A_675 = arith.addf %add3A_552, %mul3A_673 : vector<16xf32>
          %add3A_676 = arith.constant 3 : i32
          %add3A_677 = arith.addi %mul3A_213, %add3A_676 : i32
          %get3A_678 = arith.index_cast %add3A_677 : i32 to index
          %get3A_679 = arith.constant 112 : index
          %get3A_680 = tpu.vector_load %arg11[%get3A_678, %get3A_679] {strides = array<i32>} : memref<112x128xi32, #tpu.memory_space<vmem>>, vector<1x16xi32>,
          %get3A_681 = vector.shape_cast %get3A_680 : vector<1x16xi32> to vector<16xi32>
          %shift_left3A_682 = arith.constant 16 : i32
          %shift_left3A_683 = vector.broadcast %shift_left3A_682 : i32 to vector<16xi32>
          %shift_left3A_684 = arith.shli %get3A_681, %shift_left3A_683 : vector<16xi32>
          %bitcast_convert_type3A_685 = tpu.bitcast %shift_left3A_684 : vector<16xi32> -> vector<16xf32>
          %bitcast_convert_type3A_686 = tpu.bitcast %get3A_681 : vector<16xi32> -> vector<16xf32>
          %mul3A_687 = arith.mulf %broadcast_in_dim3A_570, %bitcast_convert_type3A_685 : vector<16xf32>
          %mul3A_688 = arith.mulf %broadcast_in_dim3A_570, %bitcast_convert_type3A_686 : vector<16xf32>
          %add3A_689 = arith.addf %add3A_566, %mul3A_687 : vector<16xf32>
          %add3A_690 = arith.addf %add3A_567, %mul3A_688 : vector<16xf32>
          %slice3A_691 = vector.extract_strided_slice %get3A_216 {offsets = [4], sizes = [1], strides = [1]} : vector<16xf32> to vector<1xf32>
          %broadcast_in_dim3A_692 = vector.shape_cast %slice3A_691 : vector<1xf32> to vector<1xf32>
          %broadcast_in_dim3A_693 = vector.broadcast %broadcast_in_dim3A_692 : vector<1xf32> to vector<16xf32>
          %add3A_694 = arith.constant 4 : i32
          %add3A_695 = arith.addi %mul3A_213, %add3A_694 : i32
          %get3A_696 = arith.index_cast %add3A_695 : i32 to index
          %get3A_697 = arith.constant 0 : index
          %get3A_698 = tpu.vector_load %arg11[%get3A_696, %get3A_697] {strides = array<i32>} : memref<112x128xi32, #tpu.memory_space<vmem>>, vector<1x16xi32>,
          %get3A_699 = vector.shape_cast %get3A_698 : vector<1x16xi32> to vector<16xi32>
          %shift_left3A_700 = arith.constant 16 : i32
          %shift_left3A_701 = vector.broadcast %shift_left3A_700 : i32 to vector<16xi32>
          %shift_left3A_702 = arith.shli %get3A_699, %shift_left3A_701 : vector<16xi32>
          %bitcast_convert_type3A_703 = tpu.bitcast %shift_left3A_702 : vector<16xi32> -> vector<16xf32>
          %bitcast_convert_type3A_704 = tpu.bitcast %get3A_699 : vector<16xi32> -> vector<16xf32>
          %mul3A_705 = arith.mulf %broadcast_in_dim3A_693, %bitcast_convert_type3A_703 : vector<16xf32>
          %mul3A_706 = arith.mulf %broadcast_in_dim3A_693, %bitcast_convert_type3A_704 : vector<16xf32>
          %add3A_707 = arith.addf %add3A_584, %mul3A_705 : vector<16xf32>
          %add3A_708 = arith.addf %add3A_585, %mul3A_706 : vector<16xf32>
          %add3A_709 = arith.constant 4 : i32
          %add3A_710 = arith.addi %mul3A_213, %add3A_709 : i32
          %get3A_711 = arith.index_cast %add3A_710 : i32 to index
          %get3A_712 = arith.constant 16 : index
          %get3A_713 = tpu.vector_load %arg11[%get3A_711, %get3A_712] {strides = array<i32>} : memref<112x128xi32, #tpu.memory_space<vmem>>, vector<1x16xi32>,
          %get3A_714 = vector.shape_cast %get3A_713 : vector<1x16xi32> to vector<16xi32>
          %shift_left3A_715 = arith.constant 16 : i32
          %shift_left3A_716 = vector.broadcast %shift_left3A_715 : i32 to vector<16xi32>
          %shift_left3A_717 = arith.shli %get3A_714, %shift_left3A_716 : vector<16xi32>
          %bitcast_convert_type3A_718 = tpu.bitcast %shift_left3A_717 : vector<16xi32> -> vector<16xf32>
          %bitcast_convert_type3A_719 = tpu.bitcast %get3A_714 : vector<16xi32> -> vector<16xf32>
          %mul3A_720 = arith.mulf %broadcast_in_dim3A_693, %bitcast_convert_type3A_718 : vector<16xf32>
          %mul3A_721 = arith.mulf %broadcast_in_dim3A_693, %bitcast_convert_type3A_719 : vector<16xf32>
          %add3A_722 = arith.addf %add3A_599, %mul3A_720 : vector<16xf32>
          %add3A_723 = arith.addf %add3A_600, %mul3A_721 : vector<16xf32>
          %add3A_724 = arith.constant 4 : i32
          %add3A_725 = arith.addi %mul3A_213, %add3A_724 : i32
          %get3A_726 = arith.index_cast %add3A_725 : i32 to index
          %get3A_727 = arith.constant 32 : index
          %get3A_728 = tpu.vector_load %arg11[%get3A_726, %get3A_727] {strides = array<i32>} : memref<112x128xi32, #tpu.memory_space<vmem>>, vector<1x16xi32>,
          %get3A_729 = vector.shape_cast %get3A_728 : vector<1x16xi32> to vector<16xi32>
          %shift_left3A_730 = arith.constant 16 : i32
          %shift_left3A_731 = vector.broadcast %shift_left3A_730 : i32 to vector<16xi32>
          %shift_left3A_732 = arith.shli %get3A_729, %shift_left3A_731 : vector<16xi32>
          %bitcast_convert_type3A_733 = tpu.bitcast %shift_left3A_732 : vector<16xi32> -> vector<16xf32>
          %bitcast_convert_type3A_734 = tpu.bitcast %get3A_729 : vector<16xi32> -> vector<16xf32>
          %mul3A_735 = arith.mulf %broadcast_in_dim3A_693, %bitcast_convert_type3A_733 : vector<16xf32>
          %mul3A_736 = arith.mulf %broadcast_in_dim3A_693, %bitcast_convert_type3A_734 : vector<16xf32>
          %add3A_737 = arith.addf %add3A_614, %mul3A_735 : vector<16xf32>
          %add3A_738 = arith.addf %add3A_615, %mul3A_736 : vector<16xf32>
          %add3A_739 = arith.constant 4 : i32
          %add3A_740 = arith.addi %mul3A_213, %add3A_739 : i32
          %get3A_741 = arith.index_cast %add3A_740 : i32 to index
          %get3A_742 = arith.constant 48 : index
          %get3A_743 = tpu.vector_load %arg11[%get3A_741, %get3A_742] {strides = array<i32>} : memref<112x128xi32, #tpu.memory_space<vmem>>, vector<1x16xi32>,
          %get3A_744 = vector.shape_cast %get3A_743 : vector<1x16xi32> to vector<16xi32>
          %shift_left3A_745 = arith.constant 16 : i32
          %shift_left3A_746 = vector.broadcast %shift_left3A_745 : i32 to vector<16xi32>
          %shift_left3A_747 = arith.shli %get3A_744, %shift_left3A_746 : vector<16xi32>
          %bitcast_convert_type3A_748 = tpu.bitcast %shift_left3A_747 : vector<16xi32> -> vector<16xf32>
          %bitcast_convert_type3A_749 = tpu.bitcast %get3A_744 : vector<16xi32> -> vector<16xf32>
          %mul3A_750 = arith.mulf %broadcast_in_dim3A_693, %bitcast_convert_type3A_748 : vector<16xf32>
          %mul3A_751 = arith.mulf %broadcast_in_dim3A_693, %bitcast_convert_type3A_749 : vector<16xf32>
          %add3A_752 = arith.addf %add3A_629, %mul3A_750 : vector<16xf32>
          %add3A_753 = arith.addf %add3A_630, %mul3A_751 : vector<16xf32>
          %add3A_754 = arith.constant 4 : i32
          %add3A_755 = arith.addi %mul3A_213, %add3A_754 : i32
          %get3A_756 = arith.index_cast %add3A_755 : i32 to index
          %get3A_757 = arith.constant 64 : index
          %get3A_758 = tpu.vector_load %arg11[%get3A_756, %get3A_757] {strides = array<i32>} : memref<112x128xi32, #tpu.memory_space<vmem>>, vector<1x16xi32>,
          %get3A_759 = vector.shape_cast %get3A_758 : vector<1x16xi32> to vector<16xi32>
          %shift_left3A_760 = arith.constant 16 : i32
          %shift_left3A_761 = vector.broadcast %shift_left3A_760 : i32 to vector<16xi32>
          %shift_left3A_762 = arith.shli %get3A_759, %shift_left3A_761 : vector<16xi32>
          %bitcast_convert_type3A_763 = tpu.bitcast %shift_left3A_762 : vector<16xi32> -> vector<16xf32>
          %bitcast_convert_type3A_764 = tpu.bitcast %get3A_759 : vector<16xi32> -> vector<16xf32>
          %mul3A_765 = arith.mulf %broadcast_in_dim3A_693, %bitcast_convert_type3A_763 : vector<16xf32>
          %mul3A_766 = arith.mulf %broadcast_in_dim3A_693, %bitcast_convert_type3A_764 : vector<16xf32>
          %add3A_767 = arith.addf %add3A_644, %mul3A_765 : vector<16xf32>
          %add3A_768 = arith.addf %add3A_645, %mul3A_766 : vector<16xf32>
          %add3A_769 = arith.constant 4 : i32
          %add3A_770 = arith.addi %mul3A_213, %add3A_769 : i32
          %get3A_771 = arith.index_cast %add3A_770 : i32 to index
          %get3A_772 = arith.constant 80 : index
          %get3A_773 = tpu.vector_load %arg11[%get3A_771, %get3A_772] {strides = array<i32>} : memref<112x128xi32, #tpu.memory_space<vmem>>, vector<1x16xi32>,
          %get3A_774 = vector.shape_cast %get3A_773 : vector<1x16xi32> to vector<16xi32>
          %shift_left3A_775 = arith.constant 16 : i32
          %shift_left3A_776 = vector.broadcast %shift_left3A_775 : i32 to vector<16xi32>
          %shift_left3A_777 = arith.shli %get3A_774, %shift_left3A_776 : vector<16xi32>
          %bitcast_convert_type3A_778 = tpu.bitcast %shift_left3A_777 : vector<16xi32> -> vector<16xf32>
          %bitcast_convert_type3A_779 = tpu.bitcast %get3A_774 : vector<16xi32> -> vector<16xf32>
          %mul3A_780 = arith.mulf %broadcast_in_dim3A_693, %bitcast_convert_type3A_778 : vector<16xf32>
          %mul3A_781 = arith.mulf %broadcast_in_dim3A_693, %bitcast_convert_type3A_779 : vector<16xf32>
          %add3A_782 = arith.addf %add3A_659, %mul3A_780 : vector<16xf32>
          %add3A_783 = arith.addf %add3A_660, %mul3A_781 : vector<16xf32>
          %add3A_784 = arith.constant 4 : i32
          %add3A_785 = arith.addi %mul3A_213, %add3A_784 : i32
          %get3A_786 = arith.index_cast %add3A_785 : i32 to index
          %get3A_787 = arith.constant 96 : index
          %get3A_788 = tpu.vector_load %arg11[%get3A_786, %get3A_787] {strides = array<i32>} : memref<112x128xi32, #tpu.memory_space<vmem>>, vector<1x16xi32>,
          %get3A_789 = vector.shape_cast %get3A_788 : vector<1x16xi32> to vector<16xi32>
          %shift_left3A_790 = arith.constant 16 : i32
          %shift_left3A_791 = vector.broadcast %shift_left3A_790 : i32 to vector<16xi32>
          %shift_left3A_792 = arith.shli %get3A_789, %shift_left3A_791 : vector<16xi32>
          %bitcast_convert_type3A_793 = tpu.bitcast %shift_left3A_792 : vector<16xi32> -> vector<16xf32>
          %bitcast_convert_type3A_794 = tpu.bitcast %get3A_789 : vector<16xi32> -> vector<16xf32>
          %mul3A_795 = arith.mulf %broadcast_in_dim3A_693, %bitcast_convert_type3A_793 : vector<16xf32>
          %mul3A_796 = arith.mulf %broadcast_in_dim3A_693, %bitcast_convert_type3A_794 : vector<16xf32>
          %add3A_797 = arith.addf %add3A_674, %mul3A_795 : vector<16xf32>
          %add3A_798 = arith.addf %add3A_675, %mul3A_796 : vector<16xf32>
          %add3A_799 = arith.constant 4 : i32
          %add3A_800 = arith.addi %mul3A_213, %add3A_799 : i32
          %get3A_801 = arith.index_cast %add3A_800 : i32 to index
          %get3A_802 = arith.constant 112 : index
          %get3A_803 = tpu.vector_load %arg11[%get3A_801, %get3A_802] {strides = array<i32>} : memref<112x128xi32, #tpu.memory_space<vmem>>, vector<1x16xi32>,
          %get3A_804 = vector.shape_cast %get3A_803 : vector<1x16xi32> to vector<16xi32>
          %shift_left3A_805 = arith.constant 16 : i32
          %shift_left3A_806 = vector.broadcast %shift_left3A_805 : i32 to vector<16xi32>
          %shift_left3A_807 = arith.shli %get3A_804, %shift_left3A_806 : vector<16xi32>
          %bitcast_convert_type3A_808 = tpu.bitcast %shift_left3A_807 : vector<16xi32> -> vector<16xf32>
          %bitcast_convert_type3A_809 = tpu.bitcast %get3A_804 : vector<16xi32> -> vector<16xf32>
          %mul3A_810 = arith.mulf %broadcast_in_dim3A_693, %bitcast_convert_type3A_808 : vector<16xf32>
          %mul3A_811 = arith.mulf %broadcast_in_dim3A_693, %bitcast_convert_type3A_809 : vector<16xf32>
          %add3A_812 = arith.addf %add3A_689, %mul3A_810 : vector<16xf32>
          %add3A_813 = arith.addf %add3A_690, %mul3A_811 : vector<16xf32>
          %slice3A_814 = vector.extract_strided_slice %get3A_216 {offsets = [5], sizes = [1], strides = [1]} : vector<16xf32> to vector<1xf32>
          %broadcast_in_dim3A_815 = vector.shape_cast %slice3A_814 : vector<1xf32> to vector<1xf32>
          %broadcast_in_dim3A_816 = vector.broadcast %broadcast_in_dim3A_815 : vector<1xf32> to vector<16xf32>
          %add3A_817 = arith.constant 5 : i32
          %add3A_818 = arith.addi %mul3A_213, %add3A_817 : i32
          %get3A_819 = arith.index_cast %add3A_818 : i32 to index
          %get3A_820 = arith.constant 0 : index
          %get3A_821 = tpu.vector_load %arg11[%get3A_819, %get3A_820] {strides = array<i32>} : memref<112x128xi32, #tpu.memory_space<vmem>>, vector<1x16xi32>,
          %get3A_822 = vector.shape_cast %get3A_821 : vector<1x16xi32> to vector<16xi32>
          %shift_left3A_823 = arith.constant 16 : i32
          %shift_left3A_824 = vector.broadcast %shift_left3A_823 : i32 to vector<16xi32>
          %shift_left3A_825 = arith.shli %get3A_822, %shift_left3A_824 : vector<16xi32>
          %bitcast_convert_type3A_826 = tpu.bitcast %shift_left3A_825 : vector<16xi32> -> vector<16xf32>
          %bitcast_convert_type3A_827 = tpu.bitcast %get3A_822 : vector<16xi32> -> vector<16xf32>
          %mul3A_828 = arith.mulf %broadcast_in_dim3A_816, %bitcast_convert_type3A_826 : vector<16xf32>
          %mul3A_829 = arith.mulf %broadcast_in_dim3A_816, %bitcast_convert_type3A_827 : vector<16xf32>
          %add3A_830 = arith.addf %add3A_707, %mul3A_828 : vector<16xf32>
          %add3A_831 = arith.addf %add3A_708, %mul3A_829 : vector<16xf32>
          %add3A_832 = arith.constant 5 : i32
          %add3A_833 = arith.addi %mul3A_213, %add3A_832 : i32
          %get3A_834 = arith.index_cast %add3A_833 : i32 to index
          %get3A_835 = arith.constant 16 : index
          %get3A_836 = tpu.vector_load %arg11[%get3A_834, %get3A_835] {strides = array<i32>} : memref<112x128xi32, #tpu.memory_space<vmem>>, vector<1x16xi32>,
          %get3A_837 = vector.shape_cast %get3A_836 : vector<1x16xi32> to vector<16xi32>
          %shift_left3A_838 = arith.constant 16 : i32
          %shift_left3A_839 = vector.broadcast %shift_left3A_838 : i32 to vector<16xi32>
          %shift_left3A_840 = arith.shli %get3A_837, %shift_left3A_839 : vector<16xi32>
          %bitcast_convert_type3A_841 = tpu.bitcast %shift_left3A_840 : vector<16xi32> -> vector<16xf32>
          %bitcast_convert_type3A_842 = tpu.bitcast %get3A_837 : vector<16xi32> -> vector<16xf32>
          %mul3A_843 = arith.mulf %broadcast_in_dim3A_816, %bitcast_convert_type3A_841 : vector<16xf32>
          %mul3A_844 = arith.mulf %broadcast_in_dim3A_816, %bitcast_convert_type3A_842 : vector<16xf32>
          %add3A_845 = arith.addf %add3A_722, %mul3A_843 : vector<16xf32>
          %add3A_846 = arith.addf %add3A_723, %mul3A_844 : vector<16xf32>
          %add3A_847 = arith.constant 5 : i32
          %add3A_848 = arith.addi %mul3A_213, %add3A_847 : i32
          %get3A_849 = arith.index_cast %add3A_848 : i32 to index
          %get3A_850 = arith.constant 32 : index
          %get3A_851 = tpu.vector_load %arg11[%get3A_849, %get3A_850] {strides = array<i32>} : memref<112x128xi32, #tpu.memory_space<vmem>>, vector<1x16xi32>,
          %get3A_852 = vector.shape_cast %get3A_851 : vector<1x16xi32> to vector<16xi32>
          %shift_left3A_853 = arith.constant 16 : i32
          %shift_left3A_854 = vector.broadcast %shift_left3A_853 : i32 to vector<16xi32>
          %shift_left3A_855 = arith.shli %get3A_852, %shift_left3A_854 : vector<16xi32>
          %bitcast_convert_type3A_856 = tpu.bitcast %shift_left3A_855 : vector<16xi32> -> vector<16xf32>
          %bitcast_convert_type3A_857 = tpu.bitcast %get3A_852 : vector<16xi32> -> vector<16xf32>
          %mul3A_858 = arith.mulf %broadcast_in_dim3A_816, %bitcast_convert_type3A_856 : vector<16xf32>
          %mul3A_859 = arith.mulf %broadcast_in_dim3A_816, %bitcast_convert_type3A_857 : vector<16xf32>
          %add3A_860 = arith.addf %add3A_737, %mul3A_858 : vector<16xf32>
          %add3A_861 = arith.addf %add3A_738, %mul3A_859 : vector<16xf32>
          %add3A_862 = arith.constant 5 : i32
          %add3A_863 = arith.addi %mul3A_213, %add3A_862 : i32
          %get3A_864 = arith.index_cast %add3A_863 : i32 to index
          %get3A_865 = arith.constant 48 : index
          %get3A_866 = tpu.vector_load %arg11[%get3A_864, %get3A_865] {strides = array<i32>} : memref<112x128xi32, #tpu.memory_space<vmem>>, vector<1x16xi32>,
          %get3A_867 = vector.shape_cast %get3A_866 : vector<1x16xi32> to vector<16xi32>
          %shift_left3A_868 = arith.constant 16 : i32
          %shift_left3A_869 = vector.broadcast %shift_left3A_868 : i32 to vector<16xi32>
          %shift_left3A_870 = arith.shli %get3A_867, %shift_left3A_869 : vector<16xi32>
          %bitcast_convert_type3A_871 = tpu.bitcast %shift_left3A_870 : vector<16xi32> -> vector<16xf32>
          %bitcast_convert_type3A_872 = tpu.bitcast %get3A_867 : vector<16xi32> -> vector<16xf32>
          %mul3A_873 = arith.mulf %broadcast_in_dim3A_816, %bitcast_convert_type3A_871 : vector<16xf32>
          %mul3A_874 = arith.mulf %broadcast_in_dim3A_816, %bitcast_convert_type3A_872 : vector<16xf32>
          %add3A_875 = arith.addf %add3A_752, %mul3A_873 : vector<16xf32>
          %add3A_876 = arith.addf %add3A_753, %mul3A_874 : vector<16xf32>
          %add3A_877 = arith.constant 5 : i32
          %add3A_878 = arith.addi %mul3A_213, %add3A_877 : i32
          %get3A_879 = arith.index_cast %add3A_878 : i32 to index
          %get3A_880 = arith.constant 64 : index
          %get3A_881 = tpu.vector_load %arg11[%get3A_879, %get3A_880] {strides = array<i32>} : memref<112x128xi32, #tpu.memory_space<vmem>>, vector<1x16xi32>,
          %get3A_882 = vector.shape_cast %get3A_881 : vector<1x16xi32> to vector<16xi32>
          %shift_left3A_883 = arith.constant 16 : i32
          %shift_left3A_884 = vector.broadcast %shift_left3A_883 : i32 to vector<16xi32>
          %shift_left3A_885 = arith.shli %get3A_882, %shift_left3A_884 : vector<16xi32>
          %bitcast_convert_type3A_886 = tpu.bitcast %shift_left3A_885 : vector<16xi32> -> vector<16xf32>
          %bitcast_convert_type3A_887 = tpu.bitcast %get3A_882 : vector<16xi32> -> vector<16xf32>
          %mul3A_888 = arith.mulf %broadcast_in_dim3A_816, %bitcast_convert_type3A_886 : vector<16xf32>
          %mul3A_889 = arith.mulf %broadcast_in_dim3A_816, %bitcast_convert_type3A_887 : vector<16xf32>
          %add3A_890 = arith.addf %add3A_767, %mul3A_888 : vector<16xf32>
          %add3A_891 = arith.addf %add3A_768, %mul3A_889 : vector<16xf32>
          %add3A_892 = arith.constant 5 : i32
          %add3A_893 = arith.addi %mul3A_213, %add3A_892 : i32
          %get3A_894 = arith.index_cast %add3A_893 : i32 to index
          %get3A_895 = arith.constant 80 : index
          %get3A_896 = tpu.vector_load %arg11[%get3A_894, %get3A_895] {strides = array<i32>} : memref<112x128xi32, #tpu.memory_space<vmem>>, vector<1x16xi32>,
          %get3A_897 = vector.shape_cast %get3A_896 : vector<1x16xi32> to vector<16xi32>
          %shift_left3A_898 = arith.constant 16 : i32
          %shift_left3A_899 = vector.broadcast %shift_left3A_898 : i32 to vector<16xi32>
          %shift_left3A_900 = arith.shli %get3A_897, %shift_left3A_899 : vector<16xi32>
          %bitcast_convert_type3A_901 = tpu.bitcast %shift_left3A_900 : vector<16xi32> -> vector<16xf32>
          %bitcast_convert_type3A_902 = tpu.bitcast %get3A_897 : vector<16xi32> -> vector<16xf32>
          %mul3A_903 = arith.mulf %broadcast_in_dim3A_816, %bitcast_convert_type3A_901 : vector<16xf32>
          %mul3A_904 = arith.mulf %broadcast_in_dim3A_816, %bitcast_convert_type3A_902 : vector<16xf32>
          %add3A_905 = arith.addf %add3A_782, %mul3A_903 : vector<16xf32>
          %add3A_906 = arith.addf %add3A_783, %mul3A_904 : vector<16xf32>
          %add3A_907 = arith.constant 5 : i32
          %add3A_908 = arith.addi %mul3A_213, %add3A_907 : i32
          %get3A_909 = arith.index_cast %add3A_908 : i32 to index
          %get3A_910 = arith.constant 96 : index
          %get3A_911 = tpu.vector_load %arg11[%get3A_909, %get3A_910] {strides = array<i32>} : memref<112x128xi32, #tpu.memory_space<vmem>>, vector<1x16xi32>,
          %get3A_912 = vector.shape_cast %get3A_911 : vector<1x16xi32> to vector<16xi32>
          %shift_left3A_913 = arith.constant 16 : i32
          %shift_left3A_914 = vector.broadcast %shift_left3A_913 : i32 to vector<16xi32>
          %shift_left3A_915 = arith.shli %get3A_912, %shift_left3A_914 : vector<16xi32>
          %bitcast_convert_type3A_916 = tpu.bitcast %shift_left3A_915 : vector<16xi32> -> vector<16xf32>
          %bitcast_convert_type3A_917 = tpu.bitcast %get3A_912 : vector<16xi32> -> vector<16xf32>
          %mul3A_918 = arith.mulf %broadcast_in_dim3A_816, %bitcast_convert_type3A_916 : vector<16xf32>
          %mul3A_919 = arith.mulf %broadcast_in_dim3A_816, %bitcast_convert_type3A_917 : vector<16xf32>
          %add3A_920 = arith.addf %add3A_797, %mul3A_918 : vector<16xf32>
          %add3A_921 = arith.addf %add3A_798, %mul3A_919 : vector<16xf32>
          %add3A_922 = arith.constant 5 : i32
          %add3A_923 = arith.addi %mul3A_213, %add3A_922 : i32
          %get3A_924 = arith.index_cast %add3A_923 : i32 to index
          %get3A_925 = arith.constant 112 : index
          %get3A_926 = tpu.vector_load %arg11[%get3A_924, %get3A_925] {strides = array<i32>} : memref<112x128xi32, #tpu.memory_space<vmem>>, vector<1x16xi32>,
          %get3A_927 = vector.shape_cast %get3A_926 : vector<1x16xi32> to vector<16xi32>
          %shift_left3A_928 = arith.constant 16 : i32
          %shift_left3A_929 = vector.broadcast %shift_left3A_928 : i32 to vector<16xi32>
          %shift_left3A_930 = arith.shli %get3A_927, %shift_left3A_929 : vector<16xi32>
          %bitcast_convert_type3A_931 = tpu.bitcast %shift_left3A_930 : vector<16xi32> -> vector<16xf32>
          %bitcast_convert_type3A_932 = tpu.bitcast %get3A_927 : vector<16xi32> -> vector<16xf32>
          %mul3A_933 = arith.mulf %broadcast_in_dim3A_816, %bitcast_convert_type3A_931 : vector<16xf32>
          %mul3A_934 = arith.mulf %broadcast_in_dim3A_816, %bitcast_convert_type3A_932 : vector<16xf32>
          %add3A_935 = arith.addf %add3A_812, %mul3A_933 : vector<16xf32>
          %add3A_936 = arith.addf %add3A_813, %mul3A_934 : vector<16xf32>
          %slice3A_937 = vector.extract_strided_slice %get3A_216 {offsets = [6], sizes = [1], strides = [1]} : vector<16xf32> to vector<1xf32>
          %broadcast_in_dim3A_938 = vector.shape_cast %slice3A_937 : vector<1xf32> to vector<1xf32>
          %broadcast_in_dim3A_939 = vector.broadcast %broadcast_in_dim3A_938 : vector<1xf32> to vector<16xf32>
          %add3A_940 = arith.constant 6 : i32
          %add3A_941 = arith.addi %mul3A_213, %add3A_940 : i32
          %get3A_942 = arith.index_cast %add3A_941 : i32 to index
          %get3A_943 = arith.constant 0 : index
          %get3A_944 = tpu.vector_load %arg11[%get3A_942, %get3A_943] {strides = array<i32>} : memref<112x128xi32, #tpu.memory_space<vmem>>, vector<1x16xi32>,
          %get3A_945 = vector.shape_cast %get3A_944 : vector<1x16xi32> to vector<16xi32>
          %shift_left3A_946 = arith.constant 16 : i32
          %shift_left3A_947 = vector.broadcast %shift_left3A_946 : i32 to vector<16xi32>
          %shift_left3A_948 = arith.shli %get3A_945, %shift_left3A_947 : vector<16xi32>
          %bitcast_convert_type3A_949 = tpu.bitcast %shift_left3A_948 : vector<16xi32> -> vector<16xf32>
          %bitcast_convert_type3A_950 = tpu.bitcast %get3A_945 : vector<16xi32> -> vector<16xf32>
          %mul3A_951 = arith.mulf %broadcast_in_dim3A_939, %bitcast_convert_type3A_949 : vector<16xf32>
          %mul3A_952 = arith.mulf %broadcast_in_dim3A_939, %bitcast_convert_type3A_950 : vector<16xf32>
          %add3A_953 = arith.addf %add3A_830, %mul3A_951 : vector<16xf32>
          %add3A_954 = arith.addf %add3A_831, %mul3A_952 : vector<16xf32>
          %add3A_955 = arith.constant 6 : i32
          %add3A_956 = arith.addi %mul3A_213, %add3A_955 : i32
          %get3A_957 = arith.index_cast %add3A_956 : i32 to index
          %get3A_958 = arith.constant 16 : index
          %get3A_959 = tpu.vector_load %arg11[%get3A_957, %get3A_958] {strides = array<i32>} : memref<112x128xi32, #tpu.memory_space<vmem>>, vector<1x16xi32>,
          %get3A_960 = vector.shape_cast %get3A_959 : vector<1x16xi32> to vector<16xi32>
          %shift_left3A_961 = arith.constant 16 : i32
          %shift_left3A_962 = vector.broadcast %shift_left3A_961 : i32 to vector<16xi32>
          %shift_left3A_963 = arith.shli %get3A_960, %shift_left3A_962 : vector<16xi32>
          %bitcast_convert_type3A_964 = tpu.bitcast %shift_left3A_963 : vector<16xi32> -> vector<16xf32>
          %bitcast_convert_type3A_965 = tpu.bitcast %get3A_960 : vector<16xi32> -> vector<16xf32>
          %mul3A_966 = arith.mulf %broadcast_in_dim3A_939, %bitcast_convert_type3A_964 : vector<16xf32>
          %mul3A_967 = arith.mulf %broadcast_in_dim3A_939, %bitcast_convert_type3A_965 : vector<16xf32>
          %add3A_968 = arith.addf %add3A_845, %mul3A_966 : vector<16xf32>
          %add3A_969 = arith.addf %add3A_846, %mul3A_967 : vector<16xf32>
          %add3A_970 = arith.constant 6 : i32
          %add3A_971 = arith.addi %mul3A_213, %add3A_970 : i32
          %get3A_972 = arith.index_cast %add3A_971 : i32 to index
          %get3A_973 = arith.constant 32 : index
          %get3A_974 = tpu.vector_load %arg11[%get3A_972, %get3A_973] {strides = array<i32>} : memref<112x128xi32, #tpu.memory_space<vmem>>, vector<1x16xi32>,
          %get3A_975 = vector.shape_cast %get3A_974 : vector<1x16xi32> to vector<16xi32>
          %shift_left3A_976 = arith.constant 16 : i32
          %shift_left3A_977 = vector.broadcast %shift_left3A_976 : i32 to vector<16xi32>
          %shift_left3A_978 = arith.shli %get3A_975, %shift_left3A_977 : vector<16xi32>
          %bitcast_convert_type3A_979 = tpu.bitcast %shift_left3A_978 : vector<16xi32> -> vector<16xf32>
          %bitcast_convert_type3A_980 = tpu.bitcast %get3A_975 : vector<16xi32> -> vector<16xf32>
          %mul3A_981 = arith.mulf %broadcast_in_dim3A_939, %bitcast_convert_type3A_979 : vector<16xf32>
          %mul3A_982 = arith.mulf %broadcast_in_dim3A_939, %bitcast_convert_type3A_980 : vector<16xf32>
          %add3A_983 = arith.addf %add3A_860, %mul3A_981 : vector<16xf32>
          %add3A_984 = arith.addf %add3A_861, %mul3A_982 : vector<16xf32>
          %add3A_985 = arith.constant 6 : i32
          %add3A_986 = arith.addi %mul3A_213, %add3A_985 : i32
          %get3A_987 = arith.index_cast %add3A_986 : i32 to index
          %get3A_988 = arith.constant 48 : index
          %get3A_989 = tpu.vector_load %arg11[%get3A_987, %get3A_988] {strides = array<i32>} : memref<112x128xi32, #tpu.memory_space<vmem>>, vector<1x16xi32>,
          %get3A_990 = vector.shape_cast %get3A_989 : vector<1x16xi32> to vector<16xi32>
          %shift_left3A_991 = arith.constant 16 : i32
          %shift_left3A_992 = vector.broadcast %shift_left3A_991 : i32 to vector<16xi32>
          %shift_left3A_993 = arith.shli %get3A_990, %shift_left3A_992 : vector<16xi32>
          %bitcast_convert_type3A_994 = tpu.bitcast %shift_left3A_993 : vector<16xi32> -> vector<16xf32>
          %bitcast_convert_type3A_995 = tpu.bitcast %get3A_990 : vector<16xi32> -> vector<16xf32>
          %mul3A_996 = arith.mulf %broadcast_in_dim3A_939, %bitcast_convert_type3A_994 : vector<16xf32>
          %mul3A_997 = arith.mulf %broadcast_in_dim3A_939, %bitcast_convert_type3A_995 : vector<16xf32>
          %add3A_998 = arith.addf %add3A_875, %mul3A_996 : vector<16xf32>
          %add3A_999 = arith.addf %add3A_876, %mul3A_997 : vector<16xf32>
          %add3A_1000 = arith.constant 6 : i32
          %add3A_1001 = arith.addi %mul3A_213, %add3A_1000 : i32
          %get3A_1002 = arith.index_cast %add3A_1001 : i32 to index
          %get3A_1003 = arith.constant 64 : index
          %get3A_1004 = tpu.vector_load %arg11[%get3A_1002, %get3A_1003] {strides = array<i32>} : memref<112x128xi32, #tpu.memory_space<vmem>>, vector<1x16xi32>,
          %get3A_1005 = vector.shape_cast %get3A_1004 : vector<1x16xi32> to vector<16xi32>
          %shift_left3A_1006 = arith.constant 16 : i32
          %shift_left3A_1007 = vector.broadcast %shift_left3A_1006 : i32 to vector<16xi32>
          %shift_left3A_1008 = arith.shli %get3A_1005, %shift_left3A_1007 : vector<16xi32>
          %bitcast_convert_type3A_1009 = tpu.bitcast %shift_left3A_1008 : vector<16xi32> -> vector<16xf32>
          %bitcast_convert_type3A_1010 = tpu.bitcast %get3A_1005 : vector<16xi32> -> vector<16xf32>
          %mul3A_1011 = arith.mulf %broadcast_in_dim3A_939, %bitcast_convert_type3A_1009 : vector<16xf32>
          %mul3A_1012 = arith.mulf %broadcast_in_dim3A_939, %bitcast_convert_type3A_1010 : vector<16xf32>
          %add3A_1013 = arith.addf %add3A_890, %mul3A_1011 : vector<16xf32>
          %add3A_1014 = arith.addf %add3A_891, %mul3A_1012 : vector<16xf32>
          %add3A_1015 = arith.constant 6 : i32
          %add3A_1016 = arith.addi %mul3A_213, %add3A_1015 : i32
          %get3A_1017 = arith.index_cast %add3A_1016 : i32 to index
          %get3A_1018 = arith.constant 80 : index
          %get3A_1019 = tpu.vector_load %arg11[%get3A_1017, %get3A_1018] {strides = array<i32>} : memref<112x128xi32, #tpu.memory_space<vmem>>, vector<1x16xi32>,
          %get3A_1020 = vector.shape_cast %get3A_1019 : vector<1x16xi32> to vector<16xi32>
          %shift_left3A_1021 = arith.constant 16 : i32
          %shift_left3A_1022 = vector.broadcast %shift_left3A_1021 : i32 to vector<16xi32>
          %shift_left3A_1023 = arith.shli %get3A_1020, %shift_left3A_1022 : vector<16xi32>
          %bitcast_convert_type3A_1024 = tpu.bitcast %shift_left3A_1023 : vector<16xi32> -> vector<16xf32>
          %bitcast_convert_type3A_1025 = tpu.bitcast %get3A_1020 : vector<16xi32> -> vector<16xf32>
          %mul3A_1026 = arith.mulf %broadcast_in_dim3A_939, %bitcast_convert_type3A_1024 : vector<16xf32>
          %mul3A_1027 = arith.mulf %broadcast_in_dim3A_939, %bitcast_convert_type3A_1025 : vector<16xf32>
          %add3A_1028 = arith.addf %add3A_905, %mul3A_1026 : vector<16xf32>
          %add3A_1029 = arith.addf %add3A_906, %mul3A_1027 : vector<16xf32>
          %add3A_1030 = arith.constant 6 : i32
          %add3A_1031 = arith.addi %mul3A_213, %add3A_1030 : i32
          %get3A_1032 = arith.index_cast %add3A_1031 : i32 to index
          %get3A_1033 = arith.constant 96 : index
          %get3A_1034 = tpu.vector_load %arg11[%get3A_1032, %get3A_1033] {strides = array<i32>} : memref<112x128xi32, #tpu.memory_space<vmem>>, vector<1x16xi32>,
          %get3A_1035 = vector.shape_cast %get3A_1034 : vector<1x16xi32> to vector<16xi32>
          %shift_left3A_1036 = arith.constant 16 : i32
          %shift_left3A_1037 = vector.broadcast %shift_left3A_1036 : i32 to vector<16xi32>
          %shift_left3A_1038 = arith.shli %get3A_1035, %shift_left3A_1037 : vector<16xi32>
          %bitcast_convert_type3A_1039 = tpu.bitcast %shift_left3A_1038 : vector<16xi32> -> vector<16xf32>
          %bitcast_convert_type3A_1040 = tpu.bitcast %get3A_1035 : vector<16xi32> -> vector<16xf32>
          %mul3A_1041 = arith.mulf %broadcast_in_dim3A_939, %bitcast_convert_type3A_1039 : vector<16xf32>
          %mul3A_1042 = arith.mulf %broadcast_in_dim3A_939, %bitcast_convert_type3A_1040 : vector<16xf32>
          %add3A_1043 = arith.addf %add3A_920, %mul3A_1041 : vector<16xf32>
          %add3A_1044 = arith.addf %add3A_921, %mul3A_1042 : vector<16xf32>
          %add3A_1045 = arith.constant 6 : i32
          %add3A_1046 = arith.addi %mul3A_213, %add3A_1045 : i32
          %get3A_1047 = arith.index_cast %add3A_1046 : i32 to index
          %get3A_1048 = arith.constant 112 : index
          %get3A_1049 = tpu.vector_load %arg11[%get3A_1047, %get3A_1048] {strides = array<i32>} : memref<112x128xi32, #tpu.memory_space<vmem>>, vector<1x16xi32>,
          %get3A_1050 = vector.shape_cast %get3A_1049 : vector<1x16xi32> to vector<16xi32>
          %shift_left3A_1051 = arith.constant 16 : i32
          %shift_left3A_1052 = vector.broadcast %shift_left3A_1051 : i32 to vector<16xi32>
          %shift_left3A_1053 = arith.shli %get3A_1050, %shift_left3A_1052 : vector<16xi32>
          %bitcast_convert_type3A_1054 = tpu.bitcast %shift_left3A_1053 : vector<16xi32> -> vector<16xf32>
          %bitcast_convert_type3A_1055 = tpu.bitcast %get3A_1050 : vector<16xi32> -> vector<16xf32>
          %mul3A_1056 = arith.mulf %broadcast_in_dim3A_939, %bitcast_convert_type3A_1054 : vector<16xf32>
          %mul3A_1057 = arith.mulf %broadcast_in_dim3A_939, %bitcast_convert_type3A_1055 : vector<16xf32>
          %add3A_1058 = arith.addf %add3A_935, %mul3A_1056 : vector<16xf32>
          %add3A_1059 = arith.addf %add3A_936, %mul3A_1057 : vector<16xf32>
          %slice3A_1060 = vector.extract_strided_slice %get3A_216 {offsets = [7], sizes = [1], strides = [1]} : vector<16xf32> to vector<1xf32>
          %broadcast_in_dim3A_1061 = vector.shape_cast %slice3A_1060 : vector<1xf32> to vector<1xf32>
          %broadcast_in_dim3A_1062 = vector.broadcast %broadcast_in_dim3A_1061 : vector<1xf32> to vector<16xf32>
          %add3A_1063 = arith.constant 7 : i32
          %add3A_1064 = arith.addi %mul3A_213, %add3A_1063 : i32
          %get3A_1065 = arith.index_cast %add3A_1064 : i32 to index
          %get3A_1066 = arith.constant 0 : index
          %get3A_1067 = tpu.vector_load %arg11[%get3A_1065, %get3A_1066] {strides = array<i32>} : memref<112x128xi32, #tpu.memory_space<vmem>>, vector<1x16xi32>,
          %get3A_1068 = vector.shape_cast %get3A_1067 : vector<1x16xi32> to vector<16xi32>
          %shift_left3A_1069 = arith.constant 16 : i32
          %shift_left3A_1070 = vector.broadcast %shift_left3A_1069 : i32 to vector<16xi32>
          %shift_left3A_1071 = arith.shli %get3A_1068, %shift_left3A_1070 : vector<16xi32>
          %bitcast_convert_type3A_1072 = tpu.bitcast %shift_left3A_1071 : vector<16xi32> -> vector<16xf32>
          %bitcast_convert_type3A_1073 = tpu.bitcast %get3A_1068 : vector<16xi32> -> vector<16xf32>
          %mul3A_1074 = arith.mulf %broadcast_in_dim3A_1062, %bitcast_convert_type3A_1072 : vector<16xf32>
          %mul3A_1075 = arith.mulf %broadcast_in_dim3A_1062, %bitcast_convert_type3A_1073 : vector<16xf32>
          %add3A_1076 = arith.addf %add3A_953, %mul3A_1074 : vector<16xf32>
          %add3A_1077 = arith.addf %add3A_954, %mul3A_1075 : vector<16xf32>
          %add3A_1078 = arith.constant 7 : i32
          %add3A_1079 = arith.addi %mul3A_213, %add3A_1078 : i32
          %get3A_1080 = arith.index_cast %add3A_1079 : i32 to index
          %get3A_1081 = arith.constant 16 : index
          %get3A_1082 = tpu.vector_load %arg11[%get3A_1080, %get3A_1081] {strides = array<i32>} : memref<112x128xi32, #tpu.memory_space<vmem>>, vector<1x16xi32>,
          %get3A_1083 = vector.shape_cast %get3A_1082 : vector<1x16xi32> to vector<16xi32>
          %shift_left3A_1084 = arith.constant 16 : i32
          %shift_left3A_1085 = vector.broadcast %shift_left3A_1084 : i32 to vector<16xi32>
          %shift_left3A_1086 = arith.shli %get3A_1083, %shift_left3A_1085 : vector<16xi32>
          %bitcast_convert_type3A_1087 = tpu.bitcast %shift_left3A_1086 : vector<16xi32> -> vector<16xf32>
          %bitcast_convert_type3A_1088 = tpu.bitcast %get3A_1083 : vector<16xi32> -> vector<16xf32>
          %mul3A_1089 = arith.mulf %broadcast_in_dim3A_1062, %bitcast_convert_type3A_1087 : vector<16xf32>
          %mul3A_1090 = arith.mulf %broadcast_in_dim3A_1062, %bitcast_convert_type3A_1088 : vector<16xf32>
          %add3A_1091 = arith.addf %add3A_968, %mul3A_1089 : vector<16xf32>
          %add3A_1092 = arith.addf %add3A_969, %mul3A_1090 : vector<16xf32>
          %add3A_1093 = arith.constant 7 : i32
          %add3A_1094 = arith.addi %mul3A_213, %add3A_1093 : i32
          %get3A_1095 = arith.index_cast %add3A_1094 : i32 to index
          %get3A_1096 = arith.constant 32 : index
          %get3A_1097 = tpu.vector_load %arg11[%get3A_1095, %get3A_1096] {strides = array<i32>} : memref<112x128xi32, #tpu.memory_space<vmem>>, vector<1x16xi32>,
          %get3A_1098 = vector.shape_cast %get3A_1097 : vector<1x16xi32> to vector<16xi32>
          %shift_left3A_1099 = arith.constant 16 : i32
          %shift_left3A_1100 = vector.broadcast %shift_left3A_1099 : i32 to vector<16xi32>
          %shift_left3A_1101 = arith.shli %get3A_1098, %shift_left3A_1100 : vector<16xi32>
          %bitcast_convert_type3A_1102 = tpu.bitcast %shift_left3A_1101 : vector<16xi32> -> vector<16xf32>
          %bitcast_convert_type3A_1103 = tpu.bitcast %get3A_1098 : vector<16xi32> -> vector<16xf32>
          %mul3A_1104 = arith.mulf %broadcast_in_dim3A_1062, %bitcast_convert_type3A_1102 : vector<16xf32>
          %mul3A_1105 = arith.mulf %broadcast_in_dim3A_1062, %bitcast_convert_type3A_1103 : vector<16xf32>
          %add3A_1106 = arith.addf %add3A_983, %mul3A_1104 : vector<16xf32>
          %add3A_1107 = arith.addf %add3A_984, %mul3A_1105 : vector<16xf32>
          %add3A_1108 = arith.constant 7 : i32
          %add3A_1109 = arith.addi %mul3A_213, %add3A_1108 : i32
          %get3A_1110 = arith.index_cast %add3A_1109 : i32 to index
          %get3A_1111 = arith.constant 48 : index
          %get3A_1112 = tpu.vector_load %arg11[%get3A_1110, %get3A_1111] {strides = array<i32>} : memref<112x128xi32, #tpu.memory_space<vmem>>, vector<1x16xi32>,
          %get3A_1113 = vector.shape_cast %get3A_1112 : vector<1x16xi32> to vector<16xi32>
          %shift_left3A_1114 = arith.constant 16 : i32
          %shift_left3A_1115 = vector.broadcast %shift_left3A_1114 : i32 to vector<16xi32>
          %shift_left3A_1116 = arith.shli %get3A_1113, %shift_left3A_1115 : vector<16xi32>
          %bitcast_convert_type3A_1117 = tpu.bitcast %shift_left3A_1116 : vector<16xi32> -> vector<16xf32>
          %bitcast_convert_type3A_1118 = tpu.bitcast %get3A_1113 : vector<16xi32> -> vector<16xf32>
          %mul3A_1119 = arith.mulf %broadcast_in_dim3A_1062, %bitcast_convert_type3A_1117 : vector<16xf32>
          %mul3A_1120 = arith.mulf %broadcast_in_dim3A_1062, %bitcast_convert_type3A_1118 : vector<16xf32>
          %add3A_1121 = arith.addf %add3A_998, %mul3A_1119 : vector<16xf32>
          %add3A_1122 = arith.addf %add3A_999, %mul3A_1120 : vector<16xf32>
          %add3A_1123 = arith.constant 7 : i32
          %add3A_1124 = arith.addi %mul3A_213, %add3A_1123 : i32
          %get3A_1125 = arith.index_cast %add3A_1124 : i32 to index
          %get3A_1126 = arith.constant 64 : index
          %get3A_1127 = tpu.vector_load %arg11[%get3A_1125, %get3A_1126] {strides = array<i32>} : memref<112x128xi32, #tpu.memory_space<vmem>>, vector<1x16xi32>,
          %get3A_1128 = vector.shape_cast %get3A_1127 : vector<1x16xi32> to vector<16xi32>
          %shift_left3A_1129 = arith.constant 16 : i32
          %shift_left3A_1130 = vector.broadcast %shift_left3A_1129 : i32 to vector<16xi32>
          %shift_left3A_1131 = arith.shli %get3A_1128, %shift_left3A_1130 : vector<16xi32>
          %bitcast_convert_type3A_1132 = tpu.bitcast %shift_left3A_1131 : vector<16xi32> -> vector<16xf32>
          %bitcast_convert_type3A_1133 = tpu.bitcast %get3A_1128 : vector<16xi32> -> vector<16xf32>
          %mul3A_1134 = arith.mulf %broadcast_in_dim3A_1062, %bitcast_convert_type3A_1132 : vector<16xf32>
          %mul3A_1135 = arith.mulf %broadcast_in_dim3A_1062, %bitcast_convert_type3A_1133 : vector<16xf32>
          %add3A_1136 = arith.addf %add3A_1013, %mul3A_1134 : vector<16xf32>
          %add3A_1137 = arith.addf %add3A_1014, %mul3A_1135 : vector<16xf32>
          %add3A_1138 = arith.constant 7 : i32
          %add3A_1139 = arith.addi %mul3A_213, %add3A_1138 : i32
          %get3A_1140 = arith.index_cast %add3A_1139 : i32 to index
          %get3A_1141 = arith.constant 80 : index
          %get3A_1142 = tpu.vector_load %arg11[%get3A_1140, %get3A_1141] {strides = array<i32>} : memref<112x128xi32, #tpu.memory_space<vmem>>, vector<1x16xi32>,
          %get3A_1143 = vector.shape_cast %get3A_1142 : vector<1x16xi32> to vector<16xi32>
          %shift_left3A_1144 = arith.constant 16 : i32
          %shift_left3A_1145 = vector.broadcast %shift_left3A_1144 : i32 to vector<16xi32>
          %shift_left3A_1146 = arith.shli %get3A_1143, %shift_left3A_1145 : vector<16xi32>
          %bitcast_convert_type3A_1147 = tpu.bitcast %shift_left3A_1146 : vector<16xi32> -> vector<16xf32>
          %bitcast_convert_type3A_1148 = tpu.bitcast %get3A_1143 : vector<16xi32> -> vector<16xf32>
          %mul3A_1149 = arith.mulf %broadcast_in_dim3A_1062, %bitcast_convert_type3A_1147 : vector<16xf32>
          %mul3A_1150 = arith.mulf %broadcast_in_dim3A_1062, %bitcast_convert_type3A_1148 : vector<16xf32>
          %add3A_1151 = arith.addf %add3A_1028, %mul3A_1149 : vector<16xf32>
          %add3A_1152 = arith.addf %add3A_1029, %mul3A_1150 : vector<16xf32>
          %add3A_1153 = arith.constant 7 : i32
          %add3A_1154 = arith.addi %mul3A_213, %add3A_1153 : i32
          %get3A_1155 = arith.index_cast %add3A_1154 : i32 to index
          %get3A_1156 = arith.constant 96 : index
          %get3A_1157 = tpu.vector_load %arg11[%get3A_1155, %get3A_1156] {strides = array<i32>} : memref<112x128xi32, #tpu.memory_space<vmem>>, vector<1x16xi32>,
          %get3A_1158 = vector.shape_cast %get3A_1157 : vector<1x16xi32> to vector<16xi32>
          %shift_left3A_1159 = arith.constant 16 : i32
          %shift_left3A_1160 = vector.broadcast %shift_left3A_1159 : i32 to vector<16xi32>
          %shift_left3A_1161 = arith.shli %get3A_1158, %shift_left3A_1160 : vector<16xi32>
          %bitcast_convert_type3A_1162 = tpu.bitcast %shift_left3A_1161 : vector<16xi32> -> vector<16xf32>
          %bitcast_convert_type3A_1163 = tpu.bitcast %get3A_1158 : vector<16xi32> -> vector<16xf32>
          %mul3A_1164 = arith.mulf %broadcast_in_dim3A_1062, %bitcast_convert_type3A_1162 : vector<16xf32>
          %mul3A_1165 = arith.mulf %broadcast_in_dim3A_1062, %bitcast_convert_type3A_1163 : vector<16xf32>
          %add3A_1166 = arith.addf %add3A_1043, %mul3A_1164 : vector<16xf32>
          %add3A_1167 = arith.addf %add3A_1044, %mul3A_1165 : vector<16xf32>
          %add3A_1168 = arith.constant 7 : i32
          %add3A_1169 = arith.addi %mul3A_213, %add3A_1168 : i32
          %get3A_1170 = arith.index_cast %add3A_1169 : i32 to index
          %get3A_1171 = arith.constant 112 : index
          %get3A_1172 = tpu.vector_load %arg11[%get3A_1170, %get3A_1171] {strides = array<i32>} : memref<112x128xi32, #tpu.memory_space<vmem>>, vector<1x16xi32>,
          %get3A_1173 = vector.shape_cast %get3A_1172 : vector<1x16xi32> to vector<16xi32>
          %shift_left3A_1174 = arith.constant 16 : i32
          %shift_left3A_1175 = vector.broadcast %shift_left3A_1174 : i32 to vector<16xi32>
          %shift_left3A_1176 = arith.shli %get3A_1173, %shift_left3A_1175 : vector<16xi32>
          %bitcast_convert_type3A_1177 = tpu.bitcast %shift_left3A_1176 : vector<16xi32> -> vector<16xf32>
          %bitcast_convert_type3A_1178 = tpu.bitcast %get3A_1173 : vector<16xi32> -> vector<16xf32>
          %mul3A_1179 = arith.mulf %broadcast_in_dim3A_1062, %bitcast_convert_type3A_1177 : vector<16xf32>
          %mul3A_1180 = arith.mulf %broadcast_in_dim3A_1062, %bitcast_convert_type3A_1178 : vector<16xf32>
          %add3A_1181 = arith.addf %add3A_1058, %mul3A_1179 : vector<16xf32>
          %add3A_1182 = arith.addf %add3A_1059, %mul3A_1180 : vector<16xf32>
          %slice3A_1183 = vector.extract_strided_slice %get3A_216 {offsets = [8], sizes = [1], strides = [1]} : vector<16xf32> to vector<1xf32>
          %broadcast_in_dim3A_1184 = vector.shape_cast %slice3A_1183 : vector<1xf32> to vector<1xf32>
          %broadcast_in_dim3A_1185 = vector.broadcast %broadcast_in_dim3A_1184 : vector<1xf32> to vector<16xf32>
          %add3A_1186 = arith.constant 8 : i32
          %add3A_1187 = arith.addi %mul3A_213, %add3A_1186 : i32
          %get3A_1188 = arith.index_cast %add3A_1187 : i32 to index
          %get3A_1189 = arith.constant 0 : index
          %get3A_1190 = tpu.vector_load %arg11[%get3A_1188, %get3A_1189] {strides = array<i32>} : memref<112x128xi32, #tpu.memory_space<vmem>>, vector<1x16xi32>,
          %get3A_1191 = vector.shape_cast %get3A_1190 : vector<1x16xi32> to vector<16xi32>
          %shift_left3A_1192 = arith.constant 16 : i32
          %shift_left3A_1193 = vector.broadcast %shift_left3A_1192 : i32 to vector<16xi32>
          %shift_left3A_1194 = arith.shli %get3A_1191, %shift_left3A_1193 : vector<16xi32>
          %bitcast_convert_type3A_1195 = tpu.bitcast %shift_left3A_1194 : vector<16xi32> -> vector<16xf32>
          %bitcast_convert_type3A_1196 = tpu.bitcast %get3A_1191 : vector<16xi32> -> vector<16xf32>
          %mul3A_1197 = arith.mulf %broadcast_in_dim3A_1185, %bitcast_convert_type3A_1195 : vector<16xf32>
          %mul3A_1198 = arith.mulf %broadcast_in_dim3A_1185, %bitcast_convert_type3A_1196 : vector<16xf32>
          %add3A_1199 = arith.addf %add3A_1076, %mul3A_1197 : vector<16xf32>
          %add3A_1200 = arith.addf %add3A_1077, %mul3A_1198 : vector<16xf32>
          %add3A_1201 = arith.constant 8 : i32
          %add3A_1202 = arith.addi %mul3A_213, %add3A_1201 : i32
          %get3A_1203 = arith.index_cast %add3A_1202 : i32 to index
          %get3A_1204 = arith.constant 16 : index
          %get3A_1205 = tpu.vector_load %arg11[%get3A_1203, %get3A_1204] {strides = array<i32>} : memref<112x128xi32, #tpu.memory_space<vmem>>, vector<1x16xi32>,
          %get3A_1206 = vector.shape_cast %get3A_1205 : vector<1x16xi32> to vector<16xi32>
          %shift_left3A_1207 = arith.constant 16 : i32
          %shift_left3A_1208 = vector.broadcast %shift_left3A_1207 : i32 to vector<16xi32>
          %shift_left3A_1209 = arith.shli %get3A_1206, %shift_left3A_1208 : vector<16xi32>
          %bitcast_convert_type3A_1210 = tpu.bitcast %shift_left3A_1209 : vector<16xi32> -> vector<16xf32>
          %bitcast_convert_type3A_1211 = tpu.bitcast %get3A_1206 : vector<16xi32> -> vector<16xf32>
          %mul3A_1212 = arith.mulf %broadcast_in_dim3A_1185, %bitcast_convert_type3A_1210 : vector<16xf32>
          %mul3A_1213 = arith.mulf %broadcast_in_dim3A_1185, %bitcast_convert_type3A_1211 : vector<16xf32>
          %add3A_1214 = arith.addf %add3A_1091, %mul3A_1212 : vector<16xf32>
          %add3A_1215 = arith.addf %add3A_1092, %mul3A_1213 : vector<16xf32>
          %add3A_1216 = arith.constant 8 : i32
          %add3A_1217 = arith.addi %mul3A_213, %add3A_1216 : i32
          %get3A_1218 = arith.index_cast %add3A_1217 : i32 to index
          %get3A_1219 = arith.constant 32 : index
          %get3A_1220 = tpu.vector_load %arg11[%get3A_1218, %get3A_1219] {strides = array<i32>} : memref<112x128xi32, #tpu.memory_space<vmem>>, vector<1x16xi32>,
          %get3A_1221 = vector.shape_cast %get3A_1220 : vector<1x16xi32> to vector<16xi32>
          %shift_left3A_1222 = arith.constant 16 : i32
          %shift_left3A_1223 = vector.broadcast %shift_left3A_1222 : i32 to vector<16xi32>
          %shift_left3A_1224 = arith.shli %get3A_1221, %shift_left3A_1223 : vector<16xi32>
          %bitcast_convert_type3A_1225 = tpu.bitcast %shift_left3A_1224 : vector<16xi32> -> vector<16xf32>
          %bitcast_convert_type3A_1226 = tpu.bitcast %get3A_1221 : vector<16xi32> -> vector<16xf32>
          %mul3A_1227 = arith.mulf %broadcast_in_dim3A_1185, %bitcast_convert_type3A_1225 : vector<16xf32>
          %mul3A_1228 = arith.mulf %broadcast_in_dim3A_1185, %bitcast_convert_type3A_1226 : vector<16xf32>
          %add3A_1229 = arith.addf %add3A_1106, %mul3A_1227 : vector<16xf32>
          %add3A_1230 = arith.addf %add3A_1107, %mul3A_1228 : vector<16xf32>
          %add3A_1231 = arith.constant 8 : i32
          %add3A_1232 = arith.addi %mul3A_213, %add3A_1231 : i32
          %get3A_1233 = arith.index_cast %add3A_1232 : i32 to index
          %get3A_1234 = arith.constant 48 : index
          %get3A_1235 = tpu.vector_load %arg11[%get3A_1233, %get3A_1234] {strides = array<i32>} : memref<112x128xi32, #tpu.memory_space<vmem>>, vector<1x16xi32>,
          %get3A_1236 = vector.shape_cast %get3A_1235 : vector<1x16xi32> to vector<16xi32>
          %shift_left3A_1237 = arith.constant 16 : i32
          %shift_left3A_1238 = vector.broadcast %shift_left3A_1237 : i32 to vector<16xi32>
          %shift_left3A_1239 = arith.shli %get3A_1236, %shift_left3A_1238 : vector<16xi32>
          %bitcast_convert_type3A_1240 = tpu.bitcast %shift_left3A_1239 : vector<16xi32> -> vector<16xf32>
          %bitcast_convert_type3A_1241 = tpu.bitcast %get3A_1236 : vector<16xi32> -> vector<16xf32>
          %mul3A_1242 = arith.mulf %broadcast_in_dim3A_1185, %bitcast_convert_type3A_1240 : vector<16xf32>
          %mul3A_1243 = arith.mulf %broadcast_in_dim3A_1185, %bitcast_convert_type3A_1241 : vector<16xf32>
          %add3A_1244 = arith.addf %add3A_1121, %mul3A_1242 : vector<16xf32>
          %add3A_1245 = arith.addf %add3A_1122, %mul3A_1243 : vector<16xf32>
          %add3A_1246 = arith.constant 8 : i32
          %add3A_1247 = arith.addi %mul3A_213, %add3A_1246 : i32
          %get3A_1248 = arith.index_cast %add3A_1247 : i32 to index
          %get3A_1249 = arith.constant 64 : index
          %get3A_1250 = tpu.vector_load %arg11[%get3A_1248, %get3A_1249] {strides = array<i32>} : memref<112x128xi32, #tpu.memory_space<vmem>>, vector<1x16xi32>,
          %get3A_1251 = vector.shape_cast %get3A_1250 : vector<1x16xi32> to vector<16xi32>
          %shift_left3A_1252 = arith.constant 16 : i32
          %shift_left3A_1253 = vector.broadcast %shift_left3A_1252 : i32 to vector<16xi32>
          %shift_left3A_1254 = arith.shli %get3A_1251, %shift_left3A_1253 : vector<16xi32>
          %bitcast_convert_type3A_1255 = tpu.bitcast %shift_left3A_1254 : vector<16xi32> -> vector<16xf32>
          %bitcast_convert_type3A_1256 = tpu.bitcast %get3A_1251 : vector<16xi32> -> vector<16xf32>
          %mul3A_1257 = arith.mulf %broadcast_in_dim3A_1185, %bitcast_convert_type3A_1255 : vector<16xf32>
          %mul3A_1258 = arith.mulf %broadcast_in_dim3A_1185, %bitcast_convert_type3A_1256 : vector<16xf32>
          %add3A_1259 = arith.addf %add3A_1136, %mul3A_1257 : vector<16xf32>
          %add3A_1260 = arith.addf %add3A_1137, %mul3A_1258 : vector<16xf32>
          %add3A_1261 = arith.constant 8 : i32
          %add3A_1262 = arith.addi %mul3A_213, %add3A_1261 : i32
          %get3A_1263 = arith.index_cast %add3A_1262 : i32 to index
          %get3A_1264 = arith.constant 80 : index
          %get3A_1265 = tpu.vector_load %arg11[%get3A_1263, %get3A_1264] {strides = array<i32>} : memref<112x128xi32, #tpu.memory_space<vmem>>, vector<1x16xi32>,
          %get3A_1266 = vector.shape_cast %get3A_1265 : vector<1x16xi32> to vector<16xi32>
          %shift_left3A_1267 = arith.constant 16 : i32
          %shift_left3A_1268 = vector.broadcast %shift_left3A_1267 : i32 to vector<16xi32>
          %shift_left3A_1269 = arith.shli %get3A_1266, %shift_left3A_1268 : vector<16xi32>
          %bitcast_convert_type3A_1270 = tpu.bitcast %shift_left3A_1269 : vector<16xi32> -> vector<16xf32>
          %bitcast_convert_type3A_1271 = tpu.bitcast %get3A_1266 : vector<16xi32> -> vector<16xf32>
          %mul3A_1272 = arith.mulf %broadcast_in_dim3A_1185, %bitcast_convert_type3A_1270 : vector<16xf32>
          %mul3A_1273 = arith.mulf %broadcast_in_dim3A_1185, %bitcast_convert_type3A_1271 : vector<16xf32>
          %add3A_1274 = arith.addf %add3A_1151, %mul3A_1272 : vector<16xf32>
          %add3A_1275 = arith.addf %add3A_1152, %mul3A_1273 : vector<16xf32>
          %add3A_1276 = arith.constant 8 : i32
          %add3A_1277 = arith.addi %mul3A_213, %add3A_1276 : i32
          %get3A_1278 = arith.index_cast %add3A_1277 : i32 to index
          %get3A_1279 = arith.constant 96 : index
          %get3A_1280 = tpu.vector_load %arg11[%get3A_1278, %get3A_1279] {strides = array<i32>} : memref<112x128xi32, #tpu.memory_space<vmem>>, vector<1x16xi32>,
          %get3A_1281 = vector.shape_cast %get3A_1280 : vector<1x16xi32> to vector<16xi32>
          %shift_left3A_1282 = arith.constant 16 : i32
          %shift_left3A_1283 = vector.broadcast %shift_left3A_1282 : i32 to vector<16xi32>
          %shift_left3A_1284 = arith.shli %get3A_1281, %shift_left3A_1283 : vector<16xi32>
          %bitcast_convert_type3A_1285 = tpu.bitcast %shift_left3A_1284 : vector<16xi32> -> vector<16xf32>
          %bitcast_convert_type3A_1286 = tpu.bitcast %get3A_1281 : vector<16xi32> -> vector<16xf32>
          %mul3A_1287 = arith.mulf %broadcast_in_dim3A_1185, %bitcast_convert_type3A_1285 : vector<16xf32>
          %mul3A_1288 = arith.mulf %broadcast_in_dim3A_1185, %bitcast_convert_type3A_1286 : vector<16xf32>
          %add3A_1289 = arith.addf %add3A_1166, %mul3A_1287 : vector<16xf32>
          %add3A_1290 = arith.addf %add3A_1167, %mul3A_1288 : vector<16xf32>
          %add3A_1291 = arith.constant 8 : i32
          %add3A_1292 = arith.addi %mul3A_213, %add3A_1291 : i32
          %get3A_1293 = arith.index_cast %add3A_1292 : i32 to index
          %get3A_1294 = arith.constant 112 : index
          %get3A_1295 = tpu.vector_load %arg11[%get3A_1293, %get3A_1294] {strides = array<i32>} : memref<112x128xi32, #tpu.memory_space<vmem>>, vector<1x16xi32>,
          %get3A_1296 = vector.shape_cast %get3A_1295 : vector<1x16xi32> to vector<16xi32>
          %shift_left3A_1297 = arith.constant 16 : i32
          %shift_left3A_1298 = vector.broadcast %shift_left3A_1297 : i32 to vector<16xi32>
          %shift_left3A_1299 = arith.shli %get3A_1296, %shift_left3A_1298 : vector<16xi32>
          %bitcast_convert_type3A_1300 = tpu.bitcast %shift_left3A_1299 : vector<16xi32> -> vector<16xf32>
          %bitcast_convert_type3A_1301 = tpu.bitcast %get3A_1296 : vector<16xi32> -> vector<16xf32>
          %mul3A_1302 = arith.mulf %broadcast_in_dim3A_1185, %bitcast_convert_type3A_1300 : vector<16xf32>
          %mul3A_1303 = arith.mulf %broadcast_in_dim3A_1185, %bitcast_convert_type3A_1301 : vector<16xf32>
          %add3A_1304 = arith.addf %add3A_1181, %mul3A_1302 : vector<16xf32>
          %add3A_1305 = arith.addf %add3A_1182, %mul3A_1303 : vector<16xf32>
          %slice3A_1306 = vector.extract_strided_slice %get3A_216 {offsets = [9], sizes = [1], strides = [1]} : vector<16xf32> to vector<1xf32>
          %broadcast_in_dim3A_1307 = vector.shape_cast %slice3A_1306 : vector<1xf32> to vector<1xf32>
          %broadcast_in_dim3A_1308 = vector.broadcast %broadcast_in_dim3A_1307 : vector<1xf32> to vector<16xf32>
          %add3A_1309 = arith.constant 9 : i32
          %add3A_1310 = arith.addi %mul3A_213, %add3A_1309 : i32
          %get3A_1311 = arith.index_cast %add3A_1310 : i32 to index
          %get3A_1312 = arith.constant 0 : index
          %get3A_1313 = tpu.vector_load %arg11[%get3A_1311, %get3A_1312] {strides = array<i32>} : memref<112x128xi32, #tpu.memory_space<vmem>>, vector<1x16xi32>,
          %get3A_1314 = vector.shape_cast %get3A_1313 : vector<1x16xi32> to vector<16xi32>
          %shift_left3A_1315 = arith.constant 16 : i32
          %shift_left3A_1316 = vector.broadcast %shift_left3A_1315 : i32 to vector<16xi32>
          %shift_left3A_1317 = arith.shli %get3A_1314, %shift_left3A_1316 : vector<16xi32>
          %bitcast_convert_type3A_1318 = tpu.bitcast %shift_left3A_1317 : vector<16xi32> -> vector<16xf32>
          %bitcast_convert_type3A_1319 = tpu.bitcast %get3A_1314 : vector<16xi32> -> vector<16xf32>
          %mul3A_1320 = arith.mulf %broadcast_in_dim3A_1308, %bitcast_convert_type3A_1318 : vector<16xf32>
          %mul3A_1321 = arith.mulf %broadcast_in_dim3A_1308, %bitcast_convert_type3A_1319 : vector<16xf32>
          %add3A_1322 = arith.addf %add3A_1199, %mul3A_1320 : vector<16xf32>
          %add3A_1323 = arith.addf %add3A_1200, %mul3A_1321 : vector<16xf32>
          %add3A_1324 = arith.constant 9 : i32
          %add3A_1325 = arith.addi %mul3A_213, %add3A_1324 : i32
          %get3A_1326 = arith.index_cast %add3A_1325 : i32 to index
          %get3A_1327 = arith.constant 16 : index
          %get3A_1328 = tpu.vector_load %arg11[%get3A_1326, %get3A_1327] {strides = array<i32>} : memref<112x128xi32, #tpu.memory_space<vmem>>, vector<1x16xi32>,
          %get3A_1329 = vector.shape_cast %get3A_1328 : vector<1x16xi32> to vector<16xi32>
          %shift_left3A_1330 = arith.constant 16 : i32
          %shift_left3A_1331 = vector.broadcast %shift_left3A_1330 : i32 to vector<16xi32>
          %shift_left3A_1332 = arith.shli %get3A_1329, %shift_left3A_1331 : vector<16xi32>
          %bitcast_convert_type3A_1333 = tpu.bitcast %shift_left3A_1332 : vector<16xi32> -> vector<16xf32>
          %bitcast_convert_type3A_1334 = tpu.bitcast %get3A_1329 : vector<16xi32> -> vector<16xf32>
          %mul3A_1335 = arith.mulf %broadcast_in_dim3A_1308, %bitcast_convert_type3A_1333 : vector<16xf32>
          %mul3A_1336 = arith.mulf %broadcast_in_dim3A_1308, %bitcast_convert_type3A_1334 : vector<16xf32>
          %add3A_1337 = arith.addf %add3A_1214, %mul3A_1335 : vector<16xf32>
          %add3A_1338 = arith.addf %add3A_1215, %mul3A_1336 : vector<16xf32>
          %add3A_1339 = arith.constant 9 : i32
          %add3A_1340 = arith.addi %mul3A_213, %add3A_1339 : i32
          %get3A_1341 = arith.index_cast %add3A_1340 : i32 to index
          %get3A_1342 = arith.constant 32 : index
          %get3A_1343 = tpu.vector_load %arg11[%get3A_1341, %get3A_1342] {strides = array<i32>} : memref<112x128xi32, #tpu.memory_space<vmem>>, vector<1x16xi32>,
          %get3A_1344 = vector.shape_cast %get3A_1343 : vector<1x16xi32> to vector<16xi32>
          %shift_left3A_1345 = arith.constant 16 : i32
          %shift_left3A_1346 = vector.broadcast %shift_left3A_1345 : i32 to vector<16xi32>
          %shift_left3A_1347 = arith.shli %get3A_1344, %shift_left3A_1346 : vector<16xi32>
          %bitcast_convert_type3A_1348 = tpu.bitcast %shift_left3A_1347 : vector<16xi32> -> vector<16xf32>
          %bitcast_convert_type3A_1349 = tpu.bitcast %get3A_1344 : vector<16xi32> -> vector<16xf32>
          %mul3A_1350 = arith.mulf %broadcast_in_dim3A_1308, %bitcast_convert_type3A_1348 : vector<16xf32>
          %mul3A_1351 = arith.mulf %broadcast_in_dim3A_1308, %bitcast_convert_type3A_1349 : vector<16xf32>
          %add3A_1352 = arith.addf %add3A_1229, %mul3A_1350 : vector<16xf32>
          %add3A_1353 = arith.addf %add3A_1230, %mul3A_1351 : vector<16xf32>
          %add3A_1354 = arith.constant 9 : i32
          %add3A_1355 = arith.addi %mul3A_213, %add3A_1354 : i32
          %get3A_1356 = arith.index_cast %add3A_1355 : i32 to index
          %get3A_1357 = arith.constant 48 : index
          %get3A_1358 = tpu.vector_load %arg11[%get3A_1356, %get3A_1357] {strides = array<i32>} : memref<112x128xi32, #tpu.memory_space<vmem>>, vector<1x16xi32>,
          %get3A_1359 = vector.shape_cast %get3A_1358 : vector<1x16xi32> to vector<16xi32>
          %shift_left3A_1360 = arith.constant 16 : i32
          %shift_left3A_1361 = vector.broadcast %shift_left3A_1360 : i32 to vector<16xi32>
          %shift_left3A_1362 = arith.shli %get3A_1359, %shift_left3A_1361 : vector<16xi32>
          %bitcast_convert_type3A_1363 = tpu.bitcast %shift_left3A_1362 : vector<16xi32> -> vector<16xf32>
          %bitcast_convert_type3A_1364 = tpu.bitcast %get3A_1359 : vector<16xi32> -> vector<16xf32>
          %mul3A_1365 = arith.mulf %broadcast_in_dim3A_1308, %bitcast_convert_type3A_1363 : vector<16xf32>
          %mul3A_1366 = arith.mulf %broadcast_in_dim3A_1308, %bitcast_convert_type3A_1364 : vector<16xf32>
          %add3A_1367 = arith.addf %add3A_1244, %mul3A_1365 : vector<16xf32>
          %add3A_1368 = arith.addf %add3A_1245, %mul3A_1366 : vector<16xf32>
          %add3A_1369 = arith.constant 9 : i32
          %add3A_1370 = arith.addi %mul3A_213, %add3A_1369 : i32
          %get3A_1371 = arith.index_cast %add3A_1370 : i32 to index
          %get3A_1372 = arith.constant 64 : index
          %get3A_1373 = tpu.vector_load %arg11[%get3A_1371, %get3A_1372] {strides = array<i32>} : memref<112x128xi32, #tpu.memory_space<vmem>>, vector<1x16xi32>,
          %get3A_1374 = vector.shape_cast %get3A_1373 : vector<1x16xi32> to vector<16xi32>
          %shift_left3A_1375 = arith.constant 16 : i32
          %shift_left3A_1376 = vector.broadcast %shift_left3A_1375 : i32 to vector<16xi32>
          %shift_left3A_1377 = arith.shli %get3A_1374, %shift_left3A_1376 : vector<16xi32>
          %bitcast_convert_type3A_1378 = tpu.bitcast %shift_left3A_1377 : vector<16xi32> -> vector<16xf32>
          %bitcast_convert_type3A_1379 = tpu.bitcast %get3A_1374 : vector<16xi32> -> vector<16xf32>
          %mul3A_1380 = arith.mulf %broadcast_in_dim3A_1308, %bitcast_convert_type3A_1378 : vector<16xf32>
          %mul3A_1381 = arith.mulf %broadcast_in_dim3A_1308, %bitcast_convert_type3A_1379 : vector<16xf32>
          %add3A_1382 = arith.addf %add3A_1259, %mul3A_1380 : vector<16xf32>
          %add3A_1383 = arith.addf %add3A_1260, %mul3A_1381 : vector<16xf32>
          %add3A_1384 = arith.constant 9 : i32
          %add3A_1385 = arith.addi %mul3A_213, %add3A_1384 : i32
          %get3A_1386 = arith.index_cast %add3A_1385 : i32 to index
          %get3A_1387 = arith.constant 80 : index
          %get3A_1388 = tpu.vector_load %arg11[%get3A_1386, %get3A_1387] {strides = array<i32>} : memref<112x128xi32, #tpu.memory_space<vmem>>, vector<1x16xi32>,
          %get3A_1389 = vector.shape_cast %get3A_1388 : vector<1x16xi32> to vector<16xi32>
          %shift_left3A_1390 = arith.constant 16 : i32
          %shift_left3A_1391 = vector.broadcast %shift_left3A_1390 : i32 to vector<16xi32>
          %shift_left3A_1392 = arith.shli %get3A_1389, %shift_left3A_1391 : vector<16xi32>
          %bitcast_convert_type3A_1393 = tpu.bitcast %shift_left3A_1392 : vector<16xi32> -> vector<16xf32>
          %bitcast_convert_type3A_1394 = tpu.bitcast %get3A_1389 : vector<16xi32> -> vector<16xf32>
          %mul3A_1395 = arith.mulf %broadcast_in_dim3A_1308, %bitcast_convert_type3A_1393 : vector<16xf32>
          %mul3A_1396 = arith.mulf %broadcast_in_dim3A_1308, %bitcast_convert_type3A_1394 : vector<16xf32>
          %add3A_1397 = arith.addf %add3A_1274, %mul3A_1395 : vector<16xf32>
          %add3A_1398 = arith.addf %add3A_1275, %mul3A_1396 : vector<16xf32>
          %add3A_1399 = arith.constant 9 : i32
          %add3A_1400 = arith.addi %mul3A_213, %add3A_1399 : i32
          %get3A_1401 = arith.index_cast %add3A_1400 : i32 to index
          %get3A_1402 = arith.constant 96 : index
          %get3A_1403 = tpu.vector_load %arg11[%get3A_1401, %get3A_1402] {strides = array<i32>} : memref<112x128xi32, #tpu.memory_space<vmem>>, vector<1x16xi32>,
          %get3A_1404 = vector.shape_cast %get3A_1403 : vector<1x16xi32> to vector<16xi32>
          %shift_left3A_1405 = arith.constant 16 : i32
          %shift_left3A_1406 = vector.broadcast %shift_left3A_1405 : i32 to vector<16xi32>
          %shift_left3A_1407 = arith.shli %get3A_1404, %shift_left3A_1406 : vector<16xi32>
          %bitcast_convert_type3A_1408 = tpu.bitcast %shift_left3A_1407 : vector<16xi32> -> vector<16xf32>
          %bitcast_convert_type3A_1409 = tpu.bitcast %get3A_1404 : vector<16xi32> -> vector<16xf32>
          %mul3A_1410 = arith.mulf %broadcast_in_dim3A_1308, %bitcast_convert_type3A_1408 : vector<16xf32>
          %mul3A_1411 = arith.mulf %broadcast_in_dim3A_1308, %bitcast_convert_type3A_1409 : vector<16xf32>
          %add3A_1412 = arith.addf %add3A_1289, %mul3A_1410 : vector<16xf32>
          %add3A_1413 = arith.addf %add3A_1290, %mul3A_1411 : vector<16xf32>
          %add3A_1414 = arith.constant 9 : i32
          %add3A_1415 = arith.addi %mul3A_213, %add3A_1414 : i32
          %get3A_1416 = arith.index_cast %add3A_1415 : i32 to index
          %get3A_1417 = arith.constant 112 : index
          %get3A_1418 = tpu.vector_load %arg11[%get3A_1416, %get3A_1417] {strides = array<i32>} : memref<112x128xi32, #tpu.memory_space<vmem>>, vector<1x16xi32>,
          %get3A_1419 = vector.shape_cast %get3A_1418 : vector<1x16xi32> to vector<16xi32>
          %shift_left3A_1420 = arith.constant 16 : i32
          %shift_left3A_1421 = vector.broadcast %shift_left3A_1420 : i32 to vector<16xi32>
          %shift_left3A_1422 = arith.shli %get3A_1419, %shift_left3A_1421 : vector<16xi32>
          %bitcast_convert_type3A_1423 = tpu.bitcast %shift_left3A_1422 : vector<16xi32> -> vector<16xf32>
          %bitcast_convert_type3A_1424 = tpu.bitcast %get3A_1419 : vector<16xi32> -> vector<16xf32>
          %mul3A_1425 = arith.mulf %broadcast_in_dim3A_1308, %bitcast_convert_type3A_1423 : vector<16xf32>
          %mul3A_1426 = arith.mulf %broadcast_in_dim3A_1308, %bitcast_convert_type3A_1424 : vector<16xf32>
          %add3A_1427 = arith.addf %add3A_1304, %mul3A_1425 : vector<16xf32>
          %add3A_1428 = arith.addf %add3A_1305, %mul3A_1426 : vector<16xf32>
          %slice3A_1429 = vector.extract_strided_slice %get3A_216 {offsets = [10], sizes = [1], strides = [1]} : vector<16xf32> to vector<1xf32>
          %broadcast_in_dim3A_1430 = vector.shape_cast %slice3A_1429 : vector<1xf32> to vector<1xf32>
          %broadcast_in_dim3A_1431 = vector.broadcast %broadcast_in_dim3A_1430 : vector<1xf32> to vector<16xf32>
          %add3A_1432 = arith.constant 10 : i32
          %add3A_1433 = arith.addi %mul3A_213, %add3A_1432 : i32
          %get3A_1434 = arith.index_cast %add3A_1433 : i32 to index
          %get3A_1435 = arith.constant 0 : index
          %get3A_1436 = tpu.vector_load %arg11[%get3A_1434, %get3A_1435] {strides = array<i32>} : memref<112x128xi32, #tpu.memory_space<vmem>>, vector<1x16xi32>,
          %get3A_1437 = vector.shape_cast %get3A_1436 : vector<1x16xi32> to vector<16xi32>
          %shift_left3A_1438 = arith.constant 16 : i32
          %shift_left3A_1439 = vector.broadcast %shift_left3A_1438 : i32 to vector<16xi32>
          %shift_left3A_1440 = arith.shli %get3A_1437, %shift_left3A_1439 : vector<16xi32>
          %bitcast_convert_type3A_1441 = tpu.bitcast %shift_left3A_1440 : vector<16xi32> -> vector<16xf32>
          %bitcast_convert_type3A_1442 = tpu.bitcast %get3A_1437 : vector<16xi32> -> vector<16xf32>
          %mul3A_1443 = arith.mulf %broadcast_in_dim3A_1431, %bitcast_convert_type3A_1441 : vector<16xf32>
          %mul3A_1444 = arith.mulf %broadcast_in_dim3A_1431, %bitcast_convert_type3A_1442 : vector<16xf32>
          %add3A_1445 = arith.addf %add3A_1322, %mul3A_1443 : vector<16xf32>
          %add3A_1446 = arith.addf %add3A_1323, %mul3A_1444 : vector<16xf32>
          %add3A_1447 = arith.constant 10 : i32
          %add3A_1448 = arith.addi %mul3A_213, %add3A_1447 : i32
          %get3A_1449 = arith.index_cast %add3A_1448 : i32 to index
          %get3A_1450 = arith.constant 16 : index
          %get3A_1451 = tpu.vector_load %arg11[%get3A_1449, %get3A_1450] {strides = array<i32>} : memref<112x128xi32, #tpu.memory_space<vmem>>, vector<1x16xi32>,
          %get3A_1452 = vector.shape_cast %get3A_1451 : vector<1x16xi32> to vector<16xi32>
          %shift_left3A_1453 = arith.constant 16 : i32
          %shift_left3A_1454 = vector.broadcast %shift_left3A_1453 : i32 to vector<16xi32>
          %shift_left3A_1455 = arith.shli %get3A_1452, %shift_left3A_1454 : vector<16xi32>
          %bitcast_convert_type3A_1456 = tpu.bitcast %shift_left3A_1455 : vector<16xi32> -> vector<16xf32>
          %bitcast_convert_type3A_1457 = tpu.bitcast %get3A_1452 : vector<16xi32> -> vector<16xf32>
          %mul3A_1458 = arith.mulf %broadcast_in_dim3A_1431, %bitcast_convert_type3A_1456 : vector<16xf32>
          %mul3A_1459 = arith.mulf %broadcast_in_dim3A_1431, %bitcast_convert_type3A_1457 : vector<16xf32>
          %add3A_1460 = arith.addf %add3A_1337, %mul3A_1458 : vector<16xf32>
          %add3A_1461 = arith.addf %add3A_1338, %mul3A_1459 : vector<16xf32>
          %add3A_1462 = arith.constant 10 : i32
          %add3A_1463 = arith.addi %mul3A_213, %add3A_1462 : i32
          %get3A_1464 = arith.index_cast %add3A_1463 : i32 to index
          %get3A_1465 = arith.constant 32 : index
          %get3A_1466 = tpu.vector_load %arg11[%get3A_1464, %get3A_1465] {strides = array<i32>} : memref<112x128xi32, #tpu.memory_space<vmem>>, vector<1x16xi32>,
          %get3A_1467 = vector.shape_cast %get3A_1466 : vector<1x16xi32> to vector<16xi32>
          %shift_left3A_1468 = arith.constant 16 : i32
          %shift_left3A_1469 = vector.broadcast %shift_left3A_1468 : i32 to vector<16xi32>
          %shift_left3A_1470 = arith.shli %get3A_1467, %shift_left3A_1469 : vector<16xi32>
          %bitcast_convert_type3A_1471 = tpu.bitcast %shift_left3A_1470 : vector<16xi32> -> vector<16xf32>
          %bitcast_convert_type3A_1472 = tpu.bitcast %get3A_1467 : vector<16xi32> -> vector<16xf32>
          %mul3A_1473 = arith.mulf %broadcast_in_dim3A_1431, %bitcast_convert_type3A_1471 : vector<16xf32>
          %mul3A_1474 = arith.mulf %broadcast_in_dim3A_1431, %bitcast_convert_type3A_1472 : vector<16xf32>
          %add3A_1475 = arith.addf %add3A_1352, %mul3A_1473 : vector<16xf32>
          %add3A_1476 = arith.addf %add3A_1353, %mul3A_1474 : vector<16xf32>
          %add3A_1477 = arith.constant 10 : i32
          %add3A_1478 = arith.addi %mul3A_213, %add3A_1477 : i32
          %get3A_1479 = arith.index_cast %add3A_1478 : i32 to index
          %get3A_1480 = arith.constant 48 : index
          %get3A_1481 = tpu.vector_load %arg11[%get3A_1479, %get3A_1480] {strides = array<i32>} : memref<112x128xi32, #tpu.memory_space<vmem>>, vector<1x16xi32>,
          %get3A_1482 = vector.shape_cast %get3A_1481 : vector<1x16xi32> to vector<16xi32>
          %shift_left3A_1483 = arith.constant 16 : i32
          %shift_left3A_1484 = vector.broadcast %shift_left3A_1483 : i32 to vector<16xi32>
          %shift_left3A_1485 = arith.shli %get3A_1482, %shift_left3A_1484 : vector<16xi32>
          %bitcast_convert_type3A_1486 = tpu.bitcast %shift_left3A_1485 : vector<16xi32> -> vector<16xf32>
          %bitcast_convert_type3A_1487 = tpu.bitcast %get3A_1482 : vector<16xi32> -> vector<16xf32>
          %mul3A_1488 = arith.mulf %broadcast_in_dim3A_1431, %bitcast_convert_type3A_1486 : vector<16xf32>
          %mul3A_1489 = arith.mulf %broadcast_in_dim3A_1431, %bitcast_convert_type3A_1487 : vector<16xf32>
          %add3A_1490 = arith.addf %add3A_1367, %mul3A_1488 : vector<16xf32>
          %add3A_1491 = arith.addf %add3A_1368, %mul3A_1489 : vector<16xf32>
          %add3A_1492 = arith.constant 10 : i32
          %add3A_1493 = arith.addi %mul3A_213, %add3A_1492 : i32
          %get3A_1494 = arith.index_cast %add3A_1493 : i32 to index
          %get3A_1495 = arith.constant 64 : index
          %get3A_1496 = tpu.vector_load %arg11[%get3A_1494, %get3A_1495] {strides = array<i32>} : memref<112x128xi32, #tpu.memory_space<vmem>>, vector<1x16xi32>,
          %get3A_1497 = vector.shape_cast %get3A_1496 : vector<1x16xi32> to vector<16xi32>
          %shift_left3A_1498 = arith.constant 16 : i32
          %shift_left3A_1499 = vector.broadcast %shift_left3A_1498 : i32 to vector<16xi32>
          %shift_left3A_1500 = arith.shli %get3A_1497, %shift_left3A_1499 : vector<16xi32>
          %bitcast_convert_type3A_1501 = tpu.bitcast %shift_left3A_1500 : vector<16xi32> -> vector<16xf32>
          %bitcast_convert_type3A_1502 = tpu.bitcast %get3A_1497 : vector<16xi32> -> vector<16xf32>
          %mul3A_1503 = arith.mulf %broadcast_in_dim3A_1431, %bitcast_convert_type3A_1501 : vector<16xf32>
          %mul3A_1504 = arith.mulf %broadcast_in_dim3A_1431, %bitcast_convert_type3A_1502 : vector<16xf32>
          %add3A_1505 = arith.addf %add3A_1382, %mul3A_1503 : vector<16xf32>
          %add3A_1506 = arith.addf %add3A_1383, %mul3A_1504 : vector<16xf32>
          %add3A_1507 = arith.constant 10 : i32
          %add3A_1508 = arith.addi %mul3A_213, %add3A_1507 : i32
          %get3A_1509 = arith.index_cast %add3A_1508 : i32 to index
          %get3A_1510 = arith.constant 80 : index
          %get3A_1511 = tpu.vector_load %arg11[%get3A_1509, %get3A_1510] {strides = array<i32>} : memref<112x128xi32, #tpu.memory_space<vmem>>, vector<1x16xi32>,
          %get3A_1512 = vector.shape_cast %get3A_1511 : vector<1x16xi32> to vector<16xi32>
          %shift_left3A_1513 = arith.constant 16 : i32
          %shift_left3A_1514 = vector.broadcast %shift_left3A_1513 : i32 to vector<16xi32>
          %shift_left3A_1515 = arith.shli %get3A_1512, %shift_left3A_1514 : vector<16xi32>
          %bitcast_convert_type3A_1516 = tpu.bitcast %shift_left3A_1515 : vector<16xi32> -> vector<16xf32>
          %bitcast_convert_type3A_1517 = tpu.bitcast %get3A_1512 : vector<16xi32> -> vector<16xf32>
          %mul3A_1518 = arith.mulf %broadcast_in_dim3A_1431, %bitcast_convert_type3A_1516 : vector<16xf32>
          %mul3A_1519 = arith.mulf %broadcast_in_dim3A_1431, %bitcast_convert_type3A_1517 : vector<16xf32>
          %add3A_1520 = arith.addf %add3A_1397, %mul3A_1518 : vector<16xf32>
          %add3A_1521 = arith.addf %add3A_1398, %mul3A_1519 : vector<16xf32>
          %add3A_1522 = arith.constant 10 : i32
          %add3A_1523 = arith.addi %mul3A_213, %add3A_1522 : i32
          %get3A_1524 = arith.index_cast %add3A_1523 : i32 to index
          %get3A_1525 = arith.constant 96 : index
          %get3A_1526 = tpu.vector_load %arg11[%get3A_1524, %get3A_1525] {strides = array<i32>} : memref<112x128xi32, #tpu.memory_space<vmem>>, vector<1x16xi32>,
          %get3A_1527 = vector.shape_cast %get3A_1526 : vector<1x16xi32> to vector<16xi32>
          %shift_left3A_1528 = arith.constant 16 : i32
          %shift_left3A_1529 = vector.broadcast %shift_left3A_1528 : i32 to vector<16xi32>
          %shift_left3A_1530 = arith.shli %get3A_1527, %shift_left3A_1529 : vector<16xi32>
          %bitcast_convert_type3A_1531 = tpu.bitcast %shift_left3A_1530 : vector<16xi32> -> vector<16xf32>
          %bitcast_convert_type3A_1532 = tpu.bitcast %get3A_1527 : vector<16xi32> -> vector<16xf32>
          %mul3A_1533 = arith.mulf %broadcast_in_dim3A_1431, %bitcast_convert_type3A_1531 : vector<16xf32>
          %mul3A_1534 = arith.mulf %broadcast_in_dim3A_1431, %bitcast_convert_type3A_1532 : vector<16xf32>
          %add3A_1535 = arith.addf %add3A_1412, %mul3A_1533 : vector<16xf32>
          %add3A_1536 = arith.addf %add3A_1413, %mul3A_1534 : vector<16xf32>
          %add3A_1537 = arith.constant 10 : i32
          %add3A_1538 = arith.addi %mul3A_213, %add3A_1537 : i32
          %get3A_1539 = arith.index_cast %add3A_1538 : i32 to index
          %get3A_1540 = arith.constant 112 : index
          %get3A_1541 = tpu.vector_load %arg11[%get3A_1539, %get3A_1540] {strides = array<i32>} : memref<112x128xi32, #tpu.memory_space<vmem>>, vector<1x16xi32>,
          %get3A_1542 = vector.shape_cast %get3A_1541 : vector<1x16xi32> to vector<16xi32>
          %shift_left3A_1543 = arith.constant 16 : i32
          %shift_left3A_1544 = vector.broadcast %shift_left3A_1543 : i32 to vector<16xi32>
          %shift_left3A_1545 = arith.shli %get3A_1542, %shift_left3A_1544 : vector<16xi32>
          %bitcast_convert_type3A_1546 = tpu.bitcast %shift_left3A_1545 : vector<16xi32> -> vector<16xf32>
          %bitcast_convert_type3A_1547 = tpu.bitcast %get3A_1542 : vector<16xi32> -> vector<16xf32>
          %mul3A_1548 = arith.mulf %broadcast_in_dim3A_1431, %bitcast_convert_type3A_1546 : vector<16xf32>
          %mul3A_1549 = arith.mulf %broadcast_in_dim3A_1431, %bitcast_convert_type3A_1547 : vector<16xf32>
          %add3A_1550 = arith.addf %add3A_1427, %mul3A_1548 : vector<16xf32>
          %add3A_1551 = arith.addf %add3A_1428, %mul3A_1549 : vector<16xf32>
          %slice3A_1552 = vector.extract_strided_slice %get3A_216 {offsets = [11], sizes = [1], strides = [1]} : vector<16xf32> to vector<1xf32>
          %broadcast_in_dim3A_1553 = vector.shape_cast %slice3A_1552 : vector<1xf32> to vector<1xf32>
          %broadcast_in_dim3A_1554 = vector.broadcast %broadcast_in_dim3A_1553 : vector<1xf32> to vector<16xf32>
          %add3A_1555 = arith.constant 11 : i32
          %add3A_1556 = arith.addi %mul3A_213, %add3A_1555 : i32
          %get3A_1557 = arith.index_cast %add3A_1556 : i32 to index
          %get3A_1558 = arith.constant 0 : index
          %get3A_1559 = tpu.vector_load %arg11[%get3A_1557, %get3A_1558] {strides = array<i32>} : memref<112x128xi32, #tpu.memory_space<vmem>>, vector<1x16xi32>,
          %get3A_1560 = vector.shape_cast %get3A_1559 : vector<1x16xi32> to vector<16xi32>
          %shift_left3A_1561 = arith.constant 16 : i32
          %shift_left3A_1562 = vector.broadcast %shift_left3A_1561 : i32 to vector<16xi32>
          %shift_left3A_1563 = arith.shli %get3A_1560, %shift_left3A_1562 : vector<16xi32>
          %bitcast_convert_type3A_1564 = tpu.bitcast %shift_left3A_1563 : vector<16xi32> -> vector<16xf32>
          %bitcast_convert_type3A_1565 = tpu.bitcast %get3A_1560 : vector<16xi32> -> vector<16xf32>
          %mul3A_1566 = arith.mulf %broadcast_in_dim3A_1554, %bitcast_convert_type3A_1564 : vector<16xf32>
          %mul3A_1567 = arith.mulf %broadcast_in_dim3A_1554, %bitcast_convert_type3A_1565 : vector<16xf32>
          %add3A_1568 = arith.addf %add3A_1445, %mul3A_1566 : vector<16xf32>
          %add3A_1569 = arith.addf %add3A_1446, %mul3A_1567 : vector<16xf32>
          %add3A_1570 = arith.constant 11 : i32
          %add3A_1571 = arith.addi %mul3A_213, %add3A_1570 : i32
          %get3A_1572 = arith.index_cast %add3A_1571 : i32 to index
          %get3A_1573 = arith.constant 16 : index
          %get3A_1574 = tpu.vector_load %arg11[%get3A_1572, %get3A_1573] {strides = array<i32>} : memref<112x128xi32, #tpu.memory_space<vmem>>, vector<1x16xi32>,
          %get3A_1575 = vector.shape_cast %get3A_1574 : vector<1x16xi32> to vector<16xi32>
          %shift_left3A_1576 = arith.constant 16 : i32
          %shift_left3A_1577 = vector.broadcast %shift_left3A_1576 : i32 to vector<16xi32>
          %shift_left3A_1578 = arith.shli %get3A_1575, %shift_left3A_1577 : vector<16xi32>
          %bitcast_convert_type3A_1579 = tpu.bitcast %shift_left3A_1578 : vector<16xi32> -> vector<16xf32>
          %bitcast_convert_type3A_1580 = tpu.bitcast %get3A_1575 : vector<16xi32> -> vector<16xf32>
          %mul3A_1581 = arith.mulf %broadcast_in_dim3A_1554, %bitcast_convert_type3A_1579 : vector<16xf32>
          %mul3A_1582 = arith.mulf %broadcast_in_dim3A_1554, %bitcast_convert_type3A_1580 : vector<16xf32>
          %add3A_1583 = arith.addf %add3A_1460, %mul3A_1581 : vector<16xf32>
          %add3A_1584 = arith.addf %add3A_1461, %mul3A_1582 : vector<16xf32>
          %add3A_1585 = arith.constant 11 : i32
          %add3A_1586 = arith.addi %mul3A_213, %add3A_1585 : i32
          %get3A_1587 = arith.index_cast %add3A_1586 : i32 to index
          %get3A_1588 = arith.constant 32 : index
          %get3A_1589 = tpu.vector_load %arg11[%get3A_1587, %get3A_1588] {strides = array<i32>} : memref<112x128xi32, #tpu.memory_space<vmem>>, vector<1x16xi32>,
          %get3A_1590 = vector.shape_cast %get3A_1589 : vector<1x16xi32> to vector<16xi32>
          %shift_left3A_1591 = arith.constant 16 : i32
          %shift_left3A_1592 = vector.broadcast %shift_left3A_1591 : i32 to vector<16xi32>
          %shift_left3A_1593 = arith.shli %get3A_1590, %shift_left3A_1592 : vector<16xi32>
          %bitcast_convert_type3A_1594 = tpu.bitcast %shift_left3A_1593 : vector<16xi32> -> vector<16xf32>
          %bitcast_convert_type3A_1595 = tpu.bitcast %get3A_1590 : vector<16xi32> -> vector<16xf32>
          %mul3A_1596 = arith.mulf %broadcast_in_dim3A_1554, %bitcast_convert_type3A_1594 : vector<16xf32>
          %mul3A_1597 = arith.mulf %broadcast_in_dim3A_1554, %bitcast_convert_type3A_1595 : vector<16xf32>
          %add3A_1598 = arith.addf %add3A_1475, %mul3A_1596 : vector<16xf32>
          %add3A_1599 = arith.addf %add3A_1476, %mul3A_1597 : vector<16xf32>
          %add3A_1600 = arith.constant 11 : i32
          %add3A_1601 = arith.addi %mul3A_213, %add3A_1600 : i32
          %get3A_1602 = arith.index_cast %add3A_1601 : i32 to index
          %get3A_1603 = arith.constant 48 : index
          %get3A_1604 = tpu.vector_load %arg11[%get3A_1602, %get3A_1603] {strides = array<i32>} : memref<112x128xi32, #tpu.memory_space<vmem>>, vector<1x16xi32>,
          %get3A_1605 = vector.shape_cast %get3A_1604 : vector<1x16xi32> to vector<16xi32>
          %shift_left3A_1606 = arith.constant 16 : i32
          %shift_left3A_1607 = vector.broadcast %shift_left3A_1606 : i32 to vector<16xi32>
          %shift_left3A_1608 = arith.shli %get3A_1605, %shift_left3A_1607 : vector<16xi32>
          %bitcast_convert_type3A_1609 = tpu.bitcast %shift_left3A_1608 : vector<16xi32> -> vector<16xf32>
          %bitcast_convert_type3A_1610 = tpu.bitcast %get3A_1605 : vector<16xi32> -> vector<16xf32>
          %mul3A_1611 = arith.mulf %broadcast_in_dim3A_1554, %bitcast_convert_type3A_1609 : vector<16xf32>
          %mul3A_1612 = arith.mulf %broadcast_in_dim3A_1554, %bitcast_convert_type3A_1610 : vector<16xf32>
          %add3A_1613 = arith.addf %add3A_1490, %mul3A_1611 : vector<16xf32>
          %add3A_1614 = arith.addf %add3A_1491, %mul3A_1612 : vector<16xf32>
          %add3A_1615 = arith.constant 11 : i32
          %add3A_1616 = arith.addi %mul3A_213, %add3A_1615 : i32
          %get3A_1617 = arith.index_cast %add3A_1616 : i32 to index
          %get3A_1618 = arith.constant 64 : index
          %get3A_1619 = tpu.vector_load %arg11[%get3A_1617, %get3A_1618] {strides = array<i32>} : memref<112x128xi32, #tpu.memory_space<vmem>>, vector<1x16xi32>,
          %get3A_1620 = vector.shape_cast %get3A_1619 : vector<1x16xi32> to vector<16xi32>
          %shift_left3A_1621 = arith.constant 16 : i32
          %shift_left3A_1622 = vector.broadcast %shift_left3A_1621 : i32 to vector<16xi32>
          %shift_left3A_1623 = arith.shli %get3A_1620, %shift_left3A_1622 : vector<16xi32>
          %bitcast_convert_type3A_1624 = tpu.bitcast %shift_left3A_1623 : vector<16xi32> -> vector<16xf32>
          %bitcast_convert_type3A_1625 = tpu.bitcast %get3A_1620 : vector<16xi32> -> vector<16xf32>
          %mul3A_1626 = arith.mulf %broadcast_in_dim3A_1554, %bitcast_convert_type3A_1624 : vector<16xf32>
          %mul3A_1627 = arith.mulf %broadcast_in_dim3A_1554, %bitcast_convert_type3A_1625 : vector<16xf32>
          %add3A_1628 = arith.addf %add3A_1505, %mul3A_1626 : vector<16xf32>
          %add3A_1629 = arith.addf %add3A_1506, %mul3A_1627 : vector<16xf32>
          %add3A_1630 = arith.constant 11 : i32
          %add3A_1631 = arith.addi %mul3A_213, %add3A_1630 : i32
          %get3A_1632 = arith.index_cast %add3A_1631 : i32 to index
          %get3A_1633 = arith.constant 80 : index
          %get3A_1634 = tpu.vector_load %arg11[%get3A_1632, %get3A_1633] {strides = array<i32>} : memref<112x128xi32, #tpu.memory_space<vmem>>, vector<1x16xi32>,
          %get3A_1635 = vector.shape_cast %get3A_1634 : vector<1x16xi32> to vector<16xi32>
          %shift_left3A_1636 = arith.constant 16 : i32
          %shift_left3A_1637 = vector.broadcast %shift_left3A_1636 : i32 to vector<16xi32>
          %shift_left3A_1638 = arith.shli %get3A_1635, %shift_left3A_1637 : vector<16xi32>
          %bitcast_convert_type3A_1639 = tpu.bitcast %shift_left3A_1638 : vector<16xi32> -> vector<16xf32>
          %bitcast_convert_type3A_1640 = tpu.bitcast %get3A_1635 : vector<16xi32> -> vector<16xf32>
          %mul3A_1641 = arith.mulf %broadcast_in_dim3A_1554, %bitcast_convert_type3A_1639 : vector<16xf32>
          %mul3A_1642 = arith.mulf %broadcast_in_dim3A_1554, %bitcast_convert_type3A_1640 : vector<16xf32>
          %add3A_1643 = arith.addf %add3A_1520, %mul3A_1641 : vector<16xf32>
          %add3A_1644 = arith.addf %add3A_1521, %mul3A_1642 : vector<16xf32>
          %add3A_1645 = arith.constant 11 : i32
          %add3A_1646 = arith.addi %mul3A_213, %add3A_1645 : i32
          %get3A_1647 = arith.index_cast %add3A_1646 : i32 to index
          %get3A_1648 = arith.constant 96 : index
          %get3A_1649 = tpu.vector_load %arg11[%get3A_1647, %get3A_1648] {strides = array<i32>} : memref<112x128xi32, #tpu.memory_space<vmem>>, vector<1x16xi32>,
          %get3A_1650 = vector.shape_cast %get3A_1649 : vector<1x16xi32> to vector<16xi32>
          %shift_left3A_1651 = arith.constant 16 : i32
          %shift_left3A_1652 = vector.broadcast %shift_left3A_1651 : i32 to vector<16xi32>
          %shift_left3A_1653 = arith.shli %get3A_1650, %shift_left3A_1652 : vector<16xi32>
          %bitcast_convert_type3A_1654 = tpu.bitcast %shift_left3A_1653 : vector<16xi32> -> vector<16xf32>
          %bitcast_convert_type3A_1655 = tpu.bitcast %get3A_1650 : vector<16xi32> -> vector<16xf32>
          %mul3A_1656 = arith.mulf %broadcast_in_dim3A_1554, %bitcast_convert_type3A_1654 : vector<16xf32>
          %mul3A_1657 = arith.mulf %broadcast_in_dim3A_1554, %bitcast_convert_type3A_1655 : vector<16xf32>
          %add3A_1658 = arith.addf %add3A_1535, %mul3A_1656 : vector<16xf32>
          %add3A_1659 = arith.addf %add3A_1536, %mul3A_1657 : vector<16xf32>
          %add3A_1660 = arith.constant 11 : i32
          %add3A_1661 = arith.addi %mul3A_213, %add3A_1660 : i32
          %get3A_1662 = arith.index_cast %add3A_1661 : i32 to index
          %get3A_1663 = arith.constant 112 : index
          %get3A_1664 = tpu.vector_load %arg11[%get3A_1662, %get3A_1663] {strides = array<i32>} : memref<112x128xi32, #tpu.memory_space<vmem>>, vector<1x16xi32>,
          %get3A_1665 = vector.shape_cast %get3A_1664 : vector<1x16xi32> to vector<16xi32>
          %shift_left3A_1666 = arith.constant 16 : i32
          %shift_left3A_1667 = vector.broadcast %shift_left3A_1666 : i32 to vector<16xi32>
          %shift_left3A_1668 = arith.shli %get3A_1665, %shift_left3A_1667 : vector<16xi32>
          %bitcast_convert_type3A_1669 = tpu.bitcast %shift_left3A_1668 : vector<16xi32> -> vector<16xf32>
          %bitcast_convert_type3A_1670 = tpu.bitcast %get3A_1665 : vector<16xi32> -> vector<16xf32>
          %mul3A_1671 = arith.mulf %broadcast_in_dim3A_1554, %bitcast_convert_type3A_1669 : vector<16xf32>
          %mul3A_1672 = arith.mulf %broadcast_in_dim3A_1554, %bitcast_convert_type3A_1670 : vector<16xf32>
          %add3A_1673 = arith.addf %add3A_1550, %mul3A_1671 : vector<16xf32>
          %add3A_1674 = arith.addf %add3A_1551, %mul3A_1672 : vector<16xf32>
          %slice3A_1675 = vector.extract_strided_slice %get3A_216 {offsets = [12], sizes = [1], strides = [1]} : vector<16xf32> to vector<1xf32>
          %broadcast_in_dim3A_1676 = vector.shape_cast %slice3A_1675 : vector<1xf32> to vector<1xf32>
          %broadcast_in_dim3A_1677 = vector.broadcast %broadcast_in_dim3A_1676 : vector<1xf32> to vector<16xf32>
          %add3A_1678 = arith.constant 12 : i32
          %add3A_1679 = arith.addi %mul3A_213, %add3A_1678 : i32
          %get3A_1680 = arith.index_cast %add3A_1679 : i32 to index
          %get3A_1681 = arith.constant 0 : index
          %get3A_1682 = tpu.vector_load %arg11[%get3A_1680, %get3A_1681] {strides = array<i32>} : memref<112x128xi32, #tpu.memory_space<vmem>>, vector<1x16xi32>,
          %get3A_1683 = vector.shape_cast %get3A_1682 : vector<1x16xi32> to vector<16xi32>
          %shift_left3A_1684 = arith.constant 16 : i32
          %shift_left3A_1685 = vector.broadcast %shift_left3A_1684 : i32 to vector<16xi32>
          %shift_left3A_1686 = arith.shli %get3A_1683, %shift_left3A_1685 : vector<16xi32>
          %bitcast_convert_type3A_1687 = tpu.bitcast %shift_left3A_1686 : vector<16xi32> -> vector<16xf32>
          %bitcast_convert_type3A_1688 = tpu.bitcast %get3A_1683 : vector<16xi32> -> vector<16xf32>
          %mul3A_1689 = arith.mulf %broadcast_in_dim3A_1677, %bitcast_convert_type3A_1687 : vector<16xf32>
          %mul3A_1690 = arith.mulf %broadcast_in_dim3A_1677, %bitcast_convert_type3A_1688 : vector<16xf32>
          %add3A_1691 = arith.addf %add3A_1568, %mul3A_1689 : vector<16xf32>
          %add3A_1692 = arith.addf %add3A_1569, %mul3A_1690 : vector<16xf32>
          %add3A_1693 = arith.constant 12 : i32
          %add3A_1694 = arith.addi %mul3A_213, %add3A_1693 : i32
          %get3A_1695 = arith.index_cast %add3A_1694 : i32 to index
          %get3A_1696 = arith.constant 16 : index
          %get3A_1697 = tpu.vector_load %arg11[%get3A_1695, %get3A_1696] {strides = array<i32>} : memref<112x128xi32, #tpu.memory_space<vmem>>, vector<1x16xi32>,
          %get3A_1698 = vector.shape_cast %get3A_1697 : vector<1x16xi32> to vector<16xi32>
          %shift_left3A_1699 = arith.constant 16 : i32
          %shift_left3A_1700 = vector.broadcast %shift_left3A_1699 : i32 to vector<16xi32>
          %shift_left3A_1701 = arith.shli %get3A_1698, %shift_left3A_1700 : vector<16xi32>
          %bitcast_convert_type3A_1702 = tpu.bitcast %shift_left3A_1701 : vector<16xi32> -> vector<16xf32>
          %bitcast_convert_type3A_1703 = tpu.bitcast %get3A_1698 : vector<16xi32> -> vector<16xf32>
          %mul3A_1704 = arith.mulf %broadcast_in_dim3A_1677, %bitcast_convert_type3A_1702 : vector<16xf32>
          %mul3A_1705 = arith.mulf %broadcast_in_dim3A_1677, %bitcast_convert_type3A_1703 : vector<16xf32>
          %add3A_1706 = arith.addf %add3A_1583, %mul3A_1704 : vector<16xf32>
          %add3A_1707 = arith.addf %add3A_1584, %mul3A_1705 : vector<16xf32>
          %add3A_1708 = arith.constant 12 : i32
          %add3A_1709 = arith.addi %mul3A_213, %add3A_1708 : i32
          %get3A_1710 = arith.index_cast %add3A_1709 : i32 to index
          %get3A_1711 = arith.constant 32 : index
          %get3A_1712 = tpu.vector_load %arg11[%get3A_1710, %get3A_1711] {strides = array<i32>} : memref<112x128xi32, #tpu.memory_space<vmem>>, vector<1x16xi32>,
          %get3A_1713 = vector.shape_cast %get3A_1712 : vector<1x16xi32> to vector<16xi32>
          %shift_left3A_1714 = arith.constant 16 : i32
          %shift_left3A_1715 = vector.broadcast %shift_left3A_1714 : i32 to vector<16xi32>
          %shift_left3A_1716 = arith.shli %get3A_1713, %shift_left3A_1715 : vector<16xi32>
          %bitcast_convert_type3A_1717 = tpu.bitcast %shift_left3A_1716 : vector<16xi32> -> vector<16xf32>
          %bitcast_convert_type3A_1718 = tpu.bitcast %get3A_1713 : vector<16xi32> -> vector<16xf32>
          %mul3A_1719 = arith.mulf %broadcast_in_dim3A_1677, %bitcast_convert_type3A_1717 : vector<16xf32>
          %mul3A_1720 = arith.mulf %broadcast_in_dim3A_1677, %bitcast_convert_type3A_1718 : vector<16xf32>
          %add3A_1721 = arith.addf %add3A_1598, %mul3A_1719 : vector<16xf32>
          %add3A_1722 = arith.addf %add3A_1599, %mul3A_1720 : vector<16xf32>
          %add3A_1723 = arith.constant 12 : i32
          %add3A_1724 = arith.addi %mul3A_213, %add3A_1723 : i32
          %get3A_1725 = arith.index_cast %add3A_1724 : i32 to index
          %get3A_1726 = arith.constant 48 : index
          %get3A_1727 = tpu.vector_load %arg11[%get3A_1725, %get3A_1726] {strides = array<i32>} : memref<112x128xi32, #tpu.memory_space<vmem>>, vector<1x16xi32>,
          %get3A_1728 = vector.shape_cast %get3A_1727 : vector<1x16xi32> to vector<16xi32>
          %shift_left3A_1729 = arith.constant 16 : i32
          %shift_left3A_1730 = vector.broadcast %shift_left3A_1729 : i32 to vector<16xi32>
          %shift_left3A_1731 = arith.shli %get3A_1728, %shift_left3A_1730 : vector<16xi32>
          %bitcast_convert_type3A_1732 = tpu.bitcast %shift_left3A_1731 : vector<16xi32> -> vector<16xf32>
          %bitcast_convert_type3A_1733 = tpu.bitcast %get3A_1728 : vector<16xi32> -> vector<16xf32>
          %mul3A_1734 = arith.mulf %broadcast_in_dim3A_1677, %bitcast_convert_type3A_1732 : vector<16xf32>
          %mul3A_1735 = arith.mulf %broadcast_in_dim3A_1677, %bitcast_convert_type3A_1733 : vector<16xf32>
          %add3A_1736 = arith.addf %add3A_1613, %mul3A_1734 : vector<16xf32>
          %add3A_1737 = arith.addf %add3A_1614, %mul3A_1735 : vector<16xf32>
          %add3A_1738 = arith.constant 12 : i32
          %add3A_1739 = arith.addi %mul3A_213, %add3A_1738 : i32
          %get3A_1740 = arith.index_cast %add3A_1739 : i32 to index
          %get3A_1741 = arith.constant 64 : index
          %get3A_1742 = tpu.vector_load %arg11[%get3A_1740, %get3A_1741] {strides = array<i32>} : memref<112x128xi32, #tpu.memory_space<vmem>>, vector<1x16xi32>,
          %get3A_1743 = vector.shape_cast %get3A_1742 : vector<1x16xi32> to vector<16xi32>
          %shift_left3A_1744 = arith.constant 16 : i32
          %shift_left3A_1745 = vector.broadcast %shift_left3A_1744 : i32 to vector<16xi32>
          %shift_left3A_1746 = arith.shli %get3A_1743, %shift_left3A_1745 : vector<16xi32>
          %bitcast_convert_type3A_1747 = tpu.bitcast %shift_left3A_1746 : vector<16xi32> -> vector<16xf32>
          %bitcast_convert_type3A_1748 = tpu.bitcast %get3A_1743 : vector<16xi32> -> vector<16xf32>
          %mul3A_1749 = arith.mulf %broadcast_in_dim3A_1677, %bitcast_convert_type3A_1747 : vector<16xf32>
          %mul3A_1750 = arith.mulf %broadcast_in_dim3A_1677, %bitcast_convert_type3A_1748 : vector<16xf32>
          %add3A_1751 = arith.addf %add3A_1628, %mul3A_1749 : vector<16xf32>
          %add3A_1752 = arith.addf %add3A_1629, %mul3A_1750 : vector<16xf32>
          %add3A_1753 = arith.constant 12 : i32
          %add3A_1754 = arith.addi %mul3A_213, %add3A_1753 : i32
          %get3A_1755 = arith.index_cast %add3A_1754 : i32 to index
          %get3A_1756 = arith.constant 80 : index
          %get3A_1757 = tpu.vector_load %arg11[%get3A_1755, %get3A_1756] {strides = array<i32>} : memref<112x128xi32, #tpu.memory_space<vmem>>, vector<1x16xi32>,
          %get3A_1758 = vector.shape_cast %get3A_1757 : vector<1x16xi32> to vector<16xi32>
          %shift_left3A_1759 = arith.constant 16 : i32
          %shift_left3A_1760 = vector.broadcast %shift_left3A_1759 : i32 to vector<16xi32>
          %shift_left3A_1761 = arith.shli %get3A_1758, %shift_left3A_1760 : vector<16xi32>
          %bitcast_convert_type3A_1762 = tpu.bitcast %shift_left3A_1761 : vector<16xi32> -> vector<16xf32>
          %bitcast_convert_type3A_1763 = tpu.bitcast %get3A_1758 : vector<16xi32> -> vector<16xf32>
          %mul3A_1764 = arith.mulf %broadcast_in_dim3A_1677, %bitcast_convert_type3A_1762 : vector<16xf32>
          %mul3A_1765 = arith.mulf %broadcast_in_dim3A_1677, %bitcast_convert_type3A_1763 : vector<16xf32>
          %add3A_1766 = arith.addf %add3A_1643, %mul3A_1764 : vector<16xf32>
          %add3A_1767 = arith.addf %add3A_1644, %mul3A_1765 : vector<16xf32>
          %add3A_1768 = arith.constant 12 : i32
          %add3A_1769 = arith.addi %mul3A_213, %add3A_1768 : i32
          %get3A_1770 = arith.index_cast %add3A_1769 : i32 to index
          %get3A_1771 = arith.constant 96 : index
          %get3A_1772 = tpu.vector_load %arg11[%get3A_1770, %get3A_1771] {strides = array<i32>} : memref<112x128xi32, #tpu.memory_space<vmem>>, vector<1x16xi32>,
          %get3A_1773 = vector.shape_cast %get3A_1772 : vector<1x16xi32> to vector<16xi32>
          %shift_left3A_1774 = arith.constant 16 : i32
          %shift_left3A_1775 = vector.broadcast %shift_left3A_1774 : i32 to vector<16xi32>
          %shift_left3A_1776 = arith.shli %get3A_1773, %shift_left3A_1775 : vector<16xi32>
          %bitcast_convert_type3A_1777 = tpu.bitcast %shift_left3A_1776 : vector<16xi32> -> vector<16xf32>
          %bitcast_convert_type3A_1778 = tpu.bitcast %get3A_1773 : vector<16xi32> -> vector<16xf32>
          %mul3A_1779 = arith.mulf %broadcast_in_dim3A_1677, %bitcast_convert_type3A_1777 : vector<16xf32>
          %mul3A_1780 = arith.mulf %broadcast_in_dim3A_1677, %bitcast_convert_type3A_1778 : vector<16xf32>
          %add3A_1781 = arith.addf %add3A_1658, %mul3A_1779 : vector<16xf32>
          %add3A_1782 = arith.addf %add3A_1659, %mul3A_1780 : vector<16xf32>
          %add3A_1783 = arith.constant 12 : i32
          %add3A_1784 = arith.addi %mul3A_213, %add3A_1783 : i32
          %get3A_1785 = arith.index_cast %add3A_1784 : i32 to index
          %get3A_1786 = arith.constant 112 : index
          %get3A_1787 = tpu.vector_load %arg11[%get3A_1785, %get3A_1786] {strides = array<i32>} : memref<112x128xi32, #tpu.memory_space<vmem>>, vector<1x16xi32>,
          %get3A_1788 = vector.shape_cast %get3A_1787 : vector<1x16xi32> to vector<16xi32>
          %shift_left3A_1789 = arith.constant 16 : i32
          %shift_left3A_1790 = vector.broadcast %shift_left3A_1789 : i32 to vector<16xi32>
          %shift_left3A_1791 = arith.shli %get3A_1788, %shift_left3A_1790 : vector<16xi32>
          %bitcast_convert_type3A_1792 = tpu.bitcast %shift_left3A_1791 : vector<16xi32> -> vector<16xf32>
          %bitcast_convert_type3A_1793 = tpu.bitcast %get3A_1788 : vector<16xi32> -> vector<16xf32>
          %mul3A_1794 = arith.mulf %broadcast_in_dim3A_1677, %bitcast_convert_type3A_1792 : vector<16xf32>
          %mul3A_1795 = arith.mulf %broadcast_in_dim3A_1677, %bitcast_convert_type3A_1793 : vector<16xf32>
          %add3A_1796 = arith.addf %add3A_1673, %mul3A_1794 : vector<16xf32>
          %add3A_1797 = arith.addf %add3A_1674, %mul3A_1795 : vector<16xf32>
          %slice3A_1798 = vector.extract_strided_slice %get3A_216 {offsets = [13], sizes = [1], strides = [1]} : vector<16xf32> to vector<1xf32>
          %broadcast_in_dim3A_1799 = vector.shape_cast %slice3A_1798 : vector<1xf32> to vector<1xf32>
          %broadcast_in_dim3A_1800 = vector.broadcast %broadcast_in_dim3A_1799 : vector<1xf32> to vector<16xf32>
          %add3A_1801 = arith.constant 13 : i32
          %add3A_1802 = arith.addi %mul3A_213, %add3A_1801 : i32
          %get3A_1803 = arith.index_cast %add3A_1802 : i32 to index
          %get3A_1804 = arith.constant 0 : index
          %get3A_1805 = tpu.vector_load %arg11[%get3A_1803, %get3A_1804] {strides = array<i32>} : memref<112x128xi32, #tpu.memory_space<vmem>>, vector<1x16xi32>,
          %get3A_1806 = vector.shape_cast %get3A_1805 : vector<1x16xi32> to vector<16xi32>
          %shift_left3A_1807 = arith.constant 16 : i32
          %shift_left3A_1808 = vector.broadcast %shift_left3A_1807 : i32 to vector<16xi32>
          %shift_left3A_1809 = arith.shli %get3A_1806, %shift_left3A_1808 : vector<16xi32>
          %bitcast_convert_type3A_1810 = tpu.bitcast %shift_left3A_1809 : vector<16xi32> -> vector<16xf32>
          %bitcast_convert_type3A_1811 = tpu.bitcast %get3A_1806 : vector<16xi32> -> vector<16xf32>
          %mul3A_1812 = arith.mulf %broadcast_in_dim3A_1800, %bitcast_convert_type3A_1810 : vector<16xf32>
          %mul3A_1813 = arith.mulf %broadcast_in_dim3A_1800, %bitcast_convert_type3A_1811 : vector<16xf32>
          %add3A_1814 = arith.addf %add3A_1691, %mul3A_1812 : vector<16xf32>
          %add3A_1815 = arith.addf %add3A_1692, %mul3A_1813 : vector<16xf32>
          %add3A_1816 = arith.constant 13 : i32
          %add3A_1817 = arith.addi %mul3A_213, %add3A_1816 : i32
          %get3A_1818 = arith.index_cast %add3A_1817 : i32 to index
          %get3A_1819 = arith.constant 16 : index
          %get3A_1820 = tpu.vector_load %arg11[%get3A_1818, %get3A_1819] {strides = array<i32>} : memref<112x128xi32, #tpu.memory_space<vmem>>, vector<1x16xi32>,
          %get3A_1821 = vector.shape_cast %get3A_1820 : vector<1x16xi32> to vector<16xi32>
          %shift_left3A_1822 = arith.constant 16 : i32
          %shift_left3A_1823 = vector.broadcast %shift_left3A_1822 : i32 to vector<16xi32>
          %shift_left3A_1824 = arith.shli %get3A_1821, %shift_left3A_1823 : vector<16xi32>
          %bitcast_convert_type3A_1825 = tpu.bitcast %shift_left3A_1824 : vector<16xi32> -> vector<16xf32>
          %bitcast_convert_type3A_1826 = tpu.bitcast %get3A_1821 : vector<16xi32> -> vector<16xf32>
          %mul3A_1827 = arith.mulf %broadcast_in_dim3A_1800, %bitcast_convert_type3A_1825 : vector<16xf32>
          %mul3A_1828 = arith.mulf %broadcast_in_dim3A_1800, %bitcast_convert_type3A_1826 : vector<16xf32>
          %add3A_1829 = arith.addf %add3A_1706, %mul3A_1827 : vector<16xf32>
          %add3A_1830 = arith.addf %add3A_1707, %mul3A_1828 : vector<16xf32>
          %add3A_1831 = arith.constant 13 : i32
          %add3A_1832 = arith.addi %mul3A_213, %add3A_1831 : i32
          %get3A_1833 = arith.index_cast %add3A_1832 : i32 to index
          %get3A_1834 = arith.constant 32 : index
          %get3A_1835 = tpu.vector_load %arg11[%get3A_1833, %get3A_1834] {strides = array<i32>} : memref<112x128xi32, #tpu.memory_space<vmem>>, vector<1x16xi32>,
          %get3A_1836 = vector.shape_cast %get3A_1835 : vector<1x16xi32> to vector<16xi32>
          %shift_left3A_1837 = arith.constant 16 : i32
          %shift_left3A_1838 = vector.broadcast %shift_left3A_1837 : i32 to vector<16xi32>
          %shift_left3A_1839 = arith.shli %get3A_1836, %shift_left3A_1838 : vector<16xi32>
          %bitcast_convert_type3A_1840 = tpu.bitcast %shift_left3A_1839 : vector<16xi32> -> vector<16xf32>
          %bitcast_convert_type3A_1841 = tpu.bitcast %get3A_1836 : vector<16xi32> -> vector<16xf32>
          %mul3A_1842 = arith.mulf %broadcast_in_dim3A_1800, %bitcast_convert_type3A_1840 : vector<16xf32>
          %mul3A_1843 = arith.mulf %broadcast_in_dim3A_1800, %bitcast_convert_type3A_1841 : vector<16xf32>
          %add3A_1844 = arith.addf %add3A_1721, %mul3A_1842 : vector<16xf32>
          %add3A_1845 = arith.addf %add3A_1722, %mul3A_1843 : vector<16xf32>
          %add3A_1846 = arith.constant 13 : i32
          %add3A_1847 = arith.addi %mul3A_213, %add3A_1846 : i32
          %get3A_1848 = arith.index_cast %add3A_1847 : i32 to index
          %get3A_1849 = arith.constant 48 : index
          %get3A_1850 = tpu.vector_load %arg11[%get3A_1848, %get3A_1849] {strides = array<i32>} : memref<112x128xi32, #tpu.memory_space<vmem>>, vector<1x16xi32>,
          %get3A_1851 = vector.shape_cast %get3A_1850 : vector<1x16xi32> to vector<16xi32>
          %shift_left3A_1852 = arith.constant 16 : i32
          %shift_left3A_1853 = vector.broadcast %shift_left3A_1852 : i32 to vector<16xi32>
          %shift_left3A_1854 = arith.shli %get3A_1851, %shift_left3A_1853 : vector<16xi32>
          %bitcast_convert_type3A_1855 = tpu.bitcast %shift_left3A_1854 : vector<16xi32> -> vector<16xf32>
          %bitcast_convert_type3A_1856 = tpu.bitcast %get3A_1851 : vector<16xi32> -> vector<16xf32>
          %mul3A_1857 = arith.mulf %broadcast_in_dim3A_1800, %bitcast_convert_type3A_1855 : vector<16xf32>
          %mul3A_1858 = arith.mulf %broadcast_in_dim3A_1800, %bitcast_convert_type3A_1856 : vector<16xf32>
          %add3A_1859 = arith.addf %add3A_1736, %mul3A_1857 : vector<16xf32>
          %add3A_1860 = arith.addf %add3A_1737, %mul3A_1858 : vector<16xf32>
          %add3A_1861 = arith.constant 13 : i32
          %add3A_1862 = arith.addi %mul3A_213, %add3A_1861 : i32
          %get3A_1863 = arith.index_cast %add3A_1862 : i32 to index
          %get3A_1864 = arith.constant 64 : index
          %get3A_1865 = tpu.vector_load %arg11[%get3A_1863, %get3A_1864] {strides = array<i32>} : memref<112x128xi32, #tpu.memory_space<vmem>>, vector<1x16xi32>,
          %get3A_1866 = vector.shape_cast %get3A_1865 : vector<1x16xi32> to vector<16xi32>
          %shift_left3A_1867 = arith.constant 16 : i32
          %shift_left3A_1868 = vector.broadcast %shift_left3A_1867 : i32 to vector<16xi32>
          %shift_left3A_1869 = arith.shli %get3A_1866, %shift_left3A_1868 : vector<16xi32>
          %bitcast_convert_type3A_1870 = tpu.bitcast %shift_left3A_1869 : vector<16xi32> -> vector<16xf32>
          %bitcast_convert_type3A_1871 = tpu.bitcast %get3A_1866 : vector<16xi32> -> vector<16xf32>
          %mul3A_1872 = arith.mulf %broadcast_in_dim3A_1800, %bitcast_convert_type3A_1870 : vector<16xf32>
          %mul3A_1873 = arith.mulf %broadcast_in_dim3A_1800, %bitcast_convert_type3A_1871 : vector<16xf32>
          %add3A_1874 = arith.addf %add3A_1751, %mul3A_1872 : vector<16xf32>
          %add3A_1875 = arith.addf %add3A_1752, %mul3A_1873 : vector<16xf32>
          %add3A_1876 = arith.constant 13 : i32
          %add3A_1877 = arith.addi %mul3A_213, %add3A_1876 : i32
          %get3A_1878 = arith.index_cast %add3A_1877 : i32 to index
          %get3A_1879 = arith.constant 80 : index
          %get3A_1880 = tpu.vector_load %arg11[%get3A_1878, %get3A_1879] {strides = array<i32>} : memref<112x128xi32, #tpu.memory_space<vmem>>, vector<1x16xi32>,
          %get3A_1881 = vector.shape_cast %get3A_1880 : vector<1x16xi32> to vector<16xi32>
          %shift_left3A_1882 = arith.constant 16 : i32
          %shift_left3A_1883 = vector.broadcast %shift_left3A_1882 : i32 to vector<16xi32>
          %shift_left3A_1884 = arith.shli %get3A_1881, %shift_left3A_1883 : vector<16xi32>
          %bitcast_convert_type3A_1885 = tpu.bitcast %shift_left3A_1884 : vector<16xi32> -> vector<16xf32>
          %bitcast_convert_type3A_1886 = tpu.bitcast %get3A_1881 : vector<16xi32> -> vector<16xf32>
          %mul3A_1887 = arith.mulf %broadcast_in_dim3A_1800, %bitcast_convert_type3A_1885 : vector<16xf32>
          %mul3A_1888 = arith.mulf %broadcast_in_dim3A_1800, %bitcast_convert_type3A_1886 : vector<16xf32>
          %add3A_1889 = arith.addf %add3A_1766, %mul3A_1887 : vector<16xf32>
          %add3A_1890 = arith.addf %add3A_1767, %mul3A_1888 : vector<16xf32>
          %add3A_1891 = arith.constant 13 : i32
          %add3A_1892 = arith.addi %mul3A_213, %add3A_1891 : i32
          %get3A_1893 = arith.index_cast %add3A_1892 : i32 to index
          %get3A_1894 = arith.constant 96 : index
          %get3A_1895 = tpu.vector_load %arg11[%get3A_1893, %get3A_1894] {strides = array<i32>} : memref<112x128xi32, #tpu.memory_space<vmem>>, vector<1x16xi32>,
          %get3A_1896 = vector.shape_cast %get3A_1895 : vector<1x16xi32> to vector<16xi32>
          %shift_left3A_1897 = arith.constant 16 : i32
          %shift_left3A_1898 = vector.broadcast %shift_left3A_1897 : i32 to vector<16xi32>
          %shift_left3A_1899 = arith.shli %get3A_1896, %shift_left3A_1898 : vector<16xi32>
          %bitcast_convert_type3A_1900 = tpu.bitcast %shift_left3A_1899 : vector<16xi32> -> vector<16xf32>
          %bitcast_convert_type3A_1901 = tpu.bitcast %get3A_1896 : vector<16xi32> -> vector<16xf32>
          %mul3A_1902 = arith.mulf %broadcast_in_dim3A_1800, %bitcast_convert_type3A_1900 : vector<16xf32>
          %mul3A_1903 = arith.mulf %broadcast_in_dim3A_1800, %bitcast_convert_type3A_1901 : vector<16xf32>
          %add3A_1904 = arith.addf %add3A_1781, %mul3A_1902 : vector<16xf32>
          %add3A_1905 = arith.addf %add3A_1782, %mul3A_1903 : vector<16xf32>
          %add3A_1906 = arith.constant 13 : i32
          %add3A_1907 = arith.addi %mul3A_213, %add3A_1906 : i32
          %get3A_1908 = arith.index_cast %add3A_1907 : i32 to index
          %get3A_1909 = arith.constant 112 : index
          %get3A_1910 = tpu.vector_load %arg11[%get3A_1908, %get3A_1909] {strides = array<i32>} : memref<112x128xi32, #tpu.memory_space<vmem>>, vector<1x16xi32>,
          %get3A_1911 = vector.shape_cast %get3A_1910 : vector<1x16xi32> to vector<16xi32>
          %shift_left3A_1912 = arith.constant 16 : i32
          %shift_left3A_1913 = vector.broadcast %shift_left3A_1912 : i32 to vector<16xi32>
          %shift_left3A_1914 = arith.shli %get3A_1911, %shift_left3A_1913 : vector<16xi32>
          %bitcast_convert_type3A_1915 = tpu.bitcast %shift_left3A_1914 : vector<16xi32> -> vector<16xf32>
          %bitcast_convert_type3A_1916 = tpu.bitcast %get3A_1911 : vector<16xi32> -> vector<16xf32>
          %mul3A_1917 = arith.mulf %broadcast_in_dim3A_1800, %bitcast_convert_type3A_1915 : vector<16xf32>
          %mul3A_1918 = arith.mulf %broadcast_in_dim3A_1800, %bitcast_convert_type3A_1916 : vector<16xf32>
          %add3A_1919 = arith.addf %add3A_1796, %mul3A_1917 : vector<16xf32>
          %add3A_1920 = arith.addf %add3A_1797, %mul3A_1918 : vector<16xf32>
          %slice3A_1921 = vector.extract_strided_slice %get3A_216 {offsets = [14], sizes = [1], strides = [1]} : vector<16xf32> to vector<1xf32>
          %broadcast_in_dim3A_1922 = vector.shape_cast %slice3A_1921 : vector<1xf32> to vector<1xf32>
          %broadcast_in_dim3A_1923 = vector.broadcast %broadcast_in_dim3A_1922 : vector<1xf32> to vector<16xf32>
          %add3A_1924 = arith.constant 14 : i32
          %add3A_1925 = arith.addi %mul3A_213, %add3A_1924 : i32
          %get3A_1926 = arith.index_cast %add3A_1925 : i32 to index
          %get3A_1927 = arith.constant 0 : index
          %get3A_1928 = tpu.vector_load %arg11[%get3A_1926, %get3A_1927] {strides = array<i32>} : memref<112x128xi32, #tpu.memory_space<vmem>>, vector<1x16xi32>,
          %get3A_1929 = vector.shape_cast %get3A_1928 : vector<1x16xi32> to vector<16xi32>
          %shift_left3A_1930 = arith.constant 16 : i32
          %shift_left3A_1931 = vector.broadcast %shift_left3A_1930 : i32 to vector<16xi32>
          %shift_left3A_1932 = arith.shli %get3A_1929, %shift_left3A_1931 : vector<16xi32>
          %bitcast_convert_type3A_1933 = tpu.bitcast %shift_left3A_1932 : vector<16xi32> -> vector<16xf32>
          %bitcast_convert_type3A_1934 = tpu.bitcast %get3A_1929 : vector<16xi32> -> vector<16xf32>
          %mul3A_1935 = arith.mulf %broadcast_in_dim3A_1923, %bitcast_convert_type3A_1933 : vector<16xf32>
          %mul3A_1936 = arith.mulf %broadcast_in_dim3A_1923, %bitcast_convert_type3A_1934 : vector<16xf32>
          %add3A_1937 = arith.addf %add3A_1814, %mul3A_1935 : vector<16xf32>
          %add3A_1938 = arith.addf %add3A_1815, %mul3A_1936 : vector<16xf32>
          %add3A_1939 = arith.constant 14 : i32
          %add3A_1940 = arith.addi %mul3A_213, %add3A_1939 : i32
          %get3A_1941 = arith.index_cast %add3A_1940 : i32 to index
          %get3A_1942 = arith.constant 16 : index
          %get3A_1943 = tpu.vector_load %arg11[%get3A_1941, %get3A_1942] {strides = array<i32>} : memref<112x128xi32, #tpu.memory_space<vmem>>, vector<1x16xi32>,
          %get3A_1944 = vector.shape_cast %get3A_1943 : vector<1x16xi32> to vector<16xi32>
          %shift_left3A_1945 = arith.constant 16 : i32
          %shift_left3A_1946 = vector.broadcast %shift_left3A_1945 : i32 to vector<16xi32>
          %shift_left3A_1947 = arith.shli %get3A_1944, %shift_left3A_1946 : vector<16xi32>
          %bitcast_convert_type3A_1948 = tpu.bitcast %shift_left3A_1947 : vector<16xi32> -> vector<16xf32>
          %bitcast_convert_type3A_1949 = tpu.bitcast %get3A_1944 : vector<16xi32> -> vector<16xf32>
          %mul3A_1950 = arith.mulf %broadcast_in_dim3A_1923, %bitcast_convert_type3A_1948 : vector<16xf32>
          %mul3A_1951 = arith.mulf %broadcast_in_dim3A_1923, %bitcast_convert_type3A_1949 : vector<16xf32>
          %add3A_1952 = arith.addf %add3A_1829, %mul3A_1950 : vector<16xf32>
          %add3A_1953 = arith.addf %add3A_1830, %mul3A_1951 : vector<16xf32>
          %add3A_1954 = arith.constant 14 : i32
          %add3A_1955 = arith.addi %mul3A_213, %add3A_1954 : i32
          %get3A_1956 = arith.index_cast %add3A_1955 : i32 to index
          %get3A_1957 = arith.constant 32 : index
          %get3A_1958 = tpu.vector_load %arg11[%get3A_1956, %get3A_1957] {strides = array<i32>} : memref<112x128xi32, #tpu.memory_space<vmem>>, vector<1x16xi32>,
          %get3A_1959 = vector.shape_cast %get3A_1958 : vector<1x16xi32> to vector<16xi32>
          %shift_left3A_1960 = arith.constant 16 : i32
          %shift_left3A_1961 = vector.broadcast %shift_left3A_1960 : i32 to vector<16xi32>
          %shift_left3A_1962 = arith.shli %get3A_1959, %shift_left3A_1961 : vector<16xi32>
          %bitcast_convert_type3A_1963 = tpu.bitcast %shift_left3A_1962 : vector<16xi32> -> vector<16xf32>
          %bitcast_convert_type3A_1964 = tpu.bitcast %get3A_1959 : vector<16xi32> -> vector<16xf32>
          %mul3A_1965 = arith.mulf %broadcast_in_dim3A_1923, %bitcast_convert_type3A_1963 : vector<16xf32>
          %mul3A_1966 = arith.mulf %broadcast_in_dim3A_1923, %bitcast_convert_type3A_1964 : vector<16xf32>
          %add3A_1967 = arith.addf %add3A_1844, %mul3A_1965 : vector<16xf32>
          %add3A_1968 = arith.addf %add3A_1845, %mul3A_1966 : vector<16xf32>
          %add3A_1969 = arith.constant 14 : i32
          %add3A_1970 = arith.addi %mul3A_213, %add3A_1969 : i32
          %get3A_1971 = arith.index_cast %add3A_1970 : i32 to index
          %get3A_1972 = arith.constant 48 : index
          %get3A_1973 = tpu.vector_load %arg11[%get3A_1971, %get3A_1972] {strides = array<i32>} : memref<112x128xi32, #tpu.memory_space<vmem>>, vector<1x16xi32>,
          %get3A_1974 = vector.shape_cast %get3A_1973 : vector<1x16xi32> to vector<16xi32>
          %shift_left3A_1975 = arith.constant 16 : i32
          %shift_left3A_1976 = vector.broadcast %shift_left3A_1975 : i32 to vector<16xi32>
          %shift_left3A_1977 = arith.shli %get3A_1974, %shift_left3A_1976 : vector<16xi32>
          %bitcast_convert_type3A_1978 = tpu.bitcast %shift_left3A_1977 : vector<16xi32> -> vector<16xf32>
          %bitcast_convert_type3A_1979 = tpu.bitcast %get3A_1974 : vector<16xi32> -> vector<16xf32>
          %mul3A_1980 = arith.mulf %broadcast_in_dim3A_1923, %bitcast_convert_type3A_1978 : vector<16xf32>
          %mul3A_1981 = arith.mulf %broadcast_in_dim3A_1923, %bitcast_convert_type3A_1979 : vector<16xf32>
          %add3A_1982 = arith.addf %add3A_1859, %mul3A_1980 : vector<16xf32>
          %add3A_1983 = arith.addf %add3A_1860, %mul3A_1981 : vector<16xf32>
          %add3A_1984 = arith.constant 14 : i32
          %add3A_1985 = arith.addi %mul3A_213, %add3A_1984 : i32
          %get3A_1986 = arith.index_cast %add3A_1985 : i32 to index
          %get3A_1987 = arith.constant 64 : index
          %get3A_1988 = tpu.vector_load %arg11[%get3A_1986, %get3A_1987] {strides = array<i32>} : memref<112x128xi32, #tpu.memory_space<vmem>>, vector<1x16xi32>,
          %get3A_1989 = vector.shape_cast %get3A_1988 : vector<1x16xi32> to vector<16xi32>
          %shift_left3A_1990 = arith.constant 16 : i32
          %shift_left3A_1991 = vector.broadcast %shift_left3A_1990 : i32 to vector<16xi32>
          %shift_left3A_1992 = arith.shli %get3A_1989, %shift_left3A_1991 : vector<16xi32>
          %bitcast_convert_type3A_1993 = tpu.bitcast %shift_left3A_1992 : vector<16xi32> -> vector<16xf32>
          %bitcast_convert_type3A_1994 = tpu.bitcast %get3A_1989 : vector<16xi32> -> vector<16xf32>
          %mul3A_1995 = arith.mulf %broadcast_in_dim3A_1923, %bitcast_convert_type3A_1993 : vector<16xf32>
          %mul3A_1996 = arith.mulf %broadcast_in_dim3A_1923, %bitcast_convert_type3A_1994 : vector<16xf32>
          %add3A_1997 = arith.addf %add3A_1874, %mul3A_1995 : vector<16xf32>
          %add3A_1998 = arith.addf %add3A_1875, %mul3A_1996 : vector<16xf32>
          %add3A_1999 = arith.constant 14 : i32
          %add3A_2000 = arith.addi %mul3A_213, %add3A_1999 : i32
          %get3A_2001 = arith.index_cast %add3A_2000 : i32 to index
          %get3A_2002 = arith.constant 80 : index
          %get3A_2003 = tpu.vector_load %arg11[%get3A_2001, %get3A_2002] {strides = array<i32>} : memref<112x128xi32, #tpu.memory_space<vmem>>, vector<1x16xi32>,
          %get3A_2004 = vector.shape_cast %get3A_2003 : vector<1x16xi32> to vector<16xi32>
          %shift_left3A_2005 = arith.constant 16 : i32
          %shift_left3A_2006 = vector.broadcast %shift_left3A_2005 : i32 to vector<16xi32>
          %shift_left3A_2007 = arith.shli %get3A_2004, %shift_left3A_2006 : vector<16xi32>
          %bitcast_convert_type3A_2008 = tpu.bitcast %shift_left3A_2007 : vector<16xi32> -> vector<16xf32>
          %bitcast_convert_type3A_2009 = tpu.bitcast %get3A_2004 : vector<16xi32> -> vector<16xf32>
          %mul3A_2010 = arith.mulf %broadcast_in_dim3A_1923, %bitcast_convert_type3A_2008 : vector<16xf32>
          %mul3A_2011 = arith.mulf %broadcast_in_dim3A_1923, %bitcast_convert_type3A_2009 : vector<16xf32>
          %add3A_2012 = arith.addf %add3A_1889, %mul3A_2010 : vector<16xf32>
          %add3A_2013 = arith.addf %add3A_1890, %mul3A_2011 : vector<16xf32>
          %add3A_2014 = arith.constant 14 : i32
          %add3A_2015 = arith.addi %mul3A_213, %add3A_2014 : i32
          %get3A_2016 = arith.index_cast %add3A_2015 : i32 to index
          %get3A_2017 = arith.constant 96 : index
          %get3A_2018 = tpu.vector_load %arg11[%get3A_2016, %get3A_2017] {strides = array<i32>} : memref<112x128xi32, #tpu.memory_space<vmem>>, vector<1x16xi32>,
          %get3A_2019 = vector.shape_cast %get3A_2018 : vector<1x16xi32> to vector<16xi32>
          %shift_left3A_2020 = arith.constant 16 : i32
          %shift_left3A_2021 = vector.broadcast %shift_left3A_2020 : i32 to vector<16xi32>
          %shift_left3A_2022 = arith.shli %get3A_2019, %shift_left3A_2021 : vector<16xi32>
          %bitcast_convert_type3A_2023 = tpu.bitcast %shift_left3A_2022 : vector<16xi32> -> vector<16xf32>
          %bitcast_convert_type3A_2024 = tpu.bitcast %get3A_2019 : vector<16xi32> -> vector<16xf32>
          %mul3A_2025 = arith.mulf %broadcast_in_dim3A_1923, %bitcast_convert_type3A_2023 : vector<16xf32>
          %mul3A_2026 = arith.mulf %broadcast_in_dim3A_1923, %bitcast_convert_type3A_2024 : vector<16xf32>
          %add3A_2027 = arith.addf %add3A_1904, %mul3A_2025 : vector<16xf32>
          %add3A_2028 = arith.addf %add3A_1905, %mul3A_2026 : vector<16xf32>
          %add3A_2029 = arith.constant 14 : i32
          %add3A_2030 = arith.addi %mul3A_213, %add3A_2029 : i32
          %get3A_2031 = arith.index_cast %add3A_2030 : i32 to index
          %get3A_2032 = arith.constant 112 : index
          %get3A_2033 = tpu.vector_load %arg11[%get3A_2031, %get3A_2032] {strides = array<i32>} : memref<112x128xi32, #tpu.memory_space<vmem>>, vector<1x16xi32>,
          %get3A_2034 = vector.shape_cast %get3A_2033 : vector<1x16xi32> to vector<16xi32>
          %shift_left3A_2035 = arith.constant 16 : i32
          %shift_left3A_2036 = vector.broadcast %shift_left3A_2035 : i32 to vector<16xi32>
          %shift_left3A_2037 = arith.shli %get3A_2034, %shift_left3A_2036 : vector<16xi32>
          %bitcast_convert_type3A_2038 = tpu.bitcast %shift_left3A_2037 : vector<16xi32> -> vector<16xf32>
          %bitcast_convert_type3A_2039 = tpu.bitcast %get3A_2034 : vector<16xi32> -> vector<16xf32>
          %mul3A_2040 = arith.mulf %broadcast_in_dim3A_1923, %bitcast_convert_type3A_2038 : vector<16xf32>
          %mul3A_2041 = arith.mulf %broadcast_in_dim3A_1923, %bitcast_convert_type3A_2039 : vector<16xf32>
          %add3A_2042 = arith.addf %add3A_1919, %mul3A_2040 : vector<16xf32>
          %add3A_2043 = arith.addf %add3A_1920, %mul3A_2041 : vector<16xf32>
          %slice3A_2044 = vector.extract_strided_slice %get3A_216 {offsets = [15], sizes = [1], strides = [1]} : vector<16xf32> to vector<1xf32>
          %broadcast_in_dim3A_2045 = vector.shape_cast %slice3A_2044 : vector<1xf32> to vector<1xf32>
          %broadcast_in_dim3A_2046 = vector.broadcast %broadcast_in_dim3A_2045 : vector<1xf32> to vector<16xf32>
          %add3A_2047 = arith.constant 15 : i32
          %add3A_2048 = arith.addi %mul3A_213, %add3A_2047 : i32
          %get3A_2049 = arith.index_cast %add3A_2048 : i32 to index
          %get3A_2050 = arith.constant 0 : index
          %get3A_2051 = tpu.vector_load %arg11[%get3A_2049, %get3A_2050] {strides = array<i32>} : memref<112x128xi32, #tpu.memory_space<vmem>>, vector<1x16xi32>,
          %get3A_2052 = vector.shape_cast %get3A_2051 : vector<1x16xi32> to vector<16xi32>
          %shift_left3A_2053 = arith.constant 16 : i32
          %shift_left3A_2054 = vector.broadcast %shift_left3A_2053 : i32 to vector<16xi32>
          %shift_left3A_2055 = arith.shli %get3A_2052, %shift_left3A_2054 : vector<16xi32>
          %bitcast_convert_type3A_2056 = tpu.bitcast %shift_left3A_2055 : vector<16xi32> -> vector<16xf32>
          %bitcast_convert_type3A_2057 = tpu.bitcast %get3A_2052 : vector<16xi32> -> vector<16xf32>
          %mul3A_2058 = arith.mulf %broadcast_in_dim3A_2046, %bitcast_convert_type3A_2056 : vector<16xf32>
          %mul3A_2059 = arith.mulf %broadcast_in_dim3A_2046, %bitcast_convert_type3A_2057 : vector<16xf32>
          %add3A_2060 = arith.addf %add3A_1937, %mul3A_2058 : vector<16xf32>
          %add3A_2061 = arith.addf %add3A_1938, %mul3A_2059 : vector<16xf32>
          %add3A_2062 = arith.constant 15 : i32
          %add3A_2063 = arith.addi %mul3A_213, %add3A_2062 : i32
          %get3A_2064 = arith.index_cast %add3A_2063 : i32 to index
          %get3A_2065 = arith.constant 16 : index
          %get3A_2066 = tpu.vector_load %arg11[%get3A_2064, %get3A_2065] {strides = array<i32>} : memref<112x128xi32, #tpu.memory_space<vmem>>, vector<1x16xi32>,
          %get3A_2067 = vector.shape_cast %get3A_2066 : vector<1x16xi32> to vector<16xi32>
          %shift_left3A_2068 = arith.constant 16 : i32
          %shift_left3A_2069 = vector.broadcast %shift_left3A_2068 : i32 to vector<16xi32>
          %shift_left3A_2070 = arith.shli %get3A_2067, %shift_left3A_2069 : vector<16xi32>
          %bitcast_convert_type3A_2071 = tpu.bitcast %shift_left3A_2070 : vector<16xi32> -> vector<16xf32>
          %bitcast_convert_type3A_2072 = tpu.bitcast %get3A_2067 : vector<16xi32> -> vector<16xf32>
          %mul3A_2073 = arith.mulf %broadcast_in_dim3A_2046, %bitcast_convert_type3A_2071 : vector<16xf32>
          %mul3A_2074 = arith.mulf %broadcast_in_dim3A_2046, %bitcast_convert_type3A_2072 : vector<16xf32>
          %add3A_2075 = arith.addf %add3A_1952, %mul3A_2073 : vector<16xf32>
          %add3A_2076 = arith.addf %add3A_1953, %mul3A_2074 : vector<16xf32>
          %add3A_2077 = arith.constant 15 : i32
          %add3A_2078 = arith.addi %mul3A_213, %add3A_2077 : i32
          %get3A_2079 = arith.index_cast %add3A_2078 : i32 to index
          %get3A_2080 = arith.constant 32 : index
          %get3A_2081 = tpu.vector_load %arg11[%get3A_2079, %get3A_2080] {strides = array<i32>} : memref<112x128xi32, #tpu.memory_space<vmem>>, vector<1x16xi32>,
          %get3A_2082 = vector.shape_cast %get3A_2081 : vector<1x16xi32> to vector<16xi32>
          %shift_left3A_2083 = arith.constant 16 : i32
          %shift_left3A_2084 = vector.broadcast %shift_left3A_2083 : i32 to vector<16xi32>
          %shift_left3A_2085 = arith.shli %get3A_2082, %shift_left3A_2084 : vector<16xi32>
          %bitcast_convert_type3A_2086 = tpu.bitcast %shift_left3A_2085 : vector<16xi32> -> vector<16xf32>
          %bitcast_convert_type3A_2087 = tpu.bitcast %get3A_2082 : vector<16xi32> -> vector<16xf32>
          %mul3A_2088 = arith.mulf %broadcast_in_dim3A_2046, %bitcast_convert_type3A_2086 : vector<16xf32>
          %mul3A_2089 = arith.mulf %broadcast_in_dim3A_2046, %bitcast_convert_type3A_2087 : vector<16xf32>
          %add3A_2090 = arith.addf %add3A_1967, %mul3A_2088 : vector<16xf32>
          %add3A_2091 = arith.addf %add3A_1968, %mul3A_2089 : vector<16xf32>
          %add3A_2092 = arith.constant 15 : i32
          %add3A_2093 = arith.addi %mul3A_213, %add3A_2092 : i32
          %get3A_2094 = arith.index_cast %add3A_2093 : i32 to index
          %get3A_2095 = arith.constant 48 : index
          %get3A_2096 = tpu.vector_load %arg11[%get3A_2094, %get3A_2095] {strides = array<i32>} : memref<112x128xi32, #tpu.memory_space<vmem>>, vector<1x16xi32>,
          %get3A_2097 = vector.shape_cast %get3A_2096 : vector<1x16xi32> to vector<16xi32>
          %shift_left3A_2098 = arith.constant 16 : i32
          %shift_left3A_2099 = vector.broadcast %shift_left3A_2098 : i32 to vector<16xi32>
          %shift_left3A_2100 = arith.shli %get3A_2097, %shift_left3A_2099 : vector<16xi32>
          %bitcast_convert_type3A_2101 = tpu.bitcast %shift_left3A_2100 : vector<16xi32> -> vector<16xf32>
          %bitcast_convert_type3A_2102 = tpu.bitcast %get3A_2097 : vector<16xi32> -> vector<16xf32>
          %mul3A_2103 = arith.mulf %broadcast_in_dim3A_2046, %bitcast_convert_type3A_2101 : vector<16xf32>
          %mul3A_2104 = arith.mulf %broadcast_in_dim3A_2046, %bitcast_convert_type3A_2102 : vector<16xf32>
          %add3A_2105 = arith.addf %add3A_1982, %mul3A_2103 : vector<16xf32>
          %add3A_2106 = arith.addf %add3A_1983, %mul3A_2104 : vector<16xf32>
          %add3A_2107 = arith.constant 15 : i32
          %add3A_2108 = arith.addi %mul3A_213, %add3A_2107 : i32
          %get3A_2109 = arith.index_cast %add3A_2108 : i32 to index
          %get3A_2110 = arith.constant 64 : index
          %get3A_2111 = tpu.vector_load %arg11[%get3A_2109, %get3A_2110] {strides = array<i32>} : memref<112x128xi32, #tpu.memory_space<vmem>>, vector<1x16xi32>,
          %get3A_2112 = vector.shape_cast %get3A_2111 : vector<1x16xi32> to vector<16xi32>
          %shift_left3A_2113 = arith.constant 16 : i32
          %shift_left3A_2114 = vector.broadcast %shift_left3A_2113 : i32 to vector<16xi32>
          %shift_left3A_2115 = arith.shli %get3A_2112, %shift_left3A_2114 : vector<16xi32>
          %bitcast_convert_type3A_2116 = tpu.bitcast %shift_left3A_2115 : vector<16xi32> -> vector<16xf32>
          %bitcast_convert_type3A_2117 = tpu.bitcast %get3A_2112 : vector<16xi32> -> vector<16xf32>
          %mul3A_2118 = arith.mulf %broadcast_in_dim3A_2046, %bitcast_convert_type3A_2116 : vector<16xf32>
          %mul3A_2119 = arith.mulf %broadcast_in_dim3A_2046, %bitcast_convert_type3A_2117 : vector<16xf32>
          %add3A_2120 = arith.addf %add3A_1997, %mul3A_2118 : vector<16xf32>
          %add3A_2121 = arith.addf %add3A_1998, %mul3A_2119 : vector<16xf32>
          %add3A_2122 = arith.constant 15 : i32
          %add3A_2123 = arith.addi %mul3A_213, %add3A_2122 : i32
          %get3A_2124 = arith.index_cast %add3A_2123 : i32 to index
          %get3A_2125 = arith.constant 80 : index
          %get3A_2126 = tpu.vector_load %arg11[%get3A_2124, %get3A_2125] {strides = array<i32>} : memref<112x128xi32, #tpu.memory_space<vmem>>, vector<1x16xi32>,
          %get3A_2127 = vector.shape_cast %get3A_2126 : vector<1x16xi32> to vector<16xi32>
          %shift_left3A_2128 = arith.constant 16 : i32
          %shift_left3A_2129 = vector.broadcast %shift_left3A_2128 : i32 to vector<16xi32>
          %shift_left3A_2130 = arith.shli %get3A_2127, %shift_left3A_2129 : vector<16xi32>
          %bitcast_convert_type3A_2131 = tpu.bitcast %shift_left3A_2130 : vector<16xi32> -> vector<16xf32>
          %bitcast_convert_type3A_2132 = tpu.bitcast %get3A_2127 : vector<16xi32> -> vector<16xf32>
          %mul3A_2133 = arith.mulf %broadcast_in_dim3A_2046, %bitcast_convert_type3A_2131 : vector<16xf32>
          %mul3A_2134 = arith.mulf %broadcast_in_dim3A_2046, %bitcast_convert_type3A_2132 : vector<16xf32>
          %add3A_2135 = arith.addf %add3A_2012, %mul3A_2133 : vector<16xf32>
          %add3A_2136 = arith.addf %add3A_2013, %mul3A_2134 : vector<16xf32>
          %add3A_2137 = arith.constant 15 : i32
          %add3A_2138 = arith.addi %mul3A_213, %add3A_2137 : i32
          %get3A_2139 = arith.index_cast %add3A_2138 : i32 to index
          %get3A_2140 = arith.constant 96 : index
          %get3A_2141 = tpu.vector_load %arg11[%get3A_2139, %get3A_2140] {strides = array<i32>} : memref<112x128xi32, #tpu.memory_space<vmem>>, vector<1x16xi32>,
          %get3A_2142 = vector.shape_cast %get3A_2141 : vector<1x16xi32> to vector<16xi32>
          %shift_left3A_2143 = arith.constant 16 : i32
          %shift_left3A_2144 = vector.broadcast %shift_left3A_2143 : i32 to vector<16xi32>
          %shift_left3A_2145 = arith.shli %get3A_2142, %shift_left3A_2144 : vector<16xi32>
          %bitcast_convert_type3A_2146 = tpu.bitcast %shift_left3A_2145 : vector<16xi32> -> vector<16xf32>
          %bitcast_convert_type3A_2147 = tpu.bitcast %get3A_2142 : vector<16xi32> -> vector<16xf32>
          %mul3A_2148 = arith.mulf %broadcast_in_dim3A_2046, %bitcast_convert_type3A_2146 : vector<16xf32>
          %mul3A_2149 = arith.mulf %broadcast_in_dim3A_2046, %bitcast_convert_type3A_2147 : vector<16xf32>
          %add3A_2150 = arith.addf %add3A_2027, %mul3A_2148 : vector<16xf32>
          %add3A_2151 = arith.addf %add3A_2028, %mul3A_2149 : vector<16xf32>
          %add3A_2152 = arith.constant 15 : i32
          %add3A_2153 = arith.addi %mul3A_213, %add3A_2152 : i32
          %get3A_2154 = arith.index_cast %add3A_2153 : i32 to index
          %get3A_2155 = arith.constant 112 : index
          %get3A_2156 = tpu.vector_load %arg11[%get3A_2154, %get3A_2155] {strides = array<i32>} : memref<112x128xi32, #tpu.memory_space<vmem>>, vector<1x16xi32>,
          %get3A_2157 = vector.shape_cast %get3A_2156 : vector<1x16xi32> to vector<16xi32>
          %shift_left3A_2158 = arith.constant 16 : i32
          %shift_left3A_2159 = vector.broadcast %shift_left3A_2158 : i32 to vector<16xi32>
          %shift_left3A_2160 = arith.shli %get3A_2157, %shift_left3A_2159 : vector<16xi32>
          %bitcast_convert_type3A_2161 = tpu.bitcast %shift_left3A_2160 : vector<16xi32> -> vector<16xf32>
          %bitcast_convert_type3A_2162 = tpu.bitcast %get3A_2157 : vector<16xi32> -> vector<16xf32>
          %mul3A_2163 = arith.mulf %broadcast_in_dim3A_2046, %bitcast_convert_type3A_2161 : vector<16xf32>
          %mul3A_2164 = arith.mulf %broadcast_in_dim3A_2046, %bitcast_convert_type3A_2162 : vector<16xf32>
          %add3A_2165 = arith.addf %add3A_2042, %mul3A_2163 : vector<16xf32>
          %add3A_2166 = arith.addf %add3A_2043, %mul3A_2164 : vector<16xf32>
          %mul3A_2167 = arith.constant 7 : i32
          %mul3A_2168 = arith.muli %scan3A_159, %mul3A_2167 : i32
          %add3A_2169 = arith.addi %mul3A_2168, %scan3A_210 : i32
          %mul3A_2170 = arith.constant 256 : i32
          %mul3A_2171 = arith.muli %add3A_2169, %mul3A_2170 : i32
          %add3A_2172 = arith.constant 0 : i32
          %add3A_2173 = arith.addi %mul3A_2171, %add3A_2172 : i32
          %swap3A = arith.index_cast %add3A_2173 : i32 to index
          %swap3A_2174 = tpu.vector_load %arg12[%swap3A] {strides = array<i32>} : memref<12544xf32, #tpu.memory_space<vmem>>, vector<16xf32>,
          %swap3A_2175 = vector.shape_cast %swap3A_2174 : vector<16xf32> to vector<16xf32>
          %swap3A_2176 = vector.shape_cast %add3A_2060 : vector<16xf32> to vector<16xf32>
          tpu.vector_store %arg12[%swap3A], %swap3A_2176 {strides = array<i32>} : memref<12544xf32, #tpu.memory_space<vmem>>, vector<16xf32>,
          %add3A_2177 = arith.constant 16 : i32
          %add3A_2178 = arith.addi %mul3A_2171, %add3A_2177 : i32
          %swap3A_2179 = arith.index_cast %add3A_2178 : i32 to index
          %swap3A_2180 = tpu.vector_load %arg12[%swap3A_2179] {strides = array<i32>} : memref<12544xf32, #tpu.memory_space<vmem>>, vector<16xf32>,
          %swap3A_2181 = vector.shape_cast %swap3A_2180 : vector<16xf32> to vector<16xf32>
          %swap3A_2182 = vector.shape_cast %add3A_2075 : vector<16xf32> to vector<16xf32>
          tpu.vector_store %arg12[%swap3A_2179], %swap3A_2182 {strides = array<i32>} : memref<12544xf32, #tpu.memory_space<vmem>>, vector<16xf32>,
          %add3A_2183 = arith.constant 32 : i32
          %add3A_2184 = arith.addi %mul3A_2171, %add3A_2183 : i32
          %swap3A_2185 = arith.index_cast %add3A_2184 : i32 to index
          %swap3A_2186 = tpu.vector_load %arg12[%swap3A_2185] {strides = array<i32>} : memref<12544xf32, #tpu.memory_space<vmem>>, vector<16xf32>,
          %swap3A_2187 = vector.shape_cast %swap3A_2186 : vector<16xf32> to vector<16xf32>
          %swap3A_2188 = vector.shape_cast %add3A_2090 : vector<16xf32> to vector<16xf32>
          tpu.vector_store %arg12[%swap3A_2185], %swap3A_2188 {strides = array<i32>} : memref<12544xf32, #tpu.memory_space<vmem>>, vector<16xf32>,
          %add3A_2189 = arith.constant 48 : i32
          %add3A_2190 = arith.addi %mul3A_2171, %add3A_2189 : i32
          %swap3A_2191 = arith.index_cast %add3A_2190 : i32 to index
          %swap3A_2192 = tpu.vector_load %arg12[%swap3A_2191] {strides = array<i32>} : memref<12544xf32, #tpu.memory_space<vmem>>, vector<16xf32>,
          %swap3A_2193 = vector.shape_cast %swap3A_2192 : vector<16xf32> to vector<16xf32>
          %swap3A_2194 = vector.shape_cast %add3A_2105 : vector<16xf32> to vector<16xf32>
          tpu.vector_store %arg12[%swap3A_2191], %swap3A_2194 {strides = array<i32>} : memref<12544xf32, #tpu.memory_space<vmem>>, vector<16xf32>,
          %add3A_2195 = arith.constant 64 : i32
          %add3A_2196 = arith.addi %mul3A_2171, %add3A_2195 : i32
          %swap3A_2197 = arith.index_cast %add3A_2196 : i32 to index
          %swap3A_2198 = tpu.vector_load %arg12[%swap3A_2197] {strides = array<i32>} : memref<12544xf32, #tpu.memory_space<vmem>>, vector<16xf32>,
          %swap3A_2199 = vector.shape_cast %swap3A_2198 : vector<16xf32> to vector<16xf32>
          %swap3A_2200 = vector.shape_cast %add3A_2120 : vector<16xf32> to vector<16xf32>
          tpu.vector_store %arg12[%swap3A_2197], %swap3A_2200 {strides = array<i32>} : memref<12544xf32, #tpu.memory_space<vmem>>, vector<16xf32>,
          %add3A_2201 = arith.constant 80 : i32
          %add3A_2202 = arith.addi %mul3A_2171, %add3A_2201 : i32
          %swap3A_2203 = arith.index_cast %add3A_2202 : i32 to index
          %swap3A_2204 = tpu.vector_load %arg12[%swap3A_2203] {strides = array<i32>} : memref<12544xf32, #tpu.memory_space<vmem>>, vector<16xf32>,
          %swap3A_2205 = vector.shape_cast %swap3A_2204 : vector<16xf32> to vector<16xf32>
          %swap3A_2206 = vector.shape_cast %add3A_2135 : vector<16xf32> to vector<16xf32>
          tpu.vector_store %arg12[%swap3A_2203], %swap3A_2206 {strides = array<i32>} : memref<12544xf32, #tpu.memory_space<vmem>>, vector<16xf32>,
          %add3A_2207 = arith.constant 96 : i32
          %add3A_2208 = arith.addi %mul3A_2171, %add3A_2207 : i32
          %swap3A_2209 = arith.index_cast %add3A_2208 : i32 to index
          %swap3A_2210 = tpu.vector_load %arg12[%swap3A_2209] {strides = array<i32>} : memref<12544xf32, #tpu.memory_space<vmem>>, vector<16xf32>,
          %swap3A_2211 = vector.shape_cast %swap3A_2210 : vector<16xf32> to vector<16xf32>
          %swap3A_2212 = vector.shape_cast %add3A_2150 : vector<16xf32> to vector<16xf32>
          tpu.vector_store %arg12[%swap3A_2209], %swap3A_2212 {strides = array<i32>} : memref<12544xf32, #tpu.memory_space<vmem>>, vector<16xf32>,
          %add3A_2213 = arith.constant 112 : i32
          %add3A_2214 = arith.addi %mul3A_2171, %add3A_2213 : i32
          %swap3A_2215 = arith.index_cast %add3A_2214 : i32 to index
          %swap3A_2216 = tpu.vector_load %arg12[%swap3A_2215] {strides = array<i32>} : memref<12544xf32, #tpu.memory_space<vmem>>, vector<16xf32>,
          %swap3A_2217 = vector.shape_cast %swap3A_2216 : vector<16xf32> to vector<16xf32>
          %swap3A_2218 = vector.shape_cast %add3A_2165 : vector<16xf32> to vector<16xf32>
          tpu.vector_store %arg12[%swap3A_2215], %swap3A_2218 {strides = array<i32>} : memref<12544xf32, #tpu.memory_space<vmem>>, vector<16xf32>,
          %add3A_2219 = arith.constant 128 : i32
          %add3A_2220 = arith.addi %mul3A_2171, %add3A_2219 : i32
          %swap3A_2221 = arith.index_cast %add3A_2220 : i32 to index
          %swap3A_2222 = tpu.vector_load %arg12[%swap3A_2221] {strides = array<i32>} : memref<12544xf32, #tpu.memory_space<vmem>>, vector<16xf32>,
          %swap3A_2223 = vector.shape_cast %swap3A_2222 : vector<16xf32> to vector<16xf32>
          %swap3A_2224 = vector.shape_cast %add3A_2061 : vector<16xf32> to vector<16xf32>
          tpu.vector_store %arg12[%swap3A_2221], %swap3A_2224 {strides = array<i32>} : memref<12544xf32, #tpu.memory_space<vmem>>, vector<16xf32>,
          %add3A_2225 = arith.constant 144 : i32
          %add3A_2226 = arith.addi %mul3A_2171, %add3A_2225 : i32
          %swap3A_2227 = arith.index_cast %add3A_2226 : i32 to index
          %swap3A_2228 = tpu.vector_load %arg12[%swap3A_2227] {strides = array<i32>} : memref<12544xf32, #tpu.memory_space<vmem>>, vector<16xf32>,
          %swap3A_2229 = vector.shape_cast %swap3A_2228 : vector<16xf32> to vector<16xf32>
          %swap3A_2230 = vector.shape_cast %add3A_2076 : vector<16xf32> to vector<16xf32>
          tpu.vector_store %arg12[%swap3A_2227], %swap3A_2230 {strides = array<i32>} : memref<12544xf32, #tpu.memory_space<vmem>>, vector<16xf32>,
          %add3A_2231 = arith.constant 160 : i32
          %add3A_2232 = arith.addi %mul3A_2171, %add3A_2231 : i32
          %swap3A_2233 = arith.index_cast %add3A_2232 : i32 to index
          %swap3A_2234 = tpu.vector_load %arg12[%swap3A_2233] {strides = array<i32>} : memref<12544xf32, #tpu.memory_space<vmem>>, vector<16xf32>,
          %swap3A_2235 = vector.shape_cast %swap3A_2234 : vector<16xf32> to vector<16xf32>
          %swap3A_2236 = vector.shape_cast %add3A_2091 : vector<16xf32> to vector<16xf32>
          tpu.vector_store %arg12[%swap3A_2233], %swap3A_2236 {strides = array<i32>} : memref<12544xf32, #tpu.memory_space<vmem>>, vector<16xf32>,
          %add3A_2237 = arith.constant 176 : i32
          %add3A_2238 = arith.addi %mul3A_2171, %add3A_2237 : i32
          %swap3A_2239 = arith.index_cast %add3A_2238 : i32 to index
          %swap3A_2240 = tpu.vector_load %arg12[%swap3A_2239] {strides = array<i32>} : memref<12544xf32, #tpu.memory_space<vmem>>, vector<16xf32>,
          %swap3A_2241 = vector.shape_cast %swap3A_2240 : vector<16xf32> to vector<16xf32>
          %swap3A_2242 = vector.shape_cast %add3A_2106 : vector<16xf32> to vector<16xf32>
          tpu.vector_store %arg12[%swap3A_2239], %swap3A_2242 {strides = array<i32>} : memref<12544xf32, #tpu.memory_space<vmem>>, vector<16xf32>,
          %add3A_2243 = arith.constant 192 : i32
          %add3A_2244 = arith.addi %mul3A_2171, %add3A_2243 : i32
          %swap3A_2245 = arith.index_cast %add3A_2244 : i32 to index
          %swap3A_2246 = tpu.vector_load %arg12[%swap3A_2245] {strides = array<i32>} : memref<12544xf32, #tpu.memory_space<vmem>>, vector<16xf32>,
          %swap3A_2247 = vector.shape_cast %swap3A_2246 : vector<16xf32> to vector<16xf32>
          %swap3A_2248 = vector.shape_cast %add3A_2121 : vector<16xf32> to vector<16xf32>
          tpu.vector_store %arg12[%swap3A_2245], %swap3A_2248 {strides = array<i32>} : memref<12544xf32, #tpu.memory_space<vmem>>, vector<16xf32>,
          %add3A_2249 = arith.constant 208 : i32
          %add3A_2250 = arith.addi %mul3A_2171, %add3A_2249 : i32
          %swap3A_2251 = arith.index_cast %add3A_2250 : i32 to index
          %swap3A_2252 = tpu.vector_load %arg12[%swap3A_2251] {strides = array<i32>} : memref<12544xf32, #tpu.memory_space<vmem>>, vector<16xf32>,
          %swap3A_2253 = vector.shape_cast %swap3A_2252 : vector<16xf32> to vector<16xf32>
          %swap3A_2254 = vector.shape_cast %add3A_2136 : vector<16xf32> to vector<16xf32>
          tpu.vector_store %arg12[%swap3A_2251], %swap3A_2254 {strides = array<i32>} : memref<12544xf32, #tpu.memory_space<vmem>>, vector<16xf32>,
          %add3A_2255 = arith.constant 224 : i32
          %add3A_2256 = arith.addi %mul3A_2171, %add3A_2255 : i32
          %swap3A_2257 = arith.index_cast %add3A_2256 : i32 to index
          %swap3A_2258 = tpu.vector_load %arg12[%swap3A_2257] {strides = array<i32>} : memref<12544xf32, #tpu.memory_space<vmem>>, vector<16xf32>,
          %swap3A_2259 = vector.shape_cast %swap3A_2258 : vector<16xf32> to vector<16xf32>
          %swap3A_2260 = vector.shape_cast %add3A_2151 : vector<16xf32> to vector<16xf32>
          tpu.vector_store %arg12[%swap3A_2257], %swap3A_2260 {strides = array<i32>} : memref<12544xf32, #tpu.memory_space<vmem>>, vector<16xf32>,
          %add3A_2261 = arith.constant 240 : i32
          %add3A_2262 = arith.addi %mul3A_2171, %add3A_2261 : i32
          %swap3A_2263 = arith.index_cast %add3A_2262 : i32 to index
          %swap3A_2264 = tpu.vector_load %arg12[%swap3A_2263] {strides = array<i32>} : memref<12544xf32, #tpu.memory_space<vmem>>, vector<16xf32>,
          %swap3A_2265 = vector.shape_cast %swap3A_2264 : vector<16xf32> to vector<16xf32>
          %swap3A_2266 = vector.shape_cast %add3A_2166 : vector<16xf32> to vector<16xf32>
          tpu.vector_store %arg12[%swap3A_2263], %swap3A_2266 {strides = array<i32>} : memref<12544xf32, #tpu.memory_space<vmem>>, vector<16xf32>,
          %scan3A_2267 = arith.constant 0 : i32
          scf.yield %scan3A_2267 : i32
        }
        %scan3A_206 = arith.constant 7 : i32
        %convert_element_type3A_207 = arith.extui %eq3A_162 : i1 to i32
        %cond3A_208 = arith.constant 0 : i32
        %cond3A_209 = arith.cmpi ne, %convert_element_type3A_207, %cond3A_208 : i32
        scf.if %cond3A_209 {
          %add3A_210 = arith.addi %mul3A_2, %scan3A_160 : i32
          %mul3A_211 = arith.constant 49 : i32
          %mul3A_212 = arith.muli %add3A_210, %mul3A_211 : i32
          %mul3A_213 = arith.constant 256 : i32
          %mul3A_214 = arith.muli %mul3A_212, %mul3A_213 : i32
          %dma_start3A_215 = tpu.memref_slice %arg4[%mul3A_214] : memref<6422528xf32, #tpu.memory_space<hbm>> -> memref<12544xf32, #tpu.memory_space<hbm>>
          %dma_start3A_216 = tpu.memref_slice %arg4[%mul3A_214] : memref<6422528xf32, #tpu.memory_space<hbm>> -> memref<12544xf32, #tpu.memory_space<hbm>>
          tpu.enqueue_dma source(%arg12 : memref<12544xf32, #tpu.memory_space<vmem>>) target(%dma_start3A_216 : memref<12544xf32, #tpu.memory_space<hbm>>) target_semaphore(%arg15 : memref<!tpu.dma_semaphore, #tpu.memory_space<semaphore_mem>>)
        } else {
        }
      } else {
      }
      scf.yield %select_n3A_170, %select_n3A_173 : i32, i32
    }
    %scan3A_150 = arith.constant 112 : i32
    %add3A_151 = arith.constant 15 : i32
    %add3A_152 = arith.addi %mul3A_2, %add3A_151 : i32
    %mul3A_153 = arith.constant 49 : i32
    %mul3A_154 = arith.muli %add3A_152, %mul3A_153 : i32
    %mul3A_155 = arith.constant 256 : i32
    %mul3A_156 = arith.muli %mul3A_154, %mul3A_155 : i32
    %dma_wait3A = tpu.memref_slice %arg4[%mul3A_156] : memref<6422528xf32, #tpu.memory_space<hbm>> -> memref<12544xf32, #tpu.memory_space<hbm>>
    %dma_wait3A_157 = tpu.memref_slice %arg4[%mul3A_156] : memref<6422528xf32, #tpu.memory_space<hbm>> -> memref<12544xf32, #tpu.memory_space<hbm>>
    tpu.wait_dma2 semaphore(%arg15 : memref<!tpu.dma_semaphore, #tpu.memory_space<semaphore_mem>>) src(%arg12 : memref<12544xf32, #tpu.memory_space<vmem>>) dst(%dma_wait3A_157 : memref<12544xf32, #tpu.memory_space<hbm>>)
    return
  }
}

</mosaic_0001>

<sc_bundles>
// kernel: kernel.3.cloned.1.call-start
scs
__scs_entry_jumppad:
0x0: {  	(pc) =	sbr.rel $0x88, $3  }
0x1: {  	(tag) =	ssettag $0x0;
	lr =	simm.s32 $0x1  }
0x2: {  	[smem:$0x3F9F] =	sst lr;
	_ =	strace $0xD0000000  }
0x3: {  	_ = 	snop  }
0x4: {  	_ = 	snop  }
0x5: {  	_ = 	snop  }
0x6: {  	_ = 	snop  }
0x7: {  	_ = 	snop  }
__scs_overlays_trampoline_lowered:
0x8: {  	[smem:$0x3FAE] =	sst s0  }
0x9: {  	[smem:$0x3FAF] =	sst s1  }
0xa: {  	[smem:$0x3FB0] =	sst s2  }
0xb: {  	[smem:$0x3FB1] =	sst s3  }
0xc: {  	[smem:$0x3FB2] =	sst s4  }
0xd: {  	[smem:$0x3FB3] =	sst s5  }
0xe: {  	[smem:$0x3FB4] =	sst s6  }
0xf: {  	[smem:$0x3FB5] =	sst s7  }
0x10: {  	[smem:$0x3FB6] =	sst s8  }
0x11: {  	[smem:$0x3FB7] =	sst s9;
	s0 =	simm.s32 @!p0 $0x0  }
0x12: {  	s1 =	sld [smem:$0x3F9D];
	s0 =	simm.s32 @p0 $0x1  }
0x13: {  	[smem:$0x3FB8] =	sst s0;
	s0 =	simm.s32 @!p1 $0x0  }
0x14: {  	s2 =	sld [smem:$0x3F9C];
	s0 =	simm.s32 @p1 $0x1  }
0x15: {  	[smem:$0x3FB9] =	sst s0;
	s0 =	simm.s32 @!p2 $0x0  }
0x16: {  	s3 =	sld [smem:$0x3FDB];
	s0 =	simm.s32 @p2 $0x1  }
0x17: {  	s4 =	simm.s32 $0x1BF5;
	[smem:$0x3FBB] =	sst s0  }
0x18: {  	s0 =	sld [smem:$0x3F9E];
	_ =	swait.ge [sflag:s4], $0x0  }
0x19: {  	s7 =	sld [smem:$0x3F9F]  }
0x1a: {  	s8 =	sadd.s32 $0xFFFFE003, lr  }
0x1b: {  	s9 =	sadd.s32 $0xFFFFFEF7, lr;
	s5 =	simm.s32 $0xFFFFFFFF;
	p2 =	slt.u32 s8, $0xFFFFF086  }
0x1c: {  	p1 =	slt.u32 s9, $0xF7A;
	s5 =	simm.s32 @!p2 $0x0  }
0x1d: {  	s5 =	simm.s32 @p1 $0x1;
	p0 =	seq.s32 s7, s2  }
0x1e: {  	s7 =	smul.u32 @!p0 $0xF7A, s2;
	p2 =	seq.s32 @!p0 s5, $0x0  }
0x1f: {  	s9 =	smul.u32 $0xF7A, s1;
	s8 =	simm.s32 @!p0 $0x1BF5;
	p2 =	por !p2, p0  }
0x20: {  	[sflag:s8] =	ssyncset.s32 @!p0 $0xFFFFF086;
	s6 =	sadd.s32 @!p0 s3, s7;
	s7 =	simm.s32 @!p0 $0x108  }
0x21: {  	s3 =	sadd.s32 s3, s9;
	s6 =	sadd.s32 @!p0 $0x88, s6;
	s7 =	simm.s32 @p2 $0x1082  }
0x22: {  	[simem:s7], [sflag:s8] =	dma.local @!p0 [hbm:s6], $0xF7A  }
0x23: {  	s9 =	sor.u32 $0xD0000000, s2;
	s6 =	simm.s32 $0x108;
	_ =	swait.ge @!p0 [sflag:s8], $0x0  }
0x24: {  	s3 =	sadd.s32 $0x88, s3;
	s6 =	simm.s32 @!p1 $0x1082;
	[sflag:s4] =	ssyncset.s32 $0xFFFFF086  }
0x25: {  	[simem:s6], [sflag:s4] =	dma.local [hbm:s3], $0xF7A  }
0x26: {  	[smem:$0x3F9F] =	sst s1;
	(tag) =	ssettag s2;
	_ =	strace s9  }
0x27: {  	s1 =	sld [smem:$0x3FAF]  }
0x28: {  	s2 =	sld [smem:$0x3FB0]  }
0x29: {  	s4 =	sld [smem:$0x3FB2]  }
0x2a: {  	p0 =	seq.s32 s5, $0x0;
	s5 =	sld [smem:$0x3FB3]  }
0x2b: {  	s6 =	sld [smem:$0x3FB4]  }
0x2c: {  	s7 =	sld [smem:$0x3FB5]  }
0x2d: {  	s3 =	simm.s32 $0x108;
	s8 =	sld [smem:$0x3FB6]  }
0x2e: {  	s3 =	simm.s32 @!p0 $0x1082;
	s9 =	sld [smem:$0x3FB7]  }
0x2f: {  	lr =	sadd.s32 s0, s3;
	s0 =	sld [smem:$0x3FAE]  }
0x30: {  	s3 =	sld [smem:$0x3FB1]  }
0x31: {  	[smem:$0x3FBA] =	sst s10  }
0x32: {  	s10 =	sld [smem:$0x3FB8];
	_ =	sdelay $0x3  }
0x33: {  	p0 =	seq.s32 s10, $0x1;
	s10 =	sld [smem:$0x3FBA];
	_ =	sdelay $0x3  }
0x34: {  	[smem:$0x3FBA] =	sst s10  }
0x35: {  	s10 =	sld [smem:$0x3FB9];
	_ =	sdelay $0x3  }
0x36: {  	p1 =	seq.s32 s10, $0x1;
	s10 =	sld [smem:$0x3FBA];
	_ =	sdelay $0x3  }
0x37: {  	[smem:$0x3FBA] =	sst s10  }
0x38: {  	s10 =	sld [smem:$0x3FBB]  }
0x39: {  	_ = 	snop;
	(pc) =	sbr.ind lr, $3  }
0x3a: {  	_ = 	snop  }
0x3b: {  	_ = 	snop  }
0x3c: {  	p2 =	seq.s32 s10, $0x1;
	s10 =	sld [smem:$0x3FBA]  }
0x3d: {  	_ =	shalt  }
0x3e: {  	_ =	shalt  }
0x3f: {  	_ =	shalt  }
0x40: {  	_ =	shalt  }
0x41: {  	_ =	shalt  }
0x42: {  	_ =	shalt  }
0x43: {  	_ =	shalt  }
0x44: {  	_ =	shalt  }
0x45: {  	_ =	shalt  }
0x46: {  	_ =	shalt  }
0x47: {  	_ =	shalt  }
0x48: {  	_ =	shalt  }
0x49: {  	_ =	shalt  }
0x4a: {  	_ =	shalt  }
0x4b: {  	_ =	shalt  }
0x4c: {  	_ =	shalt  }
0x4d: {  	_ =	shalt  }
0x4e: {  	_ =	shalt  }
0x4f: {  	_ =	shalt  }
0x50: {  	_ =	shalt  }
0x51: {  	_ =	shalt  }
0x52: {  	_ =	shalt  }
0x53: {  	_ =	shalt  }
0x54: {  	_ =	shalt  }
0x55: {  	_ =	shalt  }
0x56: {  	_ =	shalt  }
0x57: {  	_ =	shalt  }
0x58: {  	_ =	shalt  }
0x59: {  	_ =	shalt  }
0x5a: {  	_ =	shalt  }
0x5b: {  	_ =	shalt  }
0x5c: {  	_ =	shalt  }
0x5d: {  	_ =	shalt  }
0x5e: {  	_ =	shalt  }
0x5f: {  	_ =	shalt  }
0x60: {  	_ =	shalt  }
0x61: {  	_ =	shalt  }
0x62: {  	_ =	shalt  }
0x63: {  	_ =	shalt  }
0x64: {  	_ =	shalt  }
0x65: {  	_ =	shalt  }
0x66: {  	_ =	shalt  }
0x67: {  	_ =	shalt  }
0x68: {  	_ =	shalt  }
0x69: {  	_ =	shalt  }
0x6a: {  	_ =	shalt  }
0x6b: {  	_ =	shalt  }
0x6c: {  	_ =	shalt  }
0x6d: {  	_ =	shalt  }
0x6e: {  	_ =	shalt  }
0x6f: {  	_ =	shalt  }
0x70: {  	_ =	shalt  }
0x71: {  	_ =	shalt  }
0x72: {  	_ =	shalt  }
0x73: {  	_ =	shalt  }
0x74: {  	_ =	shalt  }
0x75: {  	_ =	shalt  }
0x76: {  	_ =	shalt  }
0x77: {  	_ =	shalt  }
0x78: {  	_ =	shalt  }
0x79: {  	_ =	shalt  }
0x7a: {  	_ =	shalt  }
0x7b: {  	_ =	shalt  }
0x7c: {  	_ =	shalt  }
0x7d: {  	_ =	shalt  }
0x7e: {  	_ =	shalt  }
0x7f: {  	_ =	shalt  }
0x80: {  	_ =	shalt  }
0x81: {  	_ =	shalt  }
0x82: {  	_ =	shalt  }
0x83: {  	_ =	shalt  }
0x84: {  	_ =	shalt  }
0x85: {  	_ =	shalt  }
0x86: {  	_ =	shalt  }
0x87: {  	_ =	shalt  }
.Lfunc_end0:
.L_simem_size_0:
called_computation_lowered:
.L_overlay_start_0:
0x88: {  	s2 =	sld [smem:$0x3FD9]  }
0x89: {  	s3 =	sld [smem:$0x3FFE];
	_ =	sdelay $0x1  }
0x8a: {  	s1 =	srdreg.scid  }
0x8b: {  	s0 =	sand.u32 $0x1, s1  }
0x8c: {  	s17 =	sshll.u32 s0, $0xA;
	s2 =	sadd.s32 s3, s2  }
0x8d: {  	s2 =	sadd.s32 s2, s17  }
0x8e: {  	[smem:$0x3FC6] =	sst s2  }
0x8f: {  	_ = 	snop  }
0x90: {  	s2 =	sld [smem:$0x3FD0];
	(tm) =	ssettm $0x1  }
0x91: {  	s18 =	sld [smem:$0x3FFB];
	_ =	sdelay $0x3  }
0x92: {  	_ =	strace s18  }
0x93: {  	s3 =	sld [smem:$0x3FFC];
	_ =	sdelay $0x3  }
0x94: {  	_ =	strace s3  }
0x95: {  	s3 =	sld [smem:$0x3FFD];
	_ =	sdelay $0x3  }
0x96: {  	_ =	strace s3  }
0x97: {  	_ =	strace $0x8FFFFFFF  }
0x98: {  	s19 =	sld [smem:$0x3FDB];
	_ =	sdelay $0x1  }
0x99: {  	s4 =	simm.s32 $_scs_section_size  }
0x9a: {  	s5 =	simm.s32 $_size__tile_overlayer_lowered;
	s6 =	simm.s32 $_tile_overlayer_lowered  }
0x9b: {  	s22 =	simm.s32 $0x1BFF;
	s21 =	sshll.u32 s6, $0x1;
	s3 =	sadd.s32 s4, s19  }
0x9c: {  	s7 =	simm.s32 $0x0;
	s20 =	sshll.u32 s5, $0x1;
	s5 =	sadd.s32 s21, s3  }
0x9d: {  	[timem:s7], [sflag:s22] =	dma.local [hbm:s5], s20  }
0x9e: {  	_ =	swait.ge [sflag:s22], s20  }
0x9f: {  	s4 =	ssub.s32 $0x0, s20;
	[sflag:s22] =	ssyncset.done $0x0  }
0xa0: {  	[sflag:s22] =	ssyncadd.s32 s4;
	_ =	sdelay $0x1  }
0xa1: {  	s23 =	simm.s32 $0x1B8B  }
0xa2: {  	_ =	swait.ge [sflag:s23], $0x1  }
0xa3: {  	[sflag:s23] =	ssyncset.done $0x0  }
0xa4: {  	s25 =	simm.s32 $0x1B8E;
	s24 =	sld [smem:$0x3FFE];
	[sflag:s23] =	ssyncadd.s32 $0xFFFFFFFF  }
0xa5: {  	s26 =	simm.s32 $execute0_lowered;
	[smem:$0x3FD2] =	sst s25  }
0xa6: {  	s5 =	sshll.u32 s26, $0x1;
	_ =	strace $0x80000046;
	[dreg:$0x1] =	wrdreg $0xFFFFFFFF  }
0xa7: {  	s28 =	simm.s32 $_size_execute0_lowered;
	s3 =	sadd.s32 s3, s5;
	[dreg:$0x0] =	wrdreg $0x0  }
0xa8: {  	s5 =	sshll.u32 s28, $0x1;
	[dreg:$0x2] =	wrdreg s3  }
0xa9: {  	[dreg:$0x3] =	wrdreg s5  }
0xaa: {  	[dreg:$0x4] =	wrdreg $0xC0  }
0xab: {  	_ =	task [dreg:s7], $0x5FFFF  }
0xac: {  	[dreg:$0x1] =	wrdreg $0xFFFFFFFF  }
0xad: {  	[dreg:$0x0] =	wrdreg $0x60  }
0xae: {  	[dreg:$0x2] =	wrdreg s24  }
0xaf: {  	[dreg:$0x3] =	wrdreg s2  }
0xb0: {  	[dreg:$0x4] =	wrdreg $0x9  }
0xb1: {  	_ =	task.clear_ibuf [dreg:s7], $0x5FFFF;
	_ =	strace $0x90000046  }
0xb2: {  	s29 =	simm.s32 $0x9;
	_ =	strace $0x80000048  }
0xb3: {  	_ =	swait.ge [sflag:s29], $0x1  }
0xb4: {  	[sflag:s29] =	ssyncadd.s32 $0xFFFFFFFF  }
0xb5: {  	_ =	strace $0x90000048  }
0xb6: {  	_ =	sfence  }
0xb7: {  	s30 =	sld [smem:$0x0];
	_ =	sdelay $0x2  }
0xb8: {  	s31 =	sshll.u32 s1, $0xD;
	s1 =	sshrl.u32 s1, $0x2  }
0xb9: {  	s3 =	sand.u32 $0x4000, s31;
	s1 =	sadd.s32 s1, s30  }
0xba: {  	s0 =	sor.u32 s3, s0;
	s1 =	sshll.u32 s1, $0x11  }
0xbb: {  	s0 =	sor.u32 s1, s0  }
0xbc: {  	s0 =	sadd.s32 $0x8F2B, s0  }
0xbd: {  	[sflag:s0] =	ssyncadd.remote.s32 $0x1  }
0xbe: {  	_ =	sfence.sel $0xFFFF  }
0xbf: {  	[dreg:$0x0] =	wrdreg $0xFFFFFFFF;
	(pc) =	sbr.abs _section_cstart, $3  }
0xc0: {  	[dreg:$0x1] =	wrdreg $0xFFFFFFFF  }
0xc1: {  	_ =	task.clear_ibuf [dreg:s7], $0x2FFFF;
	_ =	strace $0x9FFFFFFF  }
0xc2: {  	(tm) =	ssettm $0x7FFFFFFF  }
0xc3: {  	_ =	shalt  }
tec
execute0_lowered:
.L_overlay_start_1:
0x0: {  	(tag) =	ssettag $0x1  }
0x1: {  	v0 =	vimm.s32 $0x0  }
0x2: {  	v1 =	vimm.s32 $0x1;
	vm0 =	vcmask $0x1710;
	vm1 =	vcmask $0x700  }
0x3: {  	v2 =	vimm.s32 $0x2;
	v3 =	vimm.s32 $0x3;
	v4 =	vimm.s32 $0x4  }
0x4: {  	vm2 =	vcmask $0xF00;
	v10 =	vimm.f32 $1.000000000e+00;
	v6 =	vimm.f32 $7.500000000e-01  }
0x5: {  	vm3 =	vcmask $0x300;
	v7 =	vimm.f32 $0.0e+00;
	v9 =	vlaneseq.u32  }
0x6: {  	v11 =	vimm.s32 $0x5;
	v12 =	vimm.s32 $0x6;
	v13 =	vimm.s32 $0x7  }
0x7: {  	s5 =	rddreg [dreg:$0x0];
	v14 =	vimm.s32 $0x8;
	v15 =	vimm.s32 $0x9;
	v16 =	vimm.s32 $0xA  }
0x8: {  	s1 =	rddreg [dreg:$0x1];
	v17 =	vimm.s32 $0xB;
	v18 =	vimm.s32 $0xC;
	v19 =	vimm.s32 $0xD  }
0x9: {  	s0 =	rddreg [dreg:$0x2];
	s2 =	simm.s32 $0x0;
	v20 =	vimm.s32 $0xE;
	vm0 =	vmor vm1, vm0;
	vm1 =	vcmask $0x2720  }
0xa: {  	s4 =	srdreg.scid;
	s3 =	stileid.u32;
	s10 =	simm.s32 $0x70;
	v5 =	vsel vm2, $0x0, v10;
	vm0 =	vmor vm0, vm1;
	vm1 =	vcmask $0x3730  }
0xb: {  	s11 =	simm.s32 $0x80;
	s12 =	simm.s32 $0x280;
	s13 =	simm.s32 $0x2;
	vm2 =	vcmask $0xB08;
	vm0 =	vmor vm0, vm1;
	vm1 =	vcmask $0x2F20  }
0xc: {  	s14 =	simm.s32 $0x3;
	s15 =	simm.s32 $0x1;
	s16 =	simm.s32 $0x100;
	v5 =	vsel vm1, $0x0, v5;
	vm1 =	vmor vm3, vm2;
	vm3 =	vcmask $0x1310  }
0xd: {  	v21 =	vimm.s32 $0xF;
	s17 =	simm.s32 $0x3A80;
	s18 =	simm.s32 $0x0;
	[smem:$0x7FF] =	sst s2;
	vm1 =	vmor vm1, vm3;
	vm3 =	vcmask $0x1B18  }
.Ltmp0:
0xe: {  	s6 =	sand.u32 $0x1, s4;
	s4 =	sadd.s32 $0x800, s5;
	v8 =	vshrl.u32 v9, $0x1;
	vm1 =	vmor vm1, vm3;
	vm3 =	vcmask $0x2320;
	(pc) =	sbr.rel .LBB2_1-.Ltmp0, $4  }
0xf: {  	s8 =	sshll.u32 s3, $0x1;
	s5 =	sadd.s32 $0x400, s5;
	v9 =	vand.u32 $0x1, v9;
	s7 =	ssub.s32 $0x2, s6;
	vm1 =	vmor vm1, vm3;
	vm3 =	vcmask $0x2B28  }
0x10: {  	_ =	strace $0x80000047;
	s8 =	sor.u32 s6, s8;
	v8 =	vand.u32 $0x1, v8;
	s9 =	sshrl.u32 s7, $0x1;
	vm1 =	vmor vm1, vm3;
	vm3 =	vcmask $0x3330  }
0x11: {  	s6 =	sshll.u32 s8, $0x4;
	s31 =	sshll.u32 s8, $0x5;
	vm2 =	vcmask $0x1F00;
	s9 =	ssub.s32 s7, s9;
	vm1 =	vmor vm1, vm3;
	vm3 =	vcmask $0x3B38  }
0x12: {  	s7 =	sadd.s32 s5, s31;
	v6 =	vsel vm2, $0x3E800000, v6;
	s8 =	smax.u32 s9, $0x1;
	s9 =	simm.s32 $0x4;
	v10 =	vsel vm2, $0x0, v10;
	vm1 =	vmor vm1, vm3  }
.LBB2_20:
0x13: {  	s18 =	sadd.s32 $0x1, s18  }
0x14: {  	p0 =	sne.s32 s18, s8  }
.Ltmp1:
0x15: {  	_ = 	snop;
	(pc) =	sbr.rel @!p0 .LBB2_21-.Ltmp1, $4  }
0x16: {  	_ = 	snop  }
0x17: {  	_ =	swait.ge [sflag:s14], $0x3100  }
0x18: {  	[sflag:s14] =	ssyncset.done $0x0  }
0x19: {  	[sflag:s14] =	ssyncadd.s32 $0xFFFFCF00  }
.LBB2_1:
0x1a: {  	[tilespmem:s2], [sflag:$0x4] =	stream.linear.gather [hbm4b:s7+s2], $0x10, $0x38;
	[tilespmem:$0xA380] =	vst v63  }
0x1b: {  	_ =	swait.ge [sflag:s9], $0x10  }
0x1c: {  	[sflag:s9] =	ssyncset.done $0x0  }
0x1d: {  	[sflag:s9] =	ssyncadd.s32 $0xFFFFFFF0  }
0x1e: {  	v22 =	vld [tilespmem:$0x0];
	_ =	sdelay $0x4  }
0x1f: {  	v23 =	vperm.xlane v22, v2;
	v24 =	vperm.xlane v22, v4;
	_ =	sdelay $0x1  }
0x20: {  	v23 =	vmul.f32 $2.500000000e-01, v23;
	v24 =	vmul.f32 $2.500000000e-01, v24;
	_ =	sdelay $0x1  }
0x21: {  	v23 =	vadd.f32 $-5.000000000e-01, v23;
	v24 =	vadd.f32 $-5.000000000e-01, v24;
	_ =	sdelay $0x1  }
0x22: {  	v24 =	vsub.f32 v24, v23  }
0x23: {  	v26 =	vmov s2  }
0x24: {  	v26 =	vcvt.s32.f32 v26;
	v24 =	vmul.f32 $1.428571490e-01, v24;
	_ =	sdelay $0x1  }
0x25: {  	v26 =	vadd.f32 v26, v26;
	v24 =	vmul.f32 v6, v24  }
0x26: {  	v25 =	vperm.xlane v22, v1;
	v27 =	vperm.xlane v22, v3  }
0x27: {  	v26 =	vbroadcast v26, $0x0;
	v24 =	vadd.f32 v24, v23  }
0x28: {  	v25 =	vmul.f32 $2.500000000e-01, v25;
	v27 =	vmul.f32 $2.500000000e-01, v27  }
0x29: {  	v26 =	vadd.f32 v5, v26;
	v28 =	vmax.f32 v24, $0.0e+00  }
0x2a: {  	s19 =	simm.s32 $0x1;
	v23 =	vadd.f32 $-5.000000000e-01, v25;
	v25 =	vadd.f32 $-5.000000000e-01, v27;
	v27 =	vtrunc.f32 v28  }
0x2b: {  	v30 =	vmov s19;
	v27 =	vcvt.f32.s32 v27  }
0x2c: {  	v30 =	vcvt.s32.f32 v30;
	v26 =	vadd.f32 $5.000000000e-01, v26  }
0x2d: {  	v22 =	vperm.xlane v22, v0;
	v25 =	vsub.f32 v25, v23;
	vm2 =	vlt.s32 v27, $0xC7  }
0x2e: {  	v26 =	vmul.f32 $5.000000000e-01, v26;
	vm3 =	vle.f32 v24, $2.000000000e+02;
	v29 =	vnsel vm2, $0xC7, v27  }
0x2f: {  	v25 =	vmul.f32 $1.428571490e-01, v25;
	vm2 =	vgt.s32 v27, $0xC6;
	v27 =	vcvt.s32.f32 v29  }
0x30: {  	v28 =	vsel vm2, $0x43470000, v28;
	vm2 =	vge.f32 v24, $-1.000000000e+00;
	v24 =	vadd.f32 v30, v30  }
0x31: {  	s30 =	simm.s32 $0x2;
	v22 =	vtrunc.f32 v22;
	v26 =	vmul.f32 v26, v25;
	v27 =	vsub.f32 v28, v27  }
0x32: {  	v32 =	vmov s30;
	v22 =	vcvt.f32.s32 v22;
	v24 =	vbroadcast v24, $0x0  }
0x33: {  	v31 =	vadd.f32 v26, v23;
	vm2 =	vmand vm2, vm3;
	v28 =	vsub.f32 $1.000000000e+00, v27  }
0x34: {  	v33 =	vmul.u32 $0x9C40, v22;
	v30 =	vsel vm2, $0x3F800000, v7;
	v24 =	vadd.f32 v5, v24  }
0x35: {  	v26 =	vmul.f32 v28, v30;
	v28 =	vadd.s32 v8, v29;
	v29 =	vmax.f32 v31, $0.0e+00  }
0x36: {  	vm3 =	vle.f32 v31, $2.000000000e+02;
	v27 =	vmul.f32 v27, v30;
	v30 =	vtrunc.f32 v29  }
0x37: {  	v24 =	vadd.f32 $5.000000000e-01, v24;
	vm2 =	vlt.s32 v28, $0xC7;
	v30 =	vcvt.f32.s32 v30  }
0x38: {  	v22 =	vnsel vm2, $0xC7, v28;
	v28 =	vcvt.s32.f32 v32;
	v26 =	vsel vm0, v26, v27  }
0x39: {  	v24 =	vmul.f32 $5.000000000e-01, v24;
	v27 =	vmul.u32 $0xC8, v22;
	vm2 =	vlt.s32 v30, $0xC7  }
0x3a: {  	v22 =	vmul.f32 $2.500000000e-01, v26;
	v28 =	vadd.f32 v28, v28;
	v59 =	vnsel vm2, $0xC7, v30  }
0x3b: {  	v34 =	vmul.f32 v24, v25;
	vm2 =	vgt.s32 v30, $0xC6;
	v30 =	vcvt.s32.f32 v59  }
0x3c: {  	v24 =	vadd.s32 v33, v27;
	v28 =	vbroadcast v28, $0x0;
	v29 =	vsel vm2, $0x43470000, v29  }
0x3d: {  	s31 =	simm.s32 $0x3;
	v26 =	vadd.f32 v34, v23;
	vm2 =	vge.f32 v31, $-1.000000000e+00;
	v27 =	vsub.f32 v29, v30  }
0x3e: {  	v31 =	vmov s31;
	vm2 =	vmand vm2, vm3  }
0x3f: {  	v29 =	vadd.f32 v5, v28;
	v28 =	vmax.f32 v26, $0.0e+00;
	v30 =	vsub.f32 $1.000000000e+00, v27  }
0x40: {  	v32 =	vadd.s32 v9, v59;
	v60 =	vsel vm2, $0x3F800000, v7;
	v61 =	vtrunc.f32 v28  }
0x41: {  	v29 =	vadd.f32 $5.000000000e-01, v29;
	v27 =	vmul.f32 v27, v60;
	v35 =	vmul.f32 v30, v60  }
0x42: {  	v62 =	vcvt.s32.f32 v31;
	vm2 =	vlt.s32 v32, $0xC7;
	v30 =	vcvt.f32.s32 v61  }
0x43: {  	v31 =	vmul.f32 $5.000000000e-01, v29;
	v29 =	vnsel vm2, $0xC7, v32;
	v27 =	vsel vm1, v35, v27  }
0x44: {  	v63 =	vadd.s32 v29, v24;
	vm2 =	vlt.s32 v30, $0xC7;
	v27 =	vmul.f32 v27, v22  }
0x45: {  	s21 =	simm.s32 $0x4;
	s20 =	simm.s32 $0x80;
	s19 =	simm.s32 $0x180;
	v32 =	vadd.f32 v62, v62;
	[tilespmem:s11+$0x0] =	vst v63;
	v29 =	vnsel vm2, $0xC7, v30  }
.LBB2_2:
0x46: {  	p0 =	sne.s32 s21, $0x6;
	v31 =	vmul.f32 v31, v25;
	vm2 =	vgt.s32 v30, $0xC6;
	v30 =	vcvt.s32.f32 v29;
	[tilespmem:s19+$0x0] =	vst v27  }
0x47: {  	v27 =	vbroadcast v32, $0x0;
	v28 =	vsel vm2, $0x43470000, v28  }
0x48: {  	v32 =	vmov s21;
	v31 =	vadd.f32 v31, v23;
	v30 =	vsub.f32 v28, v30  }
0x49: {  	vm3 =	vle.f32 v26, $2.000000000e+02;
	vm2 =	vge.f32 v26, $-1.000000000e+00;
	v27 =	vadd.f32 v5, v27  }
0x4a: {  	vm2 =	vmand vm2, vm3;
	v28 =	vmax.f32 v31, $0.0e+00;
	v33 =	vsub.f32 $1.000000000e+00, v30;
	v26 =	vmovc v31  }
0x4b: {  	v34 =	vsel vm2, $0x3F800000, v7;
	v27 =	vadd.f32 $5.000000000e-01, v27;
	v31 =	vtrunc.f32 v28  }
.Ltmp2:
0x4c: {  	v29 =	vadd.s32 v9, v29;
	v33 =	vmul.f32 v33, v34;
	v34 =	vmul.f32 v30, v34;
	(pc) =	sbr.rel @p0 .LBB2_2-.Ltmp2, $4  }
0x4d: {  	v32 =	vcvt.s32.f32 v32;
	vm2 =	vlt.s32 v29, $0xC7;
	v30 =	vcvt.f32.s32 v31  }
0x4e: {  	v31 =	vmul.f32 $5.000000000e-01, v27;
	v27 =	vnsel vm2, $0xC7, v29;
	v29 =	vsel vm1, v33, v34  }
0x4f: {  	s20 =	sadd.s32 $0x10, s20;
	vm2 =	vlt.s32 v30, $0xC7;
	v33 =	vadd.s32 v27, v24;
	v27 =	vmul.f32 v29, v22  }
0x50: {  	s19 =	sadd.s32 $0x10, s19;
	s21 =	sadd.s32 $0x1, s21;
	v32 =	vadd.f32 v32, v32;
	v29 =	vnsel vm2, $0xC7, v30;
	[tilespmem:s20+$0x0] =	vst v33  }
0x51: {  	_ = 	snop  }
0x52: {  	v32 =	vbroadcast v32, $0x0;
	_ =	sdelay $0x1  }
0x53: {  	v32 =	vadd.f32 v5, v32;
	_ =	sdelay $0x1  }
0x54: {  	v31 =	vmul.f32 v31, v25;
	v32 =	vadd.f32 $5.000000000e-01, v32  }
0x55: {  	v33 =	vcvt.s32.f32 v29  }
0x56: {  	vm2 =	vgt.s32 v30, $0xC6;
	v31 =	vadd.f32 v31, v23;
	v32 =	vmul.f32 $5.000000000e-01, v32  }
0x57: {  	vm3 =	vle.f32 v26, $2.000000000e+02;
	v51 =	vadd.s32 v9, v29;
	v28 =	vsel vm2, $0x43470000, v28  }
0x58: {  	vm2 =	vge.f32 v26, $-1.000000000e+00;
	v34 =	vmax.f32 v31, $0.0e+00;
	v42 =	vmul.f32 v32, v25  }
0x59: {  	v28 =	vsub.f32 v28, v33;
	vm2 =	vmand vm2, vm3;
	v41 =	vtrunc.f32 v34  }
0x5a: {  	v46 =	vsel vm2, $0x3F800000, v7;
	v30 =	vcvt.f32.s32 v41;
	v23 =	vadd.f32 v42, v23  }
0x5b: {  	v44 =	vsub.f32 $1.000000000e+00, v28;
	vm2 =	vge.f32 v31, $-1.000000000e+00;
	v28 =	vmul.f32 v28, v46  }
0x5c: {  	vm4 =	vlt.s32 v30, $0xC7;
	vm3 =	vgt.s32 v30, $0xC6;
	v48 =	vmax.f32 v23, $0.0e+00  }
0x5d: {  	v43 =	vnsel vm4, $0xC7, v30;
	v47 =	vsel vm3, $0x43470000, v34;
	v49 =	vtrunc.f32 v48  }
0x5e: {  	vm3 =	vle.f32 v31, $2.000000000e+02;
	v45 =	vcvt.s32.f32 v43;
	v50 =	vcvt.f32.s32 v49  }
0x5f: {  	v25 =	vmul.f32 v44, v46;
	vm2 =	vmand vm2, vm3;
	vm3 =	vlt.s32 v51, $0xC7  }
0x60: {  	v53 =	vsel vm2, $0x3F800000, v7;
	v30 =	vsub.f32 v47, v45;
	vm2 =	vlt.s32 v50, $0xC7  }
0x61: {  	v26 =	vadd.s32 v9, v43;
	v29 =	vnsel vm3, $0xC7, v51;
	v54 =	vnsel vm2, $0xC7, v50  }
0x62: {  	v52 =	vsub.f32 $1.000000000e+00, v30;
	vm2 =	vgt.s32 v50, $0xC6;
	v55 =	vcvt.s32.f32 v54  }
0x63: {  	v25 =	vsel vm1, v25, v28;
	v29 =	vadd.s32 v29, v24;
	v56 =	vsel vm2, $0x43470000, v48  }
0x64: {  	v30 =	vmul.f32 v30, v53;
	v32 =	vmul.f32 v52, v53;
	v31 =	vsub.f32 v56, v55  }
0x65: {  	v25 =	vmul.f32 v25, v22;
	vm3 =	vle.f32 v23, $2.000000000e+02;
	vm2 =	vge.f32 v23, $-1.000000000e+00  }
0x66: {  	v57 =	vsel vm1, v32, v30;
	vm2 =	vmand vm2, vm3;
	v23 =	vsub.f32 $1.000000000e+00, v31  }
0x67: {  	[tilespmem:s19+$0x0] =	vst v27;
	s20 =	sadd.s32 $0x10, s20;
	v28 =	vadd.s32 v9, v54;
	vm3 =	vlt.s32 v26, $0xC7;
	v58 =	vsel vm2, $0x3F800000, v7  }
0x68: {  	s31 =	sadd.s32 $0x10, s19;
	[tilespmem:s20+$0x0] =	vst v29;
	v26 =	vnsel vm3, $0xC7, v26;
	v59 =	vmul.f32 v31, v58;
	v23 =	vmul.f32 v23, v58  }
0x69: {  	s20 =	sadd.s32 $0x10, s20;
	[tilespmem:s31+$0x0] =	vst v25;
	v61 =	vmul.f32 v57, v22;
	vm2 =	vlt.s32 v28, $0xC7;
	v60 =	vadd.s32 v26, v24  }
.Ltmp3:
0x6a: {  	s19 =	sadd.s32 $0x10, s31;
	v62 =	vnsel vm2, $0xC7, v28;
	[tilespmem:s20+$0x0] =	vst v60;
	v23 =	vsel vm1, v23, v59;
	(pc) =	sbr.rel .LBB2_4-.Ltmp3, $4  }
0x6b: {  	v63 =	vadd.s32 v62, v24;
	s20 =	sadd.s32 $0x10, s20;
	[tilespmem:s19+$0x0] =	vst v61;
	v22 =	vmul.f32 v23, v22  }
0x6c: {  	s19 =	sadd.s32 $0x10, s19;
	[tilespmem:s20+$0x0] =	vst v63  }
0x6d: {  	s24 =	simm.s32 $0x0;
	s20 =	simm.s32 $0x0;
	[tilespmem:s19+$0x0] =	vst v22;
	s19 =	simm.s32 $0x0  }
0x6e: {  	[tilespmem:s12], [sflag:$0x1] =	stream.indirect.gather [hbm4b:s4+s10], $0x80, s11, s10, $0xb8;
	[tilespmem:$0xA380] =	vst v63  }
.LBB2_19:
0x6f: {  	s20 =	sadd.s32 $0x1, s20  }
0x70: {  	p1 =	sne.s32 s20, $0x70  }
.Ltmp4:
0x71: {  	_ = 	snop;
	(pc) =	sbr.rel @!p1 .LBB2_20-.Ltmp4, $2  }
0x72: {  	_ =	sdelay $0x2  }
0x73: {  	s19 =	smov.u32 @p0 s21;
	s24 =	smov.u32 s22  }
.LBB2_4:
0x74: {  	s25 =	sand.u32 $0x1, s20  }
0x75: {  	p3 =	seq.s32 s25, $0x1  }
.Ltmp5:
0x76: {  	_ = 	snop;
	(pc) =	sbr.rel @p3 .LBB2_12-.Ltmp5, $4  }
0x77: {  	_ = 	snop  }
0x78: {  	p0 =	seq.s32 s24, $0x6;
	s21 =	sadd.s32 $0x1, s19  }
0x79: {  	p1 =	sne.s32 s24, $0x6;
	s22 =	sadd.s32 $0x1, s24;
	p2 =	slt.s32 s21, $0x10  }
0x7a: {  	s22 =	simm.s32 @p0 $0x0;
	s23 =	sadd.s32 @!p1 s6, s19;
	p2 =	por p1, p2  }
.Ltmp6:
0x7b: {  	(pc) =	sbr.rel @!p2 .LBB2_9-.Ltmp6, $4  }
0x7c: {  	_ = 	snop  }
0x7d: {  	_ =	swait.ge [sflag:s15], $0x3800  }
0x7e: {  	[sflag:s15] =	ssyncset.done $0x0  }
0x7f: {  	[sflag:s15] =	ssyncadd.s32 $0xFFFFC800  }
0x80: {  	s26 =	sadd.s32 @!p1 s6, s21  }
0x81: {  	s26 =	sshll.u32 @!p1 s26, $0x1  }
0x82: {  	s26 =	sand.u32 @!p1 $0x1FFFFFFE, s26  }
0x83: {  	s28 =	simm.s32 @!p1 $0x0;
	s26 =	sadd.s32 @!p1 s5, s26  }
0x84: {  	[tilespmem:s28], [sflag:$0x4] =	stream.linear.gather @!p1 [hbm4b:s26+s28], $0x10, $0x38;
	[tilespmem:$0xA380] =	vst v63  }
0x85: {  	s26 =	simm.s32 @!p1 $0x4  }
0x86: {  	_ =	swait.ge @!p1 [sflag:s26], $0x10  }
0x87: {  	[sflag:s26] =	ssyncset.done @!p1 $0x0  }
0x88: {  	[sflag:s26] =	ssyncadd.s32 @!p1 $0xFFFFFFF0  }
0x89: {  	v22 =	vld [tilespmem:$0x0]  }
0x8a: {  	v23 =	vmov s22  }
0x8b: {  	v23 =	vcvt.s32.f32 v23;
	_ =	sdelay $0x1  }
0x8c: {  	v23 =	vadd.f32 v23, v23  }
0x8d: {  	v24 =	vperm.xlane v22, v2;
	v25 =	vperm.xlane v22, v4  }
0x8e: {  	v23 =	vbroadcast v23, $0x0  }
0x8f: {  	v24 =	vmul.f32 $2.500000000e-01, v24;
	v25 =	vmul.f32 $2.500000000e-01, v25  }
0x90: {  	v23 =	vadd.f32 v10, v23  }
0x91: {  	v24 =	vadd.f32 $-5.000000000e-01, v24;
	v25 =	vadd.f32 $-5.000000000e-01, v25;
	_ =	sdelay $0x1  }
0x92: {  	v23 =	vadd.f32 $5.000000000e-01, v23;
	v25 =	vsub.f32 v25, v24;
	_ =	sdelay $0x1  }
0x93: {  	v23 =	vmul.f32 $5.000000000e-01, v23;
	v25 =	vmul.f32 $1.428571490e-01, v25  }
0x94: {  	s30 =	simm.s32 $0x0  }
0x95: {  	v23 =	vmul.f32 v25, v23;
	v25 =	vmov s30  }
0x96: {  	v26 =	vperm.xlane v22, v1;
	v25 =	vcvt.s32.f32 v25  }
0x97: {  	v27 =	vperm.xlane v22, v3  }
0x98: {  	s31 =	simm.s32 $0x1;
	v26 =	vmul.f32 $2.500000000e-01, v26;
	v24 =	vadd.f32 v23, v24;
	v25 =	vadd.f32 v25, v25  }
0x99: {  	v30 =	vmov s31;
	v22 =	vperm.xlane v22, v0;
	v27 =	vmul.f32 $2.500000000e-01, v27  }
0x9a: {  	v23 =	vadd.f32 $-5.000000000e-01, v26;
	v26 =	vmax.f32 v24, $0.0e+00;
	v25 =	vbroadcast v25, $0x0  }
0x9b: {  	v22 =	vtrunc.f32 v22;
	v27 =	vadd.f32 $-5.000000000e-01, v27;
	v28 =	vtrunc.f32 v26  }
0x9c: {  	v22 =	vcvt.f32.s32 v22;
	v28 =	vcvt.f32.s32 v28;
	v29 =	vadd.f32 v5, v25  }
0x9d: {  	v30 =	vcvt.s32.f32 v30;
	v27 =	vsub.f32 v27, v23  }
0x9e: {  	v33 =	vmul.u32 $0x9C40, v22;
	vm2 =	vlt.s32 v28, $0xC7;
	v29 =	vadd.f32 $5.000000000e-01, v29  }
0x9f: {  	vm3 =	vle.f32 v24, $2.000000000e+02;
	v25 =	vmul.f32 $1.428571490e-01, v27;
	v27 =	vnsel vm2, $0xC7, v28  }
0xa0: {  	vm2 =	vgt.s32 v28, $0xC6;
	v28 =	vcvt.s32.f32 v27;
	v29 =	vmul.f32 $5.000000000e-01, v29  }
0xa1: {  	v26 =	vsel vm2, $0x43470000, v26;
	vm2 =	vge.f32 v24, $-1.000000000e+00;
	v24 =	vadd.f32 v30, v30  }
0xa2: {  	s30 =	simm.s32 $0x2;
	vm2 =	vmand vm2, vm3;
	v26 =	vsub.f32 v26, v28;
	v28 =	vmul.f32 v29, v25  }
0xa3: {  	v32 =	vmov s30;
	v27 =	vadd.s32 v8, v27;
	v30 =	vsel vm2, $0x3F800000, v7  }
0xa4: {  	v24 =	vbroadcast v24, $0x0;
	vm2 =	vlt.s32 v27, $0xC7;
	v28 =	vadd.f32 v28, v23  }
0xa5: {  	v22 =	vnsel vm2, $0xC7, v27;
	v27 =	vcvt.s32.f32 v32;
	v29 =	vsub.f32 $1.000000000e+00, v26  }
0xa6: {  	v24 =	vadd.f32 v5, v24;
	v26 =	vmul.f32 v26, v30;
	v31 =	vmax.f32 v28, $0.0e+00  }
0xa7: {  	v29 =	vmul.f32 v29, v30;
	v30 =	vtrunc.f32 v31  }
0xa8: {  	v27 =	vadd.f32 v27, v27;
	v24 =	vadd.f32 $5.000000000e-01, v24;
	v30 =	vcvt.f32.s32 v30;
	_ =	sdelay $0x1  }
0xa9: {  	v27 =	vbroadcast v27, $0x0;
	v24 =	vmul.f32 $5.000000000e-01, v24;
	vm2 =	vlt.s32 v30, $0xC7  }
0xaa: {  	v26 =	vsel vm0, v29, v26;
	v29 =	vmul.u32 $0xC8, v22;
	v59 =	vnsel vm2, $0xC7, v30  }
0xab: {  	v34 =	vmul.f32 v24, v25;
	vm2 =	vgt.s32 v30, $0xC6;
	v30 =	vcvt.s32.f32 v59  }
0xac: {  	v22 =	vmul.f32 $2.500000000e-01, v26;
	v27 =	vadd.f32 v5, v27;
	v31 =	vsel vm2, $0x43470000, v31  }
0xad: {  	v24 =	vadd.s32 v33, v29;
	v26 =	vadd.f32 v34, v23;
	v29 =	vsub.f32 v31, v30  }
0xae: {  	vm3 =	vle.f32 v28, $2.000000000e+02;
	v27 =	vadd.f32 $5.000000000e-01, v27;
	vm2 =	vge.f32 v28, $-1.000000000e+00  }
0xaf: {  	vm2 =	vmand vm2, vm3;
	v28 =	vmax.f32 v26, $0.0e+00;
	v30 =	vsub.f32 $1.000000000e+00, v29  }
0xb0: {  	s31 =	simm.s32 $0x3;
	v32 =	vadd.s32 v9, v59;
	v60 =	vsel vm2, $0x3F800000, v7;
	v61 =	vtrunc.f32 v28  }
0xb1: {  	v31 =	vmov s31;
	v29 =	vmul.f32 v29, v60;
	v35 =	vmul.f32 v30, v60  }
0xb2: {  	vm2 =	vlt.s32 v32, $0xC7;
	v62 =	vcvt.s32.f32 v31;
	v30 =	vcvt.f32.s32 v61  }
0xb3: {  	v31 =	vmul.f32 $5.000000000e-01, v27;
	v27 =	vnsel vm2, $0xC7, v32;
	v29 =	vsel vm1, v35, v29  }
0xb4: {  	s28 =	simm.s32 $0x100;
	v63 =	vadd.s32 v27, v24;
	vm2 =	vlt.s32 v30, $0xC7;
	v27 =	vmul.f32 v29, v22  }
0xb5: {  	s29 =	simm.s32 $0x4;
	s26 =	simm.s32 $0x200;
	v32 =	vadd.f32 v62, v62;
	[tilespmem:s28+$0x0] =	vst v63;
	v29 =	vnsel vm2, $0xC7, v30  }
.LBB2_7:
0xb6: {  	p3 =	sne.s32 s29, $0x6;
	v31 =	vmul.f32 v31, v25;
	vm2 =	vgt.s32 v30, $0xC6;
	v30 =	vcvt.s32.f32 v29;
	[tilespmem:s26+$0x0] =	vst v27  }
0xb7: {  	v27 =	vbroadcast v32, $0x0;
	v28 =	vsel vm2, $0x43470000, v28  }
0xb8: {  	v32 =	vmov s29;
	v31 =	vadd.f32 v31, v23;
	v30 =	vsub.f32 v28, v30  }
0xb9: {  	vm3 =	vle.f32 v26, $2.000000000e+02;
	vm2 =	vge.f32 v26, $-1.000000000e+00;
	v27 =	vadd.f32 v5, v27  }
0xba: {  	vm2 =	vmand vm2, vm3;
	v28 =	vmax.f32 v31, $0.0e+00;
	v33 =	vsub.f32 $1.000000000e+00, v30;
	v26 =	vmovc v31  }
0xbb: {  	v34 =	vsel vm2, $0x3F800000, v7;
	v27 =	vadd.f32 $5.000000000e-01, v27;
	v31 =	vtrunc.f32 v28  }
.Ltmp7:
0xbc: {  	v29 =	vadd.s32 v9, v29;
	v33 =	vmul.f32 v33, v34;
	v34 =	vmul.f32 v30, v34;
	(pc) =	sbr.rel @p3 .LBB2_7-.Ltmp7, $4  }
0xbd: {  	v32 =	vcvt.s32.f32 v32;
	vm2 =	vlt.s32 v29, $0xC7;
	v30 =	vcvt.f32.s32 v31  }
0xbe: {  	v31 =	vmul.f32 $5.000000000e-01, v27;
	v27 =	vnsel vm2, $0xC7, v29;
	v29 =	vsel vm1, v33, v34  }
0xbf: {  	s28 =	sadd.s32 $0x10, s28;
	vm2 =	vlt.s32 v30, $0xC7;
	v33 =	vadd.s32 v27, v24;
	v27 =	vmul.f32 v29, v22  }
0xc0: {  	s26 =	sadd.s32 $0x10, s26;
	s29 =	sadd.s32 $0x1, s29;
	v32 =	vadd.f32 v32, v32;
	v29 =	vnsel vm2, $0xC7, v30;
	[tilespmem:s28+$0x0] =	vst v33  }
0xc1: {  	_ = 	snop  }
0xc2: {  	v32 =	vbroadcast v32, $0x0;
	_ =	sdelay $0x1  }
0xc3: {  	v32 =	vadd.f32 v5, v32;
	_ =	sdelay $0x1  }
0xc4: {  	v31 =	vmul.f32 v31, v25;
	v32 =	vadd.f32 $5.000000000e-01, v32  }
0xc5: {  	v33 =	vcvt.s32.f32 v29  }
0xc6: {  	vm2 =	vgt.s32 v30, $0xC6;
	v31 =	vadd.f32 v31, v23;
	v32 =	vmul.f32 $5.000000000e-01, v32  }
0xc7: {  	vm3 =	vle.f32 v26, $2.000000000e+02;
	v51 =	vadd.s32 v9, v29;
	v28 =	vsel vm2, $0x43470000, v28  }
0xc8: {  	vm2 =	vge.f32 v26, $-1.000000000e+00;
	v34 =	vmax.f32 v31, $0.0e+00;
	v42 =	vmul.f32 v32, v25  }
0xc9: {  	v28 =	vsub.f32 v28, v33;
	vm2 =	vmand vm2, vm3;
	v41 =	vtrunc.f32 v34  }
0xca: {  	v46 =	vsel vm2, $0x3F800000, v7;
	v30 =	vcvt.f32.s32 v41;
	v23 =	vadd.f32 v42, v23  }
0xcb: {  	v44 =	vsub.f32 $1.000000000e+00, v28;
	vm2 =	vge.f32 v31, $-1.000000000e+00;
	v28 =	vmul.f32 v28, v46  }
0xcc: {  	vm4 =	vlt.s32 v30, $0xC7;
	vm3 =	vgt.s32 v30, $0xC6;
	v48 =	vmax.f32 v23, $0.0e+00  }
0xcd: {  	v43 =	vnsel vm4, $0xC7, v30;
	v47 =	vsel vm3, $0x43470000, v34;
	v49 =	vtrunc.f32 v48  }
0xce: {  	vm3 =	vle.f32 v31, $2.000000000e+02;
	v45 =	vcvt.s32.f32 v43;
	v50 =	vcvt.f32.s32 v49  }
0xcf: {  	v25 =	vmul.f32 v44, v46;
	vm2 =	vmand vm2, vm3;
	vm3 =	vlt.s32 v51, $0xC7  }
0xd0: {  	v53 =	vsel vm2, $0x3F800000, v7;
	v30 =	vsub.f32 v47, v45;
	vm2 =	vlt.s32 v50, $0xC7  }
0xd1: {  	v26 =	vadd.s32 v9, v43;
	v29 =	vnsel vm3, $0xC7, v51;
	v54 =	vnsel vm2, $0xC7, v50  }
0xd2: {  	v52 =	vsub.f32 $1.000000000e+00, v30;
	vm2 =	vgt.s32 v50, $0xC6;
	v55 =	vcvt.s32.f32 v54  }
0xd3: {  	v25 =	vsel vm1, v25, v28;
	v29 =	vadd.s32 v29, v24;
	v56 =	vsel vm2, $0x43470000, v48  }
0xd4: {  	v30 =	vmul.f32 v30, v53;
	v32 =	vmul.f32 v52, v53;
	v31 =	vsub.f32 v56, v55  }
0xd5: {  	v25 =	vmul.f32 v25, v22;
	vm3 =	vle.f32 v23, $2.000000000e+02;
	vm2 =	vge.f32 v23, $-1.000000000e+00  }
0xd6: {  	v57 =	vsel vm1, v32, v30;
	vm2 =	vmand vm2, vm3;
	v23 =	vsub.f32 $1.000000000e+00, v31  }
0xd7: {  	[tilespmem:s26+$0x0] =	vst v27;
	s28 =	sadd.s32 $0x10, s28;
	v28 =	vadd.s32 v9, v54;
	vm3 =	vlt.s32 v26, $0xC7;
	v58 =	vsel vm2, $0x3F800000, v7  }
0xd8: {  	s31 =	sadd.s32 $0x10, s26;
	[tilespmem:s28+$0x0] =	vst v29;
	v26 =	vnsel vm3, $0xC7, v26;
	v59 =	vmul.f32 v31, v58;
	v23 =	vmul.f32 v23, v58  }
0xd9: {  	s28 =	sadd.s32 $0x10, s28;
	[tilespmem:s31+$0x0] =	vst v25;
	v61 =	vmul.f32 v57, v22;
	vm2 =	vlt.s32 v28, $0xC7;
	v60 =	vadd.s32 v26, v24  }
0xda: {  	p3 =	sne.s32 s24, $0x0;
	s26 =	sadd.s32 $0x10, s31;
	v62 =	vnsel vm2, $0xC7, v28;
	[tilespmem:s28+$0x0] =	vst v60;
	v23 =	vsel vm1, v23, v59  }
0xdb: {  	p4 =	slt.s32 @!p3 s19, $0x1;
	v63 =	vadd.s32 v62, v24;
	s28 =	sadd.s32 $0x10, s28;
	[tilespmem:s26+$0x0] =	vst v61;
	v22 =	vmul.f32 v23, v22  }
0xdc: {  	p3 =	por p4, p3;
	s26 =	sadd.s32 $0x10, s26;
	[tilespmem:s28+$0x0] =	vst v63  }
0xdd: {  	[tilespmem:s26+$0x0] =	vst v22;
	s26 =	simm.s32 @!p3 $0x3  }
0xde: {  	[tilespmem:s17], [sflag:$0x2] =	stream.indirect.gather [hbm4b:s4+s10], $0x80, s16, s10, $0xb8;
	[tilespmem:$0xA380] =	vst v63  }
0xdf: {  	_ =	swait.ge @!p3 [sflag:s26], $0x3100  }
0xe0: {  	[sflag:s26] =	ssyncset.done @!p3 $0x0  }
0xe1: {  	[sflag:s26] =	ssyncadd.s32 @!p3 $0xFFFFCF00  }
.LBB2_9:
0xe2: {  	s26 =	smul.u32 $0x1C00, s24;
	_ =	sdelay $0x1  }
0xe3: {  	s26 =	sshra.s32 s26, $0x2  }
0xe4: {  	s28 =	simm.s32 $0x0;
	s29 =	simm.s32 $0x680;
	s26 =	sadd.s32 $0x7300, s26  }
.LBB2_10:
0xe5: {  	v23 =	vld [tilespmem:s29+$0xFFFFFC00]  }
0xe6: {  	v24 =	vld [tilespmem:s29+$0xFFFFFC10]  }
0xe7: {  	s30 =	sshra.s32 s28, $0x2;
	v25 =	vld [tilespmem:s29+$0xFFFFFC20]  }
0xe8: {  	v22 =	vld [tilespmem:s30+$0x180]  }
0xe9: {  	v26 =	vld [tilespmem:s29+$0xFFFFFC30]  }
0xea: {  	v28 =	vld [tilespmem:s29+$0xFFFFFC40]  }
0xeb: {  	v30 =	vld [tilespmem:s29+$0xFFFFFC50]  }
0xec: {  	v32 =	vld [tilespmem:s29+$0xFFFFFC60]  }
0xed: {  	v34 =	vld [tilespmem:s29+$0xFFFFFC80];
	v29 =	vshll.u32 v23, $0x10;
	v31 =	vshll.u32 v24, $0x10;
	v27 =	vperm.xlane v22, v0  }
0xee: {  	v36 =	vld [tilespmem:s29+$0xFFFFFC90];
	v33 =	vshll.u32 v25, $0x10;
	v35 =	vshll.u32 v26, $0x10;
	v41 =	vperm.xlane v22, v1  }
0xef: {  	v38 =	vld [tilespmem:s29+$0xFFFFFC70];
	v37 =	vshll.u32 v28, $0x10;
	v29 =	vmul.f32 v29, v27;
	v23 =	vmul.f32 v23, v27  }
0xf0: {  	v42 =	vld [tilespmem:s29+$0xFFFFFCA0];
	v39 =	vshll.u32 v30, $0x10;
	v31 =	vmul.f32 v31, v27;
	v24 =	vmul.f32 v24, v27  }
0xf1: {  	v44 =	vld [tilespmem:s29+$0xFFFFFCB0];
	v40 =	vshll.u32 v32, $0x10;
	v33 =	vmul.f32 v33, v27;
	v25 =	vmul.f32 v25, v27  }
0xf2: {  	v55 =	vld [tilespmem:s29+$0xFFFFFCC0];
	v43 =	vshll.u32 v34, $0x10;
	v35 =	vmul.f32 v35, v27;
	v26 =	vmul.f32 v26, v27  }
0xf3: {  	v57 =	vld [tilespmem:s29+$0xFFFFFCD0];
	v45 =	vshll.u32 v36, $0x10;
	v37 =	vmul.f32 v37, v27;
	v28 =	vmul.f32 v28, v27  }
0xf4: {  	v48 =	vld [tilespmem:s29+$0xFFFFFCE0];
	v46 =	vshll.u32 v38, $0x10;
	v39 =	vmul.f32 v39, v27;
	v30 =	vmul.f32 v30, v27  }
0xf5: {  	v60 =	vld [tilespmem:s29+$0xFFFFFCF0];
	v56 =	vshll.u32 v42, $0x10;
	v40 =	vmul.f32 v40, v27;
	v43 =	vmul.f32 v43, v41  }
0xf6: {  	v47 =	vshll.u32 v44, $0x10;
	v34 =	vmul.f32 v34, v41;
	v32 =	vmul.f32 v32, v27  }
0xf7: {  	v59 =	vshll.u32 v55, $0x10;
	v45 =	vmul.f32 v45, v41;
	v46 =	vmul.f32 v46, v27  }
0xf8: {  	v61 =	vshll.u32 v57, $0x10;
	v36 =	vmul.f32 v36, v41;
	v42 =	vmul.f32 v42, v41  }
0xf9: {  	v49 =	vshll.u32 v48, $0x10;
	v58 =	vmul.f32 v47, v41;
	v44 =	vmul.f32 v44, v41  }
0xfa: {  	v53 =	vshll.u32 v60, $0x10;
	v27 =	vmul.f32 v38, v27;
	v63 =	vmul.f32 v57, v41  }
0xfb: {  	v62 =	vld [tilespmem:s29+$0xFFFFFD00];
	v50 =	vmul.f32 v49, v41;
	v51 =	vmul.f32 v48, v41;
	v29 =	vadd.f32 v43, v29  }
0xfc: {  	v52 =	vld [tilespmem:s29+$0xFFFFFD10];
	v38 =	vmul.f32 v60, v41;
	v23 =	vadd.f32 v34, v23;
	v31 =	vadd.f32 v45, v31  }
0xfd: {  	v43 =	vmul.f32 v56, v41;
	v24 =	vadd.f32 v36, v24;
	v25 =	vadd.f32 v42, v25  }
0xfe: {  	v35 =	vadd.f32 v58, v35;
	v26 =	vadd.f32 v44, v26;
	v36 =	vmul.f32 v59, v41  }
0xff: {  	v54 =	vld [tilespmem:s29+$0xFFFFFD20];
	v34 =	vmul.f32 v55, v41;
	v42 =	vmul.f32 v61, v41;
	v30 =	vadd.f32 v63, v30  }
0x100: {  	v44 =	vperm.xlane v22, v2;
	v55 =	vshll.u32 v62, $0x10;
	v32 =	vadd.f32 v51, v32  }
0x101: {  	v60 =	vld [tilespmem:s29+$0xFFFFFD40];
	v27 =	vadd.f32 v38, v27;
	v59 =	vshll.u32 v52, $0x10;
	v33 =	vadd.f32 v43, v33  }
0x102: {  	v28 =	vadd.f32 v34, v28;
	v34 =	vadd.f32 v50, v40;
	v40 =	vmul.f32 v53, v41  }
0x103: {  	v36 =	vadd.f32 v36, v37;
	v57 =	vmul.f32 v55, v44;
	v58 =	vmul.f32 v62, v44  }
0x104: {  	v56 =	vld [tilespmem:s29+$0xFFFFFD30];
	v38 =	vmul.f32 v59, v44;
	v61 =	vmul.f32 v52, v44;
	v62 =	vshll.u32 v54, $0x10  }
0x105: {  	v63 =	vld [tilespmem:s29+$0xFFFFFD50];
	v37 =	vadd.f32 v42, v39;
	v45 =	vmul.f32 v54, v44;
	v42 =	vmul.f32 v62, v44  }
0x106: {  	v52 =	vshll.u32 v60, $0x10;
	v40 =	vadd.f32 v40, v46;
	v29 =	vadd.f32 v57, v29  }
0x107: {  	v50 =	vld [tilespmem:s29+$0xFFFFFD60];
	v39 =	vmul.f32 v60, v44;
	v23 =	vadd.f32 v58, v23;
	v31 =	vadd.f32 v38, v31  }
0x108: {  	v53 =	vld [tilespmem:s29+$0xFFFFFD70];
	v24 =	vadd.f32 v61, v24;
	v25 =	vadd.f32 v45, v25;
	v38 =	vmul.f32 v52, v44  }
0x109: {  	v55 =	vld [tilespmem:s29+$0xFFFFFD80];
	v48 =	vshll.u32 v56, $0x10;
	v33 =	vadd.f32 v42, v33;
	v51 =	vmul.f32 v56, v44  }
0x10a: {  	v54 =	vshll.u32 v63, $0x10;
	v43 =	vmul.f32 v63, v44;
	v28 =	vadd.f32 v39, v28  }
0x10b: {  	v60 =	vld [tilespmem:s29+$0xFFFFFDA0];
	v49 =	vmul.f32 v48, v44;
	v56 =	vmul.f32 v54, v44;
	v36 =	vadd.f32 v38, v36  }
0x10c: {  	v58 =	vld [tilespmem:s29+$0xFFFFFD90];
	v26 =	vadd.f32 v51, v26;
	v30 =	vadd.f32 v43, v30;
	v57 =	vshll.u32 v50, $0x10  }
0x10d: {  	v59 =	vshll.u32 v53, $0x10;
	v43 =	vperm.xlane v22, v3;
	v41 =	vmul.f32 v50, v44  }
0x10e: {  	v61 =	vshll.u32 v55, $0x10;
	v62 =	vmul.f32 v53, v44;
	v35 =	vadd.f32 v49, v35  }
0x10f: {  	v37 =	vadd.f32 v56, v37;
	v38 =	vmul.f32 v57, v44;
	v42 =	vmul.f32 v59, v44  }
0x110: {  	v48 =	vld [tilespmem:s29+$0xFFFFFDC0];
	v50 =	vshll.u32 v60, $0x10;
	v63 =	vmul.f32 v61, v43;
	v32 =	vadd.f32 v41, v32  }
0x111: {  	v51 =	vld [tilespmem:s29+$0xFFFFFDD0];
	v45 =	vmul.f32 v55, v43;
	v27 =	vadd.f32 v62, v27;
	v47 =	vshll.u32 v58, $0x10  }
0x112: {  	v53 =	vld [tilespmem:s29+$0xFFFFFDE0];
	v39 =	vmul.f32 v58, v43;
	v41 =	vmul.f32 v50, v43;
	v34 =	vadd.f32 v38, v34  }
0x113: {  	v49 =	vld [tilespmem:s29+$0xFFFFFDB0];
	v54 =	vmul.f32 v60, v43;
	v40 =	vadd.f32 v42, v40;
	v29 =	vadd.f32 v63, v29  }
0x114: {  	v38 =	vmul.f32 v47, v43;
	v23 =	vadd.f32 v45, v23;
	v24 =	vadd.f32 v39, v24  }
0x115: {  	v58 =	vld [tilespmem:s29+$0xFFFFFDF0];
	v33 =	vadd.f32 v41, v33;
	v25 =	vadd.f32 v54, v25  }
0x116: {  	v60 =	vld [tilespmem:s29+$0xFFFFFE00];
	v56 =	vshll.u32 v48, $0x10;
	v42 =	vmul.f32 v48, v43;
	v31 =	vadd.f32 v38, v31  }
0x117: {  	v50 =	vld [tilespmem:s29+$0xFFFFFE20];
	v38 =	vmul.f32 v56, v43;
	v57 =	vshll.u32 v51, $0x10;
	v61 =	vmul.f32 v51, v43  }
0x118: {  	v59 =	vshll.u32 v53, $0x10;
	v48 =	vmul.f32 v53, v43;
	v55 =	vmul.f32 v49, v43  }
0x119: {  	v52 =	vshll.u32 v49, $0x10;
	v39 =	vmul.f32 v57, v43;
	v62 =	vmul.f32 v59, v43  }
0x11a: {  	v63 =	vld [tilespmem:s29+$0xFFFFFE10];
	v28 =	vadd.f32 v42, v28;
	v45 =	vmul.f32 v52, v43;
	v36 =	vadd.f32 v38, v36  }
0x11b: {  	v30 =	vadd.f32 v61, v30;
	v32 =	vadd.f32 v48, v32;
	v49 =	vshll.u32 v58, $0x10  }
0x11c: {  	v41 =	vmul.f32 v58, v43;
	v51 =	vshll.u32 v60, $0x10;
	v57 =	vshll.u32 v50, $0x10  }
0x11d: {  	v26 =	vadd.f32 v55, v26;
	v37 =	vadd.f32 v39, v37;
	v39 =	vperm.xlane v22, v4  }
0x11e: {  	v52 =	vld [tilespmem:s29+$0xFFFFFE30];
	v34 =	vadd.f32 v62, v34;
	v38 =	vmul.f32 v49, v43;
	v35 =	vadd.f32 v45, v35  }
0x11f: {  	v58 =	vld [tilespmem:s29+$0xFFFFFE50];
	v53 =	vshll.u32 v63, $0x10;
	v27 =	vadd.f32 v41, v27;
	v43 =	vmul.f32 v51, v39  }
0x120: {  	v55 =	vld [tilespmem:s29+$0xFFFFFE40];
	v46 =	vmul.f32 v60, v39;
	v38 =	vadd.f32 v38, v40;
	v54 =	vmul.f32 v53, v39  }
0x121: {  	v49 =	vld [tilespmem:s29+$0xFFFFFE80];
	v56 =	vmul.f32 v63, v39;
	v40 =	vmul.f32 v57, v39;
	v29 =	vadd.f32 v43, v29  }
0x122: {  	v42 =	vmul.f32 v50, v39;
	v23 =	vadd.f32 v46, v23;
	v31 =	vadd.f32 v54, v31  }
0x123: {  	v60 =	vld [tilespmem:s29+$0xFFFFFE60];
	v59 =	vshll.u32 v52, $0x10;
	v24 =	vadd.f32 v56, v24;
	v44 =	vmul.f32 v52, v39  }
0x124: {  	v63 =	vld [tilespmem:s29+$0xFFFFFE70];
	v33 =	vadd.f32 v40, v33;
	v25 =	vadd.f32 v42, v25;
	v48 =	vshll.u32 v58, $0x10  }
0x125: {  	v45 =	vmul.f32 v58, v39;
	v61 =	vmul.f32 v59, v39;
	v62 =	vshll.u32 v55, $0x10  }
0x126: {  	v41 =	vmul.f32 v55, v39;
	v43 =	vmul.f32 v48, v39;
	v56 =	vshll.u32 v49, $0x10  }
0x127: {  	v53 =	vld [tilespmem:s29+$0xFFFFFE90];
	v26 =	vadd.f32 v44, v26;
	v40 =	vmul.f32 v62, v39;
	v30 =	vadd.f32 v45, v30  }
0x128: {  	v57 =	vld [tilespmem:s29+$0xFFFFFEB0];
	v45 =	vperm.xlane v22, v11;
	v35 =	vadd.f32 v61, v35;
	v50 =	vshll.u32 v60, $0x10  }
0x129: {  	v28 =	vadd.f32 v41, v28;
	v52 =	vmul.f32 v60, v39;
	v54 =	vshll.u32 v63, $0x10  }
0x12a: {  	v36 =	vadd.f32 v40, v36;
	v51 =	vmul.f32 v50, v39;
	v40 =	vmul.f32 v54, v39  }
0x12b: {  	v55 =	vld [tilespmem:s29+$0xFFFFFEA0];
	v37 =	vadd.f32 v43, v37;
	v39 =	vmul.f32 v63, v39;
	v58 =	vmul.f32 v56, v45  }
0x12c: {  	v48 =	vld [tilespmem:s29+$0xFFFFFED0];
	v60 =	vshll.u32 v53, $0x10;
	v59 =	vmul.f32 v49, v45;
	v62 =	vmul.f32 v53, v45  }
0x12d: {  	v50 =	vshll.u32 v57, $0x10;
	v32 =	vadd.f32 v52, v32;
	v34 =	vadd.f32 v51, v34  }
0x12e: {  	v53 =	vmul.f32 v57, v45;
	v38 =	vadd.f32 v40, v38;
	v27 =	vadd.f32 v39, v27  }
0x12f: {  	v61 =	vld [tilespmem:s29+$0xFFFFFEC0];
	v29 =	vadd.f32 v58, v29;
	v23 =	vadd.f32 v59, v23;
	v39 =	vmul.f32 v60, v45  }
0x130: {  	v63 =	vshll.u32 v55, $0x10;
	v49 =	vmul.f32 v55, v45;
	v24 =	vadd.f32 v62, v24  }
0x131: {  	v57 =	vld [tilespmem:s29+$0xFFFFFF00];
	v51 =	vmul.f32 v50, v45;
	v56 =	vshll.u32 v48, $0x10;
	v26 =	vadd.f32 v53, v26  }
0x132: {  	v52 =	vld [tilespmem:s29+$0xFFFFFEE0];
	v43 =	vmul.f32 v48, v45;
	v42 =	vmul.f32 v63, v45;
	v31 =	vadd.f32 v39, v31  }
0x133: {  	v55 =	vld [tilespmem:s29+$0xFFFFFEF0];
	v58 =	vmul.f32 v56, v45;
	v25 =	vadd.f32 v49, v25;
	v35 =	vadd.f32 v51, v35  }
0x134: {  	v60 =	vld [tilespmem:s29+$0xFFFFFF10];
	v54 =	vshll.u32 v61, $0x10;
	v40 =	vmul.f32 v61, v45;
	v30 =	vadd.f32 v43, v30  }
0x135: {  	v62 =	vld [tilespmem:s29+$0xFFFFFF20];
	v43 =	vperm.xlane v22, v12;
	v33 =	vadd.f32 v42, v33;
	v39 =	vmul.f32 v54, v45  }
0x136: {  	v37 =	vadd.f32 v58, v37;
	v63 =	vshll.u32 v57, $0x10;
	v28 =	vadd.f32 v40, v28  }
0x137: {  	v59 =	vshll.u32 v52, $0x10;
	v41 =	vmul.f32 v52, v45;
	v54 =	vmul.f32 v63, v43  }
0x138: {  	v36 =	vadd.f32 v39, v36;
	v39 =	vmul.f32 v59, v45;
	v61 =	vshll.u32 v55, $0x10  }
0x139: {  	v48 =	vld [tilespmem:s29+$0xFFFFFF70];
	v53 =	vmul.f32 v55, v45;
	v55 =	vmul.f32 v57, v43;
	v56 =	vshll.u32 v60, $0x10  }
0x13a: {  	v52 =	vld [tilespmem:s29+$0xFFFFFF30];
	v58 =	vshll.u32 v62, $0x10;
	v40 =	vmul.f32 v60, v43;
	v62 =	vmul.f32 v62, v43  }
0x13b: {  	v57 =	vld [tilespmem:s29+$0xFFFFFF40];
	v42 =	vmul.f32 v61, v45;
	v32 =	vadd.f32 v41, v32;
	v29 =	vadd.f32 v54, v29  }
0x13c: {  	v59 =	vld [tilespmem:s29+$0xFFFFFF50];
	v41 =	vmul.f32 v58, v43;
	v34 =	vadd.f32 v39, v34;
	v27 =	vadd.f32 v53, v27  }
0x13d: {  	v23 =	vadd.f32 v55, v23;
	v39 =	vmul.f32 v56, v43;
	v24 =	vadd.f32 v40, v24  }
0x13e: {  	v61 =	vld [tilespmem:s29+$0xFFFFFF60];
	v25 =	vadd.f32 v62, v25;
	v55 =	vshll.u32 v48, $0x10;
	v38 =	vadd.f32 v42, v38  }
0x13f: {  	v33 =	vadd.f32 v41, v33;
	v41 =	vmul.f32 v48, v43;
	v60 =	vshll.u32 v52, $0x10  }
0x140: {  	v50 =	vld [tilespmem:s29+$0xFFFFFF80];
	v31 =	vadd.f32 v39, v31;
	v63 =	vmul.f32 v52, v43;
	v45 =	vmul.f32 v60, v43  }
0x141: {  	v53 =	vld [tilespmem:s29+$0xFFFFFF90];
	v46 =	vshll.u32 v59, $0x10;
	v42 =	vmul.f32 v57, v43;
	v51 =	vmul.f32 v59, v43  }
0x142: {  	v56 =	vld [tilespmem:s29+$0xFFFFFFA0];
	v27 =	vadd.f32 v41, v27;
	v26 =	vadd.f32 v63, v26;
	v40 =	vmul.f32 v46, v43  }
0x143: {  	v58 =	vld [tilespmem:s29+$0xFFFFFFB0];
	v49 =	vshll.u32 v61, $0x10;
	v54 =	vmul.f32 v61, v43;
	v35 =	vadd.f32 v45, v35  }
0x144: {  	v45 =	vshll.u32 v57, $0x10;
	v52 =	vmul.f32 v49, v43;
	v28 =	vadd.f32 v42, v28  }
0x145: {  	v48 =	vld [tilespmem:s29+$0xFFFFFFD0];
	v30 =	vadd.f32 v51, v30;
	v57 =	vshll.u32 v50, $0x10;
	v39 =	vmul.f32 v45, v43  }
0x146: {  	v59 =	vshll.u32 v53, $0x10;
	v37 =	vadd.f32 v40, v37;
	v40 =	vperm.xlane v22, v13  }
0x147: {  	v61 =	vld [tilespmem:s29+$0xFFFFFFC0];
	v63 =	vshll.u32 v56, $0x10;
	v36 =	vadd.f32 v39, v36;
	v39 =	vmul.f32 v55, v43  }
0x148: {  	v49 =	vshll.u32 v58, $0x10;
	v43 =	vmul.f32 v57, v40;
	v46 =	vmul.f32 v50, v40  }
0x149: {  	v32 =	vadd.f32 v54, v32;
	v60 =	vmul.f32 v59, v40;
	v62 =	vmul.f32 v53, v40  }
0x14a: {  	v54 =	vshll.u32 v48, $0x10;
	v42 =	vmul.f32 v56, v40;
	v51 =	vmul.f32 v49, v40  }
0x14b: {  	v34 =	vadd.f32 v52, v34;
	v50 =	vld [tilespmem:s29+$0xFFFFFFE0];
	v44 =	vmul.f32 v58, v40;
	v45 =	vmul.f32 v48, v40  }
0x14c: {  	v53 =	vld [tilespmem:s29+$0xFFFFFFF0];
	v52 =	vshll.u32 v61, $0x10;
	v38 =	vadd.f32 v39, v38;
	v29 =	vadd.f32 v43, v29  }
0x14d: {  	v55 =	vld [tilespmem:s29+$0x0];
	v41 =	vmul.f32 v61, v40;
	v23 =	vadd.f32 v46, v23;
	v31 =	vadd.f32 v60, v31  }
0x14e: {  	v59 =	vld [tilespmem:s29+$0x10];
	v39 =	vmul.f32 v63, v40;
	v24 =	vadd.f32 v62, v24;
	v25 =	vadd.f32 v42, v25  }
0x14f: {  	v35 =	vadd.f32 v51, v35;
	v26 =	vadd.f32 v44, v26;
	v43 =	vmul.f32 v54, v40  }
0x150: {  	v30 =	vadd.f32 v45, v30;
	v45 =	vperm.xlane v22, v14;
	v28 =	vadd.f32 v41, v28  }
0x151: {  	v61 =	vld [tilespmem:s29+$0x20];
	v33 =	vadd.f32 v39, v33;
	v39 =	vmul.f32 v52, v40;
	v37 =	vadd.f32 v43, v37  }
0x152: {  	v63 =	vld [tilespmem:s29+$0x30];
	v56 =	vshll.u32 v50, $0x10;
	v58 =	vmul.f32 v50, v40;
	v60 =	vshll.u32 v53, $0x10  }
0x153: {  	v51 =	vld [tilespmem:s29+$0x40];
	v62 =	vshll.u32 v55, $0x10;
	v49 =	vmul.f32 v55, v45;
	v52 =	vmul.f32 v59, v45  }
0x154: {  	v54 =	vld [tilespmem:s29+$0x50];
	v36 =	vadd.f32 v39, v36;
	v57 =	vmul.f32 v56, v40;
	v39 =	vmul.f32 v60, v40  }
0x155: {  	v50 =	vshll.u32 v59, $0x10;
	v40 =	vmul.f32 v53, v40;
	v48 =	vmul.f32 v62, v45  }
0x156: {  	v53 =	vshll.u32 v61, $0x10;
	v55 =	vmul.f32 v61, v45;
	v32 =	vadd.f32 v58, v32  }
0x157: {  	v23 =	vadd.f32 v49, v23;
	v42 =	vmul.f32 v53, v45;
	v56 =	vshll.u32 v63, $0x10  }
0x158: {  	v24 =	vadd.f32 v52, v24;
	v59 =	vmul.f32 v63, v45;
	v60 =	vshll.u32 v51, $0x10  }
0x159: {  	v62 =	vshll.u32 v54, $0x10;
	v34 =	vadd.f32 v57, v34;
	v38 =	vadd.f32 v39, v38  }
0x15a: {  	v61 =	vld [tilespmem:s29+$0x70];
	v43 =	vmul.f32 v54, v45;
	v27 =	vadd.f32 v40, v27;
	v29 =	vadd.f32 v48, v29  }
0x15b: {  	v58 =	vld [tilespmem:s29+$0x60];
	v39 =	vmul.f32 v50, v45;
	v57 =	vmul.f32 v56, v45;
	v25 =	vadd.f32 v55, v25  }
0x15c: {  	v63 =	vld [tilespmem:s29+$0x80];
	v40 =	vmul.f32 v51, v45;
	v50 =	vmul.f32 v62, v45;
	v33 =	vadd.f32 v42, v33  }
0x15d: {  	v52 =	vld [tilespmem:s29+$0x90];
	v26 =	vadd.f32 v59, v26;
	v30 =	vadd.f32 v43, v30;
	v43 =	vperm.xlane v22, v15  }
0x15e: {  	v54 =	vld [tilespmem:s29+$0xA0];
	v31 =	vadd.f32 v39, v31;
	v35 =	vadd.f32 v57, v35;
	v39 =	vmul.f32 v60, v45  }
0x15f: {  	v56 =	vld [tilespmem:s29+$0xB0];
	v28 =	vadd.f32 v40, v28;
	v37 =	vadd.f32 v50, v37;
	v53 =	vshll.u32 v61, $0x10  }
0x160: {  	v57 =	vmul.f32 v61, v45;
	v36 =	vadd.f32 v39, v36;
	v51 =	vshll.u32 v58, $0x10  }
0x161: {  	v41 =	vmul.f32 v58, v45;
	v42 =	vmul.f32 v53, v45;
	v55 =	vshll.u32 v63, $0x10  }
0x162: {  	v59 =	vmul.f32 v63, v43;
	v60 =	vshll.u32 v52, $0x10;
	v40 =	vmul.f32 v52, v43  }
0x163: {  	v62 =	vshll.u32 v54, $0x10;
	v39 =	vmul.f32 v51, v45;
	v58 =	vmul.f32 v55, v43  }
0x164: {  	v50 =	vld [tilespmem:s29+$0xE0];
	v27 =	vadd.f32 v57, v27;
	v48 =	vshll.u32 v56, $0x10;
	v51 =	vmul.f32 v54, v43  }
0x165: {  	v61 =	vld [tilespmem:s29+$0xC0];
	v52 =	vmul.f32 v56, v43;
	v32 =	vadd.f32 v41, v32;
	v38 =	vadd.f32 v42, v38  }
0x166: {  	v49 =	vld [tilespmem:s29+$0x130];
	v23 =	vadd.f32 v59, v23;
	v41 =	vmul.f32 v62, v43;
	v24 =	vadd.f32 v40, v24  }
0x167: {  	v63 =	vld [tilespmem:s29+$0xD0];
	v45 =	vmul.f32 v48, v43;
	v34 =	vadd.f32 v39, v34;
	v29 =	vadd.f32 v58, v29  }
0x168: {  	v39 =	vmul.f32 v60, v43;
	v25 =	vadd.f32 v51, v25;
	v26 =	vadd.f32 v52, v26  }
0x169: {  	v55 =	vld [tilespmem:s29+$0xF0];
	v56 =	vshll.u32 v50, $0x10;
	v33 =	vadd.f32 v41, v33;
	v35 =	vadd.f32 v45, v35  }
0x16a: {  	v57 =	vld [tilespmem:s29+$0x100];
	v53 =	vshll.u32 v61, $0x10;
	v42 =	vmul.f32 v61, v43;
	v59 =	vmul.f32 v56, v43  }
0x16b: {  	v61 =	vmul.f32 v50, v43;
	v56 =	vshll.u32 v49, $0x10;
	v31 =	vadd.f32 v39, v31  }
0x16c: {  	v60 =	vld [tilespmem:s29+$0x110];
	v39 =	vmul.f32 v53, v43;
	v54 =	vshll.u32 v63, $0x10;
	v58 =	vmul.f32 v63, v43  }
0x16d: {  	v52 =	vld [tilespmem:s29+$0x140];
	v40 =	vmul.f32 v54, v43;
	v28 =	vadd.f32 v42, v28;
	v34 =	vadd.f32 v59, v34  }
0x16e: {  	v63 =	vld [tilespmem:s29+$0x120];
	v32 =	vadd.f32 v61, v32;
	v62 =	vshll.u32 v55, $0x10;
	v41 =	vmul.f32 v55, v43  }
0x16f: {  	v48 =	vshll.u32 v57, $0x10;
	v37 =	vadd.f32 v40, v37;
	v40 =	vperm.xlane v22, v16  }
0x170: {  	v36 =	vadd.f32 v39, v36;
	v30 =	vadd.f32 v58, v30;
	v39 =	vmul.f32 v62, v43  }
0x171: {  	v55 =	vld [tilespmem:s29+$0x150];
	v50 =	vshll.u32 v60, $0x10;
	v27 =	vadd.f32 v41, v27;
	v43 =	vmul.f32 v48, v40  }
0x172: {  	v59 =	vshll.u32 v52, $0x10;
	v46 =	vmul.f32 v57, v40;
	v51 =	vmul.f32 v50, v40  }
0x173: {  	v38 =	vadd.f32 v39, v38;
	v53 =	vmul.f32 v60, v40;
	v42 =	vmul.f32 v63, v40  }
0x174: {  	v62 =	vld [tilespmem:s29+$0x180];
	v54 =	vshll.u32 v63, $0x10;
	v58 =	vmul.f32 v56, v40;
	v44 =	vmul.f32 v49, v40  }
0x175: {  	v41 =	vmul.f32 v52, v40;
	v39 =	vmul.f32 v54, v40;
	v29 =	vadd.f32 v43, v29  }
0x176: {  	v57 =	vld [tilespmem:s29+$0x160];
	v61 =	vshll.u32 v55, $0x10;
	v23 =	vadd.f32 v46, v23;
	v31 =	vadd.f32 v51, v31  }
0x177: {  	v60 =	vld [tilespmem:s29+$0x170];
	v45 =	vmul.f32 v55, v40;
	v24 =	vadd.f32 v53, v24;
	v25 =	vadd.f32 v42, v25  }
0x178: {  	v50 =	vld [tilespmem:s29+$0x190];
	v35 =	vadd.f32 v58, v35;
	v26 =	vadd.f32 v44, v26;
	v43 =	vmul.f32 v61, v40  }
0x179: {  	v52 =	vld [tilespmem:s29+$0x1A0];
	v28 =	vadd.f32 v41, v28;
	v53 =	vshll.u32 v62, $0x10;
	v33 =	vadd.f32 v39, v33  }
0x17a: {  	v39 =	vmul.f32 v59, v40;
	v30 =	vadd.f32 v45, v30;
	v45 =	vperm.xlane v22, v17  }
0x17b: {  	v54 =	vld [tilespmem:s29+$0x1B0];
	v46 =	vperm.xlane v22, v19;
	v37 =	vadd.f32 v43, v37;
	v63 =	vshll.u32 v57, $0x10  }
0x17c: {  	v36 =	vadd.f32 v39, v36;
	v49 =	vmul.f32 v57, v40;
	v55 =	vmul.f32 v53, v45  }
0x17d: {  	v58 =	vld [tilespmem:s29+$0x1C0];
	v51 =	vshll.u32 v60, $0x10;
	v56 =	vmul.f32 v62, v45;
	v59 =	vmul.f32 v50, v45  }
0x17e: {  	v61 =	vld [tilespmem:s29+$0x1D0];
	v57 =	vshll.u32 v50, $0x10;
	v62 =	vmul.f32 v52, v45;
	v48 =	vmul.f32 v63, v40  }
0x17f: {  	v39 =	vmul.f32 v51, v40;
	v40 =	vmul.f32 v60, v40;
	v60 =	vshll.u32 v52, $0x10  }
0x180: {  	v63 =	vshll.u32 v54, $0x10;
	v50 =	vmul.f32 v54, v45;
	v32 =	vadd.f32 v49, v32  }
0x181: {  	v29 =	vadd.f32 v55, v29;
	v23 =	vadd.f32 v56, v23;
	v42 =	vmul.f32 v60, v45  }
0x182: {  	v24 =	vadd.f32 v59, v24;
	v25 =	vadd.f32 v62, v25;
	v51 =	vshll.u32 v58, $0x10  }
0x183: {  	v52 =	vld [tilespmem:s29+$0x1F0];
	v53 =	vshll.u32 v61, $0x10;
	v43 =	vmul.f32 v61, v45;
	v34 =	vadd.f32 v48, v34  }
0x184: {  	v54 =	vld [tilespmem:s29+$0x200];
	v38 =	vadd.f32 v39, v38;
	v27 =	vadd.f32 v40, v27;
	v39 =	vmul.f32 v57, v45  }
0x185: {  	v49 =	vld [tilespmem:s29+$0x1E0];
	v48 =	vmul.f32 v63, v45;
	v40 =	vmul.f32 v58, v45;
	v26 =	vadd.f32 v50, v26  }
0x186: {  	v59 =	vld [tilespmem:s29+$0x220];
	v55 =	vmul.f32 v53, v45;
	v33 =	vadd.f32 v42, v33;
	v30 =	vadd.f32 v43, v30  }
0x187: {  	v62 =	vld [tilespmem:s29+$0x230];
	v43 =	vperm.xlane v22, v18;
	v31 =	vadd.f32 v39, v31;
	v35 =	vadd.f32 v48, v35  }
0x188: {  	v57 =	vld [tilespmem:s29+$0x210];
	v39 =	vmul.f32 v51, v45;
	v28 =	vadd.f32 v40, v28;
	v37 =	vadd.f32 v55, v37  }
0x189: {  	v58 =	vshll.u32 v52, $0x10;
	v44 =	vmul.f32 v52, v45;
	v60 =	vshll.u32 v54, $0x10  }
0x18a: {  	v63 =	vmul.f32 v54, v43;
	v36 =	vadd.f32 v39, v36;
	v41 =	vmul.f32 v49, v45  }
0x18b: {  	v56 =	vshll.u32 v49, $0x10;
	v42 =	vmul.f32 v58, v45;
	v61 =	vmul.f32 v60, v43  }
0x18c: {  	v51 =	vld [tilespmem:s29+$0x250];
	v50 =	vshll.u32 v59, $0x10;
	v53 =	vmul.f32 v59, v43;
	v54 =	vshll.u32 v62, $0x10  }
0x18d: {  	v55 =	vld [tilespmem:s29+$0x260];
	v39 =	vmul.f32 v56, v45;
	v27 =	vadd.f32 v44, v27;
	v48 =	vshll.u32 v57, $0x10  }
0x18e: {  	v40 =	vmul.f32 v57, v43;
	v23 =	vadd.f32 v63, v23;
	v32 =	vadd.f32 v41, v32  }
0x18f: {  	v49 =	vld [tilespmem:s29+$0x240];
	v52 =	vmul.f32 v50, v43;
	v38 =	vadd.f32 v42, v38;
	v29 =	vadd.f32 v61, v29  }
0x190: {  	v60 =	vld [tilespmem:s29+$0x280];
	v25 =	vadd.f32 v53, v25;
	v41 =	vmul.f32 v62, v43;
	v34 =	vadd.f32 v39, v34  }
0x191: {  	v39 =	vmul.f32 v48, v43;
	v24 =	vadd.f32 v40, v24;
	v33 =	vadd.f32 v52, v33  }
0x192: {  	v57 =	vld [tilespmem:s29+$0x270];
	v58 =	vshll.u32 v51, $0x10;
	v61 =	vmul.f32 v51, v43;
	v62 =	vshll.u32 v55, $0x10  }
0x193: {  	v63 =	vld [tilespmem:s29+$0x290];
	v40 =	vmul.f32 v55, v43;
	v26 =	vadd.f32 v41, v26;
	v59 =	vmul.f32 v58, v43  }
0x194: {  	v31 =	vadd.f32 v39, v31;
	v39 =	vmul.f32 v54, v43;
	v56 =	vshll.u32 v49, $0x10  }
0x195: {  	v44 =	vmul.f32 v49, v43;
	v30 =	vadd.f32 v61, v30;
	v52 =	vshll.u32 v60, $0x10  }
0x196: {  	v32 =	vadd.f32 v40, v32;
	v55 =	vmul.f32 v60, v46;
	v42 =	vmul.f32 v56, v43  }
0x197: {  	v53 =	vld [tilespmem:s29+$0x2B0];
	v37 =	vadd.f32 v59, v37;
	v48 =	vshll.u32 v57, $0x10;
	v51 =	vmul.f32 v57, v43  }
0x198: {  	v49 =	vld [tilespmem:s29+$0x2A0];
	v54 =	vmul.f32 v52, v46;
	v56 =	vshll.u32 v63, $0x10;
	v61 =	vmul.f32 v63, v46  }
0x199: {  	v60 =	vld [tilespmem:s29+$0x2D0];
	v35 =	vadd.f32 v39, v35;
	v28 =	vadd.f32 v44, v28;
	v39 =	vmul.f32 v62, v43  }
0x19a: {  	v57 =	vld [tilespmem:s29+$0x2C0];
	v50 =	vmul.f32 v48, v43;
	v23 =	vadd.f32 v55, v23;
	v36 =	vadd.f32 v42, v36  }
0x19b: {  	v58 =	vmul.f32 v56, v46;
	v27 =	vadd.f32 v51, v27;
	v29 =	vadd.f32 v54, v29  }
0x19c: {  	v52 =	vld [tilespmem:s29+$0x2F0];
	v63 =	vshll.u32 v53, $0x10;
	v24 =	vadd.f32 v61, v24;
	v34 =	vadd.f32 v39, v34  }
0x19d: {  	v48 =	vld [tilespmem:s29+$0x2E0];
	v38 =	vadd.f32 v50, v38;
	v31 =	vadd.f32 v58, v31;
	v50 =	vmul.f32 v53, v46  }
0x19e: {  	v59 =	vshll.u32 v49, $0x10;
	v62 =	vmul.f32 v49, v46;
	v49 =	vmul.f32 v63, v46  }
0x19f: {  	v54 =	vshll.u32 v60, $0x10;
	v41 =	vmul.f32 v59, v46;
	v51 =	vshll.u32 v57, $0x10  }
0x1a0: {  	v26 =	vadd.f32 v50, v26;
	v55 =	vmul.f32 v57, v46;
	v57 =	vmul.f32 v60, v46  }
0x1a1: {  	v47 =	vld [tilespmem:s29+$0x340];
	v25 =	vadd.f32 v62, v25;
	v35 =	vadd.f32 v49, v35;
	v53 =	vmul.f32 v51, v46  }
0x1a2: {  	v56 =	vld [tilespmem:s29+$0x300];
	v58 =	vshll.u32 v48, $0x10;
	v61 =	vmul.f32 v48, v46;
	v62 =	vshll.u32 v52, $0x10  }
0x1a3: {  	v59 =	vld [tilespmem:s29+$0x310];
	v51 =	vmul.f32 v52, v46;
	v33 =	vadd.f32 v41, v33;
	v41 =	vmul.f32 v54, v46  }
0x1a4: {  	v44 =	vld [tilespmem:s29+$0x350];
	v28 =	vadd.f32 v55, v28;
	v60 =	vmul.f32 v58, v46;
	v30 =	vadd.f32 v57, v30  }
0x1a5: {  	v63 =	vld [tilespmem:s29+$0x320];
	v50 =	vmul.f32 v62, v46;
	v36 =	vadd.f32 v53, v36;
	v32 =	vadd.f32 v61, v32  }
0x1a6: {  	v42 =	vld [tilespmem:s29+$0x380];
	v27 =	vadd.f32 v51, v27;
	v37 =	vadd.f32 v41, v37;
	v41 =	vperm.xlane v22, v20  }
0x1a7: {  	v52 =	vshll.u32 v56, $0x10;
	v34 =	vadd.f32 v60, v34;
	v38 =	vadd.f32 v50, v38  }
0x1a8: {  	v53 =	vld [tilespmem:s29+$0x330];
	v22 =	vperm.xlane v22, v21;
	v55 =	vshll.u32 v59, $0x10;
	v54 =	vmul.f32 v52, v41  }
0x1a9: {  	v45 =	vld [tilespmem:s29+$0x390];
	v50 =	vshll.u32 v44, $0x10;
	v56 =	vmul.f32 v56, v41;
	v57 =	vmul.f32 v55, v41  }
0x1aa: {  	v48 =	vld [tilespmem:s29+$0x360];
	v58 =	vmul.f32 v59, v41;
	v59 =	vshll.u32 v63, $0x10;
	v61 =	vmul.f32 v63, v41  }
0x1ab: {  	v40 =	vld [tilespmem:s29+$0x370];
	v52 =	vshll.u32 v47, $0x10;
	v55 =	vshll.u32 v42, $0x10;
	v60 =	vmul.f32 v59, v41  }
0x1ac: {  	v51 =	vld [tilespmem:s29+$0x3B0];
	v43 =	vmul.f32 v52, v41;
	v29 =	vadd.f32 v54, v29;
	v23 =	vadd.f32 v56, v23  }
0x1ad: {  	v49 =	vld [tilespmem:s29+$0x3A0];
	v31 =	vadd.f32 v57, v31;
	v24 =	vadd.f32 v58, v24;
	v62 =	vshll.u32 v53, $0x10  }
0x1ae: {  	v46 =	vmul.f32 v53, v41;
	v25 =	vadd.f32 v61, v25;
	v53 =	vmul.f32 v50, v41  }
0x1af: {  	v54 =	vshll.u32 v48, $0x10;
	v56 =	vshll.u32 v45, $0x10;
	v33 =	vadd.f32 v60, v33  }
0x1b0: {  	v63 =	vmul.f32 v62, v41;
	v36 =	vadd.f32 v43, v36;
	v39 =	vmul.f32 v54, v41  }
0x1b1: {  	v43 =	vmul.f32 v55, v22;
	v50 =	vmul.f32 v56, v22;
	v54 =	vshll.u32 v51, $0x10  }
0x1b2: {  	v52 =	vld [tilespmem:s29+$0x3D0];
	v60 =	vshll.u32 v40, $0x10;
	v56 =	vmul.f32 v49, v22;
	v26 =	vadd.f32 v46, v26  }
0x1b3: {  	v37 =	vadd.f32 v53, v37;
	v53 =	vshll.u32 v49, $0x10;
	v35 =	vadd.f32 v63, v35  }
0x1b4: {  	v55 =	vld [tilespmem:s29+$0x3E0];
	v58 =	vmul.f32 v54, v22;
	v34 =	vadd.f32 v39, v34;
	v29 =	vadd.f32 v43, v29  }
0x1b5: {  	v46 =	vld [tilespmem:s29+$0x3C0];
	v57 =	vmul.f32 v53, v22;
	v31 =	vadd.f32 v50, v31;
	v43 =	vmul.f32 v60, v41  }
0x1b6: {  	v54 =	vld [tilespmem:s29+$0x3F0];
	v50 =	vmul.f32 v44, v41;
	v53 =	vmul.f32 v45, v22;
	v25 =	vadd.f32 v56, v25;
	[tilespmem:s26+$0xFFFFFF80] =	vst v29  }
0x1b7: {  	v61 =	vshll.u32 v52, $0x10;
	v33 =	vadd.f32 v57, v33;
	v35 =	vadd.f32 v58, v35;
	[tilespmem:s26+$0xFFFFFF90] =	vst v31  }
0x1b8: {  	v29 =	vmul.f32 v61, v22;
	v38 =	vadd.f32 v43, v38;
	v43 =	vmul.f32 v47, v41;
	[tilespmem:s26+$0x20] =	vst v25  }
0x1b9: {  	v47 =	vmul.f32 v42, v22;
	v24 =	vadd.f32 v53, v24;
	v57 =	vmul.f32 v51, v22;
	[tilespmem:s26+$0xFFFFFFA0] =	vst v33  }
0x1ba: {  	v58 =	vmul.f32 v48, v41;
	v62 =	vshll.u32 v55, $0x10;
	v29 =	vadd.f32 v29, v37;
	[tilespmem:s26+$0xFFFFFFB0] =	vst v35  }
0x1bb: {  	v59 =	vshll.u32 v46, $0x10;
	v31 =	vmul.f32 v62, v22;
	v23 =	vadd.f32 v47, v23;
	[tilespmem:s26+$0x10] =	vst v24  }
0x1bc: {  	v26 =	vadd.f32 v57, v26;
	v61 =	vadd.f32 v58, v32;
	v62 =	vmul.f32 v55, v22;
	[tilespmem:s26+$0xFFFFFFD0] =	vst v29  }
0x1bd: {  	v63 =	vshll.u32 v54, $0x10;
	v39 =	vmul.f32 v59, v22;
	v31 =	vadd.f32 v31, v34;
	[tilespmem:s26+$0x0] =	vst v23  }
0x1be: {  	v28 =	vadd.f32 v43, v28;
	v33 =	vmul.f32 v63, v22;
	[tilespmem:s26+$0x30] =	vst v26;
	v24 =	vadd.f32 v62, v61  }
0x1bf: {  	v59 =	vmul.f32 v46, v22;
	v23 =	vmul.f32 v40, v41;
	v36 =	vadd.f32 v39, v36;
	[tilespmem:s26+$0xFFFFFFE0] =	vst v31  }
0x1c0: {  	p3 =	sne.s32 s28, $0x180;
	v60 =	vmul.f32 v52, v22;
	v29 =	vadd.f32 v50, v30;
	v33 =	vadd.f32 v33, v38;
	[tilespmem:s26+$0x60] =	vst v24  }
.Ltmp8:
0x1c1: {  	v22 =	vmul.f32 v54, v22;
	v28 =	vadd.f32 v59, v28;
	v23 =	vadd.f32 v23, v27;
	[tilespmem:s26+$0xFFFFFFC0] =	vst v36;
	(pc) =	sbr.rel @p3 .LBB2_10-.Ltmp8, $4  }
0x1c2: {  	v63 =	vadd.f32 v60, v29;
	[tilespmem:s26+$0xFFFFFFF0] =	vst v33  }
0x1c3: {  	[tilespmem:s26+$0x40] =	vst v28;
	v22 =	vadd.f32 v22, v23  }
0x1c4: {  	[tilespmem:s26+$0x50] =	vst v63  }
0x1c5: {  	s28 =	sadd.s32 $0x40, s28;
	s29 =	sadd.s32 $0x800, s29;
	[tilespmem:s26+$0x70] =	vst v22;
	s26 =	sadd.s32 $0x100, s26  }
0x1c6: {  	s26 =	smul.u32 @!p1 $0x3100, s23;
	p3 =	seq.s32 s25, $0x0  }
.Ltmp9:
0x1c7: {  	_ = 	snop;
	(pc) =	sbr.rel @p3 .LBB2_19-.Ltmp9, $4  }
0x1c8: {  	_ = 	snop  }
0x1c9: {  	s26 =	sshrl.u32 @!p1 s26, $0x3  }
0x1ca: {  	s28 =	simm.s32 @!p1 $0x0;
	s29 =	simm.s32 @!p1 $0x7280;
	s26 =	sadd.s32 @!p1 s1, s26  }
0x1cb: {  	[hbm4b:s26+s28] =	stream.linear.scatter @!p1 [tilespmem:s29], [sflag:$0x3], $0x3100, $0x38;
	[tilespmem:$0xA380] =	vst v63  }
.LBB2_12:
.Ltmp10:
0x1cc: {  	(pc) =	sbr.rel @!p2 .LBB2_16-.Ltmp10, $4  }
0x1cd: {  	_ = 	snop  }
0x1ce: {  	_ =	swait.ge [sflag:s13], $0x3800  }
0x1cf: {  	[sflag:s13] =	ssyncset.done $0x0  }
0x1d0: {  	[sflag:s13] =	ssyncadd.s32 $0xFFFFC800  }
0x1d1: {  	s25 =	sadd.s32 @!p1 s6, s21  }
0x1d2: {  	s25 =	sshll.u32 @!p1 s25, $0x1  }
0x1d3: {  	s25 =	sand.u32 @!p1 $0x1FFFFFFE, s25  }
0x1d4: {  	s26 =	simm.s32 @!p1 $0x0;
	s25 =	sadd.s32 @!p1 s5, s25  }
0x1d5: {  	[tilespmem:s26], [sflag:$0x4] =	stream.linear.gather @!p1 [hbm4b:s25+s26], $0x10, $0x38;
	[tilespmem:$0xA380] =	vst v63  }
0x1d6: {  	s25 =	simm.s32 @!p1 $0x4  }
0x1d7: {  	_ =	swait.ge @!p1 [sflag:s25], $0x10  }
0x1d8: {  	[sflag:s25] =	ssyncset.done @!p1 $0x0  }
0x1d9: {  	[sflag:s25] =	ssyncadd.s32 @!p1 $0xFFFFFFF0  }
0x1da: {  	v22 =	vld [tilespmem:$0x0]  }
0x1db: {  	v23 =	vmov s22  }
0x1dc: {  	v23 =	vcvt.s32.f32 v23;
	_ =	sdelay $0x1  }
0x1dd: {  	v23 =	vadd.f32 v23, v23  }
0x1de: {  	v24 =	vperm.xlane v22, v2;
	v25 =	vperm.xlane v22, v4  }
0x1df: {  	v23 =	vbroadcast v23, $0x0  }
0x1e0: {  	v24 =	vmul.f32 $2.500000000e-01, v24;
	v25 =	vmul.f32 $2.500000000e-01, v25  }
0x1e1: {  	v23 =	vadd.f32 v10, v23  }
0x1e2: {  	v24 =	vadd.f32 $-5.000000000e-01, v24;
	v25 =	vadd.f32 $-5.000000000e-01, v25;
	_ =	sdelay $0x1  }
0x1e3: {  	v23 =	vadd.f32 $5.000000000e-01, v23;
	v25 =	vsub.f32 v25, v24;
	_ =	sdelay $0x1  }
0x1e4: {  	v23 =	vmul.f32 $5.000000000e-01, v23;
	v25 =	vmul.f32 $1.428571490e-01, v25  }
0x1e5: {  	s26 =	simm.s32 $0x0  }
0x1e6: {  	v23 =	vmul.f32 v25, v23;
	v25 =	vmov s26  }
0x1e7: {  	v26 =	vperm.xlane v22, v1;
	v25 =	vcvt.s32.f32 v25  }
0x1e8: {  	v27 =	vperm.xlane v22, v3  }
0x1e9: {  	s29 =	simm.s32 $0x1;
	v26 =	vmul.f32 $2.500000000e-01, v26;
	v24 =	vadd.f32 v23, v24;
	v25 =	vadd.f32 v25, v25  }
0x1ea: {  	v30 =	vmov s29;
	v27 =	vmul.f32 $2.500000000e-01, v27  }
0x1eb: {  	v23 =	vadd.f32 $-5.000000000e-01, v26;
	v26 =	vmax.f32 v24, $0.0e+00;
	v25 =	vbroadcast v25, $0x0  }
0x1ec: {  	s30 =	simm.s32 $0x2;
	v22 =	vperm.xlane v22, v0;
	v27 =	vadd.f32 $-5.000000000e-01, v27;
	v28 =	vtrunc.f32 v26  }
0x1ed: {  	v32 =	vmov s30;
	v28 =	vcvt.f32.s32 v28;
	v29 =	vadd.f32 v5, v25  }
0x1ee: {  	v30 =	vcvt.s32.f32 v30;
	v22 =	vtrunc.f32 v22;
	v27 =	vsub.f32 v27, v23  }
0x1ef: {  	v22 =	vcvt.f32.s32 v22;
	vm2 =	vlt.s32 v28, $0xC7;
	v29 =	vadd.f32 $5.000000000e-01, v29  }
0x1f0: {  	vm3 =	vle.f32 v24, $2.000000000e+02;
	v25 =	vmul.f32 $1.428571490e-01, v27;
	v27 =	vnsel vm2, $0xC7, v28  }
0x1f1: {  	vm2 =	vgt.s32 v28, $0xC6;
	v28 =	vcvt.s32.f32 v27;
	v29 =	vmul.f32 $5.000000000e-01, v29  }
0x1f2: {  	v26 =	vsel vm2, $0x43470000, v26;
	vm2 =	vge.f32 v24, $-1.000000000e+00;
	v24 =	vadd.f32 v30, v30  }
0x1f3: {  	vm2 =	vmand vm2, vm3;
	v26 =	vsub.f32 v26, v28;
	v28 =	vmul.f32 v29, v25  }
0x1f4: {  	v33 =	vmul.u32 $0x9C40, v22;
	v27 =	vadd.s32 v8, v27;
	v30 =	vsel vm2, $0x3F800000, v7  }
0x1f5: {  	v24 =	vbroadcast v24, $0x0;
	vm2 =	vlt.s32 v27, $0xC7;
	v28 =	vadd.f32 v28, v23  }
0x1f6: {  	v22 =	vnsel vm2, $0xC7, v27;
	v27 =	vcvt.s32.f32 v32;
	v29 =	vsub.f32 $1.000000000e+00, v26  }
0x1f7: {  	v24 =	vadd.f32 v5, v24;
	v26 =	vmul.f32 v26, v30;
	v31 =	vmax.f32 v28, $0.0e+00  }
0x1f8: {  	v29 =	vmul.f32 v29, v30;
	v30 =	vtrunc.f32 v31  }
0x1f9: {  	v27 =	vadd.f32 v27, v27;
	v24 =	vadd.f32 $5.000000000e-01, v24;
	v30 =	vcvt.f32.s32 v30;
	_ =	sdelay $0x1  }
0x1fa: {  	v27 =	vbroadcast v27, $0x0;
	v24 =	vmul.f32 $5.000000000e-01, v24;
	vm2 =	vlt.s32 v30, $0xC7  }
0x1fb: {  	v26 =	vsel vm0, v29, v26;
	v29 =	vmul.u32 $0xC8, v22;
	v59 =	vnsel vm2, $0xC7, v30  }
0x1fc: {  	v34 =	vmul.f32 v24, v25;
	vm2 =	vgt.s32 v30, $0xC6;
	v30 =	vcvt.s32.f32 v59  }
0x1fd: {  	v22 =	vmul.f32 $2.500000000e-01, v26;
	v27 =	vadd.f32 v5, v27;
	v31 =	vsel vm2, $0x43470000, v31  }
0x1fe: {  	v24 =	vadd.s32 v33, v29;
	v26 =	vadd.f32 v34, v23;
	v29 =	vsub.f32 v31, v30  }
0x1ff: {  	vm3 =	vle.f32 v28, $2.000000000e+02;
	v27 =	vadd.f32 $5.000000000e-01, v27;
	vm2 =	vge.f32 v28, $-1.000000000e+00  }
0x200: {  	vm2 =	vmand vm2, vm3;
	v28 =	vmax.f32 v26, $0.0e+00;
	v30 =	vsub.f32 $1.000000000e+00, v29  }
0x201: {  	s31 =	simm.s32 $0x3;
	v32 =	vadd.s32 v9, v59;
	v60 =	vsel vm2, $0x3F800000, v7;
	v61 =	vtrunc.f32 v28  }
0x202: {  	v31 =	vmov s31;
	v29 =	vmul.f32 v29, v60;
	v35 =	vmul.f32 v30, v60  }
0x203: {  	vm2 =	vlt.s32 v32, $0xC7;
	v62 =	vcvt.s32.f32 v31;
	v30 =	vcvt.f32.s32 v61  }
0x204: {  	v31 =	vmul.f32 $5.000000000e-01, v27;
	v27 =	vnsel vm2, $0xC7, v32;
	v29 =	vsel vm1, v35, v29  }
0x205: {  	s26 =	simm.s32 $0x80;
	v63 =	vadd.s32 v27, v24;
	vm2 =	vlt.s32 v30, $0xC7;
	v27 =	vmul.f32 v29, v22  }
0x206: {  	s28 =	simm.s32 $0x4;
	s25 =	simm.s32 $0x180;
	v32 =	vadd.f32 v62, v62;
	[tilespmem:s26+$0x0] =	vst v63;
	v29 =	vnsel vm2, $0xC7, v30  }
.LBB2_14:
0x207: {  	p2 =	sne.s32 s28, $0x6;
	v31 =	vmul.f32 v31, v25;
	vm2 =	vgt.s32 v30, $0xC6;
	v30 =	vcvt.s32.f32 v29;
	[tilespmem:s25+$0x0] =	vst v27  }
0x208: {  	v27 =	vbroadcast v32, $0x0;
	v28 =	vsel vm2, $0x43470000, v28  }
0x209: {  	v32 =	vmov s28;
	v31 =	vadd.f32 v31, v23;
	v30 =	vsub.f32 v28, v30  }
0x20a: {  	vm3 =	vle.f32 v26, $2.000000000e+02;
	vm2 =	vge.f32 v26, $-1.000000000e+00;
	v27 =	vadd.f32 v5, v27  }
0x20b: {  	vm2 =	vmand vm2, vm3;
	v28 =	vmax.f32 v31, $0.0e+00;
	v33 =	vsub.f32 $1.000000000e+00, v30;
	v26 =	vmovc v31  }
0x20c: {  	v34 =	vsel vm2, $0x3F800000, v7;
	v27 =	vadd.f32 $5.000000000e-01, v27;
	v31 =	vtrunc.f32 v28  }
.Ltmp11:
0x20d: {  	v29 =	vadd.s32 v9, v29;
	v33 =	vmul.f32 v33, v34;
	v34 =	vmul.f32 v30, v34;
	(pc) =	sbr.rel @p2 .LBB2_14-.Ltmp11, $4  }
0x20e: {  	v32 =	vcvt.s32.f32 v32;
	vm2 =	vlt.s32 v29, $0xC7;
	v30 =	vcvt.f32.s32 v31  }
0x20f: {  	v31 =	vmul.f32 $5.000000000e-01, v27;
	v27 =	vnsel vm2, $0xC7, v29;
	v29 =	vsel vm1, v33, v34  }
0x210: {  	s26 =	sadd.s32 $0x10, s26;
	vm2 =	vlt.s32 v30, $0xC7;
	v33 =	vadd.s32 v27, v24;
	v27 =	vmul.f32 v29, v22  }
0x211: {  	s25 =	sadd.s32 $0x10, s25;
	s28 =	sadd.s32 $0x1, s28;
	v32 =	vadd.f32 v32, v32;
	v29 =	vnsel vm2, $0xC7, v30;
	[tilespmem:s26+$0x0] =	vst v33  }
0x212: {  	_ = 	snop  }
0x213: {  	v32 =	vbroadcast v32, $0x0;
	_ =	sdelay $0x1  }
0x214: {  	v32 =	vadd.f32 v5, v32;
	_ =	sdelay $0x1  }
0x215: {  	v31 =	vmul.f32 v31, v25;
	v32 =	vadd.f32 $5.000000000e-01, v32  }
0x216: {  	v33 =	vcvt.s32.f32 v29  }
0x217: {  	vm2 =	vgt.s32 v30, $0xC6;
	v31 =	vadd.f32 v31, v23;
	v32 =	vmul.f32 $5.000000000e-01, v32  }
0x218: {  	vm3 =	vle.f32 v26, $2.000000000e+02;
	v51 =	vadd.s32 v9, v29;
	v28 =	vsel vm2, $0x43470000, v28  }
0x219: {  	vm2 =	vge.f32 v26, $-1.000000000e+00;
	v34 =	vmax.f32 v31, $0.0e+00;
	v42 =	vmul.f32 v32, v25  }
0x21a: {  	v28 =	vsub.f32 v28, v33;
	vm2 =	vmand vm2, vm3;
	v41 =	vtrunc.f32 v34  }
0x21b: {  	v46 =	vsel vm2, $0x3F800000, v7;
	v30 =	vcvt.f32.s32 v41;
	v23 =	vadd.f32 v42, v23  }
0x21c: {  	v44 =	vsub.f32 $1.000000000e+00, v28;
	vm2 =	vge.f32 v31, $-1.000000000e+00;
	v28 =	vmul.f32 v28, v46  }
0x21d: {  	vm4 =	vlt.s32 v30, $0xC7;
	vm3 =	vgt.s32 v30, $0xC6;
	v48 =	vmax.f32 v23, $0.0e+00  }
0x21e: {  	v43 =	vnsel vm4, $0xC7, v30;
	v47 =	vsel vm3, $0x43470000, v34;
	v49 =	vtrunc.f32 v48  }
0x21f: {  	vm3 =	vle.f32 v31, $2.000000000e+02;
	v45 =	vcvt.s32.f32 v43;
	v50 =	vcvt.f32.s32 v49  }
0x220: {  	v25 =	vmul.f32 v44, v46;
	vm2 =	vmand vm2, vm3;
	vm3 =	vlt.s32 v51, $0xC7  }
0x221: {  	v53 =	vsel vm2, $0x3F800000, v7;
	v30 =	vsub.f32 v47, v45;
	vm2 =	vlt.s32 v50, $0xC7  }
0x222: {  	v26 =	vadd.s32 v9, v43;
	v29 =	vnsel vm3, $0xC7, v51;
	v54 =	vnsel vm2, $0xC7, v50  }
0x223: {  	v52 =	vsub.f32 $1.000000000e+00, v30;
	vm2 =	vgt.s32 v50, $0xC6;
	v55 =	vcvt.s32.f32 v54  }
0x224: {  	v25 =	vsel vm1, v25, v28;
	v29 =	vadd.s32 v29, v24;
	v56 =	vsel vm2, $0x43470000, v48  }
0x225: {  	v30 =	vmul.f32 v30, v53;
	v32 =	vmul.f32 v52, v53;
	v31 =	vsub.f32 v56, v55  }
0x226: {  	v25 =	vmul.f32 v25, v22;
	vm3 =	vle.f32 v23, $2.000000000e+02;
	vm2 =	vge.f32 v23, $-1.000000000e+00  }
0x227: {  	v57 =	vsel vm1, v32, v30;
	vm2 =	vmand vm2, vm3;
	v23 =	vsub.f32 $1.000000000e+00, v31  }
0x228: {  	[tilespmem:s25+$0x0] =	vst v27;
	s26 =	sadd.s32 $0x10, s26;
	v28 =	vadd.s32 v9, v54;
	vm3 =	vlt.s32 v26, $0xC7;
	v58 =	vsel vm2, $0x3F800000, v7  }
0x229: {  	s31 =	sadd.s32 $0x10, s25;
	[tilespmem:s26+$0x0] =	vst v29;
	v26 =	vnsel vm3, $0xC7, v26;
	v59 =	vmul.f32 v31, v58;
	v23 =	vmul.f32 v23, v58  }
0x22a: {  	s26 =	sadd.s32 $0x10, s26;
	[tilespmem:s31+$0x0] =	vst v25;
	v61 =	vmul.f32 v57, v22;
	vm2 =	vlt.s32 v28, $0xC7;
	v60 =	vadd.s32 v26, v24  }
0x22b: {  	p2 =	sne.s32 s24, $0x0;
	s25 =	sadd.s32 $0x10, s31;
	v62 =	vnsel vm2, $0xC7, v28;
	[tilespmem:s26+$0x0] =	vst v60;
	v23 =	vsel vm1, v23, v59  }
0x22c: {  	p3 =	slt.s32 @!p2 s19, $0x1;
	v63 =	vadd.s32 v62, v24;
	s26 =	sadd.s32 $0x10, s26;
	[tilespmem:s25+$0x0] =	vst v61;
	v22 =	vmul.f32 v23, v22  }
0x22d: {  	p2 =	por p3, p2;
	s25 =	sadd.s32 $0x10, s25;
	[tilespmem:s26+$0x0] =	vst v63  }
0x22e: {  	[tilespmem:s25+$0x0] =	vst v22;
	s25 =	simm.s32 @!p2 $0x3  }
0x22f: {  	[tilespmem:s12], [sflag:$0x1] =	stream.indirect.gather [hbm4b:s4+s10], $0x80, s11, s10, $0xb8;
	[tilespmem:$0xA380] =	vst v63  }
0x230: {  	_ =	swait.ge @!p2 [sflag:s25], $0x3100  }
0x231: {  	[sflag:s25] =	ssyncset.done @!p2 $0x0  }
0x232: {  	[sflag:s25] =	ssyncadd.s32 @!p2 $0xFFFFCF00  }
.LBB2_16:
0x233: {  	s24 =	smul.u32 $0x1C00, s24;
	_ =	sdelay $0x1  }
0x234: {  	s24 =	sshra.s32 s24, $0x2  }
0x235: {  	s25 =	simm.s32 $0x0;
	s26 =	simm.s32 $0x3E80;
	s24 =	sadd.s32 $0x7300, s24  }
.LBB2_17:
0x236: {  	v23 =	vld [tilespmem:s26+$0xFFFFFC00]  }
0x237: {  	v24 =	vld [tilespmem:s26+$0xFFFFFC10]  }
0x238: {  	s28 =	sshra.s32 s25, $0x2;
	v25 =	vld [tilespmem:s26+$0xFFFFFC20]  }
0x239: {  	v22 =	vld [tilespmem:s28+$0x200]  }
0x23a: {  	v26 =	vld [tilespmem:s26+$0xFFFFFC30]  }
0x23b: {  	v28 =	vld [tilespmem:s26+$0xFFFFFC40]  }
0x23c: {  	v30 =	vld [tilespmem:s26+$0xFFFFFC50]  }
0x23d: {  	v32 =	vld [tilespmem:s26+$0xFFFFFC60]  }
0x23e: {  	v34 =	vld [tilespmem:s26+$0xFFFFFC80];
	v29 =	vshll.u32 v23, $0x10;
	v31 =	vshll.u32 v24, $0x10;
	v27 =	vperm.xlane v22, v0  }
0x23f: {  	v36 =	vld [tilespmem:s26+$0xFFFFFC90];
	v33 =	vshll.u32 v25, $0x10;
	v35 =	vshll.u32 v26, $0x10;
	v41 =	vperm.xlane v22, v1  }
0x240: {  	v38 =	vld [tilespmem:s26+$0xFFFFFC70];
	v37 =	vshll.u32 v28, $0x10;
	v29 =	vmul.f32 v29, v27;
	v23 =	vmul.f32 v23, v27  }
0x241: {  	v42 =	vld [tilespmem:s26+$0xFFFFFCA0];
	v39 =	vshll.u32 v30, $0x10;
	v31 =	vmul.f32 v31, v27;
	v24 =	vmul.f32 v24, v27  }
0x242: {  	v44 =	vld [tilespmem:s26+$0xFFFFFCB0];
	v40 =	vshll.u32 v32, $0x10;
	v33 =	vmul.f32 v33, v27;
	v25 =	vmul.f32 v25, v27  }
0x243: {  	v55 =	vld [tilespmem:s26+$0xFFFFFCC0];
	v43 =	vshll.u32 v34, $0x10;
	v35 =	vmul.f32 v35, v27;
	v26 =	vmul.f32 v26, v27  }
0x244: {  	v57 =	vld [tilespmem:s26+$0xFFFFFCD0];
	v45 =	vshll.u32 v36, $0x10;
	v37 =	vmul.f32 v37, v27;
	v28 =	vmul.f32 v28, v27  }
0x245: {  	v48 =	vld [tilespmem:s26+$0xFFFFFCE0];
	v46 =	vshll.u32 v38, $0x10;
	v39 =	vmul.f32 v39, v27;
	v30 =	vmul.f32 v30, v27  }
0x246: {  	v60 =	vld [tilespmem:s26+$0xFFFFFCF0];
	v56 =	vshll.u32 v42, $0x10;
	v40 =	vmul.f32 v40, v27;
	v43 =	vmul.f32 v43, v41  }
0x247: {  	v47 =	vshll.u32 v44, $0x10;
	v34 =	vmul.f32 v34, v41;
	v32 =	vmul.f32 v32, v27  }
0x248: {  	v59 =	vshll.u32 v55, $0x10;
	v45 =	vmul.f32 v45, v41;
	v46 =	vmul.f32 v46, v27  }
0x249: {  	v61 =	vshll.u32 v57, $0x10;
	v36 =	vmul.f32 v36, v41;
	v42 =	vmul.f32 v42, v41  }
0x24a: {  	v49 =	vshll.u32 v48, $0x10;
	v58 =	vmul.f32 v47, v41;
	v44 =	vmul.f32 v44, v41  }
0x24b: {  	v53 =	vshll.u32 v60, $0x10;
	v27 =	vmul.f32 v38, v27;
	v63 =	vmul.f32 v57, v41  }
0x24c: {  	v62 =	vld [tilespmem:s26+$0xFFFFFD00];
	v50 =	vmul.f32 v49, v41;
	v51 =	vmul.f32 v48, v41;
	v29 =	vadd.f32 v43, v29  }
0x24d: {  	v52 =	vld [tilespmem:s26+$0xFFFFFD10];
	v38 =	vmul.f32 v60, v41;
	v23 =	vadd.f32 v34, v23;
	v31 =	vadd.f32 v45, v31  }
0x24e: {  	v43 =	vmul.f32 v56, v41;
	v24 =	vadd.f32 v36, v24;
	v25 =	vadd.f32 v42, v25  }
0x24f: {  	v35 =	vadd.f32 v58, v35;
	v26 =	vadd.f32 v44, v26;
	v36 =	vmul.f32 v59, v41  }
0x250: {  	v54 =	vld [tilespmem:s26+$0xFFFFFD20];
	v34 =	vmul.f32 v55, v41;
	v42 =	vmul.f32 v61, v41;
	v30 =	vadd.f32 v63, v30  }
0x251: {  	v44 =	vperm.xlane v22, v2;
	v55 =	vshll.u32 v62, $0x10;
	v32 =	vadd.f32 v51, v32  }
0x252: {  	v60 =	vld [tilespmem:s26+$0xFFFFFD40];
	v27 =	vadd.f32 v38, v27;
	v59 =	vshll.u32 v52, $0x10;
	v33 =	vadd.f32 v43, v33  }
0x253: {  	v28 =	vadd.f32 v34, v28;
	v34 =	vadd.f32 v50, v40;
	v40 =	vmul.f32 v53, v41  }
0x254: {  	v36 =	vadd.f32 v36, v37;
	v57 =	vmul.f32 v55, v44;
	v58 =	vmul.f32 v62, v44  }
0x255: {  	v56 =	vld [tilespmem:s26+$0xFFFFFD30];
	v38 =	vmul.f32 v59, v44;
	v61 =	vmul.f32 v52, v44;
	v62 =	vshll.u32 v54, $0x10  }
0x256: {  	v63 =	vld [tilespmem:s26+$0xFFFFFD50];
	v37 =	vadd.f32 v42, v39;
	v45 =	vmul.f32 v54, v44;
	v42 =	vmul.f32 v62, v44  }
0x257: {  	v52 =	vshll.u32 v60, $0x10;
	v40 =	vadd.f32 v40, v46;
	v29 =	vadd.f32 v57, v29  }
0x258: {  	v50 =	vld [tilespmem:s26+$0xFFFFFD60];
	v39 =	vmul.f32 v60, v44;
	v23 =	vadd.f32 v58, v23;
	v31 =	vadd.f32 v38, v31  }
0x259: {  	v53 =	vld [tilespmem:s26+$0xFFFFFD70];
	v24 =	vadd.f32 v61, v24;
	v25 =	vadd.f32 v45, v25;
	v38 =	vmul.f32 v52, v44  }
0x25a: {  	v55 =	vld [tilespmem:s26+$0xFFFFFD80];
	v48 =	vshll.u32 v56, $0x10;
	v33 =	vadd.f32 v42, v33;
	v51 =	vmul.f32 v56, v44  }
0x25b: {  	v54 =	vshll.u32 v63, $0x10;
	v43 =	vmul.f32 v63, v44;
	v28 =	vadd.f32 v39, v28  }
0x25c: {  	v60 =	vld [tilespmem:s26+$0xFFFFFDA0];
	v49 =	vmul.f32 v48, v44;
	v56 =	vmul.f32 v54, v44;
	v36 =	vadd.f32 v38, v36  }
0x25d: {  	v58 =	vld [tilespmem:s26+$0xFFFFFD90];
	v26 =	vadd.f32 v51, v26;
	v30 =	vadd.f32 v43, v30;
	v57 =	vshll.u32 v50, $0x10  }
0x25e: {  	v59 =	vshll.u32 v53, $0x10;
	v43 =	vperm.xlane v22, v3;
	v41 =	vmul.f32 v50, v44  }
0x25f: {  	v61 =	vshll.u32 v55, $0x10;
	v62 =	vmul.f32 v53, v44;
	v35 =	vadd.f32 v49, v35  }
0x260: {  	v37 =	vadd.f32 v56, v37;
	v38 =	vmul.f32 v57, v44;
	v42 =	vmul.f32 v59, v44  }
0x261: {  	v48 =	vld [tilespmem:s26+$0xFFFFFDC0];
	v50 =	vshll.u32 v60, $0x10;
	v63 =	vmul.f32 v61, v43;
	v32 =	vadd.f32 v41, v32  }
0x262: {  	v51 =	vld [tilespmem:s26+$0xFFFFFDD0];
	v45 =	vmul.f32 v55, v43;
	v27 =	vadd.f32 v62, v27;
	v47 =	vshll.u32 v58, $0x10  }
0x263: {  	v53 =	vld [tilespmem:s26+$0xFFFFFDE0];
	v39 =	vmul.f32 v58, v43;
	v41 =	vmul.f32 v50, v43;
	v34 =	vadd.f32 v38, v34  }
0x264: {  	v49 =	vld [tilespmem:s26+$0xFFFFFDB0];
	v54 =	vmul.f32 v60, v43;
	v40 =	vadd.f32 v42, v40;
	v29 =	vadd.f32 v63, v29  }
0x265: {  	v38 =	vmul.f32 v47, v43;
	v23 =	vadd.f32 v45, v23;
	v24 =	vadd.f32 v39, v24  }
0x266: {  	v58 =	vld [tilespmem:s26+$0xFFFFFDF0];
	v33 =	vadd.f32 v41, v33;
	v25 =	vadd.f32 v54, v25  }
0x267: {  	v60 =	vld [tilespmem:s26+$0xFFFFFE00];
	v56 =	vshll.u32 v48, $0x10;
	v42 =	vmul.f32 v48, v43;
	v31 =	vadd.f32 v38, v31  }
0x268: {  	v50 =	vld [tilespmem:s26+$0xFFFFFE20];
	v38 =	vmul.f32 v56, v43;
	v57 =	vshll.u32 v51, $0x10;
	v61 =	vmul.f32 v51, v43  }
0x269: {  	v59 =	vshll.u32 v53, $0x10;
	v48 =	vmul.f32 v53, v43;
	v55 =	vmul.f32 v49, v43  }
0x26a: {  	v52 =	vshll.u32 v49, $0x10;
	v39 =	vmul.f32 v57, v43;
	v62 =	vmul.f32 v59, v43  }
0x26b: {  	v63 =	vld [tilespmem:s26+$0xFFFFFE10];
	v28 =	vadd.f32 v42, v28;
	v45 =	vmul.f32 v52, v43;
	v36 =	vadd.f32 v38, v36  }
0x26c: {  	v30 =	vadd.f32 v61, v30;
	v32 =	vadd.f32 v48, v32;
	v49 =	vshll.u32 v58, $0x10  }
0x26d: {  	v41 =	vmul.f32 v58, v43;
	v51 =	vshll.u32 v60, $0x10;
	v57 =	vshll.u32 v50, $0x10  }
0x26e: {  	v26 =	vadd.f32 v55, v26;
	v37 =	vadd.f32 v39, v37;
	v39 =	vperm.xlane v22, v4  }
0x26f: {  	v52 =	vld [tilespmem:s26+$0xFFFFFE30];
	v34 =	vadd.f32 v62, v34;
	v38 =	vmul.f32 v49, v43;
	v35 =	vadd.f32 v45, v35  }
0x270: {  	v58 =	vld [tilespmem:s26+$0xFFFFFE50];
	v53 =	vshll.u32 v63, $0x10;
	v27 =	vadd.f32 v41, v27;
	v43 =	vmul.f32 v51, v39  }
0x271: {  	v55 =	vld [tilespmem:s26+$0xFFFFFE40];
	v46 =	vmul.f32 v60, v39;
	v38 =	vadd.f32 v38, v40;
	v54 =	vmul.f32 v53, v39  }
0x272: {  	v49 =	vld [tilespmem:s26+$0xFFFFFE80];
	v56 =	vmul.f32 v63, v39;
	v40 =	vmul.f32 v57, v39;
	v29 =	vadd.f32 v43, v29  }
0x273: {  	v42 =	vmul.f32 v50, v39;
	v23 =	vadd.f32 v46, v23;
	v31 =	vadd.f32 v54, v31  }
0x274: {  	v60 =	vld [tilespmem:s26+$0xFFFFFE60];
	v59 =	vshll.u32 v52, $0x10;
	v24 =	vadd.f32 v56, v24;
	v44 =	vmul.f32 v52, v39  }
0x275: {  	v63 =	vld [tilespmem:s26+$0xFFFFFE70];
	v33 =	vadd.f32 v40, v33;
	v25 =	vadd.f32 v42, v25;
	v48 =	vshll.u32 v58, $0x10  }
0x276: {  	v45 =	vmul.f32 v58, v39;
	v61 =	vmul.f32 v59, v39;
	v62 =	vshll.u32 v55, $0x10  }
0x277: {  	v41 =	vmul.f32 v55, v39;
	v43 =	vmul.f32 v48, v39;
	v56 =	vshll.u32 v49, $0x10  }
0x278: {  	v53 =	vld [tilespmem:s26+$0xFFFFFE90];
	v26 =	vadd.f32 v44, v26;
	v40 =	vmul.f32 v62, v39;
	v30 =	vadd.f32 v45, v30  }
0x279: {  	v57 =	vld [tilespmem:s26+$0xFFFFFEB0];
	v45 =	vperm.xlane v22, v11;
	v35 =	vadd.f32 v61, v35;
	v50 =	vshll.u32 v60, $0x10  }
0x27a: {  	v28 =	vadd.f32 v41, v28;
	v52 =	vmul.f32 v60, v39;
	v54 =	vshll.u32 v63, $0x10  }
0x27b: {  	v36 =	vadd.f32 v40, v36;
	v51 =	vmul.f32 v50, v39;
	v40 =	vmul.f32 v54, v39  }
0x27c: {  	v55 =	vld [tilespmem:s26+$0xFFFFFEA0];
	v37 =	vadd.f32 v43, v37;
	v39 =	vmul.f32 v63, v39;
	v58 =	vmul.f32 v56, v45  }
0x27d: {  	v48 =	vld [tilespmem:s26+$0xFFFFFED0];
	v60 =	vshll.u32 v53, $0x10;
	v59 =	vmul.f32 v49, v45;
	v62 =	vmul.f32 v53, v45  }
0x27e: {  	v50 =	vshll.u32 v57, $0x10;
	v32 =	vadd.f32 v52, v32;
	v34 =	vadd.f32 v51, v34  }
0x27f: {  	v53 =	vmul.f32 v57, v45;
	v38 =	vadd.f32 v40, v38;
	v27 =	vadd.f32 v39, v27  }
0x280: {  	v61 =	vld [tilespmem:s26+$0xFFFFFEC0];
	v29 =	vadd.f32 v58, v29;
	v23 =	vadd.f32 v59, v23;
	v39 =	vmul.f32 v60, v45  }
0x281: {  	v63 =	vshll.u32 v55, $0x10;
	v49 =	vmul.f32 v55, v45;
	v24 =	vadd.f32 v62, v24  }
0x282: {  	v57 =	vld [tilespmem:s26+$0xFFFFFF00];
	v51 =	vmul.f32 v50, v45;
	v56 =	vshll.u32 v48, $0x10;
	v26 =	vadd.f32 v53, v26  }
0x283: {  	v52 =	vld [tilespmem:s26+$0xFFFFFEE0];
	v43 =	vmul.f32 v48, v45;
	v42 =	vmul.f32 v63, v45;
	v31 =	vadd.f32 v39, v31  }
0x284: {  	v55 =	vld [tilespmem:s26+$0xFFFFFEF0];
	v58 =	vmul.f32 v56, v45;
	v25 =	vadd.f32 v49, v25;
	v35 =	vadd.f32 v51, v35  }
0x285: {  	v60 =	vld [tilespmem:s26+$0xFFFFFF10];
	v54 =	vshll.u32 v61, $0x10;
	v40 =	vmul.f32 v61, v45;
	v30 =	vadd.f32 v43, v30  }
0x286: {  	v62 =	vld [tilespmem:s26+$0xFFFFFF20];
	v43 =	vperm.xlane v22, v12;
	v33 =	vadd.f32 v42, v33;
	v39 =	vmul.f32 v54, v45  }
0x287: {  	v37 =	vadd.f32 v58, v37;
	v63 =	vshll.u32 v57, $0x10;
	v28 =	vadd.f32 v40, v28  }
0x288: {  	v59 =	vshll.u32 v52, $0x10;
	v41 =	vmul.f32 v52, v45;
	v54 =	vmul.f32 v63, v43  }
0x289: {  	v36 =	vadd.f32 v39, v36;
	v39 =	vmul.f32 v59, v45;
	v61 =	vshll.u32 v55, $0x10  }
0x28a: {  	v48 =	vld [tilespmem:s26+$0xFFFFFF70];
	v53 =	vmul.f32 v55, v45;
	v55 =	vmul.f32 v57, v43;
	v56 =	vshll.u32 v60, $0x10  }
0x28b: {  	v52 =	vld [tilespmem:s26+$0xFFFFFF30];
	v58 =	vshll.u32 v62, $0x10;
	v40 =	vmul.f32 v60, v43;
	v62 =	vmul.f32 v62, v43  }
0x28c: {  	v57 =	vld [tilespmem:s26+$0xFFFFFF40];
	v42 =	vmul.f32 v61, v45;
	v32 =	vadd.f32 v41, v32;
	v29 =	vadd.f32 v54, v29  }
0x28d: {  	v59 =	vld [tilespmem:s26+$0xFFFFFF50];
	v41 =	vmul.f32 v58, v43;
	v34 =	vadd.f32 v39, v34;
	v27 =	vadd.f32 v53, v27  }
0x28e: {  	v23 =	vadd.f32 v55, v23;
	v39 =	vmul.f32 v56, v43;
	v24 =	vadd.f32 v40, v24  }
0x28f: {  	v61 =	vld [tilespmem:s26+$0xFFFFFF60];
	v25 =	vadd.f32 v62, v25;
	v55 =	vshll.u32 v48, $0x10;
	v38 =	vadd.f32 v42, v38  }
0x290: {  	v33 =	vadd.f32 v41, v33;
	v41 =	vmul.f32 v48, v43;
	v60 =	vshll.u32 v52, $0x10  }
0x291: {  	v50 =	vld [tilespmem:s26+$0xFFFFFF80];
	v31 =	vadd.f32 v39, v31;
	v63 =	vmul.f32 v52, v43;
	v45 =	vmul.f32 v60, v43  }
0x292: {  	v53 =	vld [tilespmem:s26+$0xFFFFFF90];
	v46 =	vshll.u32 v59, $0x10;
	v42 =	vmul.f32 v57, v43;
	v51 =	vmul.f32 v59, v43  }
0x293: {  	v56 =	vld [tilespmem:s26+$0xFFFFFFA0];
	v27 =	vadd.f32 v41, v27;
	v26 =	vadd.f32 v63, v26;
	v40 =	vmul.f32 v46, v43  }
0x294: {  	v58 =	vld [tilespmem:s26+$0xFFFFFFB0];
	v49 =	vshll.u32 v61, $0x10;
	v54 =	vmul.f32 v61, v43;
	v35 =	vadd.f32 v45, v35  }
0x295: {  	v45 =	vshll.u32 v57, $0x10;
	v52 =	vmul.f32 v49, v43;
	v28 =	vadd.f32 v42, v28  }
0x296: {  	v48 =	vld [tilespmem:s26+$0xFFFFFFD0];
	v30 =	vadd.f32 v51, v30;
	v57 =	vshll.u32 v50, $0x10;
	v39 =	vmul.f32 v45, v43  }
0x297: {  	v59 =	vshll.u32 v53, $0x10;
	v37 =	vadd.f32 v40, v37;
	v40 =	vperm.xlane v22, v13  }
0x298: {  	v61 =	vld [tilespmem:s26+$0xFFFFFFC0];
	v63 =	vshll.u32 v56, $0x10;
	v36 =	vadd.f32 v39, v36;
	v39 =	vmul.f32 v55, v43  }
0x299: {  	v49 =	vshll.u32 v58, $0x10;
	v43 =	vmul.f32 v57, v40;
	v46 =	vmul.f32 v50, v40  }
0x29a: {  	v32 =	vadd.f32 v54, v32;
	v60 =	vmul.f32 v59, v40;
	v62 =	vmul.f32 v53, v40  }
0x29b: {  	v54 =	vshll.u32 v48, $0x10;
	v42 =	vmul.f32 v56, v40;
	v51 =	vmul.f32 v49, v40  }
0x29c: {  	v34 =	vadd.f32 v52, v34;
	v50 =	vld [tilespmem:s26+$0xFFFFFFE0];
	v44 =	vmul.f32 v58, v40;
	v45 =	vmul.f32 v48, v40  }
0x29d: {  	v53 =	vld [tilespmem:s26+$0xFFFFFFF0];
	v52 =	vshll.u32 v61, $0x10;
	v38 =	vadd.f32 v39, v38;
	v29 =	vadd.f32 v43, v29  }
0x29e: {  	v55 =	vld [tilespmem:s26+$0x0];
	v41 =	vmul.f32 v61, v40;
	v23 =	vadd.f32 v46, v23;
	v31 =	vadd.f32 v60, v31  }
0x29f: {  	v59 =	vld [tilespmem:s26+$0x10];
	v39 =	vmul.f32 v63, v40;
	v24 =	vadd.f32 v62, v24;
	v25 =	vadd.f32 v42, v25  }
0x2a0: {  	v35 =	vadd.f32 v51, v35;
	v26 =	vadd.f32 v44, v26;
	v43 =	vmul.f32 v54, v40  }
0x2a1: {  	v30 =	vadd.f32 v45, v30;
	v45 =	vperm.xlane v22, v14;
	v28 =	vadd.f32 v41, v28  }
0x2a2: {  	v61 =	vld [tilespmem:s26+$0x20];
	v33 =	vadd.f32 v39, v33;
	v39 =	vmul.f32 v52, v40;
	v37 =	vadd.f32 v43, v37  }
0x2a3: {  	v63 =	vld [tilespmem:s26+$0x30];
	v56 =	vshll.u32 v50, $0x10;
	v58 =	vmul.f32 v50, v40;
	v60 =	vshll.u32 v53, $0x10  }
0x2a4: {  	v51 =	vld [tilespmem:s26+$0x40];
	v62 =	vshll.u32 v55, $0x10;
	v49 =	vmul.f32 v55, v45;
	v52 =	vmul.f32 v59, v45  }
0x2a5: {  	v54 =	vld [tilespmem:s26+$0x50];
	v36 =	vadd.f32 v39, v36;
	v57 =	vmul.f32 v56, v40;
	v39 =	vmul.f32 v60, v40  }
0x2a6: {  	v50 =	vshll.u32 v59, $0x10;
	v40 =	vmul.f32 v53, v40;
	v48 =	vmul.f32 v62, v45  }
0x2a7: {  	v53 =	vshll.u32 v61, $0x10;
	v55 =	vmul.f32 v61, v45;
	v32 =	vadd.f32 v58, v32  }
0x2a8: {  	v23 =	vadd.f32 v49, v23;
	v42 =	vmul.f32 v53, v45;
	v56 =	vshll.u32 v63, $0x10  }
0x2a9: {  	v24 =	vadd.f32 v52, v24;
	v59 =	vmul.f32 v63, v45;
	v60 =	vshll.u32 v51, $0x10  }
0x2aa: {  	v62 =	vshll.u32 v54, $0x10;
	v34 =	vadd.f32 v57, v34;
	v38 =	vadd.f32 v39, v38  }
0x2ab: {  	v61 =	vld [tilespmem:s26+$0x70];
	v43 =	vmul.f32 v54, v45;
	v27 =	vadd.f32 v40, v27;
	v29 =	vadd.f32 v48, v29  }
0x2ac: {  	v58 =	vld [tilespmem:s26+$0x60];
	v39 =	vmul.f32 v50, v45;
	v57 =	vmul.f32 v56, v45;
	v25 =	vadd.f32 v55, v25  }
0x2ad: {  	v63 =	vld [tilespmem:s26+$0x80];
	v40 =	vmul.f32 v51, v45;
	v50 =	vmul.f32 v62, v45;
	v33 =	vadd.f32 v42, v33  }
0x2ae: {  	v52 =	vld [tilespmem:s26+$0x90];
	v26 =	vadd.f32 v59, v26;
	v30 =	vadd.f32 v43, v30;
	v43 =	vperm.xlane v22, v15  }
0x2af: {  	v54 =	vld [tilespmem:s26+$0xA0];
	v31 =	vadd.f32 v39, v31;
	v35 =	vadd.f32 v57, v35;
	v39 =	vmul.f32 v60, v45  }
0x2b0: {  	v56 =	vld [tilespmem:s26+$0xB0];
	v28 =	vadd.f32 v40, v28;
	v37 =	vadd.f32 v50, v37;
	v53 =	vshll.u32 v61, $0x10  }
0x2b1: {  	v57 =	vmul.f32 v61, v45;
	v36 =	vadd.f32 v39, v36;
	v51 =	vshll.u32 v58, $0x10  }
0x2b2: {  	v41 =	vmul.f32 v58, v45;
	v42 =	vmul.f32 v53, v45;
	v55 =	vshll.u32 v63, $0x10  }
0x2b3: {  	v59 =	vmul.f32 v63, v43;
	v60 =	vshll.u32 v52, $0x10;
	v40 =	vmul.f32 v52, v43  }
0x2b4: {  	v62 =	vshll.u32 v54, $0x10;
	v39 =	vmul.f32 v51, v45;
	v58 =	vmul.f32 v55, v43  }
0x2b5: {  	v50 =	vld [tilespmem:s26+$0xE0];
	v27 =	vadd.f32 v57, v27;
	v48 =	vshll.u32 v56, $0x10;
	v51 =	vmul.f32 v54, v43  }
0x2b6: {  	v61 =	vld [tilespmem:s26+$0xC0];
	v52 =	vmul.f32 v56, v43;
	v32 =	vadd.f32 v41, v32;
	v38 =	vadd.f32 v42, v38  }
0x2b7: {  	v49 =	vld [tilespmem:s26+$0x130];
	v23 =	vadd.f32 v59, v23;
	v41 =	vmul.f32 v62, v43;
	v24 =	vadd.f32 v40, v24  }
0x2b8: {  	v63 =	vld [tilespmem:s26+$0xD0];
	v45 =	vmul.f32 v48, v43;
	v34 =	vadd.f32 v39, v34;
	v29 =	vadd.f32 v58, v29  }
0x2b9: {  	v39 =	vmul.f32 v60, v43;
	v25 =	vadd.f32 v51, v25;
	v26 =	vadd.f32 v52, v26  }
0x2ba: {  	v55 =	vld [tilespmem:s26+$0xF0];
	v56 =	vshll.u32 v50, $0x10;
	v33 =	vadd.f32 v41, v33;
	v35 =	vadd.f32 v45, v35  }
0x2bb: {  	v57 =	vld [tilespmem:s26+$0x100];
	v53 =	vshll.u32 v61, $0x10;
	v42 =	vmul.f32 v61, v43;
	v59 =	vmul.f32 v56, v43  }
0x2bc: {  	v61 =	vmul.f32 v50, v43;
	v56 =	vshll.u32 v49, $0x10;
	v31 =	vadd.f32 v39, v31  }
0x2bd: {  	v60 =	vld [tilespmem:s26+$0x110];
	v39 =	vmul.f32 v53, v43;
	v54 =	vshll.u32 v63, $0x10;
	v58 =	vmul.f32 v63, v43  }
0x2be: {  	v52 =	vld [tilespmem:s26+$0x140];
	v40 =	vmul.f32 v54, v43;
	v28 =	vadd.f32 v42, v28;
	v34 =	vadd.f32 v59, v34  }
0x2bf: {  	v63 =	vld [tilespmem:s26+$0x120];
	v32 =	vadd.f32 v61, v32;
	v62 =	vshll.u32 v55, $0x10;
	v41 =	vmul.f32 v55, v43  }
0x2c0: {  	v48 =	vshll.u32 v57, $0x10;
	v37 =	vadd.f32 v40, v37;
	v40 =	vperm.xlane v22, v16  }
0x2c1: {  	v36 =	vadd.f32 v39, v36;
	v30 =	vadd.f32 v58, v30;
	v39 =	vmul.f32 v62, v43  }
0x2c2: {  	v55 =	vld [tilespmem:s26+$0x150];
	v50 =	vshll.u32 v60, $0x10;
	v27 =	vadd.f32 v41, v27;
	v43 =	vmul.f32 v48, v40  }
0x2c3: {  	v59 =	vshll.u32 v52, $0x10;
	v46 =	vmul.f32 v57, v40;
	v51 =	vmul.f32 v50, v40  }
0x2c4: {  	v38 =	vadd.f32 v39, v38;
	v53 =	vmul.f32 v60, v40;
	v42 =	vmul.f32 v63, v40  }
0x2c5: {  	v62 =	vld [tilespmem:s26+$0x180];
	v54 =	vshll.u32 v63, $0x10;
	v58 =	vmul.f32 v56, v40;
	v44 =	vmul.f32 v49, v40  }
0x2c6: {  	v41 =	vmul.f32 v52, v40;
	v39 =	vmul.f32 v54, v40;
	v29 =	vadd.f32 v43, v29  }
0x2c7: {  	v57 =	vld [tilespmem:s26+$0x160];
	v61 =	vshll.u32 v55, $0x10;
	v23 =	vadd.f32 v46, v23;
	v31 =	vadd.f32 v51, v31  }
0x2c8: {  	v60 =	vld [tilespmem:s26+$0x170];
	v45 =	vmul.f32 v55, v40;
	v24 =	vadd.f32 v53, v24;
	v25 =	vadd.f32 v42, v25  }
0x2c9: {  	v50 =	vld [tilespmem:s26+$0x190];
	v35 =	vadd.f32 v58, v35;
	v26 =	vadd.f32 v44, v26;
	v43 =	vmul.f32 v61, v40  }
0x2ca: {  	v52 =	vld [tilespmem:s26+$0x1A0];
	v28 =	vadd.f32 v41, v28;
	v53 =	vshll.u32 v62, $0x10;
	v33 =	vadd.f32 v39, v33  }
0x2cb: {  	v39 =	vmul.f32 v59, v40;
	v30 =	vadd.f32 v45, v30;
	v45 =	vperm.xlane v22, v17  }
0x2cc: {  	v54 =	vld [tilespmem:s26+$0x1B0];
	v46 =	vperm.xlane v22, v19;
	v37 =	vadd.f32 v43, v37;
	v63 =	vshll.u32 v57, $0x10  }
0x2cd: {  	v36 =	vadd.f32 v39, v36;
	v49 =	vmul.f32 v57, v40;
	v55 =	vmul.f32 v53, v45  }
0x2ce: {  	v58 =	vld [tilespmem:s26+$0x1C0];
	v51 =	vshll.u32 v60, $0x10;
	v56 =	vmul.f32 v62, v45;
	v59 =	vmul.f32 v50, v45  }
0x2cf: {  	v61 =	vld [tilespmem:s26+$0x1D0];
	v57 =	vshll.u32 v50, $0x10;
	v62 =	vmul.f32 v52, v45;
	v48 =	vmul.f32 v63, v40  }
0x2d0: {  	v39 =	vmul.f32 v51, v40;
	v40 =	vmul.f32 v60, v40;
	v60 =	vshll.u32 v52, $0x10  }
0x2d1: {  	v63 =	vshll.u32 v54, $0x10;
	v50 =	vmul.f32 v54, v45;
	v32 =	vadd.f32 v49, v32  }
0x2d2: {  	v29 =	vadd.f32 v55, v29;
	v23 =	vadd.f32 v56, v23;
	v42 =	vmul.f32 v60, v45  }
0x2d3: {  	v24 =	vadd.f32 v59, v24;
	v25 =	vadd.f32 v62, v25;
	v51 =	vshll.u32 v58, $0x10  }
0x2d4: {  	v52 =	vld [tilespmem:s26+$0x1F0];
	v53 =	vshll.u32 v61, $0x10;
	v43 =	vmul.f32 v61, v45;
	v34 =	vadd.f32 v48, v34  }
0x2d5: {  	v54 =	vld [tilespmem:s26+$0x200];
	v38 =	vadd.f32 v39, v38;
	v27 =	vadd.f32 v40, v27;
	v39 =	vmul.f32 v57, v45  }
0x2d6: {  	v49 =	vld [tilespmem:s26+$0x1E0];
	v48 =	vmul.f32 v63, v45;
	v40 =	vmul.f32 v58, v45;
	v26 =	vadd.f32 v50, v26  }
0x2d7: {  	v59 =	vld [tilespmem:s26+$0x220];
	v55 =	vmul.f32 v53, v45;
	v33 =	vadd.f32 v42, v33;
	v30 =	vadd.f32 v43, v30  }
0x2d8: {  	v62 =	vld [tilespmem:s26+$0x230];
	v43 =	vperm.xlane v22, v18;
	v31 =	vadd.f32 v39, v31;
	v35 =	vadd.f32 v48, v35  }
0x2d9: {  	v57 =	vld [tilespmem:s26+$0x210];
	v39 =	vmul.f32 v51, v45;
	v28 =	vadd.f32 v40, v28;
	v37 =	vadd.f32 v55, v37  }
0x2da: {  	v58 =	vshll.u32 v52, $0x10;
	v44 =	vmul.f32 v52, v45;
	v60 =	vshll.u32 v54, $0x10  }
0x2db: {  	v63 =	vmul.f32 v54, v43;
	v36 =	vadd.f32 v39, v36;
	v41 =	vmul.f32 v49, v45  }
0x2dc: {  	v56 =	vshll.u32 v49, $0x10;
	v42 =	vmul.f32 v58, v45;
	v61 =	vmul.f32 v60, v43  }
0x2dd: {  	v51 =	vld [tilespmem:s26+$0x250];
	v50 =	vshll.u32 v59, $0x10;
	v53 =	vmul.f32 v59, v43;
	v54 =	vshll.u32 v62, $0x10  }
0x2de: {  	v55 =	vld [tilespmem:s26+$0x260];
	v39 =	vmul.f32 v56, v45;
	v27 =	vadd.f32 v44, v27;
	v48 =	vshll.u32 v57, $0x10  }
0x2df: {  	v40 =	vmul.f32 v57, v43;
	v23 =	vadd.f32 v63, v23;
	v32 =	vadd.f32 v41, v32  }
0x2e0: {  	v49 =	vld [tilespmem:s26+$0x240];
	v52 =	vmul.f32 v50, v43;
	v38 =	vadd.f32 v42, v38;
	v29 =	vadd.f32 v61, v29  }
0x2e1: {  	v60 =	vld [tilespmem:s26+$0x280];
	v25 =	vadd.f32 v53, v25;
	v41 =	vmul.f32 v62, v43;
	v34 =	vadd.f32 v39, v34  }
0x2e2: {  	v39 =	vmul.f32 v48, v43;
	v24 =	vadd.f32 v40, v24;
	v33 =	vadd.f32 v52, v33  }
0x2e3: {  	v57 =	vld [tilespmem:s26+$0x270];
	v58 =	vshll.u32 v51, $0x10;
	v61 =	vmul.f32 v51, v43;
	v62 =	vshll.u32 v55, $0x10  }
0x2e4: {  	v63 =	vld [tilespmem:s26+$0x290];
	v40 =	vmul.f32 v55, v43;
	v26 =	vadd.f32 v41, v26;
	v59 =	vmul.f32 v58, v43  }
0x2e5: {  	v31 =	vadd.f32 v39, v31;
	v39 =	vmul.f32 v54, v43;
	v56 =	vshll.u32 v49, $0x10  }
0x2e6: {  	v44 =	vmul.f32 v49, v43;
	v30 =	vadd.f32 v61, v30;
	v52 =	vshll.u32 v60, $0x10  }
0x2e7: {  	v32 =	vadd.f32 v40, v32;
	v55 =	vmul.f32 v60, v46;
	v42 =	vmul.f32 v56, v43  }
0x2e8: {  	v53 =	vld [tilespmem:s26+$0x2B0];
	v37 =	vadd.f32 v59, v37;
	v48 =	vshll.u32 v57, $0x10;
	v51 =	vmul.f32 v57, v43  }
0x2e9: {  	v49 =	vld [tilespmem:s26+$0x2A0];
	v54 =	vmul.f32 v52, v46;
	v56 =	vshll.u32 v63, $0x10;
	v61 =	vmul.f32 v63, v46  }
0x2ea: {  	v60 =	vld [tilespmem:s26+$0x2D0];
	v35 =	vadd.f32 v39, v35;
	v28 =	vadd.f32 v44, v28;
	v39 =	vmul.f32 v62, v43  }
0x2eb: {  	v57 =	vld [tilespmem:s26+$0x2C0];
	v50 =	vmul.f32 v48, v43;
	v23 =	vadd.f32 v55, v23;
	v36 =	vadd.f32 v42, v36  }
0x2ec: {  	v58 =	vmul.f32 v56, v46;
	v27 =	vadd.f32 v51, v27;
	v29 =	vadd.f32 v54, v29  }
0x2ed: {  	v52 =	vld [tilespmem:s26+$0x2F0];
	v63 =	vshll.u32 v53, $0x10;
	v24 =	vadd.f32 v61, v24;
	v34 =	vadd.f32 v39, v34  }
0x2ee: {  	v48 =	vld [tilespmem:s26+$0x2E0];
	v38 =	vadd.f32 v50, v38;
	v31 =	vadd.f32 v58, v31;
	v50 =	vmul.f32 v53, v46  }
0x2ef: {  	v59 =	vshll.u32 v49, $0x10;
	v62 =	vmul.f32 v49, v46;
	v49 =	vmul.f32 v63, v46  }
0x2f0: {  	v54 =	vshll.u32 v60, $0x10;
	v41 =	vmul.f32 v59, v46;
	v51 =	vshll.u32 v57, $0x10  }
0x2f1: {  	v26 =	vadd.f32 v50, v26;
	v55 =	vmul.f32 v57, v46;
	v57 =	vmul.f32 v60, v46  }
0x2f2: {  	v47 =	vld [tilespmem:s26+$0x340];
	v25 =	vadd.f32 v62, v25;
	v35 =	vadd.f32 v49, v35;
	v53 =	vmul.f32 v51, v46  }
0x2f3: {  	v56 =	vld [tilespmem:s26+$0x300];
	v58 =	vshll.u32 v48, $0x10;
	v61 =	vmul.f32 v48, v46;
	v62 =	vshll.u32 v52, $0x10  }
0x2f4: {  	v59 =	vld [tilespmem:s26+$0x310];
	v51 =	vmul.f32 v52, v46;
	v33 =	vadd.f32 v41, v33;
	v41 =	vmul.f32 v54, v46  }
0x2f5: {  	v44 =	vld [tilespmem:s26+$0x350];
	v28 =	vadd.f32 v55, v28;
	v60 =	vmul.f32 v58, v46;
	v30 =	vadd.f32 v57, v30  }
0x2f6: {  	v63 =	vld [tilespmem:s26+$0x320];
	v50 =	vmul.f32 v62, v46;
	v36 =	vadd.f32 v53, v36;
	v32 =	vadd.f32 v61, v32  }
0x2f7: {  	v42 =	vld [tilespmem:s26+$0x380];
	v27 =	vadd.f32 v51, v27;
	v37 =	vadd.f32 v41, v37;
	v41 =	vperm.xlane v22, v20  }
0x2f8: {  	v52 =	vshll.u32 v56, $0x10;
	v34 =	vadd.f32 v60, v34;
	v38 =	vadd.f32 v50, v38  }
0x2f9: {  	v53 =	vld [tilespmem:s26+$0x330];
	v22 =	vperm.xlane v22, v21;
	v55 =	vshll.u32 v59, $0x10;
	v54 =	vmul.f32 v52, v41  }
0x2fa: {  	v45 =	vld [tilespmem:s26+$0x390];
	v50 =	vshll.u32 v44, $0x10;
	v56 =	vmul.f32 v56, v41;
	v57 =	vmul.f32 v55, v41  }
0x2fb: {  	v48 =	vld [tilespmem:s26+$0x360];
	v58 =	vmul.f32 v59, v41;
	v59 =	vshll.u32 v63, $0x10;
	v61 =	vmul.f32 v63, v41  }
0x2fc: {  	v40 =	vld [tilespmem:s26+$0x370];
	v52 =	vshll.u32 v47, $0x10;
	v55 =	vshll.u32 v42, $0x10;
	v60 =	vmul.f32 v59, v41  }
0x2fd: {  	v51 =	vld [tilespmem:s26+$0x3B0];
	v43 =	vmul.f32 v52, v41;
	v29 =	vadd.f32 v54, v29;
	v23 =	vadd.f32 v56, v23  }
0x2fe: {  	v49 =	vld [tilespmem:s26+$0x3A0];
	v31 =	vadd.f32 v57, v31;
	v24 =	vadd.f32 v58, v24;
	v62 =	vshll.u32 v53, $0x10  }
0x2ff: {  	v46 =	vmul.f32 v53, v41;
	v25 =	vadd.f32 v61, v25;
	v53 =	vmul.f32 v50, v41  }
0x300: {  	v54 =	vshll.u32 v48, $0x10;
	v56 =	vshll.u32 v45, $0x10;
	v33 =	vadd.f32 v60, v33  }
0x301: {  	v63 =	vmul.f32 v62, v41;
	v36 =	vadd.f32 v43, v36;
	v39 =	vmul.f32 v54, v41  }
0x302: {  	v43 =	vmul.f32 v55, v22;
	v50 =	vmul.f32 v56, v22;
	v54 =	vshll.u32 v51, $0x10  }
0x303: {  	v52 =	vld [tilespmem:s26+$0x3D0];
	v60 =	vshll.u32 v40, $0x10;
	v56 =	vmul.f32 v49, v22;
	v26 =	vadd.f32 v46, v26  }
0x304: {  	v37 =	vadd.f32 v53, v37;
	v53 =	vshll.u32 v49, $0x10;
	v35 =	vadd.f32 v63, v35  }
0x305: {  	v55 =	vld [tilespmem:s26+$0x3E0];
	v58 =	vmul.f32 v54, v22;
	v34 =	vadd.f32 v39, v34;
	v29 =	vadd.f32 v43, v29  }
0x306: {  	v46 =	vld [tilespmem:s26+$0x3C0];
	v57 =	vmul.f32 v53, v22;
	v31 =	vadd.f32 v50, v31;
	v43 =	vmul.f32 v60, v41  }
0x307: {  	v54 =	vld [tilespmem:s26+$0x3F0];
	v50 =	vmul.f32 v44, v41;
	v53 =	vmul.f32 v45, v22;
	v25 =	vadd.f32 v56, v25;
	[tilespmem:s24+$0xFFFFFF80] =	vst v29  }
0x308: {  	v61 =	vshll.u32 v52, $0x10;
	v33 =	vadd.f32 v57, v33;
	v35 =	vadd.f32 v58, v35;
	[tilespmem:s24+$0xFFFFFF90] =	vst v31  }
0x309: {  	v29 =	vmul.f32 v61, v22;
	v38 =	vadd.f32 v43, v38;
	v43 =	vmul.f32 v47, v41;
	[tilespmem:s24+$0x20] =	vst v25  }
0x30a: {  	v47 =	vmul.f32 v42, v22;
	v24 =	vadd.f32 v53, v24;
	v57 =	vmul.f32 v51, v22;
	[tilespmem:s24+$0xFFFFFFA0] =	vst v33  }
0x30b: {  	v58 =	vmul.f32 v48, v41;
	v62 =	vshll.u32 v55, $0x10;
	v29 =	vadd.f32 v29, v37;
	[tilespmem:s24+$0xFFFFFFB0] =	vst v35  }
0x30c: {  	v59 =	vshll.u32 v46, $0x10;
	v31 =	vmul.f32 v62, v22;
	v23 =	vadd.f32 v47, v23;
	[tilespmem:s24+$0x10] =	vst v24  }
0x30d: {  	v26 =	vadd.f32 v57, v26;
	v61 =	vadd.f32 v58, v32;
	v62 =	vmul.f32 v55, v22;
	[tilespmem:s24+$0xFFFFFFD0] =	vst v29  }
0x30e: {  	v63 =	vshll.u32 v54, $0x10;
	v39 =	vmul.f32 v59, v22;
	v31 =	vadd.f32 v31, v34;
	[tilespmem:s24+$0x0] =	vst v23  }
0x30f: {  	v28 =	vadd.f32 v43, v28;
	v33 =	vmul.f32 v63, v22;
	[tilespmem:s24+$0x30] =	vst v26;
	v24 =	vadd.f32 v62, v61  }
0x310: {  	v59 =	vmul.f32 v46, v22;
	v23 =	vmul.f32 v40, v41;
	v36 =	vadd.f32 v39, v36;
	[tilespmem:s24+$0xFFFFFFE0] =	vst v31  }
0x311: {  	p2 =	sne.s32 s25, $0x180;
	v60 =	vmul.f32 v52, v22;
	v29 =	vadd.f32 v50, v30;
	v33 =	vadd.f32 v33, v38;
	[tilespmem:s24+$0x60] =	vst v24  }
.Ltmp12:
0x312: {  	v22 =	vmul.f32 v54, v22;
	v28 =	vadd.f32 v59, v28;
	v23 =	vadd.f32 v23, v27;
	[tilespmem:s24+$0xFFFFFFC0] =	vst v36;
	(pc) =	sbr.rel @p2 .LBB2_17-.Ltmp12, $4  }
0x313: {  	v63 =	vadd.f32 v60, v29;
	[tilespmem:s24+$0xFFFFFFF0] =	vst v33  }
0x314: {  	[tilespmem:s24+$0x40] =	vst v28;
	v22 =	vadd.f32 v22, v23  }
0x315: {  	[tilespmem:s24+$0x50] =	vst v63  }
0x316: {  	s25 =	sadd.s32 $0x40, s25;
	s26 =	sadd.s32 $0x800, s26;
	[tilespmem:s24+$0x70] =	vst v22;
	s24 =	sadd.s32 $0x100, s24  }
0x317: {  	s23 =	smul.u32 @!p1 $0x3100, s23  }
.Ltmp13:
0x318: {  	_ = 	snop;
	(pc) =	sbr.rel .LBB2_19-.Ltmp13, $4  }
0x319: {  	_ = 	snop  }
0x31a: {  	s23 =	sshrl.u32 @!p1 s23, $0x3  }
0x31b: {  	s24 =	simm.s32 @!p1 $0x0;
	s25 =	simm.s32 @!p1 $0x7280;
	s23 =	sadd.s32 @!p1 s1, s23  }
0x31c: {  	[hbm4b:s23+s24] =	stream.linear.scatter @!p1 [tilespmem:s25], [sflag:$0x3], $0x3100, $0x38;
	[tilespmem:$0xA380] =	vst v63  }
.LBB2_21:
0x31d: {  	_ =	sfence.sel $0x180000  }
0x31e: {  	[bflag:$0x0] =	sbarrier.arrive $0xFFFF  }
0x31f: {  	p0 =	sne.s32 s3, $0x0;
	_ =	strace $0x90000047  }
0x320: {  	s0 =	sadd.s32 @!p0 $0x100000, s0;
	[bflag:$0x2] =	sbarrier.arrive $0xFFFF  }
0x321: {  	[sflag:s0] =	ssyncadd.tile.s32 @!p0 $0x1;
	_ =	shalt  }
.Lfunc_end2:
_tile_overlayer_lowered:
.L_overlay_start_2:
0x322: {  	(tag) =	ssettag $0x2  }
0x323: {  	s0 =	rddreg [dreg:$0x0];
	s2 =	stileid.u32  }
0x324: {  	s1 =	rddreg [dreg:$0x1];
	p0 =	sne.s32 s2, $0x0  }
0x325: {  	s3 =	rddreg [dreg:$0x2];
	[bflag:$0x3] =	sbarrier.arrive $0xFFFF;
	s2 =	simm.s32 @!p0 $0x1C04  }
0x326: {  	[timem:s3], [sflag:s2] =	dma.local @!p0 [hbm:s0], s1  }
0x327: {  	s0 =	simm.s32 @!p0 $0x4  }
0x328: {  	_ =	swait.ge @!p0 [sflag:s0], s1  }
0x329: {  	s1 =	ssub.s32 @!p0 $0x0, s1;
	[sflag:s0] =	ssyncset.done @!p0 $0x0  }
0x32a: {  	[sflag:s0] =	ssyncadd.s32 @!p0 s1  }
0x32b: {  	[bflag:$0x3] =	sbarrier.arrive $0xFFFF  }
0x32c: {  	_ =	shalt  }

</sc_bundles>
